<compile_context>
chip_gen: v7x
topology: tpu7x:2x2x1
jax: 0.10.2.dev20260603
libtpu: 0.0.44.dev20260713+nightly
codegen_flags: <defaults>
</compile_context>

<pallas_src>
import functools

import jax
import jax.numpy as jnp
from jax import lax
from jax.experimental import pallas as pl
from jax.experimental.pallas import tpu as pltpu
from jax.experimental.pallas import tpu_sc as plsc

N = 10000
D = 128
E = 320000

NC = 2
NS = 16
NW = NC * NS
EPW = E // NW
GK = 40
SK = 80
NGC = EPW // GK
NSC = EPW // SK
NSLOT = 6
SPG = SK // GK
RPT = N // NS
EPRE = EPW + 112
NPAD = 10240

_mesh = plsc.VectorSubcoreMesh(
    core_axis_name="c", subcore_axis_name="s", num_cores=NC, num_subcores=NS
)


@functools.partial(
    pl.kernel,
    out_type=jax.ShapeDtypeStruct((NC * NPAD,), jnp.float32),
    mesh=_mesh,
    scratch_types=[
        pltpu.VMEM((EPRE,), jnp.int32),
        pltpu.VMEM((8, SK), jnp.int32),
        pltpu.VMEM((SK,), jnp.float32),
        pltpu.VMEM((1024,), jnp.float32),
        pltpu.VMEM_SHARED((NPAD,), jnp.float32),
        pltpu.SemaphoreType.DMA((2,)),
    ],
)
def _sc_degree(ei_hbm, out_hbm, dsts_v, idxp_v, ones_v, zeros_v, acc_sh, semd):
    c = lax.axis_index("c")
    s = lax.axis_index("s")
    wid = s * NC + c

    for i in range(SK // 16):
        ones_v[pl.ds(i * 16, 16)] = jnp.full((16,), 1.0, jnp.float32)
    for i in range(1024 // 16):
        zeros_v[pl.ds(i * 16, 16)] = jnp.zeros((16,), jnp.float32)

    @pl.when(s < 10)
    def _():
        off = pl.multiple_of(s * 1024, 8)
        pltpu.sync_copy(zeros_v, acc_sh.at[pl.ds(off, 1024)])

    base = wid * EPW
    local = lax.rem(base, 128)
    a128 = pl.multiple_of(base - local, 128)
    pltpu.sync_copy(ei_hbm.at[1, pl.ds(a128, EPRE)], dsts_v)
    plsc.subcore_barrier()

    def transform(t, b):
        for k in range(SK // 16):
            off = pl.multiple_of(local + t * SK + k * 16, 8)
            n = dsts_v[pl.ds(off, 16)]
            q = (n.astype(jnp.float32) * 0.001).astype(jnp.int32)
            idxp_v[b, pl.ds(k * 16, 16)] = n + 24 * q

    def sstart(b):
        pltpu.async_copy(ones_v, acc_sh.at[idxp_v.at[b]], semd.at[b], add=True)

    def swaitd(b):
        pltpu.make_async_copy(ones_v, acc_sh.at[idxp_v.at[b]], semd.at[b]).wait()

    for b in range(2):
        transform(b, b)
        sstart(b)

    def chunk2(g, carry):
        for b in range(2):
            swaitd(b)
            transform(2 * g + 2 + b, b)
            sstart(b)
        return carry

    lax.fori_loop(0, (NSC - 3) // 2, chunk2, 0)
    swaitd(0)
    transform(NSC - 1, 0)
    sstart(0)
    swaitd(0)
    swaitd(1)
    plsc.subcore_barrier()

    @pl.when(s < 10)
    def _():
        off = pl.multiple_of(s * 1024, 8)
        dst_off = pl.multiple_of(c * NPAD + s * 1024, 8)
        pltpu.sync_copy(acc_sh.at[pl.ds(off, 1024)], zeros_v)
        pltpu.sync_copy(zeros_v, out_hbm.at[pl.ds(dst_off, 1024)])


@functools.partial(
    pl.kernel,
    out_type=jax.ShapeDtypeStruct((NC, N, D), jnp.float32),
    mesh=_mesh,
    scratch_types=[
        pltpu.VMEM((EPRE,), jnp.int32),
        pltpu.VMEM((EPRE,), jnp.int32),
        pltpu.VMEM((NSLOT * GK, D), jnp.float32),
        pltpu.VMEM_SHARED((N, D), jnp.float32),
        pltpu.SemaphoreType.DMA((NSLOT,)),
    ],
)
def _sc_edge_scatter(g_hbm, ei_hbm, out_hbm, srcs_v, dsts_v, rows_v, acc_sh, sems):
    c = lax.axis_index("c")
    s = lax.axis_index("s")
    wid = s * NC + c

    def zrow(i, carry):
        for g in range(D // 16):
            rows_v[i, pl.ds(g * 16, 16)] = jnp.zeros((16,), jnp.float32)
        return carry

    nring = NSLOT * GK
    lax.fori_loop(0, nring, zrow, 0)
    start = pl.multiple_of(s * RPT - s % 8, 8)
    for i in range(3):
        off = pl.multiple_of(jnp.minimum(start + i * nring, N - nring), 8)
        pltpu.sync_copy(rows_v, acc_sh.at[pl.ds(off, nring)])

    base = wid * EPW
    local = lax.rem(base, 128)
    a128 = pl.multiple_of(base - local, 128)
    pltpu.sync_copy(ei_hbm.at[0, pl.ds(a128, EPRE)], srcs_v)
    pltpu.sync_copy(ei_hbm.at[1, pl.ds(a128, EPRE)], dsts_v)
    plsc.subcore_barrier()

    def gath(j, slot):
        idx = srcs_v.at[pl.ds(pl.multiple_of(local + j * GK, 8), GK)]
        pltpu.async_copy(
            g_hbm.at[idx], rows_v.at[pl.ds(slot * GK, GK)], sems.at[slot]
        )

    def gwait(slot):
        pltpu.make_async_copy(
            g_hbm.at[pl.ds(0, GK)], rows_v.at[pl.ds(slot * GK, GK)], sems.at[slot]
        ).wait()

    def scat(p, slot0):
        idx = dsts_v.at[pl.ds(pl.multiple_of(local + p * SK, 8), SK)]
        pltpu.sync_copy(rows_v.at[pl.ds(slot0 * GK, SK)], acc_sh.at[idx], add=True)

    for j in range(NSLOT - 1):
        gath(j, j)

    def group(g, carry):
        for sub in range(NSLOT // SPG):
            for q in range(SPG):
                t = NSLOT * g + SPG * sub + q
                slot = SPG * sub + q
                gwait(slot)

                @pl.when(t + NSLOT - 1 < NGC)
                def _():
                    gath(t + NSLOT - 1, (slot + NSLOT - 1) % NSLOT)

            scat((NSLOT // SPG) * g + sub, SPG * sub)
        return carry

    NFULL = NGC // NSLOT
    lax.fori_loop(0, NFULL, group, 0)
    for q in range(2 * SPG):
        gwait(q)
    scat(NSC - 2, 0)
    scat(NSC - 1, SPG)

    plsc.subcore_barrier()

    for i in range(6):
        sz = 120 if i < 5 else 632 - 5 * 120
        off = pl.multiple_of(start + i * 120, 8)
        stg = rows_v.at[pl.ds((i % 2) * 120, sz)]
        if i >= 2:
            pltpu.make_async_copy(
                acc_sh.at[pl.ds(off, 120)],
                rows_v.at[pl.ds((i % 2) * 120, 120)],
                sems.at[i % 2],
            ).wait()
        pltpu.sync_copy(acc_sh.at[pl.ds(off, sz)], stg)
        pltpu.async_copy(stg, out_hbm.at[c, pl.ds(off, sz)], sems.at[i % 2])
    pltpu.make_async_copy(
        acc_sh.at[pl.ds(start, 120)], rows_v.at[pl.ds(0, 120)], sems.at[0]
    ).wait()
    pltpu.make_async_copy(
        acc_sh.at[pl.ds(start, 32)], rows_v.at[pl.ds(120, 32)], sems.at[1]
    ).wait()


BR = 1000


def _deg_block(degp_ref, i):
    d0 = degp_ref[pl.ds(pl.multiple_of(i * 1024, 128), 1024)][:BR]
    d1 = degp_ref[pl.ds(pl.multiple_of(NPAD + i * 1024, 128), 1024)][:BR]
    return lax.rsqrt(1.0 + d0 + d1).reshape(BR, 1)


def _tc1_body(x_ref, w_ref, degp_ref, g_ref):
    dis = _deg_block(degp_ref, pl.program_id(0))
    h = jnp.dot(x_ref[...], w_ref[...], preferred_element_type=jnp.float32)
    g_ref[...] = h * dis


def _tc1(x, W1, degp):
    return pl.pallas_call(
        _tc1_body,
        grid=(N // BR,),
        in_specs=[
            pl.BlockSpec((BR, D), lambda i: (i, 0)),
            pl.BlockSpec((D, D), lambda i: (0, 0)),
            pl.BlockSpec((NC * NPAD,), lambda i: (0,)),
        ],
        out_specs=pl.BlockSpec((BR, D), lambda i: (i, 0)),
        out_shape=jax.ShapeDtypeStruct((N, D), jnp.float32),
    )(x, W1, degp)


def _tc2_body(sp_ref, g_ref, degp_ref, b_ref, w_ref, g2_ref):
    dis = _deg_block(degp_ref, pl.program_id(0))
    t = dis * (sp_ref[0] + sp_ref[1] + g_ref[...]) + b_ref[...]
    t = jnp.maximum(t, 0.0)
    h2 = jnp.dot(t, w_ref[...], preferred_element_type=jnp.float32)
    g2_ref[...] = h2 * dis


def _tc2(sp, g1, degp, b1, W2):
    return pl.pallas_call(
        _tc2_body,
        grid=(N // BR,),
        in_specs=[
            pl.BlockSpec((NC, BR, D), lambda i: (0, i, 0)),
            pl.BlockSpec((BR, D), lambda i: (i, 0)),
            pl.BlockSpec((NC * NPAD,), lambda i: (0,)),
            pl.BlockSpec((1, D), lambda i: (0, 0)),
            pl.BlockSpec((D, D), lambda i: (0, 0)),
        ],
        out_specs=pl.BlockSpec((BR, D), lambda i: (i, 0)),
        out_shape=jax.ShapeDtypeStruct((N, D), jnp.float32),
    )(sp, g1, degp, b1, W2)


def _tc3_body(sp_ref, g_ref, degp_ref, b_ref, out_ref):
    dis = _deg_block(degp_ref, pl.program_id(0))
    out_ref[...] = dis * (sp_ref[0] + sp_ref[1] + g_ref[...]) + b_ref[...]


def _tc3(sp, g2, degp, b2):
    return pl.pallas_call(
        _tc3_body,
        grid=(N // BR,),
        in_specs=[
            pl.BlockSpec((NC, BR, D), lambda i: (0, i, 0)),
            pl.BlockSpec((BR, D), lambda i: (i, 0)),
            pl.BlockSpec((NC * NPAD,), lambda i: (0,)),
            pl.BlockSpec((1, D), lambda i: (0, 0)),
        ],
        out_specs=pl.BlockSpec((BR, D), lambda i: (i, 0)),
        out_shape=jax.ShapeDtypeStruct((N, D), jnp.float32),
    )(sp, g2, degp, b2)


def kernel(x, edge_index, W1, b1, W2, b2):
    degp = _sc_degree(edge_index)
    g1 = _tc1(x, W1, degp)
    s1 = _sc_edge_scatter(g1, edge_index)
    g2 = _tc2(s1, g1, degp, b1.reshape(1, D), W2)
    s2 = _sc_edge_scatter(g2, edge_index)
    out = _tc3(s2, g2, degp, b2.reshape(1, D))
    return out

# --- scband reference (transcript-rebuilt; emitter-appended) ---
"""Pipeline reference for scband-base-gnn-12386685682196 (READ-ONLY COPY).

The authoritative reference and input builder live on the scoring server;
editing this copy changes nothing except your own understanding.
"""

import jax, jax.numpy as jnp
import numpy as np

N = 10000
E = 320000
D = 128


def gcn_layer(x, edge_index, W, b):
    # Faithful PyG GCNConv: x' = D^{-1/2} (A + I) D^{-1/2} X W + b
    num_nodes = x.shape[0]
    src = edge_index[0]
    dst = edge_index[1]
    loop = jnp.arange(num_nodes, dtype=edge_index.dtype)
    src = jnp.concatenate([src, loop])
    dst = jnp.concatenate([dst, loop])
    deg = jnp.zeros((num_nodes,), dtype=x.dtype).at[dst].add(1.0)
    deg_inv_sqrt = jnp.where(deg > 0, 1.0 / jnp.sqrt(deg), 0.0)
    norm = deg_inv_sqrt[src] * deg_inv_sqrt[dst]
    h = x @ W
    msg = h[src] * norm[:, None]
    out = jnp.zeros_like(h).at[dst].add(msg)
    return out + b


def setup_inputs(seed: int = 0):
    key = jax.random.key(seed)
    ks = jax.random.split(key, 6)
    x = jax.random.normal(ks[0], (N, D), dtype=jnp.float32)
    edge_index = jax.random.randint(ks[1], (2, E), 0, N, dtype=jnp.int32)
    # Glorot-initialized layer weights (GCNConv uses glorot init), zero bias
    limit = float(np.sqrt(6.0 / (D + D)))
    W1 = jax.random.uniform(ks[2], (D, D), minval=-limit, maxval=limit, dtype=jnp.float32)
    b1 = jnp.zeros((D,), dtype=jnp.float32)
    W2 = jax.random.uniform(ks[3], (D, D), minval=-limit, maxval=limit, dtype=jnp.float32)
    b2 = jnp.zeros((D,), dtype=jnp.float32)
    return {"x": x, "edge_index": edge_index, "W1": W1, "b1": b1, "W2": W2, "b2": b2}


def reference(x, edge_index, W1, b1, W2, b2):
    # BaseGNN with conv_type='gcn', num_layers=2, eval mode (dropout disabled)
    h = gcn_layer(x, edge_index, W1, b1)
    h = jax.nn.relu(h)
    # dropout is identity in eval mode
    h = gcn_layer(h, edge_index, W2, b2)
    return h

if __name__ == "__main__":
    import jax
    _d = setup_inputs()
    print(jax.jit(kernel)(*tuple(_d.values())))

</pallas_src>

<mosaic_0001>
#map = affine_map<(d0, d1) -> (0, 0)>
#map1 = affine_map<(d0, d1) -> (0)>
module attributes {stable_mosaic.version = 14 : i64} {
  func.func @_sc_degree(%arg0: i32, %arg1: i32, %arg2: memref<2x320000xi32, #tpu.memory_space<hbm>>, %arg3: memref<20480xf32, #tpu.memory_space<hbm>>, %arg4: memref<10112xi32, #tpu.memory_space<vmem>>, %arg5: memref<8x80xi32, #tpu.memory_space<vmem>>, %arg6: memref<80xf32, #tpu.memory_space<vmem>>, %arg7: memref<1024xf32, #tpu.memory_space<vmem>>, %arg8: memref<10240xf32, #tpu.memory_space<vmem_shared>>, %arg9: memref<2x!tpu.dma_semaphore, #tpu.memory_space<semaphore_mem>>) attributes {dimension_semantics = [#tpu.dimension_semantics<core_parallel>, #tpu.dimension_semantics<subcore_parallel>], iteration_bounds = array<i64: 2, 16>, scalar_prefetch = 0 : i64, scratch_operands = 6 : i64, tpu.core_type = #tpu.core_type<sc_vector_subcore>, window_params = [{transform_indices = #map}, {transform_indices = #map1}]} {
    %mul3A = arith.constant 2 : i32
    %mul3A_0 = arith.muli %arg1, %mul3A : i32
    %add3A = arith.addi %mul3A_0, %arg0 : i32
    %broadcast_in_dim3A = arith.constant 1.000000e+00 : f32
    %broadcast_in_dim3A_1 = vector.broadcast %broadcast_in_dim3A : f32 to vector<16xf32>
    %swap3A = arith.constant 0 : index
    %swap3A_2 = tpu.vector_load %arg6[%swap3A] {strides = array<i32>} : memref<80xf32, #tpu.memory_space<vmem>>, vector<16xf32>,
    %swap3A_3 = vector.shape_cast %swap3A_2 : vector<16xf32> to vector<16xf32>
    %swap3A_4 = vector.shape_cast %broadcast_in_dim3A_1 : vector<16xf32> to vector<16xf32>
    tpu.vector_store %arg6[%swap3A], %swap3A_4 {strides = array<i32>} : memref<80xf32, #tpu.memory_space<vmem>>, vector<16xf32>,
    %broadcast_in_dim3A_5 = arith.constant 1.000000e+00 : f32
    %broadcast_in_dim3A_6 = vector.broadcast %broadcast_in_dim3A_5 : f32 to vector<16xf32>
    %swap3A_7 = arith.constant 16 : index
    %swap3A_8 = tpu.vector_load %arg6[%swap3A_7] {strides = array<i32>} : memref<80xf32, #tpu.memory_space<vmem>>, vector<16xf32>,
    %swap3A_9 = vector.shape_cast %swap3A_8 : vector<16xf32> to vector<16xf32>
    %swap3A_10 = vector.shape_cast %broadcast_in_dim3A_6 : vector<16xf32> to vector<16xf32>
    tpu.vector_store %arg6[%swap3A_7], %swap3A_10 {strides = array<i32>} : memref<80xf32, #tpu.memory_space<vmem>>, vector<16xf32>,
    %broadcast_in_dim3A_11 = arith.constant 1.000000e+00 : f32
    %broadcast_in_dim3A_12 = vector.broadcast %broadcast_in_dim3A_11 : f32 to vector<16xf32>
    %swap3A_13 = arith.constant 32 : index
    %swap3A_14 = tpu.vector_load %arg6[%swap3A_13] {strides = array<i32>} : memref<80xf32, #tpu.memory_space<vmem>>, vector<16xf32>,
    %swap3A_15 = vector.shape_cast %swap3A_14 : vector<16xf32> to vector<16xf32>
    %swap3A_16 = vector.shape_cast %broadcast_in_dim3A_12 : vector<16xf32> to vector<16xf32>
    tpu.vector_store %arg6[%swap3A_13], %swap3A_16 {strides = array<i32>} : memref<80xf32, #tpu.memory_space<vmem>>, vector<16xf32>,
    %broadcast_in_dim3A_17 = arith.constant 1.000000e+00 : f32
    %broadcast_in_dim3A_18 = vector.broadcast %broadcast_in_dim3A_17 : f32 to vector<16xf32>
    %swap3A_19 = arith.constant 48 : index
    %swap3A_20 = tpu.vector_load %arg6[%swap3A_19] {strides = array<i32>} : memref<80xf32, #tpu.memory_space<vmem>>, vector<16xf32>,
    %swap3A_21 = vector.shape_cast %swap3A_20 : vector<16xf32> to vector<16xf32>
    %swap3A_22 = vector.shape_cast %broadcast_in_dim3A_18 : vector<16xf32> to vector<16xf32>
    tpu.vector_store %arg6[%swap3A_19], %swap3A_22 {strides = array<i32>} : memref<80xf32, #tpu.memory_space<vmem>>, vector<16xf32>,
    %broadcast_in_dim3A_23 = arith.constant 1.000000e+00 : f32
    %broadcast_in_dim3A_24 = vector.broadcast %broadcast_in_dim3A_23 : f32 to vector<16xf32>
    %swap3A_25 = arith.constant 64 : index
    %swap3A_26 = tpu.vector_load %arg6[%swap3A_25] {strides = array<i32>} : memref<80xf32, #tpu.memory_space<vmem>>, vector<16xf32>,
    %swap3A_27 = vector.shape_cast %swap3A_26 : vector<16xf32> to vector<16xf32>
    %swap3A_28 = vector.shape_cast %broadcast_in_dim3A_24 : vector<16xf32> to vector<16xf32>
    tpu.vector_store %arg6[%swap3A_25], %swap3A_28 {strides = array<i32>} : memref<80xf32, #tpu.memory_space<vmem>>, vector<16xf32>,
    %broadcast_in_dim3A_29 = arith.constant 0.000000e+00 : f32
    %broadcast_in_dim3A_30 = vector.broadcast %broadcast_in_dim3A_29 : f32 to vector<16xf32>
    %swap3A_31 = arith.constant 0 : index
    %swap3A_32 = tpu.vector_load %arg7[%swap3A_31] {strides = array<i32>} : memref<1024xf32, #tpu.memory_space<vmem>>, vector<16xf32>,
    %swap3A_33 = vector.shape_cast %swap3A_32 : vector<16xf32> to vector<16xf32>
    %swap3A_34 = vector.shape_cast %broadcast_in_dim3A_30 : vector<16xf32> to vector<16xf32>
    tpu.vector_store %arg7[%swap3A_31], %swap3A_34 {strides = array<i32>} : memref<1024xf32, #tpu.memory_space<vmem>>, vector<16xf32>,
    %broadcast_in_dim3A_35 = arith.constant 0.000000e+00 : f32
    %broadcast_in_dim3A_36 = vector.broadcast %broadcast_in_dim3A_35 : f32 to vector<16xf32>
    %swap3A_37 = arith.constant 16 : index
    %swap3A_38 = tpu.vector_load %arg7[%swap3A_37] {strides = array<i32>} : memref<1024xf32, #tpu.memory_space<vmem>>, vector<16xf32>,
    %swap3A_39 = vector.shape_cast %swap3A_38 : vector<16xf32> to vector<16xf32>
    %swap3A_40 = vector.shape_cast %broadcast_in_dim3A_36 : vector<16xf32> to vector<16xf32>
    tpu.vector_store %arg7[%swap3A_37], %swap3A_40 {strides = array<i32>} : memref<1024xf32, #tpu.memory_space<vmem>>, vector<16xf32>,
    %broadcast_in_dim3A_41 = arith.constant 0.000000e+00 : f32
    %broadcast_in_dim3A_42 = vector.broadcast %broadcast_in_dim3A_41 : f32 to vector<16xf32>
    %swap3A_43 = arith.constant 32 : index
    %swap3A_44 = tpu.vector_load %arg7[%swap3A_43] {strides = array<i32>} : memref<1024xf32, #tpu.memory_space<vmem>>, vector<16xf32>,
    %swap3A_45 = vector.shape_cast %swap3A_44 : vector<16xf32> to vector<16xf32>
    %swap3A_46 = vector.shape_cast %broadcast_in_dim3A_42 : vector<16xf32> to vector<16xf32>
    tpu.vector_store %arg7[%swap3A_43], %swap3A_46 {strides = array<i32>} : memref<1024xf32, #tpu.memory_space<vmem>>, vector<16xf32>,
    %broadcast_in_dim3A_47 = arith.constant 0.000000e+00 : f32
    %broadcast_in_dim3A_48 = vector.broadcast %broadcast_in_dim3A_47 : f32 to vector<16xf32>
    %swap3A_49 = arith.constant 48 : index
    %swap3A_50 = tpu.vector_load %arg7[%swap3A_49] {strides = array<i32>} : memref<1024xf32, #tpu.memory_space<vmem>>, vector<16xf32>,
    %swap3A_51 = vector.shape_cast %swap3A_50 : vector<16xf32> to vector<16xf32>
    %swap3A_52 = vector.shape_cast %broadcast_in_dim3A_48 : vector<16xf32> to vector<16xf32>
    tpu.vector_store %arg7[%swap3A_49], %swap3A_52 {strides = array<i32>} : memref<1024xf32, #tpu.memory_space<vmem>>, vector<16xf32>,
    %broadcast_in_dim3A_53 = arith.constant 0.000000e+00 : f32
    %broadcast_in_dim3A_54 = vector.broadcast %broadcast_in_dim3A_53 : f32 to vector<16xf32>
    %swap3A_55 = arith.constant 64 : index
    %swap3A_56 = tpu.vector_load %arg7[%swap3A_55] {strides = array<i32>} : memref<1024xf32, #tpu.memory_space<vmem>>, vector<16xf32>,
    %swap3A_57 = vector.shape_cast %swap3A_56 : vector<16xf32> to vector<16xf32>
    %swap3A_58 = vector.shape_cast %broadcast_in_dim3A_54 : vector<16xf32> to vector<16xf32>
    tpu.vector_store %arg7[%swap3A_55], %swap3A_58 {strides = array<i32>} : memref<1024xf32, #tpu.memory_space<vmem>>, vector<16xf32>,
    %broadcast_in_dim3A_59 = arith.constant 0.000000e+00 : f32
    %broadcast_in_dim3A_60 = vector.broadcast %broadcast_in_dim3A_59 : f32 to vector<16xf32>
    %swap3A_61 = arith.constant 80 : index
    %swap3A_62 = tpu.vector_load %arg7[%swap3A_61] {strides = array<i32>} : memref<1024xf32, #tpu.memory_space<vmem>>, vector<16xf32>,
    %swap3A_63 = vector.shape_cast %swap3A_62 : vector<16xf32> to vector<16xf32>
    %swap3A_64 = vector.shape_cast %broadcast_in_dim3A_60 : vector<16xf32> to vector<16xf32>
    tpu.vector_store %arg7[%swap3A_61], %swap3A_64 {strides = array<i32>} : memref<1024xf32, #tpu.memory_space<vmem>>, vector<16xf32>,
    %broadcast_in_dim3A_65 = arith.constant 0.000000e+00 : f32
    %broadcast_in_dim3A_66 = vector.broadcast %broadcast_in_dim3A_65 : f32 to vector<16xf32>
    %swap3A_67 = arith.constant 96 : index
    %swap3A_68 = tpu.vector_load %arg7[%swap3A_67] {strides = array<i32>} : memref<1024xf32, #tpu.memory_space<vmem>>, vector<16xf32>,
    %swap3A_69 = vector.shape_cast %swap3A_68 : vector<16xf32> to vector<16xf32>
    %swap3A_70 = vector.shape_cast %broadcast_in_dim3A_66 : vector<16xf32> to vector<16xf32>
    tpu.vector_store %arg7[%swap3A_67], %swap3A_70 {strides = array<i32>} : memref<1024xf32, #tpu.memory_space<vmem>>, vector<16xf32>,
    %broadcast_in_dim3A_71 = arith.constant 0.000000e+00 : f32
    %broadcast_in_dim3A_72 = vector.broadcast %broadcast_in_dim3A_71 : f32 to vector<16xf32>
    %swap3A_73 = arith.constant 112 : index
    %swap3A_74 = tpu.vector_load %arg7[%swap3A_73] {strides = array<i32>} : memref<1024xf32, #tpu.memory_space<vmem>>, vector<16xf32>,
    %swap3A_75 = vector.shape_cast %swap3A_74 : vector<16xf32> to vector<16xf32>
    %swap3A_76 = vector.shape_cast %broadcast_in_dim3A_72 : vector<16xf32> to vector<16xf32>
    tpu.vector_store %arg7[%swap3A_73], %swap3A_76 {strides = array<i32>} : memref<1024xf32, #tpu.memory_space<vmem>>, vector<16xf32>,
    %broadcast_in_dim3A_77 = arith.constant 0.000000e+00 : f32
    %broadcast_in_dim3A_78 = vector.broadcast %broadcast_in_dim3A_77 : f32 to vector<16xf32>
    %swap3A_79 = arith.constant 128 : index
    %swap3A_80 = tpu.vector_load %arg7[%swap3A_79] {strides = array<i32>} : memref<1024xf32, #tpu.memory_space<vmem>>, vector<16xf32>,
    %swap3A_81 = vector.shape_cast %swap3A_80 : vector<16xf32> to vector<16xf32>
    %swap3A_82 = vector.shape_cast %broadcast_in_dim3A_78 : vector<16xf32> to vector<16xf32>
    tpu.vector_store %arg7[%swap3A_79], %swap3A_82 {strides = array<i32>} : memref<1024xf32, #tpu.memory_space<vmem>>, vector<16xf32>,
    %broadcast_in_dim3A_83 = arith.constant 0.000000e+00 : f32
    %broadcast_in_dim3A_84 = vector.broadcast %broadcast_in_dim3A_83 : f32 to vector<16xf32>
    %swap3A_85 = arith.constant 144 : index
    %swap3A_86 = tpu.vector_load %arg7[%swap3A_85] {strides = array<i32>} : memref<1024xf32, #tpu.memory_space<vmem>>, vector<16xf32>,
    %swap3A_87 = vector.shape_cast %swap3A_86 : vector<16xf32> to vector<16xf32>
    %swap3A_88 = vector.shape_cast %broadcast_in_dim3A_84 : vector<16xf32> to vector<16xf32>
    tpu.vector_store %arg7[%swap3A_85], %swap3A_88 {strides = array<i32>} : memref<1024xf32, #tpu.memory_space<vmem>>, vector<16xf32>,
    %broadcast_in_dim3A_89 = arith.constant 0.000000e+00 : f32
    %broadcast_in_dim3A_90 = vector.broadcast %broadcast_in_dim3A_89 : f32 to vector<16xf32>
    %swap3A_91 = arith.constant 160 : index
    %swap3A_92 = tpu.vector_load %arg7[%swap3A_91] {strides = array<i32>} : memref<1024xf32, #tpu.memory_space<vmem>>, vector<16xf32>,
    %swap3A_93 = vector.shape_cast %swap3A_92 : vector<16xf32> to vector<16xf32>
    %swap3A_94 = vector.shape_cast %broadcast_in_dim3A_90 : vector<16xf32> to vector<16xf32>
    tpu.vector_store %arg7[%swap3A_91], %swap3A_94 {strides = array<i32>} : memref<1024xf32, #tpu.memory_space<vmem>>, vector<16xf32>,
    %broadcast_in_dim3A_95 = arith.constant 0.000000e+00 : f32
    %broadcast_in_dim3A_96 = vector.broadcast %broadcast_in_dim3A_95 : f32 to vector<16xf32>
    %swap3A_97 = arith.constant 176 : index
    %swap3A_98 = tpu.vector_load %arg7[%swap3A_97] {strides = array<i32>} : memref<1024xf32, #tpu.memory_space<vmem>>, vector<16xf32>,
    %swap3A_99 = vector.shape_cast %swap3A_98 : vector<16xf32> to vector<16xf32>
    %swap3A_100 = vector.shape_cast %broadcast_in_dim3A_96 : vector<16xf32> to vector<16xf32>
    tpu.vector_store %arg7[%swap3A_97], %swap3A_100 {strides = array<i32>} : memref<1024xf32, #tpu.memory_space<vmem>>, vector<16xf32>,
    %broadcast_in_dim3A_101 = arith.constant 0.000000e+00 : f32
    %broadcast_in_dim3A_102 = vector.broadcast %broadcast_in_dim3A_101 : f32 to vector<16xf32>
    %swap3A_103 = arith.constant 192 : index
    %swap3A_104 = tpu.vector_load %arg7[%swap3A_103] {strides = array<i32>} : memref<1024xf32, #tpu.memory_space<vmem>>, vector<16xf32>,
    %swap3A_105 = vector.shape_cast %swap3A_104 : vector<16xf32> to vector<16xf32>
    %swap3A_106 = vector.shape_cast %broadcast_in_dim3A_102 : vector<16xf32> to vector<16xf32>
    tpu.vector_store %arg7[%swap3A_103], %swap3A_106 {strides = array<i32>} : memref<1024xf32, #tpu.memory_space<vmem>>, vector<16xf32>,
    %broadcast_in_dim3A_107 = arith.constant 0.000000e+00 : f32
    %broadcast_in_dim3A_108 = vector.broadcast %broadcast_in_dim3A_107 : f32 to vector<16xf32>
    %swap3A_109 = arith.constant 208 : index
    %swap3A_110 = tpu.vector_load %arg7[%swap3A_109] {strides = array<i32>} : memref<1024xf32, #tpu.memory_space<vmem>>, vector<16xf32>,
    %swap3A_111 = vector.shape_cast %swap3A_110 : vector<16xf32> to vector<16xf32>
    %swap3A_112 = vector.shape_cast %broadcast_in_dim3A_108 : vector<16xf32> to vector<16xf32>
    tpu.vector_store %arg7[%swap3A_109], %swap3A_112 {strides = array<i32>} : memref<1024xf32, #tpu.memory_space<vmem>>, vector<16xf32>,
    %broadcast_in_dim3A_113 = arith.constant 0.000000e+00 : f32
    %broadcast_in_dim3A_114 = vector.broadcast %broadcast_in_dim3A_113 : f32 to vector<16xf32>
    %swap3A_115 = arith.constant 224 : index
    %swap3A_116 = tpu.vector_load %arg7[%swap3A_115] {strides = array<i32>} : memref<1024xf32, #tpu.memory_space<vmem>>, vector<16xf32>,
    %swap3A_117 = vector.shape_cast %swap3A_116 : vector<16xf32> to vector<16xf32>
    %swap3A_118 = vector.shape_cast %broadcast_in_dim3A_114 : vector<16xf32> to vector<16xf32>
    tpu.vector_store %arg7[%swap3A_115], %swap3A_118 {strides = array<i32>} : memref<1024xf32, #tpu.memory_space<vmem>>, vector<16xf32>,
    %broadcast_in_dim3A_119 = arith.constant 0.000000e+00 : f32
    %broadcast_in_dim3A_120 = vector.broadcast %broadcast_in_dim3A_119 : f32 to vector<16xf32>
    %swap3A_121 = arith.constant 240 : index
    %swap3A_122 = tpu.vector_load %arg7[%swap3A_121] {strides = array<i32>} : memref<1024xf32, #tpu.memory_space<vmem>>, vector<16xf32>,
    %swap3A_123 = vector.shape_cast %swap3A_122 : vector<16xf32> to vector<16xf32>
    %swap3A_124 = vector.shape_cast %broadcast_in_dim3A_120 : vector<16xf32> to vector<16xf32>
    tpu.vector_store %arg7[%swap3A_121], %swap3A_124 {strides = array<i32>} : memref<1024xf32, #tpu.memory_space<vmem>>, vector<16xf32>,
    %broadcast_in_dim3A_125 = arith.constant 0.000000e+00 : f32
    %broadcast_in_dim3A_126 = vector.broadcast %broadcast_in_dim3A_125 : f32 to vector<16xf32>
    %swap3A_127 = arith.constant 256 : index
    %swap3A_128 = tpu.vector_load %arg7[%swap3A_127] {strides = array<i32>} : memref<1024xf32, #tpu.memory_space<vmem>>, vector<16xf32>,
    %swap3A_129 = vector.shape_cast %swap3A_128 : vector<16xf32> to vector<16xf32>
    %swap3A_130 = vector.shape_cast %broadcast_in_dim3A_126 : vector<16xf32> to vector<16xf32>
    tpu.vector_store %arg7[%swap3A_127], %swap3A_130 {strides = array<i32>} : memref<1024xf32, #tpu.memory_space<vmem>>, vector<16xf32>,
    %broadcast_in_dim3A_131 = arith.constant 0.000000e+00 : f32
    %broadcast_in_dim3A_132 = vector.broadcast %broadcast_in_dim3A_131 : f32 to vector<16xf32>
    %swap3A_133 = arith.constant 272 : index
    %swap3A_134 = tpu.vector_load %arg7[%swap3A_133] {strides = array<i32>} : memref<1024xf32, #tpu.memory_space<vmem>>, vector<16xf32>,
    %swap3A_135 = vector.shape_cast %swap3A_134 : vector<16xf32> to vector<16xf32>
    %swap3A_136 = vector.shape_cast %broadcast_in_dim3A_132 : vector<16xf32> to vector<16xf32>
    tpu.vector_store %arg7[%swap3A_133], %swap3A_136 {strides = array<i32>} : memref<1024xf32, #tpu.memory_space<vmem>>, vector<16xf32>,
    %broadcast_in_dim3A_137 = arith.constant 0.000000e+00 : f32
    %broadcast_in_dim3A_138 = vector.broadcast %broadcast_in_dim3A_137 : f32 to vector<16xf32>
    %swap3A_139 = arith.constant 288 : index
    %swap3A_140 = tpu.vector_load %arg7[%swap3A_139] {strides = array<i32>} : memref<1024xf32, #tpu.memory_space<vmem>>, vector<16xf32>,
    %swap3A_141 = vector.shape_cast %swap3A_140 : vector<16xf32> to vector<16xf32>
    %swap3A_142 = vector.shape_cast %broadcast_in_dim3A_138 : vector<16xf32> to vector<16xf32>
    tpu.vector_store %arg7[%swap3A_139], %swap3A_142 {strides = array<i32>} : memref<1024xf32, #tpu.memory_space<vmem>>, vector<16xf32>,
    %broadcast_in_dim3A_143 = arith.constant 0.000000e+00 : f32
    %broadcast_in_dim3A_144 = vector.broadcast %broadcast_in_dim3A_143 : f32 to vector<16xf32>
    %swap3A_145 = arith.constant 304 : index
    %swap3A_146 = tpu.vector_load %arg7[%swap3A_145] {strides = array<i32>} : memref<1024xf32, #tpu.memory_space<vmem>>, vector<16xf32>,
    %swap3A_147 = vector.shape_cast %swap3A_146 : vector<16xf32> to vector<16xf32>
    %swap3A_148 = vector.shape_cast %broadcast_in_dim3A_144 : vector<16xf32> to vector<16xf32>
    tpu.vector_store %arg7[%swap3A_145], %swap3A_148 {strides = array<i32>} : memref<1024xf32, #tpu.memory_space<vmem>>, vector<16xf32>,
    %broadcast_in_dim3A_149 = arith.constant 0.000000e+00 : f32
    %broadcast_in_dim3A_150 = vector.broadcast %broadcast_in_dim3A_149 : f32 to vector<16xf32>
    %swap3A_151 = arith.constant 320 : index
    %swap3A_152 = tpu.vector_load %arg7[%swap3A_151] {strides = array<i32>} : memref<1024xf32, #tpu.memory_space<vmem>>, vector<16xf32>,
    %swap3A_153 = vector.shape_cast %swap3A_152 : vector<16xf32> to vector<16xf32>
    %swap3A_154 = vector.shape_cast %broadcast_in_dim3A_150 : vector<16xf32> to vector<16xf32>
    tpu.vector_store %arg7[%swap3A_151], %swap3A_154 {strides = array<i32>} : memref<1024xf32, #tpu.memory_space<vmem>>, vector<16xf32>,
    %broadcast_in_dim3A_155 = arith.constant 0.000000e+00 : f32
    %broadcast_in_dim3A_156 = vector.broadcast %broadcast_in_dim3A_155 : f32 to vector<16xf32>
    %swap3A_157 = arith.constant 336 : index
    %swap3A_158 = tpu.vector_load %arg7[%swap3A_157] {strides = array<i32>} : memref<1024xf32, #tpu.memory_space<vmem>>, vector<16xf32>,
    %swap3A_159 = vector.shape_cast %swap3A_158 : vector<16xf32> to vector<16xf32>
    %swap3A_160 = vector.shape_cast %broadcast_in_dim3A_156 : vector<16xf32> to vector<16xf32>
    tpu.vector_store %arg7[%swap3A_157], %swap3A_160 {strides = array<i32>} : memref<1024xf32, #tpu.memory_space<vmem>>, vector<16xf32>,
    %broadcast_in_dim3A_161 = arith.constant 0.000000e+00 : f32
    %broadcast_in_dim3A_162 = vector.broadcast %broadcast_in_dim3A_161 : f32 to vector<16xf32>
    %swap3A_163 = arith.constant 352 : index
    %swap3A_164 = tpu.vector_load %arg7[%swap3A_163] {strides = array<i32>} : memref<1024xf32, #tpu.memory_space<vmem>>, vector<16xf32>,
    %swap3A_165 = vector.shape_cast %swap3A_164 : vector<16xf32> to vector<16xf32>
    %swap3A_166 = vector.shape_cast %broadcast_in_dim3A_162 : vector<16xf32> to vector<16xf32>
    tpu.vector_store %arg7[%swap3A_163], %swap3A_166 {strides = array<i32>} : memref<1024xf32, #tpu.memory_space<vmem>>, vector<16xf32>,
    %broadcast_in_dim3A_167 = arith.constant 0.000000e+00 : f32
    %broadcast_in_dim3A_168 = vector.broadcast %broadcast_in_dim3A_167 : f32 to vector<16xf32>
    %swap3A_169 = arith.constant 368 : index
    %swap3A_170 = tpu.vector_load %arg7[%swap3A_169] {strides = array<i32>} : memref<1024xf32, #tpu.memory_space<vmem>>, vector<16xf32>,
    %swap3A_171 = vector.shape_cast %swap3A_170 : vector<16xf32> to vector<16xf32>
    %swap3A_172 = vector.shape_cast %broadcast_in_dim3A_168 : vector<16xf32> to vector<16xf32>
    tpu.vector_store %arg7[%swap3A_169], %swap3A_172 {strides = array<i32>} : memref<1024xf32, #tpu.memory_space<vmem>>, vector<16xf32>,
    %broadcast_in_dim3A_173 = arith.constant 0.000000e+00 : f32
    %broadcast_in_dim3A_174 = vector.broadcast %broadcast_in_dim3A_173 : f32 to vector<16xf32>
    %swap3A_175 = arith.constant 384 : index
    %swap3A_176 = tpu.vector_load %arg7[%swap3A_175] {strides = array<i32>} : memref<1024xf32, #tpu.memory_space<vmem>>, vector<16xf32>,
    %swap3A_177 = vector.shape_cast %swap3A_176 : vector<16xf32> to vector<16xf32>
    %swap3A_178 = vector.shape_cast %broadcast_in_dim3A_174 : vector<16xf32> to vector<16xf32>
    tpu.vector_store %arg7[%swap3A_175], %swap3A_178 {strides = array<i32>} : memref<1024xf32, #tpu.memory_space<vmem>>, vector<16xf32>,
    %broadcast_in_dim3A_179 = arith.constant 0.000000e+00 : f32
    %broadcast_in_dim3A_180 = vector.broadcast %broadcast_in_dim3A_179 : f32 to vector<16xf32>
    %swap3A_181 = arith.constant 400 : index
    %swap3A_182 = tpu.vector_load %arg7[%swap3A_181] {strides = array<i32>} : memref<1024xf32, #tpu.memory_space<vmem>>, vector<16xf32>,
    %swap3A_183 = vector.shape_cast %swap3A_182 : vector<16xf32> to vector<16xf32>
    %swap3A_184 = vector.shape_cast %broadcast_in_dim3A_180 : vector<16xf32> to vector<16xf32>
    tpu.vector_store %arg7[%swap3A_181], %swap3A_184 {strides = array<i32>} : memref<1024xf32, #tpu.memory_space<vmem>>, vector<16xf32>,
    %broadcast_in_dim3A_185 = arith.constant 0.000000e+00 : f32
    %broadcast_in_dim3A_186 = vector.broadcast %broadcast_in_dim3A_185 : f32 to vector<16xf32>
    %swap3A_187 = arith.constant 416 : index
    %swap3A_188 = tpu.vector_load %arg7[%swap3A_187] {strides = array<i32>} : memref<1024xf32, #tpu.memory_space<vmem>>, vector<16xf32>,
    %swap3A_189 = vector.shape_cast %swap3A_188 : vector<16xf32> to vector<16xf32>
    %swap3A_190 = vector.shape_cast %broadcast_in_dim3A_186 : vector<16xf32> to vector<16xf32>
    tpu.vector_store %arg7[%swap3A_187], %swap3A_190 {strides = array<i32>} : memref<1024xf32, #tpu.memory_space<vmem>>, vector<16xf32>,
    %broadcast_in_dim3A_191 = arith.constant 0.000000e+00 : f32
    %broadcast_in_dim3A_192 = vector.broadcast %broadcast_in_dim3A_191 : f32 to vector<16xf32>
    %swap3A_193 = arith.constant 432 : index
    %swap3A_194 = tpu.vector_load %arg7[%swap3A_193] {strides = array<i32>} : memref<1024xf32, #tpu.memory_space<vmem>>, vector<16xf32>,
    %swap3A_195 = vector.shape_cast %swap3A_194 : vector<16xf32> to vector<16xf32>
    %swap3A_196 = vector.shape_cast %broadcast_in_dim3A_192 : vector<16xf32> to vector<16xf32>
    tpu.vector_store %arg7[%swap3A_193], %swap3A_196 {strides = array<i32>} : memref<1024xf32, #tpu.memory_space<vmem>>, vector<16xf32>,
    %broadcast_in_dim3A_197 = arith.constant 0.000000e+00 : f32
    %broadcast_in_dim3A_198 = vector.broadcast %broadcast_in_dim3A_197 : f32 to vector<16xf32>
    %swap3A_199 = arith.constant 448 : index
    %swap3A_200 = tpu.vector_load %arg7[%swap3A_199] {strides = array<i32>} : memref<1024xf32, #tpu.memory_space<vmem>>, vector<16xf32>,
    %swap3A_201 = vector.shape_cast %swap3A_200 : vector<16xf32> to vector<16xf32>
    %swap3A_202 = vector.shape_cast %broadcast_in_dim3A_198 : vector<16xf32> to vector<16xf32>
    tpu.vector_store %arg7[%swap3A_199], %swap3A_202 {strides = array<i32>} : memref<1024xf32, #tpu.memory_space<vmem>>, vector<16xf32>,
    %broadcast_in_dim3A_203 = arith.constant 0.000000e+00 : f32
    %broadcast_in_dim3A_204 = vector.broadcast %broadcast_in_dim3A_203 : f32 to vector<16xf32>
    %swap3A_205 = arith.constant 464 : index
    %swap3A_206 = tpu.vector_load %arg7[%swap3A_205] {strides = array<i32>} : memref<1024xf32, #tpu.memory_space<vmem>>, vector<16xf32>,
    %swap3A_207 = vector.shape_cast %swap3A_206 : vector<16xf32> to vector<16xf32>
    %swap3A_208 = vector.shape_cast %broadcast_in_dim3A_204 : vector<16xf32> to vector<16xf32>
    tpu.vector_store %arg7[%swap3A_205], %swap3A_208 {strides = array<i32>} : memref<1024xf32, #tpu.memory_space<vmem>>, vector<16xf32>,
    %broadcast_in_dim3A_209 = arith.constant 0.000000e+00 : f32
    %broadcast_in_dim3A_210 = vector.broadcast %broadcast_in_dim3A_209 : f32 to vector<16xf32>
    %swap3A_211 = arith.constant 480 : index
    %swap3A_212 = tpu.vector_load %arg7[%swap3A_211] {strides = array<i32>} : memref<1024xf32, #tpu.memory_space<vmem>>, vector<16xf32>,
    %swap3A_213 = vector.shape_cast %swap3A_212 : vector<16xf32> to vector<16xf32>
    %swap3A_214 = vector.shape_cast %broadcast_in_dim3A_210 : vector<16xf32> to vector<16xf32>
    tpu.vector_store %arg7[%swap3A_211], %swap3A_214 {strides = array<i32>} : memref<1024xf32, #tpu.memory_space<vmem>>, vector<16xf32>,
    %broadcast_in_dim3A_215 = arith.constant 0.000000e+00 : f32
    %broadcast_in_dim3A_216 = vector.broadcast %broadcast_in_dim3A_215 : f32 to vector<16xf32>
    %swap3A_217 = arith.constant 496 : index
    %swap3A_218 = tpu.vector_load %arg7[%swap3A_217] {strides = array<i32>} : memref<1024xf32, #tpu.memory_space<vmem>>, vector<16xf32>,
    %swap3A_219 = vector.shape_cast %swap3A_218 : vector<16xf32> to vector<16xf32>
    %swap3A_220 = vector.shape_cast %broadcast_in_dim3A_216 : vector<16xf32> to vector<16xf32>
    tpu.vector_store %arg7[%swap3A_217], %swap3A_220 {strides = array<i32>} : memref<1024xf32, #tpu.memory_space<vmem>>, vector<16xf32>,
    %broadcast_in_dim3A_221 = arith.constant 0.000000e+00 : f32
    %broadcast_in_dim3A_222 = vector.broadcast %broadcast_in_dim3A_221 : f32 to vector<16xf32>
    %swap3A_223 = arith.constant 512 : index
    %swap3A_224 = tpu.vector_load %arg7[%swap3A_223] {strides = array<i32>} : memref<1024xf32, #tpu.memory_space<vmem>>, vector<16xf32>,
    %swap3A_225 = vector.shape_cast %swap3A_224 : vector<16xf32> to vector<16xf32>
    %swap3A_226 = vector.shape_cast %broadcast_in_dim3A_222 : vector<16xf32> to vector<16xf32>
    tpu.vector_store %arg7[%swap3A_223], %swap3A_226 {strides = array<i32>} : memref<1024xf32, #tpu.memory_space<vmem>>, vector<16xf32>,
    %broadcast_in_dim3A_227 = arith.constant 0.000000e+00 : f32
    %broadcast_in_dim3A_228 = vector.broadcast %broadcast_in_dim3A_227 : f32 to vector<16xf32>
    %swap3A_229 = arith.constant 528 : index
    %swap3A_230 = tpu.vector_load %arg7[%swap3A_229] {strides = array<i32>} : memref<1024xf32, #tpu.memory_space<vmem>>, vector<16xf32>,
    %swap3A_231 = vector.shape_cast %swap3A_230 : vector<16xf32> to vector<16xf32>
    %swap3A_232 = vector.shape_cast %broadcast_in_dim3A_228 : vector<16xf32> to vector<16xf32>
    tpu.vector_store %arg7[%swap3A_229], %swap3A_232 {strides = array<i32>} : memref<1024xf32, #tpu.memory_space<vmem>>, vector<16xf32>,
    %broadcast_in_dim3A_233 = arith.constant 0.000000e+00 : f32
    %broadcast_in_dim3A_234 = vector.broadcast %broadcast_in_dim3A_233 : f32 to vector<16xf32>
    %swap3A_235 = arith.constant 544 : index
    %swap3A_236 = tpu.vector_load %arg7[%swap3A_235] {strides = array<i32>} : memref<1024xf32, #tpu.memory_space<vmem>>, vector<16xf32>,
    %swap3A_237 = vector.shape_cast %swap3A_236 : vector<16xf32> to vector<16xf32>
    %swap3A_238 = vector.shape_cast %broadcast_in_dim3A_234 : vector<16xf32> to vector<16xf32>
    tpu.vector_store %arg7[%swap3A_235], %swap3A_238 {strides = array<i32>} : memref<1024xf32, #tpu.memory_space<vmem>>, vector<16xf32>,
    %broadcast_in_dim3A_239 = arith.constant 0.000000e+00 : f32
    %broadcast_in_dim3A_240 = vector.broadcast %broadcast_in_dim3A_239 : f32 to vector<16xf32>
    %swap3A_241 = arith.constant 560 : index
    %swap3A_242 = tpu.vector_load %arg7[%swap3A_241] {strides = array<i32>} : memref<1024xf32, #tpu.memory_space<vmem>>, vector<16xf32>,
    %swap3A_243 = vector.shape_cast %swap3A_242 : vector<16xf32> to vector<16xf32>
    %swap3A_244 = vector.shape_cast %broadcast_in_dim3A_240 : vector<16xf32> to vector<16xf32>
    tpu.vector_store %arg7[%swap3A_241], %swap3A_244 {strides = array<i32>} : memref<1024xf32, #tpu.memory_space<vmem>>, vector<16xf32>,
    %broadcast_in_dim3A_245 = arith.constant 0.000000e+00 : f32
    %broadcast_in_dim3A_246 = vector.broadcast %broadcast_in_dim3A_245 : f32 to vector<16xf32>
    %swap3A_247 = arith.constant 576 : index
    %swap3A_248 = tpu.vector_load %arg7[%swap3A_247] {strides = array<i32>} : memref<1024xf32, #tpu.memory_space<vmem>>, vector<16xf32>,
    %swap3A_249 = vector.shape_cast %swap3A_248 : vector<16xf32> to vector<16xf32>
    %swap3A_250 = vector.shape_cast %broadcast_in_dim3A_246 : vector<16xf32> to vector<16xf32>
    tpu.vector_store %arg7[%swap3A_247], %swap3A_250 {strides = array<i32>} : memref<1024xf32, #tpu.memory_space<vmem>>, vector<16xf32>,
    %broadcast_in_dim3A_251 = arith.constant 0.000000e+00 : f32
    %broadcast_in_dim3A_252 = vector.broadcast %broadcast_in_dim3A_251 : f32 to vector<16xf32>
    %swap3A_253 = arith.constant 592 : index
    %swap3A_254 = tpu.vector_load %arg7[%swap3A_253] {strides = array<i32>} : memref<1024xf32, #tpu.memory_space<vmem>>, vector<16xf32>,
    %swap3A_255 = vector.shape_cast %swap3A_254 : vector<16xf32> to vector<16xf32>
    %swap3A_256 = vector.shape_cast %broadcast_in_dim3A_252 : vector<16xf32> to vector<16xf32>
    tpu.vector_store %arg7[%swap3A_253], %swap3A_256 {strides = array<i32>} : memref<1024xf32, #tpu.memory_space<vmem>>, vector<16xf32>,
    %broadcast_in_dim3A_257 = arith.constant 0.000000e+00 : f32
    %broadcast_in_dim3A_258 = vector.broadcast %broadcast_in_dim3A_257 : f32 to vector<16xf32>
    %swap3A_259 = arith.constant 608 : index
    %swap3A_260 = tpu.vector_load %arg7[%swap3A_259] {strides = array<i32>} : memref<1024xf32, #tpu.memory_space<vmem>>, vector<16xf32>,
    %swap3A_261 = vector.shape_cast %swap3A_260 : vector<16xf32> to vector<16xf32>
    %swap3A_262 = vector.shape_cast %broadcast_in_dim3A_258 : vector<16xf32> to vector<16xf32>
    tpu.vector_store %arg7[%swap3A_259], %swap3A_262 {strides = array<i32>} : memref<1024xf32, #tpu.memory_space<vmem>>, vector<16xf32>,
    %broadcast_in_dim3A_263 = arith.constant 0.000000e+00 : f32
    %broadcast_in_dim3A_264 = vector.broadcast %broadcast_in_dim3A_263 : f32 to vector<16xf32>
    %swap3A_265 = arith.constant 624 : index
    %swap3A_266 = tpu.vector_load %arg7[%swap3A_265] {strides = array<i32>} : memref<1024xf32, #tpu.memory_space<vmem>>, vector<16xf32>,
    %swap3A_267 = vector.shape_cast %swap3A_266 : vector<16xf32> to vector<16xf32>
    %swap3A_268 = vector.shape_cast %broadcast_in_dim3A_264 : vector<16xf32> to vector<16xf32>
    tpu.vector_store %arg7[%swap3A_265], %swap3A_268 {strides = array<i32>} : memref<1024xf32, #tpu.memory_space<vmem>>, vector<16xf32>,
    %broadcast_in_dim3A_269 = arith.constant 0.000000e+00 : f32
    %broadcast_in_dim3A_270 = vector.broadcast %broadcast_in_dim3A_269 : f32 to vector<16xf32>
    %swap3A_271 = arith.constant 640 : index
    %swap3A_272 = tpu.vector_load %arg7[%swap3A_271] {strides = array<i32>} : memref<1024xf32, #tpu.memory_space<vmem>>, vector<16xf32>,
    %swap3A_273 = vector.shape_cast %swap3A_272 : vector<16xf32> to vector<16xf32>
    %swap3A_274 = vector.shape_cast %broadcast_in_dim3A_270 : vector<16xf32> to vector<16xf32>
    tpu.vector_store %arg7[%swap3A_271], %swap3A_274 {strides = array<i32>} : memref<1024xf32, #tpu.memory_space<vmem>>, vector<16xf32>,
    %broadcast_in_dim3A_275 = arith.constant 0.000000e+00 : f32
    %broadcast_in_dim3A_276 = vector.broadcast %broadcast_in_dim3A_275 : f32 to vector<16xf32>
    %swap3A_277 = arith.constant 656 : index
    %swap3A_278 = tpu.vector_load %arg7[%swap3A_277] {strides = array<i32>} : memref<1024xf32, #tpu.memory_space<vmem>>, vector<16xf32>,
    %swap3A_279 = vector.shape_cast %swap3A_278 : vector<16xf32> to vector<16xf32>
    %swap3A_280 = vector.shape_cast %broadcast_in_dim3A_276 : vector<16xf32> to vector<16xf32>
    tpu.vector_store %arg7[%swap3A_277], %swap3A_280 {strides = array<i32>} : memref<1024xf32, #tpu.memory_space<vmem>>, vector<16xf32>,
    %broadcast_in_dim3A_281 = arith.constant 0.000000e+00 : f32
    %broadcast_in_dim3A_282 = vector.broadcast %broadcast_in_dim3A_281 : f32 to vector<16xf32>
    %swap3A_283 = arith.constant 672 : index
    %swap3A_284 = tpu.vector_load %arg7[%swap3A_283] {strides = array<i32>} : memref<1024xf32, #tpu.memory_space<vmem>>, vector<16xf32>,
    %swap3A_285 = vector.shape_cast %swap3A_284 : vector<16xf32> to vector<16xf32>
    %swap3A_286 = vector.shape_cast %broadcast_in_dim3A_282 : vector<16xf32> to vector<16xf32>
    tpu.vector_store %arg7[%swap3A_283], %swap3A_286 {strides = array<i32>} : memref<1024xf32, #tpu.memory_space<vmem>>, vector<16xf32>,
    %broadcast_in_dim3A_287 = arith.constant 0.000000e+00 : f32
    %broadcast_in_dim3A_288 = vector.broadcast %broadcast_in_dim3A_287 : f32 to vector<16xf32>
    %swap3A_289 = arith.constant 688 : index
    %swap3A_290 = tpu.vector_load %arg7[%swap3A_289] {strides = array<i32>} : memref<1024xf32, #tpu.memory_space<vmem>>, vector<16xf32>,
    %swap3A_291 = vector.shape_cast %swap3A_290 : vector<16xf32> to vector<16xf32>
    %swap3A_292 = vector.shape_cast %broadcast_in_dim3A_288 : vector<16xf32> to vector<16xf32>
    tpu.vector_store %arg7[%swap3A_289], %swap3A_292 {strides = array<i32>} : memref<1024xf32, #tpu.memory_space<vmem>>, vector<16xf32>,
    %broadcast_in_dim3A_293 = arith.constant 0.000000e+00 : f32
    %broadcast_in_dim3A_294 = vector.broadcast %broadcast_in_dim3A_293 : f32 to vector<16xf32>
    %swap3A_295 = arith.constant 704 : index
    %swap3A_296 = tpu.vector_load %arg7[%swap3A_295] {strides = array<i32>} : memref<1024xf32, #tpu.memory_space<vmem>>, vector<16xf32>,
    %swap3A_297 = vector.shape_cast %swap3A_296 : vector<16xf32> to vector<16xf32>
    %swap3A_298 = vector.shape_cast %broadcast_in_dim3A_294 : vector<16xf32> to vector<16xf32>
    tpu.vector_store %arg7[%swap3A_295], %swap3A_298 {strides = array<i32>} : memref<1024xf32, #tpu.memory_space<vmem>>, vector<16xf32>,
    %broadcast_in_dim3A_299 = arith.constant 0.000000e+00 : f32
    %broadcast_in_dim3A_300 = vector.broadcast %broadcast_in_dim3A_299 : f32 to vector<16xf32>
    %swap3A_301 = arith.constant 720 : index
    %swap3A_302 = tpu.vector_load %arg7[%swap3A_301] {strides = array<i32>} : memref<1024xf32, #tpu.memory_space<vmem>>, vector<16xf32>,
    %swap3A_303 = vector.shape_cast %swap3A_302 : vector<16xf32> to vector<16xf32>
    %swap3A_304 = vector.shape_cast %broadcast_in_dim3A_300 : vector<16xf32> to vector<16xf32>
    tpu.vector_store %arg7[%swap3A_301], %swap3A_304 {strides = array<i32>} : memref<1024xf32, #tpu.memory_space<vmem>>, vector<16xf32>,
    %broadcast_in_dim3A_305 = arith.constant 0.000000e+00 : f32
    %broadcast_in_dim3A_306 = vector.broadcast %broadcast_in_dim3A_305 : f32 to vector<16xf32>
    %swap3A_307 = arith.constant 736 : index
    %swap3A_308 = tpu.vector_load %arg7[%swap3A_307] {strides = array<i32>} : memref<1024xf32, #tpu.memory_space<vmem>>, vector<16xf32>,
    %swap3A_309 = vector.shape_cast %swap3A_308 : vector<16xf32> to vector<16xf32>
    %swap3A_310 = vector.shape_cast %broadcast_in_dim3A_306 : vector<16xf32> to vector<16xf32>
    tpu.vector_store %arg7[%swap3A_307], %swap3A_310 {strides = array<i32>} : memref<1024xf32, #tpu.memory_space<vmem>>, vector<16xf32>,
    %broadcast_in_dim3A_311 = arith.constant 0.000000e+00 : f32
    %broadcast_in_dim3A_312 = vector.broadcast %broadcast_in_dim3A_311 : f32 to vector<16xf32>
    %swap3A_313 = arith.constant 752 : index
    %swap3A_314 = tpu.vector_load %arg7[%swap3A_313] {strides = array<i32>} : memref<1024xf32, #tpu.memory_space<vmem>>, vector<16xf32>,
    %swap3A_315 = vector.shape_cast %swap3A_314 : vector<16xf32> to vector<16xf32>
    %swap3A_316 = vector.shape_cast %broadcast_in_dim3A_312 : vector<16xf32> to vector<16xf32>
    tpu.vector_store %arg7[%swap3A_313], %swap3A_316 {strides = array<i32>} : memref<1024xf32, #tpu.memory_space<vmem>>, vector<16xf32>,
    %broadcast_in_dim3A_317 = arith.constant 0.000000e+00 : f32
    %broadcast_in_dim3A_318 = vector.broadcast %broadcast_in_dim3A_317 : f32 to vector<16xf32>
    %swap3A_319 = arith.constant 768 : index
    %swap3A_320 = tpu.vector_load %arg7[%swap3A_319] {strides = array<i32>} : memref<1024xf32, #tpu.memory_space<vmem>>, vector<16xf32>,
    %swap3A_321 = vector.shape_cast %swap3A_320 : vector<16xf32> to vector<16xf32>
    %swap3A_322 = vector.shape_cast %broadcast_in_dim3A_318 : vector<16xf32> to vector<16xf32>
    tpu.vector_store %arg7[%swap3A_319], %swap3A_322 {strides = array<i32>} : memref<1024xf32, #tpu.memory_space<vmem>>, vector<16xf32>,
    %broadcast_in_dim3A_323 = arith.constant 0.000000e+00 : f32
    %broadcast_in_dim3A_324 = vector.broadcast %broadcast_in_dim3A_323 : f32 to vector<16xf32>
    %swap3A_325 = arith.constant 784 : index
    %swap3A_326 = tpu.vector_load %arg7[%swap3A_325] {strides = array<i32>} : memref<1024xf32, #tpu.memory_space<vmem>>, vector<16xf32>,
    %swap3A_327 = vector.shape_cast %swap3A_326 : vector<16xf32> to vector<16xf32>
    %swap3A_328 = vector.shape_cast %broadcast_in_dim3A_324 : vector<16xf32> to vector<16xf32>
    tpu.vector_store %arg7[%swap3A_325], %swap3A_328 {strides = array<i32>} : memref<1024xf32, #tpu.memory_space<vmem>>, vector<16xf32>,
    %broadcast_in_dim3A_329 = arith.constant 0.000000e+00 : f32
    %broadcast_in_dim3A_330 = vector.broadcast %broadcast_in_dim3A_329 : f32 to vector<16xf32>
    %swap3A_331 = arith.constant 800 : index
    %swap3A_332 = tpu.vector_load %arg7[%swap3A_331] {strides = array<i32>} : memref<1024xf32, #tpu.memory_space<vmem>>, vector<16xf32>,
    %swap3A_333 = vector.shape_cast %swap3A_332 : vector<16xf32> to vector<16xf32>
    %swap3A_334 = vector.shape_cast %broadcast_in_dim3A_330 : vector<16xf32> to vector<16xf32>
    tpu.vector_store %arg7[%swap3A_331], %swap3A_334 {strides = array<i32>} : memref<1024xf32, #tpu.memory_space<vmem>>, vector<16xf32>,
    %broadcast_in_dim3A_335 = arith.constant 0.000000e+00 : f32
    %broadcast_in_dim3A_336 = vector.broadcast %broadcast_in_dim3A_335 : f32 to vector<16xf32>
    %swap3A_337 = arith.constant 816 : index
    %swap3A_338 = tpu.vector_load %arg7[%swap3A_337] {strides = array<i32>} : memref<1024xf32, #tpu.memory_space<vmem>>, vector<16xf32>,
    %swap3A_339 = vector.shape_cast %swap3A_338 : vector<16xf32> to vector<16xf32>
    %swap3A_340 = vector.shape_cast %broadcast_in_dim3A_336 : vector<16xf32> to vector<16xf32>
    tpu.vector_store %arg7[%swap3A_337], %swap3A_340 {strides = array<i32>} : memref<1024xf32, #tpu.memory_space<vmem>>, vector<16xf32>,
    %broadcast_in_dim3A_341 = arith.constant 0.000000e+00 : f32
    %broadcast_in_dim3A_342 = vector.broadcast %broadcast_in_dim3A_341 : f32 to vector<16xf32>
    %swap3A_343 = arith.constant 832 : index
    %swap3A_344 = tpu.vector_load %arg7[%swap3A_343] {strides = array<i32>} : memref<1024xf32, #tpu.memory_space<vmem>>, vector<16xf32>,
    %swap3A_345 = vector.shape_cast %swap3A_344 : vector<16xf32> to vector<16xf32>
    %swap3A_346 = vector.shape_cast %broadcast_in_dim3A_342 : vector<16xf32> to vector<16xf32>
    tpu.vector_store %arg7[%swap3A_343], %swap3A_346 {strides = array<i32>} : memref<1024xf32, #tpu.memory_space<vmem>>, vector<16xf32>,
    %broadcast_in_dim3A_347 = arith.constant 0.000000e+00 : f32
    %broadcast_in_dim3A_348 = vector.broadcast %broadcast_in_dim3A_347 : f32 to vector<16xf32>
    %swap3A_349 = arith.constant 848 : index
    %swap3A_350 = tpu.vector_load %arg7[%swap3A_349] {strides = array<i32>} : memref<1024xf32, #tpu.memory_space<vmem>>, vector<16xf32>,
    %swap3A_351 = vector.shape_cast %swap3A_350 : vector<16xf32> to vector<16xf32>
    %swap3A_352 = vector.shape_cast %broadcast_in_dim3A_348 : vector<16xf32> to vector<16xf32>
    tpu.vector_store %arg7[%swap3A_349], %swap3A_352 {strides = array<i32>} : memref<1024xf32, #tpu.memory_space<vmem>>, vector<16xf32>,
    %broadcast_in_dim3A_353 = arith.constant 0.000000e+00 : f32
    %broadcast_in_dim3A_354 = vector.broadcast %broadcast_in_dim3A_353 : f32 to vector<16xf32>
    %swap3A_355 = arith.constant 864 : index
    %swap3A_356 = tpu.vector_load %arg7[%swap3A_355] {strides = array<i32>} : memref<1024xf32, #tpu.memory_space<vmem>>, vector<16xf32>,
    %swap3A_357 = vector.shape_cast %swap3A_356 : vector<16xf32> to vector<16xf32>
    %swap3A_358 = vector.shape_cast %broadcast_in_dim3A_354 : vector<16xf32> to vector<16xf32>
    tpu.vector_store %arg7[%swap3A_355], %swap3A_358 {strides = array<i32>} : memref<1024xf32, #tpu.memory_space<vmem>>, vector<16xf32>,
    %broadcast_in_dim3A_359 = arith.constant 0.000000e+00 : f32
    %broadcast_in_dim3A_360 = vector.broadcast %broadcast_in_dim3A_359 : f32 to vector<16xf32>
    %swap3A_361 = arith.constant 880 : index
    %swap3A_362 = tpu.vector_load %arg7[%swap3A_361] {strides = array<i32>} : memref<1024xf32, #tpu.memory_space<vmem>>, vector<16xf32>,
    %swap3A_363 = vector.shape_cast %swap3A_362 : vector<16xf32> to vector<16xf32>
    %swap3A_364 = vector.shape_cast %broadcast_in_dim3A_360 : vector<16xf32> to vector<16xf32>
    tpu.vector_store %arg7[%swap3A_361], %swap3A_364 {strides = array<i32>} : memref<1024xf32, #tpu.memory_space<vmem>>, vector<16xf32>,
    %broadcast_in_dim3A_365 = arith.constant 0.000000e+00 : f32
    %broadcast_in_dim3A_366 = vector.broadcast %broadcast_in_dim3A_365 : f32 to vector<16xf32>
    %swap3A_367 = arith.constant 896 : index
    %swap3A_368 = tpu.vector_load %arg7[%swap3A_367] {strides = array<i32>} : memref<1024xf32, #tpu.memory_space<vmem>>, vector<16xf32>,
    %swap3A_369 = vector.shape_cast %swap3A_368 : vector<16xf32> to vector<16xf32>
    %swap3A_370 = vector.shape_cast %broadcast_in_dim3A_366 : vector<16xf32> to vector<16xf32>
    tpu.vector_store %arg7[%swap3A_367], %swap3A_370 {strides = array<i32>} : memref<1024xf32, #tpu.memory_space<vmem>>, vector<16xf32>,
    %broadcast_in_dim3A_371 = arith.constant 0.000000e+00 : f32
    %broadcast_in_dim3A_372 = vector.broadcast %broadcast_in_dim3A_371 : f32 to vector<16xf32>
    %swap3A_373 = arith.constant 912 : index
    %swap3A_374 = tpu.vector_load %arg7[%swap3A_373] {strides = array<i32>} : memref<1024xf32, #tpu.memory_space<vmem>>, vector<16xf32>,
    %swap3A_375 = vector.shape_cast %swap3A_374 : vector<16xf32> to vector<16xf32>
    %swap3A_376 = vector.shape_cast %broadcast_in_dim3A_372 : vector<16xf32> to vector<16xf32>
    tpu.vector_store %arg7[%swap3A_373], %swap3A_376 {strides = array<i32>} : memref<1024xf32, #tpu.memory_space<vmem>>, vector<16xf32>,
    %broadcast_in_dim3A_377 = arith.constant 0.000000e+00 : f32
    %broadcast_in_dim3A_378 = vector.broadcast %broadcast_in_dim3A_377 : f32 to vector<16xf32>
    %swap3A_379 = arith.constant 928 : index
    %swap3A_380 = tpu.vector_load %arg7[%swap3A_379] {strides = array<i32>} : memref<1024xf32, #tpu.memory_space<vmem>>, vector<16xf32>,
    %swap3A_381 = vector.shape_cast %swap3A_380 : vector<16xf32> to vector<16xf32>
    %swap3A_382 = vector.shape_cast %broadcast_in_dim3A_378 : vector<16xf32> to vector<16xf32>
    tpu.vector_store %arg7[%swap3A_379], %swap3A_382 {strides = array<i32>} : memref<1024xf32, #tpu.memory_space<vmem>>, vector<16xf32>,
    %broadcast_in_dim3A_383 = arith.constant 0.000000e+00 : f32
    %broadcast_in_dim3A_384 = vector.broadcast %broadcast_in_dim3A_383 : f32 to vector<16xf32>
    %swap3A_385 = arith.constant 944 : index
    %swap3A_386 = tpu.vector_load %arg7[%swap3A_385] {strides = array<i32>} : memref<1024xf32, #tpu.memory_space<vmem>>, vector<16xf32>,
    %swap3A_387 = vector.shape_cast %swap3A_386 : vector<16xf32> to vector<16xf32>
    %swap3A_388 = vector.shape_cast %broadcast_in_dim3A_384 : vector<16xf32> to vector<16xf32>
    tpu.vector_store %arg7[%swap3A_385], %swap3A_388 {strides = array<i32>} : memref<1024xf32, #tpu.memory_space<vmem>>, vector<16xf32>,
    %broadcast_in_dim3A_389 = arith.constant 0.000000e+00 : f32
    %broadcast_in_dim3A_390 = vector.broadcast %broadcast_in_dim3A_389 : f32 to vector<16xf32>
    %swap3A_391 = arith.constant 960 : index
    %swap3A_392 = tpu.vector_load %arg7[%swap3A_391] {strides = array<i32>} : memref<1024xf32, #tpu.memory_space<vmem>>, vector<16xf32>,
    %swap3A_393 = vector.shape_cast %swap3A_392 : vector<16xf32> to vector<16xf32>
    %swap3A_394 = vector.shape_cast %broadcast_in_dim3A_390 : vector<16xf32> to vector<16xf32>
    tpu.vector_store %arg7[%swap3A_391], %swap3A_394 {strides = array<i32>} : memref<1024xf32, #tpu.memory_space<vmem>>, vector<16xf32>,
    %broadcast_in_dim3A_395 = arith.constant 0.000000e+00 : f32
    %broadcast_in_dim3A_396 = vector.broadcast %broadcast_in_dim3A_395 : f32 to vector<16xf32>
    %swap3A_397 = arith.constant 976 : index
    %swap3A_398 = tpu.vector_load %arg7[%swap3A_397] {strides = array<i32>} : memref<1024xf32, #tpu.memory_space<vmem>>, vector<16xf32>,
    %swap3A_399 = vector.shape_cast %swap3A_398 : vector<16xf32> to vector<16xf32>
    %swap3A_400 = vector.shape_cast %broadcast_in_dim3A_396 : vector<16xf32> to vector<16xf32>
    tpu.vector_store %arg7[%swap3A_397], %swap3A_400 {strides = array<i32>} : memref<1024xf32, #tpu.memory_space<vmem>>, vector<16xf32>,
    %broadcast_in_dim3A_401 = arith.constant 0.000000e+00 : f32
    %broadcast_in_dim3A_402 = vector.broadcast %broadcast_in_dim3A_401 : f32 to vector<16xf32>
    %swap3A_403 = arith.constant 992 : index
    %swap3A_404 = tpu.vector_load %arg7[%swap3A_403] {strides = array<i32>} : memref<1024xf32, #tpu.memory_space<vmem>>, vector<16xf32>,
    %swap3A_405 = vector.shape_cast %swap3A_404 : vector<16xf32> to vector<16xf32>
    %swap3A_406 = vector.shape_cast %broadcast_in_dim3A_402 : vector<16xf32> to vector<16xf32>
    tpu.vector_store %arg7[%swap3A_403], %swap3A_406 {strides = array<i32>} : memref<1024xf32, #tpu.memory_space<vmem>>, vector<16xf32>,
    %broadcast_in_dim3A_407 = arith.constant 0.000000e+00 : f32
    %broadcast_in_dim3A_408 = vector.broadcast %broadcast_in_dim3A_407 : f32 to vector<16xf32>
    %swap3A_409 = arith.constant 1008 : index
    %swap3A_410 = tpu.vector_load %arg7[%swap3A_409] {strides = array<i32>} : memref<1024xf32, #tpu.memory_space<vmem>>, vector<16xf32>,
    %swap3A_411 = vector.shape_cast %swap3A_410 : vector<16xf32> to vector<16xf32>
    %swap3A_412 = vector.shape_cast %broadcast_in_dim3A_408 : vector<16xf32> to vector<16xf32>
    tpu.vector_store %arg7[%swap3A_409], %swap3A_412 {strides = array<i32>} : memref<1024xf32, #tpu.memory_space<vmem>>, vector<16xf32>,
    %lt3A = arith.constant 10 : i32
    %lt3A_413 = arith.cmpi slt, %arg1, %lt3A : i32
    %convert_element_type3A = arith.extui %lt3A_413 : i1 to i32
    %cond3A = arith.constant 0 : i32
    %cond3A_414 = arith.cmpi ne, %convert_element_type3A, %cond3A : i32
    scf.if %cond3A_414 {
      %mul3A_825 = arith.constant 1024 : i32
      %mul3A_826 = arith.muli %arg1, %mul3A_825 : i32
      %multiple_of3A_827 = tpu.assume_multiple %mul3A_826, 8 : i32
      "tpu.region"() ({
        %run_scoped3A_828 = tpu.sem_alloc : memref<!tpu.dma_semaphore, #tpu.memory_space<semaphore_mem>>
        %dma_start3A_829 = tpu.memref_slice %arg8[%multiple_of3A_827] : memref<10240xf32, #tpu.memory_space<vmem_shared>> -> memref<1024xf32, #tpu.memory_space<vmem_shared>>
        %dma_start3A_830 = tpu.memref_slice %arg8[%multiple_of3A_827] : memref<10240xf32, #tpu.memory_space<vmem_shared>> -> memref<1024xf32, #tpu.memory_space<vmem_shared>>
        tpu.enqueue_dma source(%arg7 : memref<1024xf32, #tpu.memory_space<vmem>>) target(%dma_start3A_830 : memref<1024xf32, #tpu.memory_space<vmem_shared>>) target_semaphore(%run_scoped3A_828 : memref<!tpu.dma_semaphore, #tpu.memory_space<semaphore_mem>>)
        %dma_wait3A_831 = tpu.memref_slice %arg8[%multiple_of3A_827] : memref<10240xf32, #tpu.memory_space<vmem_shared>> -> memref<1024xf32, #tpu.memory_space<vmem_shared>>
        %dma_wait3A_832 = tpu.memref_slice %arg8[%multiple_of3A_827] : memref<10240xf32, #tpu.memory_space<vmem_shared>> -> memref<1024xf32, #tpu.memory_space<vmem_shared>>
        tpu.wait_dma2 semaphore(%run_scoped3A_828 : memref<!tpu.dma_semaphore, #tpu.memory_space<semaphore_mem>>) src(%arg7 : memref<1024xf32, #tpu.memory_space<vmem>>) dst(%dma_wait3A_832 : memref<1024xf32, #tpu.memory_space<vmem_shared>>)
        tpu.yield
      }) : () -> ()
    } else {
    }
    %mul3A_415 = arith.constant 10000 : i32
    %mul3A_416 = arith.muli %add3A, %mul3A_415 : i32
    %rem3A = arith.constant 128 : i32
    %rem3A_417 = arith.remsi %mul3A_416, %rem3A : i32
    %sub3A = arith.subi %mul3A_416, %rem3A_417 : i32
    %multiple_of3A = tpu.assume_multiple %sub3A, 128 : i32
    %run_scoped3A = arith.constant 1 : i32
    "tpu.region"() ({
      %run_scoped3A_825 = tpu.sem_alloc : memref<!tpu.dma_semaphore, #tpu.memory_space<semaphore_mem>>
      %dma_start3A_826 = tpu.memref_slice %arg2[%run_scoped3A, %multiple_of3A] : memref<2x320000xi32, #tpu.memory_space<hbm>> -> memref<1x10112xi32, #tpu.memory_space<hbm>>
      %dma_start3A_827 = tpu.memref_squeeze %dma_start3A_826 : memref<1x10112xi32, #tpu.memory_space<hbm>> -> memref<10112xi32, #tpu.memory_space<hbm>>
      %dma_start3A_828 = tpu.memref_slice %arg2[%run_scoped3A, %multiple_of3A] : memref<2x320000xi32, #tpu.memory_space<hbm>> -> memref<1x10112xi32, #tpu.memory_space<hbm>>
      %dma_start3A_829 = tpu.memref_squeeze %dma_start3A_828 : memref<1x10112xi32, #tpu.memory_space<hbm>> -> memref<10112xi32, #tpu.memory_space<hbm>>
      tpu.enqueue_dma source(%dma_start3A_829 : memref<10112xi32, #tpu.memory_space<hbm>>) target(%arg4 : memref<10112xi32, #tpu.memory_space<vmem>>) target_semaphore(%run_scoped3A_825 : memref<!tpu.dma_semaphore, #tpu.memory_space<semaphore_mem>>)
      %dma_wait3A_830 = tpu.memref_slice %arg2[%run_scoped3A, %multiple_of3A] : memref<2x320000xi32, #tpu.memory_space<hbm>> -> memref<1x10112xi32, #tpu.memory_space<hbm>>
      %dma_wait3A_831 = tpu.memref_squeeze %dma_wait3A_830 : memref<1x10112xi32, #tpu.memory_space<hbm>> -> memref<10112xi32, #tpu.memory_space<hbm>>
      %dma_wait3A_832 = tpu.memref_slice %arg2[%run_scoped3A, %multiple_of3A] : memref<2x320000xi32, #tpu.memory_space<hbm>> -> memref<1x10112xi32, #tpu.memory_space<hbm>>
      %dma_wait3A_833 = tpu.memref_squeeze %dma_wait3A_832 : memref<1x10112xi32, #tpu.memory_space<hbm>> -> memref<10112xi32, #tpu.memory_space<hbm>>
      tpu.wait_dma2 semaphore(%run_scoped3A_825 : memref<!tpu.dma_semaphore, #tpu.memory_space<semaphore_mem>>) src(%dma_wait3A_833 : memref<10112xi32, #tpu.memory_space<hbm>>) dst(%arg4 : memref<10112xi32, #tpu.memory_space<vmem>>)
      tpu.yield
    }) : () -> ()
    %barrier3A = arith.constant 0 : index
    tpu.barrier barrier_id(%barrier3A)
    %add3A_418 = arith.constant 0 : i32
    %add3A_419 = arith.addi %rem3A_417, %add3A_418 : i32
    %add3A_420 = arith.constant 0 : i32
    %add3A_421 = arith.addi %add3A_419, %add3A_420 : i32
    %multiple_of3A_422 = tpu.assume_multiple %add3A_421, 8 : i32
    %get3A = arith.index_cast %multiple_of3A_422 : i32 to index
    %get3A_423 = tpu.vector_load %arg4[%get3A] {strides = array<i32>} : memref<10112xi32, #tpu.memory_space<vmem>>, vector<16xi32>,
    %get3A_424 = vector.shape_cast %get3A_423 : vector<16xi32> to vector<16xi32>
    %convert_element_type3A_425 = arith.sitofp %get3A_424 : vector<16xi32> to vector<16xf32>
    %mul3A_426 = arith.constant 1.000000e-03 : f32
    %mul3A_427 = vector.broadcast %mul3A_426 : f32 to vector<16xf32>
    %mul3A_428 = arith.mulf %convert_element_type3A_425, %mul3A_427 : vector<16xf32>
    %convert_element_type3A_429 = arith.fptosi %mul3A_428 : vector<16xf32> to vector<16xi32>
    %mul3A_430 = arith.constant 24 : i32
    %mul3A_431 = vector.broadcast %mul3A_430 : i32 to vector<16xi32>
    %mul3A_432 = arith.muli %mul3A_431, %convert_element_type3A_429 : vector<16xi32>
    %add3A_433 = arith.addi %get3A_424, %mul3A_432 : vector<16xi32>
    %swap3A_434 = arith.constant 0 : i32
    %swap3A_435 = arith.index_cast %swap3A_434 : i32 to index
    %swap3A_436 = arith.constant 0 : index
    %swap3A_437 = tpu.vector_load %arg5[%swap3A_435, %swap3A_436] {strides = array<i32>} : memref<8x80xi32, #tpu.memory_space<vmem>>, vector<1x16xi32>,
    %swap3A_438 = vector.shape_cast %swap3A_437 : vector<1x16xi32> to vector<16xi32>
    %swap3A_439 = vector.shape_cast %add3A_433 : vector<16xi32> to vector<1x16xi32>
    tpu.vector_store %arg5[%swap3A_435, %swap3A_436], %swap3A_439 {strides = array<i32>} : memref<8x80xi32, #tpu.memory_space<vmem>>, vector<1x16xi32>,
    %add3A_440 = arith.constant 0 : i32
    %add3A_441 = arith.addi %rem3A_417, %add3A_440 : i32
    %add3A_442 = arith.constant 16 : i32
    %add3A_443 = arith.addi %add3A_441, %add3A_442 : i32
    %multiple_of3A_444 = tpu.assume_multiple %add3A_443, 8 : i32
    %get3A_445 = arith.index_cast %multiple_of3A_444 : i32 to index
    %get3A_446 = tpu.vector_load %arg4[%get3A_445] {strides = array<i32>} : memref<10112xi32, #tpu.memory_space<vmem>>, vector<16xi32>,
    %get3A_447 = vector.shape_cast %get3A_446 : vector<16xi32> to vector<16xi32>
    %convert_element_type3A_448 = arith.sitofp %get3A_447 : vector<16xi32> to vector<16xf32>
    %mul3A_449 = arith.constant 1.000000e-03 : f32
    %mul3A_450 = vector.broadcast %mul3A_449 : f32 to vector<16xf32>
    %mul3A_451 = arith.mulf %convert_element_type3A_448, %mul3A_450 : vector<16xf32>
    %convert_element_type3A_452 = arith.fptosi %mul3A_451 : vector<16xf32> to vector<16xi32>
    %mul3A_453 = arith.constant 24 : i32
    %mul3A_454 = vector.broadcast %mul3A_453 : i32 to vector<16xi32>
    %mul3A_455 = arith.muli %mul3A_454, %convert_element_type3A_452 : vector<16xi32>
    %add3A_456 = arith.addi %get3A_447, %mul3A_455 : vector<16xi32>
    %swap3A_457 = arith.constant 0 : i32
    %swap3A_458 = arith.index_cast %swap3A_457 : i32 to index
    %swap3A_459 = arith.constant 16 : index
    %swap3A_460 = tpu.vector_load %arg5[%swap3A_458, %swap3A_459] {strides = array<i32>} : memref<8x80xi32, #tpu.memory_space<vmem>>, vector<1x16xi32>,
    %swap3A_461 = vector.shape_cast %swap3A_460 : vector<1x16xi32> to vector<16xi32>
    %swap3A_462 = vector.shape_cast %add3A_456 : vector<16xi32> to vector<1x16xi32>
    tpu.vector_store %arg5[%swap3A_458, %swap3A_459], %swap3A_462 {strides = array<i32>} : memref<8x80xi32, #tpu.memory_space<vmem>>, vector<1x16xi32>,
    %add3A_463 = arith.constant 0 : i32
    %add3A_464 = arith.addi %rem3A_417, %add3A_463 : i32
    %add3A_465 = arith.constant 32 : i32
    %add3A_466 = arith.addi %add3A_464, %add3A_465 : i32
    %multiple_of3A_467 = tpu.assume_multiple %add3A_466, 8 : i32
    %get3A_468 = arith.index_cast %multiple_of3A_467 : i32 to index
    %get3A_469 = tpu.vector_load %arg4[%get3A_468] {strides = array<i32>} : memref<10112xi32, #tpu.memory_space<vmem>>, vector<16xi32>,
    %get3A_470 = vector.shape_cast %get3A_469 : vector<16xi32> to vector<16xi32>
    %convert_element_type3A_471 = arith.sitofp %get3A_470 : vector<16xi32> to vector<16xf32>
    %mul3A_472 = arith.constant 1.000000e-03 : f32
    %mul3A_473 = vector.broadcast %mul3A_472 : f32 to vector<16xf32>
    %mul3A_474 = arith.mulf %convert_element_type3A_471, %mul3A_473 : vector<16xf32>
    %convert_element_type3A_475 = arith.fptosi %mul3A_474 : vector<16xf32> to vector<16xi32>
    %mul3A_476 = arith.constant 24 : i32
    %mul3A_477 = vector.broadcast %mul3A_476 : i32 to vector<16xi32>
    %mul3A_478 = arith.muli %mul3A_477, %convert_element_type3A_475 : vector<16xi32>
    %add3A_479 = arith.addi %get3A_470, %mul3A_478 : vector<16xi32>
    %swap3A_480 = arith.constant 0 : i32
    %swap3A_481 = arith.index_cast %swap3A_480 : i32 to index
    %swap3A_482 = arith.constant 32 : index
    %swap3A_483 = tpu.vector_load %arg5[%swap3A_481, %swap3A_482] {strides = array<i32>} : memref<8x80xi32, #tpu.memory_space<vmem>>, vector<1x16xi32>,
    %swap3A_484 = vector.shape_cast %swap3A_483 : vector<1x16xi32> to vector<16xi32>
    %swap3A_485 = vector.shape_cast %add3A_479 : vector<16xi32> to vector<1x16xi32>
    tpu.vector_store %arg5[%swap3A_481, %swap3A_482], %swap3A_485 {strides = array<i32>} : memref<8x80xi32, #tpu.memory_space<vmem>>, vector<1x16xi32>,
    %add3A_486 = arith.constant 0 : i32
    %add3A_487 = arith.addi %rem3A_417, %add3A_486 : i32
    %add3A_488 = arith.constant 48 : i32
    %add3A_489 = arith.addi %add3A_487, %add3A_488 : i32
    %multiple_of3A_490 = tpu.assume_multiple %add3A_489, 8 : i32
    %get3A_491 = arith.index_cast %multiple_of3A_490 : i32 to index
    %get3A_492 = tpu.vector_load %arg4[%get3A_491] {strides = array<i32>} : memref<10112xi32, #tpu.memory_space<vmem>>, vector<16xi32>,
    %get3A_493 = vector.shape_cast %get3A_492 : vector<16xi32> to vector<16xi32>
    %convert_element_type3A_494 = arith.sitofp %get3A_493 : vector<16xi32> to vector<16xf32>
    %mul3A_495 = arith.constant 1.000000e-03 : f32
    %mul3A_496 = vector.broadcast %mul3A_495 : f32 to vector<16xf32>
    %mul3A_497 = arith.mulf %convert_element_type3A_494, %mul3A_496 : vector<16xf32>
    %convert_element_type3A_498 = arith.fptosi %mul3A_497 : vector<16xf32> to vector<16xi32>
    %mul3A_499 = arith.constant 24 : i32
    %mul3A_500 = vector.broadcast %mul3A_499 : i32 to vector<16xi32>
    %mul3A_501 = arith.muli %mul3A_500, %convert_element_type3A_498 : vector<16xi32>
    %add3A_502 = arith.addi %get3A_493, %mul3A_501 : vector<16xi32>
    %swap3A_503 = arith.constant 0 : i32
    %swap3A_504 = arith.index_cast %swap3A_503 : i32 to index
    %swap3A_505 = arith.constant 48 : index
    %swap3A_506 = tpu.vector_load %arg5[%swap3A_504, %swap3A_505] {strides = array<i32>} : memref<8x80xi32, #tpu.memory_space<vmem>>, vector<1x16xi32>,
    %swap3A_507 = vector.shape_cast %swap3A_506 : vector<1x16xi32> to vector<16xi32>
    %swap3A_508 = vector.shape_cast %add3A_502 : vector<16xi32> to vector<1x16xi32>
    tpu.vector_store %arg5[%swap3A_504, %swap3A_505], %swap3A_508 {strides = array<i32>} : memref<8x80xi32, #tpu.memory_space<vmem>>, vector<1x16xi32>,
    %add3A_509 = arith.constant 0 : i32
    %add3A_510 = arith.addi %rem3A_417, %add3A_509 : i32
    %add3A_511 = arith.constant 64 : i32
    %add3A_512 = arith.addi %add3A_510, %add3A_511 : i32
    %multiple_of3A_513 = tpu.assume_multiple %add3A_512, 8 : i32
    %get3A_514 = arith.index_cast %multiple_of3A_513 : i32 to index
    %get3A_515 = tpu.vector_load %arg4[%get3A_514] {strides = array<i32>} : memref<10112xi32, #tpu.memory_space<vmem>>, vector<16xi32>,
    %get3A_516 = vector.shape_cast %get3A_515 : vector<16xi32> to vector<16xi32>
    %convert_element_type3A_517 = arith.sitofp %get3A_516 : vector<16xi32> to vector<16xf32>
    %mul3A_518 = arith.constant 1.000000e-03 : f32
    %mul3A_519 = vector.broadcast %mul3A_518 : f32 to vector<16xf32>
    %mul3A_520 = arith.mulf %convert_element_type3A_517, %mul3A_519 : vector<16xf32>
    %convert_element_type3A_521 = arith.fptosi %mul3A_520 : vector<16xf32> to vector<16xi32>
    %mul3A_522 = arith.constant 24 : i32
    %mul3A_523 = vector.broadcast %mul3A_522 : i32 to vector<16xi32>
    %mul3A_524 = arith.muli %mul3A_523, %convert_element_type3A_521 : vector<16xi32>
    %add3A_525 = arith.addi %get3A_516, %mul3A_524 : vector<16xi32>
    %swap3A_526 = arith.constant 0 : i32
    %swap3A_527 = arith.index_cast %swap3A_526 : i32 to index
    %swap3A_528 = arith.constant 64 : index
    %swap3A_529 = tpu.vector_load %arg5[%swap3A_527, %swap3A_528] {strides = array<i32>} : memref<8x80xi32, #tpu.memory_space<vmem>>, vector<1x16xi32>,
    %swap3A_530 = vector.shape_cast %swap3A_529 : vector<1x16xi32> to vector<16xi32>
    %swap3A_531 = vector.shape_cast %add3A_525 : vector<16xi32> to vector<1x16xi32>
    tpu.vector_store %arg5[%swap3A_527, %swap3A_528], %swap3A_531 {strides = array<i32>} : memref<8x80xi32, #tpu.memory_space<vmem>>, vector<1x16xi32>,
    %dma_start3A = arith.constant 0 : i32
    %dma_start3A_532 = arith.constant 0 : i32
    %dma_start3A_533 = arith.constant 0 : i32
    %dma_start3A_534 = tpu.memref_slice %arg5[%dma_start3A, %dma_start3A_533] : memref<8x80xi32, #tpu.memory_space<vmem>> -> memref<1x80xi32, #tpu.memory_space<vmem>>
    %dma_start3A_535 = tpu.memref_squeeze %dma_start3A_534 : memref<1x80xi32, #tpu.memory_space<vmem>> -> memref<80xi32, #tpu.memory_space<vmem>>
    %dma_start3A_536 = arith.constant 0 : i32
    %dma_start3A_537 = tpu.memref_slice %arg8[%dma_start3A_536] : memref<10240xf32, #tpu.memory_space<vmem_shared>> -> memref<10240xf32, #tpu.memory_space<vmem_shared>>
    %dma_start3A_538 = tpu.memref_slice %arg9[%dma_start3A_532] : memref<2x!tpu.dma_semaphore, #tpu.memory_space<semaphore_mem>> -> memref<1x!tpu.dma_semaphore, #tpu.memory_space<semaphore_mem>>
    %dma_start3A_539 = tpu.memref_squeeze %dma_start3A_538 : memref<1x!tpu.dma_semaphore, #tpu.memory_space<semaphore_mem>> -> memref<!tpu.dma_semaphore, #tpu.memory_space<semaphore_mem>>
    tpu.enqueue_indirect_dma source(%arg6 : memref<80xf32, #tpu.memory_space<vmem>>) target(%dma_start3A_537 : memref<10240xf32, #tpu.memory_space<vmem_shared>>) offsets(%dma_start3A_535 : memref<80xi32, #tpu.memory_space<vmem>>) semaphore(%dma_start3A_539 : memref<!tpu.dma_semaphore, #tpu.memory_space<semaphore_mem>>) {add = true}
    %add3A_540 = arith.constant 80 : i32
    %add3A_541 = arith.addi %rem3A_417, %add3A_540 : i32
    %add3A_542 = arith.constant 0 : i32
    %add3A_543 = arith.addi %add3A_541, %add3A_542 : i32
    %multiple_of3A_544 = tpu.assume_multiple %add3A_543, 8 : i32
    %get3A_545 = arith.index_cast %multiple_of3A_544 : i32 to index
    %get3A_546 = tpu.vector_load %arg4[%get3A_545] {strides = array<i32>} : memref<10112xi32, #tpu.memory_space<vmem>>, vector<16xi32>,
    %get3A_547 = vector.shape_cast %get3A_546 : vector<16xi32> to vector<16xi32>
    %convert_element_type3A_548 = arith.sitofp %get3A_547 : vector<16xi32> to vector<16xf32>
    %mul3A_549 = arith.constant 1.000000e-03 : f32
    %mul3A_550 = vector.broadcast %mul3A_549 : f32 to vector<16xf32>
    %mul3A_551 = arith.mulf %convert_element_type3A_548, %mul3A_550 : vector<16xf32>
    %convert_element_type3A_552 = arith.fptosi %mul3A_551 : vector<16xf32> to vector<16xi32>
    %mul3A_553 = arith.constant 24 : i32
    %mul3A_554 = vector.broadcast %mul3A_553 : i32 to vector<16xi32>
    %mul3A_555 = arith.muli %mul3A_554, %convert_element_type3A_552 : vector<16xi32>
    %add3A_556 = arith.addi %get3A_547, %mul3A_555 : vector<16xi32>
    %swap3A_557 = arith.constant 1 : i32
    %swap3A_558 = arith.index_cast %swap3A_557 : i32 to index
    %swap3A_559 = arith.constant 0 : index
    %swap3A_560 = tpu.vector_load %arg5[%swap3A_558, %swap3A_559] {strides = array<i32>} : memref<8x80xi32, #tpu.memory_space<vmem>>, vector<1x16xi32>,
    %swap3A_561 = vector.shape_cast %swap3A_560 : vector<1x16xi32> to vector<16xi32>
    %swap3A_562 = vector.shape_cast %add3A_556 : vector<16xi32> to vector<1x16xi32>
    tpu.vector_store %arg5[%swap3A_558, %swap3A_559], %swap3A_562 {strides = array<i32>} : memref<8x80xi32, #tpu.memory_space<vmem>>, vector<1x16xi32>,
    %add3A_563 = arith.constant 80 : i32
    %add3A_564 = arith.addi %rem3A_417, %add3A_563 : i32
    %add3A_565 = arith.constant 16 : i32
    %add3A_566 = arith.addi %add3A_564, %add3A_565 : i32
    %multiple_of3A_567 = tpu.assume_multiple %add3A_566, 8 : i32
    %get3A_568 = arith.index_cast %multiple_of3A_567 : i32 to index
    %get3A_569 = tpu.vector_load %arg4[%get3A_568] {strides = array<i32>} : memref<10112xi32, #tpu.memory_space<vmem>>, vector<16xi32>,
    %get3A_570 = vector.shape_cast %get3A_569 : vector<16xi32> to vector<16xi32>
    %convert_element_type3A_571 = arith.sitofp %get3A_570 : vector<16xi32> to vector<16xf32>
    %mul3A_572 = arith.constant 1.000000e-03 : f32
    %mul3A_573 = vector.broadcast %mul3A_572 : f32 to vector<16xf32>
    %mul3A_574 = arith.mulf %convert_element_type3A_571, %mul3A_573 : vector<16xf32>
    %convert_element_type3A_575 = arith.fptosi %mul3A_574 : vector<16xf32> to vector<16xi32>
    %mul3A_576 = arith.constant 24 : i32
    %mul3A_577 = vector.broadcast %mul3A_576 : i32 to vector<16xi32>
    %mul3A_578 = arith.muli %mul3A_577, %convert_element_type3A_575 : vector<16xi32>
    %add3A_579 = arith.addi %get3A_570, %mul3A_578 : vector<16xi32>
    %swap3A_580 = arith.constant 1 : i32
    %swap3A_581 = arith.index_cast %swap3A_580 : i32 to index
    %swap3A_582 = arith.constant 16 : index
    %swap3A_583 = tpu.vector_load %arg5[%swap3A_581, %swap3A_582] {strides = array<i32>} : memref<8x80xi32, #tpu.memory_space<vmem>>, vector<1x16xi32>,
    %swap3A_584 = vector.shape_cast %swap3A_583 : vector<1x16xi32> to vector<16xi32>
    %swap3A_585 = vector.shape_cast %add3A_579 : vector<16xi32> to vector<1x16xi32>
    tpu.vector_store %arg5[%swap3A_581, %swap3A_582], %swap3A_585 {strides = array<i32>} : memref<8x80xi32, #tpu.memory_space<vmem>>, vector<1x16xi32>,
    %add3A_586 = arith.constant 80 : i32
    %add3A_587 = arith.addi %rem3A_417, %add3A_586 : i32
    %add3A_588 = arith.constant 32 : i32
    %add3A_589 = arith.addi %add3A_587, %add3A_588 : i32
    %multiple_of3A_590 = tpu.assume_multiple %add3A_589, 8 : i32
    %get3A_591 = arith.index_cast %multiple_of3A_590 : i32 to index
    %get3A_592 = tpu.vector_load %arg4[%get3A_591] {strides = array<i32>} : memref<10112xi32, #tpu.memory_space<vmem>>, vector<16xi32>,
    %get3A_593 = vector.shape_cast %get3A_592 : vector<16xi32> to vector<16xi32>
    %convert_element_type3A_594 = arith.sitofp %get3A_593 : vector<16xi32> to vector<16xf32>
    %mul3A_595 = arith.constant 1.000000e-03 : f32
    %mul3A_596 = vector.broadcast %mul3A_595 : f32 to vector<16xf32>
    %mul3A_597 = arith.mulf %convert_element_type3A_594, %mul3A_596 : vector<16xf32>
    %convert_element_type3A_598 = arith.fptosi %mul3A_597 : vector<16xf32> to vector<16xi32>
    %mul3A_599 = arith.constant 24 : i32
    %mul3A_600 = vector.broadcast %mul3A_599 : i32 to vector<16xi32>
    %mul3A_601 = arith.muli %mul3A_600, %convert_element_type3A_598 : vector<16xi32>
    %add3A_602 = arith.addi %get3A_593, %mul3A_601 : vector<16xi32>
    %swap3A_603 = arith.constant 1 : i32
    %swap3A_604 = arith.index_cast %swap3A_603 : i32 to index
    %swap3A_605 = arith.constant 32 : index
    %swap3A_606 = tpu.vector_load %arg5[%swap3A_604, %swap3A_605] {strides = array<i32>} : memref<8x80xi32, #tpu.memory_space<vmem>>, vector<1x16xi32>,
    %swap3A_607 = vector.shape_cast %swap3A_606 : vector<1x16xi32> to vector<16xi32>
    %swap3A_608 = vector.shape_cast %add3A_602 : vector<16xi32> to vector<1x16xi32>
    tpu.vector_store %arg5[%swap3A_604, %swap3A_605], %swap3A_608 {strides = array<i32>} : memref<8x80xi32, #tpu.memory_space<vmem>>, vector<1x16xi32>,
    %add3A_609 = arith.constant 80 : i32
    %add3A_610 = arith.addi %rem3A_417, %add3A_609 : i32
    %add3A_611 = arith.constant 48 : i32
    %add3A_612 = arith.addi %add3A_610, %add3A_611 : i32
    %multiple_of3A_613 = tpu.assume_multiple %add3A_612, 8 : i32
    %get3A_614 = arith.index_cast %multiple_of3A_613 : i32 to index
    %get3A_615 = tpu.vector_load %arg4[%get3A_614] {strides = array<i32>} : memref<10112xi32, #tpu.memory_space<vmem>>, vector<16xi32>,
    %get3A_616 = vector.shape_cast %get3A_615 : vector<16xi32> to vector<16xi32>
    %convert_element_type3A_617 = arith.sitofp %get3A_616 : vector<16xi32> to vector<16xf32>
    %mul3A_618 = arith.constant 1.000000e-03 : f32
    %mul3A_619 = vector.broadcast %mul3A_618 : f32 to vector<16xf32>
    %mul3A_620 = arith.mulf %convert_element_type3A_617, %mul3A_619 : vector<16xf32>
    %convert_element_type3A_621 = arith.fptosi %mul3A_620 : vector<16xf32> to vector<16xi32>
    %mul3A_622 = arith.constant 24 : i32
    %mul3A_623 = vector.broadcast %mul3A_622 : i32 to vector<16xi32>
    %mul3A_624 = arith.muli %mul3A_623, %convert_element_type3A_621 : vector<16xi32>
    %add3A_625 = arith.addi %get3A_616, %mul3A_624 : vector<16xi32>
    %swap3A_626 = arith.constant 1 : i32
    %swap3A_627 = arith.index_cast %swap3A_626 : i32 to index
    %swap3A_628 = arith.constant 48 : index
    %swap3A_629 = tpu.vector_load %arg5[%swap3A_627, %swap3A_628] {strides = array<i32>} : memref<8x80xi32, #tpu.memory_space<vmem>>, vector<1x16xi32>,
    %swap3A_630 = vector.shape_cast %swap3A_629 : vector<1x16xi32> to vector<16xi32>
    %swap3A_631 = vector.shape_cast %add3A_625 : vector<16xi32> to vector<1x16xi32>
    tpu.vector_store %arg5[%swap3A_627, %swap3A_628], %swap3A_631 {strides = array<i32>} : memref<8x80xi32, #tpu.memory_space<vmem>>, vector<1x16xi32>,
    %add3A_632 = arith.constant 80 : i32
    %add3A_633 = arith.addi %rem3A_417, %add3A_632 : i32
    %add3A_634 = arith.constant 64 : i32
    %add3A_635 = arith.addi %add3A_633, %add3A_634 : i32
    %multiple_of3A_636 = tpu.assume_multiple %add3A_635, 8 : i32
    %get3A_637 = arith.index_cast %multiple_of3A_636 : i32 to index
    %get3A_638 = tpu.vector_load %arg4[%get3A_637] {strides = array<i32>} : memref<10112xi32, #tpu.memory_space<vmem>>, vector<16xi32>,
    %get3A_639 = vector.shape_cast %get3A_638 : vector<16xi32> to vector<16xi32>
    %convert_element_type3A_640 = arith.sitofp %get3A_639 : vector<16xi32> to vector<16xf32>
    %mul3A_641 = arith.constant 1.000000e-03 : f32
    %mul3A_642 = vector.broadcast %mul3A_641 : f32 to vector<16xf32>
    %mul3A_643 = arith.mulf %convert_element_type3A_640, %mul3A_642 : vector<16xf32>
    %convert_element_type3A_644 = arith.fptosi %mul3A_643 : vector<16xf32> to vector<16xi32>
    %mul3A_645 = arith.constant 24 : i32
    %mul3A_646 = vector.broadcast %mul3A_645 : i32 to vector<16xi32>
    %mul3A_647 = arith.muli %mul3A_646, %convert_element_type3A_644 : vector<16xi32>
    %add3A_648 = arith.addi %get3A_639, %mul3A_647 : vector<16xi32>
    %swap3A_649 = arith.constant 1 : i32
    %swap3A_650 = arith.index_cast %swap3A_649 : i32 to index
    %swap3A_651 = arith.constant 64 : index
    %swap3A_652 = tpu.vector_load %arg5[%swap3A_650, %swap3A_651] {strides = array<i32>} : memref<8x80xi32, #tpu.memory_space<vmem>>, vector<1x16xi32>,
    %swap3A_653 = vector.shape_cast %swap3A_652 : vector<1x16xi32> to vector<16xi32>
    %swap3A_654 = vector.shape_cast %add3A_648 : vector<16xi32> to vector<1x16xi32>
    tpu.vector_store %arg5[%swap3A_650, %swap3A_651], %swap3A_654 {strides = array<i32>} : memref<8x80xi32, #tpu.memory_space<vmem>>, vector<1x16xi32>,
    %dma_start3A_655 = arith.constant 1 : i32
    %dma_start3A_656 = arith.constant 1 : i32
    %dma_start3A_657 = arith.constant 0 : i32
    %dma_start3A_658 = tpu.memref_slice %arg5[%dma_start3A_655, %dma_start3A_657] : memref<8x80xi32, #tpu.memory_space<vmem>> -> memref<1x80xi32, #tpu.memory_space<vmem>>
    %dma_start3A_659 = tpu.memref_squeeze %dma_start3A_658 : memref<1x80xi32, #tpu.memory_space<vmem>> -> memref<80xi32, #tpu.memory_space<vmem>>
    %dma_start3A_660 = arith.constant 0 : i32
    %dma_start3A_661 = tpu.memref_slice %arg8[%dma_start3A_660] : memref<10240xf32, #tpu.memory_space<vmem_shared>> -> memref<10240xf32, #tpu.memory_space<vmem_shared>>
    %dma_start3A_662 = tpu.memref_slice %arg9[%dma_start3A_656] : memref<2x!tpu.dma_semaphore, #tpu.memory_space<semaphore_mem>> -> memref<1x!tpu.dma_semaphore, #tpu.memory_space<semaphore_mem>>
    %dma_start3A_663 = tpu.memref_squeeze %dma_start3A_662 : memref<1x!tpu.dma_semaphore, #tpu.memory_space<semaphore_mem>> -> memref<!tpu.dma_semaphore, #tpu.memory_space<semaphore_mem>>
    tpu.enqueue_indirect_dma source(%arg6 : memref<80xf32, #tpu.memory_space<vmem>>) target(%dma_start3A_661 : memref<10240xf32, #tpu.memory_space<vmem_shared>>) offsets(%dma_start3A_659 : memref<80xi32, #tpu.memory_space<vmem>>) semaphore(%dma_start3A_663 : memref<!tpu.dma_semaphore, #tpu.memory_space<semaphore_mem>>) {add = true}
    %scan3A = arith.constant 0 : i32
    %scan3A_664 = arith.constant 0 : i32
    %scan3A_665 = arith.constant 61 : i32
    %scan3A_666 = arith.addi %scan3A_664, %scan3A_665 : i32
    %scan3A_667 = arith.constant 1 : i32
    scf.for %scan3A_825 = %scan3A_664 to %scan3A_666 step %scan3A_667  : i32 {
      %dma_wait3A_826 = arith.constant 0 : i32
      %dma_wait3A_827 = arith.constant 0 : i32
      %dma_wait3A_828 = arith.constant 0 : i32
      %dma_wait3A_829 = tpu.memref_slice %arg5[%dma_wait3A_826, %dma_wait3A_828] : memref<8x80xi32, #tpu.memory_space<vmem>> -> memref<1x80xi32, #tpu.memory_space<vmem>>
      %dma_wait3A_830 = tpu.memref_squeeze %dma_wait3A_829 : memref<1x80xi32, #tpu.memory_space<vmem>> -> memref<80xi32, #tpu.memory_space<vmem>>
      %dma_wait3A_831 = arith.constant 0 : i32
      %dma_wait3A_832 = tpu.memref_slice %arg8[%dma_wait3A_831] : memref<10240xf32, #tpu.memory_space<vmem_shared>> -> memref<10240xf32, #tpu.memory_space<vmem_shared>>
      %dma_wait3A_833 = tpu.memref_slice %arg9[%dma_wait3A_827] : memref<2x!tpu.dma_semaphore, #tpu.memory_space<semaphore_mem>> -> memref<1x!tpu.dma_semaphore, #tpu.memory_space<semaphore_mem>>
      %dma_wait3A_834 = tpu.memref_squeeze %dma_wait3A_833 : memref<1x!tpu.dma_semaphore, #tpu.memory_space<semaphore_mem>> -> memref<!tpu.dma_semaphore, #tpu.memory_space<semaphore_mem>>
      tpu.wait_indirect_dma semaphore(%dma_wait3A_834 : memref<!tpu.dma_semaphore, #tpu.memory_space<semaphore_mem>>) src(%arg6 : memref<80xf32, #tpu.memory_space<vmem>>) dst(%dma_wait3A_832 : memref<10240xf32, #tpu.memory_space<vmem_shared>>)
      %mul3A_835 = arith.constant 2 : i32
      %mul3A_836 = arith.muli %mul3A_835, %scan3A_825 : i32
      %add3A_837 = arith.constant 2 : i32
      %add3A_838 = arith.addi %mul3A_836, %add3A_837 : i32
      %add3A_839 = arith.constant 0 : i32
      %add3A_840 = arith.addi %add3A_838, %add3A_839 : i32
      %mul3A_841 = arith.constant 80 : i32
      %mul3A_842 = arith.muli %add3A_840, %mul3A_841 : i32
      %add3A_843 = arith.addi %rem3A_417, %mul3A_842 : i32
      %add3A_844 = arith.constant 0 : i32
      %add3A_845 = arith.addi %add3A_843, %add3A_844 : i32
      %multiple_of3A_846 = tpu.assume_multiple %add3A_845, 8 : i32
      %get3A_847 = arith.index_cast %multiple_of3A_846 : i32 to index
      %get3A_848 = tpu.vector_load %arg4[%get3A_847] {strides = array<i32>} : memref<10112xi32, #tpu.memory_space<vmem>>, vector<16xi32>,
      %get3A_849 = vector.shape_cast %get3A_848 : vector<16xi32> to vector<16xi32>
      %convert_element_type3A_850 = arith.sitofp %get3A_849 : vector<16xi32> to vector<16xf32>
      %mul3A_851 = arith.constant 1.000000e-03 : f32
      %mul3A_852 = vector.broadcast %mul3A_851 : f32 to vector<16xf32>
      %mul3A_853 = arith.mulf %convert_element_type3A_850, %mul3A_852 : vector<16xf32>
      %convert_element_type3A_854 = arith.fptosi %mul3A_853 : vector<16xf32> to vector<16xi32>
      %mul3A_855 = arith.constant 24 : i32
      %mul3A_856 = vector.broadcast %mul3A_855 : i32 to vector<16xi32>
      %mul3A_857 = arith.muli %mul3A_856, %convert_element_type3A_854 : vector<16xi32>
      %add3A_858 = arith.addi %get3A_849, %mul3A_857 : vector<16xi32>
      %swap3A_859 = arith.constant 0 : i32
      %swap3A_860 = arith.index_cast %swap3A_859 : i32 to index
      %swap3A_861 = arith.constant 0 : index
      %swap3A_862 = tpu.vector_load %arg5[%swap3A_860, %swap3A_861] {strides = array<i32>} : memref<8x80xi32, #tpu.memory_space<vmem>>, vector<1x16xi32>,
      %swap3A_863 = vector.shape_cast %swap3A_862 : vector<1x16xi32> to vector<16xi32>
      %swap3A_864 = vector.shape_cast %add3A_858 : vector<16xi32> to vector<1x16xi32>
      tpu.vector_store %arg5[%swap3A_860, %swap3A_861], %swap3A_864 {strides = array<i32>} : memref<8x80xi32, #tpu.memory_space<vmem>>, vector<1x16xi32>,
      %mul3A_865 = arith.constant 80 : i32
      %mul3A_866 = arith.muli %add3A_840, %mul3A_865 : i32
      %add3A_867 = arith.addi %rem3A_417, %mul3A_866 : i32
      %add3A_868 = arith.constant 16 : i32
      %add3A_869 = arith.addi %add3A_867, %add3A_868 : i32
      %multiple_of3A_870 = tpu.assume_multiple %add3A_869, 8 : i32
      %get3A_871 = arith.index_cast %multiple_of3A_870 : i32 to index
      %get3A_872 = tpu.vector_load %arg4[%get3A_871] {strides = array<i32>} : memref<10112xi32, #tpu.memory_space<vmem>>, vector<16xi32>,
      %get3A_873 = vector.shape_cast %get3A_872 : vector<16xi32> to vector<16xi32>
      %convert_element_type3A_874 = arith.sitofp %get3A_873 : vector<16xi32> to vector<16xf32>
      %mul3A_875 = arith.constant 1.000000e-03 : f32
      %mul3A_876 = vector.broadcast %mul3A_875 : f32 to vector<16xf32>
      %mul3A_877 = arith.mulf %convert_element_type3A_874, %mul3A_876 : vector<16xf32>
      %convert_element_type3A_878 = arith.fptosi %mul3A_877 : vector<16xf32> to vector<16xi32>
      %mul3A_879 = arith.constant 24 : i32
      %mul3A_880 = vector.broadcast %mul3A_879 : i32 to vector<16xi32>
      %mul3A_881 = arith.muli %mul3A_880, %convert_element_type3A_878 : vector<16xi32>
      %add3A_882 = arith.addi %get3A_873, %mul3A_881 : vector<16xi32>
      %swap3A_883 = arith.constant 0 : i32
      %swap3A_884 = arith.index_cast %swap3A_883 : i32 to index
      %swap3A_885 = arith.constant 16 : index
      %swap3A_886 = tpu.vector_load %arg5[%swap3A_884, %swap3A_885] {strides = array<i32>} : memref<8x80xi32, #tpu.memory_space<vmem>>, vector<1x16xi32>,
      %swap3A_887 = vector.shape_cast %swap3A_886 : vector<1x16xi32> to vector<16xi32>
      %swap3A_888 = vector.shape_cast %add3A_882 : vector<16xi32> to vector<1x16xi32>
      tpu.vector_store %arg5[%swap3A_884, %swap3A_885], %swap3A_888 {strides = array<i32>} : memref<8x80xi32, #tpu.memory_space<vmem>>, vector<1x16xi32>,
      %mul3A_889 = arith.constant 80 : i32
      %mul3A_890 = arith.muli %add3A_840, %mul3A_889 : i32
      %add3A_891 = arith.addi %rem3A_417, %mul3A_890 : i32
      %add3A_892 = arith.constant 32 : i32
      %add3A_893 = arith.addi %add3A_891, %add3A_892 : i32
      %multiple_of3A_894 = tpu.assume_multiple %add3A_893, 8 : i32
      %get3A_895 = arith.index_cast %multiple_of3A_894 : i32 to index
      %get3A_896 = tpu.vector_load %arg4[%get3A_895] {strides = array<i32>} : memref<10112xi32, #tpu.memory_space<vmem>>, vector<16xi32>,
      %get3A_897 = vector.shape_cast %get3A_896 : vector<16xi32> to vector<16xi32>
      %convert_element_type3A_898 = arith.sitofp %get3A_897 : vector<16xi32> to vector<16xf32>
      %mul3A_899 = arith.constant 1.000000e-03 : f32
      %mul3A_900 = vector.broadcast %mul3A_899 : f32 to vector<16xf32>
      %mul3A_901 = arith.mulf %convert_element_type3A_898, %mul3A_900 : vector<16xf32>
      %convert_element_type3A_902 = arith.fptosi %mul3A_901 : vector<16xf32> to vector<16xi32>
      %mul3A_903 = arith.constant 24 : i32
      %mul3A_904 = vector.broadcast %mul3A_903 : i32 to vector<16xi32>
      %mul3A_905 = arith.muli %mul3A_904, %convert_element_type3A_902 : vector<16xi32>
      %add3A_906 = arith.addi %get3A_897, %mul3A_905 : vector<16xi32>
      %swap3A_907 = arith.constant 0 : i32
      %swap3A_908 = arith.index_cast %swap3A_907 : i32 to index
      %swap3A_909 = arith.constant 32 : index
      %swap3A_910 = tpu.vector_load %arg5[%swap3A_908, %swap3A_909] {strides = array<i32>} : memref<8x80xi32, #tpu.memory_space<vmem>>, vector<1x16xi32>,
      %swap3A_911 = vector.shape_cast %swap3A_910 : vector<1x16xi32> to vector<16xi32>
      %swap3A_912 = vector.shape_cast %add3A_906 : vector<16xi32> to vector<1x16xi32>
      tpu.vector_store %arg5[%swap3A_908, %swap3A_909], %swap3A_912 {strides = array<i32>} : memref<8x80xi32, #tpu.memory_space<vmem>>, vector<1x16xi32>,
      %mul3A_913 = arith.constant 80 : i32
      %mul3A_914 = arith.muli %add3A_840, %mul3A_913 : i32
      %add3A_915 = arith.addi %rem3A_417, %mul3A_914 : i32
      %add3A_916 = arith.constant 48 : i32
      %add3A_917 = arith.addi %add3A_915, %add3A_916 : i32
      %multiple_of3A_918 = tpu.assume_multiple %add3A_917, 8 : i32
      %get3A_919 = arith.index_cast %multiple_of3A_918 : i32 to index
      %get3A_920 = tpu.vector_load %arg4[%get3A_919] {strides = array<i32>} : memref<10112xi32, #tpu.memory_space<vmem>>, vector<16xi32>,
      %get3A_921 = vector.shape_cast %get3A_920 : vector<16xi32> to vector<16xi32>
      %convert_element_type3A_922 = arith.sitofp %get3A_921 : vector<16xi32> to vector<16xf32>
      %mul3A_923 = arith.constant 1.000000e-03 : f32
      %mul3A_924 = vector.broadcast %mul3A_923 : f32 to vector<16xf32>
      %mul3A_925 = arith.mulf %convert_element_type3A_922, %mul3A_924 : vector<16xf32>
      %convert_element_type3A_926 = arith.fptosi %mul3A_925 : vector<16xf32> to vector<16xi32>
      %mul3A_927 = arith.constant 24 : i32
      %mul3A_928 = vector.broadcast %mul3A_927 : i32 to vector<16xi32>
      %mul3A_929 = arith.muli %mul3A_928, %convert_element_type3A_926 : vector<16xi32>
      %add3A_930 = arith.addi %get3A_921, %mul3A_929 : vector<16xi32>
      %swap3A_931 = arith.constant 0 : i32
      %swap3A_932 = arith.index_cast %swap3A_931 : i32 to index
      %swap3A_933 = arith.constant 48 : index
      %swap3A_934 = tpu.vector_load %arg5[%swap3A_932, %swap3A_933] {strides = array<i32>} : memref<8x80xi32, #tpu.memory_space<vmem>>, vector<1x16xi32>,
      %swap3A_935 = vector.shape_cast %swap3A_934 : vector<1x16xi32> to vector<16xi32>
      %swap3A_936 = vector.shape_cast %add3A_930 : vector<16xi32> to vector<1x16xi32>
      tpu.vector_store %arg5[%swap3A_932, %swap3A_933], %swap3A_936 {strides = array<i32>} : memref<8x80xi32, #tpu.memory_space<vmem>>, vector<1x16xi32>,
      %mul3A_937 = arith.constant 80 : i32
      %mul3A_938 = arith.muli %add3A_840, %mul3A_937 : i32
      %add3A_939 = arith.addi %rem3A_417, %mul3A_938 : i32
      %add3A_940 = arith.constant 64 : i32
      %add3A_941 = arith.addi %add3A_939, %add3A_940 : i32
      %multiple_of3A_942 = tpu.assume_multiple %add3A_941, 8 : i32
      %get3A_943 = arith.index_cast %multiple_of3A_942 : i32 to index
      %get3A_944 = tpu.vector_load %arg4[%get3A_943] {strides = array<i32>} : memref<10112xi32, #tpu.memory_space<vmem>>, vector<16xi32>,
      %get3A_945 = vector.shape_cast %get3A_944 : vector<16xi32> to vector<16xi32>
      %convert_element_type3A_946 = arith.sitofp %get3A_945 : vector<16xi32> to vector<16xf32>
      %mul3A_947 = arith.constant 1.000000e-03 : f32
      %mul3A_948 = vector.broadcast %mul3A_947 : f32 to vector<16xf32>
      %mul3A_949 = arith.mulf %convert_element_type3A_946, %mul3A_948 : vector<16xf32>
      %convert_element_type3A_950 = arith.fptosi %mul3A_949 : vector<16xf32> to vector<16xi32>
      %mul3A_951 = arith.constant 24 : i32
      %mul3A_952 = vector.broadcast %mul3A_951 : i32 to vector<16xi32>
      %mul3A_953 = arith.muli %mul3A_952, %convert_element_type3A_950 : vector<16xi32>
      %add3A_954 = arith.addi %get3A_945, %mul3A_953 : vector<16xi32>
      %swap3A_955 = arith.constant 0 : i32
      %swap3A_956 = arith.index_cast %swap3A_955 : i32 to index
      %swap3A_957 = arith.constant 64 : index
      %swap3A_958 = tpu.vector_load %arg5[%swap3A_956, %swap3A_957] {strides = array<i32>} : memref<8x80xi32, #tpu.memory_space<vmem>>, vector<1x16xi32>,
      %swap3A_959 = vector.shape_cast %swap3A_958 : vector<1x16xi32> to vector<16xi32>
      %swap3A_960 = vector.shape_cast %add3A_954 : vector<16xi32> to vector<1x16xi32>
      tpu.vector_store %arg5[%swap3A_956, %swap3A_957], %swap3A_960 {strides = array<i32>} : memref<8x80xi32, #tpu.memory_space<vmem>>, vector<1x16xi32>,
      %dma_start3A_961 = arith.constant 0 : i32
      %dma_start3A_962 = arith.constant 0 : i32
      %dma_start3A_963 = arith.constant 0 : i32
      %dma_start3A_964 = tpu.memref_slice %arg5[%dma_start3A_961, %dma_start3A_963] : memref<8x80xi32, #tpu.memory_space<vmem>> -> memref<1x80xi32, #tpu.memory_space<vmem>>
      %dma_start3A_965 = tpu.memref_squeeze %dma_start3A_964 : memref<1x80xi32, #tpu.memory_space<vmem>> -> memref<80xi32, #tpu.memory_space<vmem>>
      %dma_start3A_966 = arith.constant 0 : i32
      %dma_start3A_967 = tpu.memref_slice %arg8[%dma_start3A_966] : memref<10240xf32, #tpu.memory_space<vmem_shared>> -> memref<10240xf32, #tpu.memory_space<vmem_shared>>
      %dma_start3A_968 = tpu.memref_slice %arg9[%dma_start3A_962] : memref<2x!tpu.dma_semaphore, #tpu.memory_space<semaphore_mem>> -> memref<1x!tpu.dma_semaphore, #tpu.memory_space<semaphore_mem>>
      %dma_start3A_969 = tpu.memref_squeeze %dma_start3A_968 : memref<1x!tpu.dma_semaphore, #tpu.memory_space<semaphore_mem>> -> memref<!tpu.dma_semaphore, #tpu.memory_space<semaphore_mem>>
      tpu.enqueue_indirect_dma source(%arg6 : memref<80xf32, #tpu.memory_space<vmem>>) target(%dma_start3A_967 : memref<10240xf32, #tpu.memory_space<vmem_shared>>) offsets(%dma_start3A_965 : memref<80xi32, #tpu.memory_space<vmem>>) semaphore(%dma_start3A_969 : memref<!tpu.dma_semaphore, #tpu.memory_space<semaphore_mem>>) {add = true}
      %dma_wait3A_970 = arith.constant 1 : i32
      %dma_wait3A_971 = arith.constant 1 : i32
      %dma_wait3A_972 = arith.constant 0 : i32
      %dma_wait3A_973 = tpu.memref_slice %arg5[%dma_wait3A_970, %dma_wait3A_972] : memref<8x80xi32, #tpu.memory_space<vmem>> -> memref<1x80xi32, #tpu.memory_space<vmem>>
      %dma_wait3A_974 = tpu.memref_squeeze %dma_wait3A_973 : memref<1x80xi32, #tpu.memory_space<vmem>> -> memref<80xi32, #tpu.memory_space<vmem>>
      %dma_wait3A_975 = arith.constant 0 : i32
      %dma_wait3A_976 = tpu.memref_slice %arg8[%dma_wait3A_975] : memref<10240xf32, #tpu.memory_space<vmem_shared>> -> memref<10240xf32, #tpu.memory_space<vmem_shared>>
      %dma_wait3A_977 = tpu.memref_slice %arg9[%dma_wait3A_971] : memref<2x!tpu.dma_semaphore, #tpu.memory_space<semaphore_mem>> -> memref<1x!tpu.dma_semaphore, #tpu.memory_space<semaphore_mem>>
      %dma_wait3A_978 = tpu.memref_squeeze %dma_wait3A_977 : memref<1x!tpu.dma_semaphore, #tpu.memory_space<semaphore_mem>> -> memref<!tpu.dma_semaphore, #tpu.memory_space<semaphore_mem>>
      tpu.wait_indirect_dma semaphore(%dma_wait3A_978 : memref<!tpu.dma_semaphore, #tpu.memory_space<semaphore_mem>>) src(%arg6 : memref<80xf32, #tpu.memory_space<vmem>>) dst(%dma_wait3A_976 : memref<10240xf32, #tpu.memory_space<vmem_shared>>)
      %mul3A_979 = arith.constant 2 : i32
      %mul3A_980 = arith.muli %mul3A_979, %scan3A_825 : i32
      %add3A_981 = arith.constant 2 : i32
      %add3A_982 = arith.addi %mul3A_980, %add3A_981 : i32
      %add3A_983 = arith.constant 1 : i32
      %add3A_984 = arith.addi %add3A_982, %add3A_983 : i32
      %mul3A_985 = arith.constant 80 : i32
      %mul3A_986 = arith.muli %add3A_984, %mul3A_985 : i32
      %add3A_987 = arith.addi %rem3A_417, %mul3A_986 : i32
      %add3A_988 = arith.constant 0 : i32
      %add3A_989 = arith.addi %add3A_987, %add3A_988 : i32
      %multiple_of3A_990 = tpu.assume_multiple %add3A_989, 8 : i32
      %get3A_991 = arith.index_cast %multiple_of3A_990 : i32 to index
      %get3A_992 = tpu.vector_load %arg4[%get3A_991] {strides = array<i32>} : memref<10112xi32, #tpu.memory_space<vmem>>, vector<16xi32>,
      %get3A_993 = vector.shape_cast %get3A_992 : vector<16xi32> to vector<16xi32>
      %convert_element_type3A_994 = arith.sitofp %get3A_993 : vector<16xi32> to vector<16xf32>
      %mul3A_995 = arith.constant 1.000000e-03 : f32
      %mul3A_996 = vector.broadcast %mul3A_995 : f32 to vector<16xf32>
      %mul3A_997 = arith.mulf %convert_element_type3A_994, %mul3A_996 : vector<16xf32>
      %convert_element_type3A_998 = arith.fptosi %mul3A_997 : vector<16xf32> to vector<16xi32>
      %mul3A_999 = arith.constant 24 : i32
      %mul3A_1000 = vector.broadcast %mul3A_999 : i32 to vector<16xi32>
      %mul3A_1001 = arith.muli %mul3A_1000, %convert_element_type3A_998 : vector<16xi32>
      %add3A_1002 = arith.addi %get3A_993, %mul3A_1001 : vector<16xi32>
      %swap3A_1003 = arith.constant 1 : i32
      %swap3A_1004 = arith.index_cast %swap3A_1003 : i32 to index
      %swap3A_1005 = arith.constant 0 : index
      %swap3A_1006 = tpu.vector_load %arg5[%swap3A_1004, %swap3A_1005] {strides = array<i32>} : memref<8x80xi32, #tpu.memory_space<vmem>>, vector<1x16xi32>,
      %swap3A_1007 = vector.shape_cast %swap3A_1006 : vector<1x16xi32> to vector<16xi32>
      %swap3A_1008 = vector.shape_cast %add3A_1002 : vector<16xi32> to vector<1x16xi32>
      tpu.vector_store %arg5[%swap3A_1004, %swap3A_1005], %swap3A_1008 {strides = array<i32>} : memref<8x80xi32, #tpu.memory_space<vmem>>, vector<1x16xi32>,
      %mul3A_1009 = arith.constant 80 : i32
      %mul3A_1010 = arith.muli %add3A_984, %mul3A_1009 : i32
      %add3A_1011 = arith.addi %rem3A_417, %mul3A_1010 : i32
      %add3A_1012 = arith.constant 16 : i32
      %add3A_1013 = arith.addi %add3A_1011, %add3A_1012 : i32
      %multiple_of3A_1014 = tpu.assume_multiple %add3A_1013, 8 : i32
      %get3A_1015 = arith.index_cast %multiple_of3A_1014 : i32 to index
      %get3A_1016 = tpu.vector_load %arg4[%get3A_1015] {strides = array<i32>} : memref<10112xi32, #tpu.memory_space<vmem>>, vector<16xi32>,
      %get3A_1017 = vector.shape_cast %get3A_1016 : vector<16xi32> to vector<16xi32>
      %convert_element_type3A_1018 = arith.sitofp %get3A_1017 : vector<16xi32> to vector<16xf32>
      %mul3A_1019 = arith.constant 1.000000e-03 : f32
      %mul3A_1020 = vector.broadcast %mul3A_1019 : f32 to vector<16xf32>
      %mul3A_1021 = arith.mulf %convert_element_type3A_1018, %mul3A_1020 : vector<16xf32>
      %convert_element_type3A_1022 = arith.fptosi %mul3A_1021 : vector<16xf32> to vector<16xi32>
      %mul3A_1023 = arith.constant 24 : i32
      %mul3A_1024 = vector.broadcast %mul3A_1023 : i32 to vector<16xi32>
      %mul3A_1025 = arith.muli %mul3A_1024, %convert_element_type3A_1022 : vector<16xi32>
      %add3A_1026 = arith.addi %get3A_1017, %mul3A_1025 : vector<16xi32>
      %swap3A_1027 = arith.constant 1 : i32
      %swap3A_1028 = arith.index_cast %swap3A_1027 : i32 to index
      %swap3A_1029 = arith.constant 16 : index
      %swap3A_1030 = tpu.vector_load %arg5[%swap3A_1028, %swap3A_1029] {strides = array<i32>} : memref<8x80xi32, #tpu.memory_space<vmem>>, vector<1x16xi32>,
      %swap3A_1031 = vector.shape_cast %swap3A_1030 : vector<1x16xi32> to vector<16xi32>
      %swap3A_1032 = vector.shape_cast %add3A_1026 : vector<16xi32> to vector<1x16xi32>
      tpu.vector_store %arg5[%swap3A_1028, %swap3A_1029], %swap3A_1032 {strides = array<i32>} : memref<8x80xi32, #tpu.memory_space<vmem>>, vector<1x16xi32>,
      %mul3A_1033 = arith.constant 80 : i32
      %mul3A_1034 = arith.muli %add3A_984, %mul3A_1033 : i32
      %add3A_1035 = arith.addi %rem3A_417, %mul3A_1034 : i32
      %add3A_1036 = arith.constant 32 : i32
      %add3A_1037 = arith.addi %add3A_1035, %add3A_1036 : i32
      %multiple_of3A_1038 = tpu.assume_multiple %add3A_1037, 8 : i32
      %get3A_1039 = arith.index_cast %multiple_of3A_1038 : i32 to index
      %get3A_1040 = tpu.vector_load %arg4[%get3A_1039] {strides = array<i32>} : memref<10112xi32, #tpu.memory_space<vmem>>, vector<16xi32>,
      %get3A_1041 = vector.shape_cast %get3A_1040 : vector<16xi32> to vector<16xi32>
      %convert_element_type3A_1042 = arith.sitofp %get3A_1041 : vector<16xi32> to vector<16xf32>
      %mul3A_1043 = arith.constant 1.000000e-03 : f32
      %mul3A_1044 = vector.broadcast %mul3A_1043 : f32 to vector<16xf32>
      %mul3A_1045 = arith.mulf %convert_element_type3A_1042, %mul3A_1044 : vector<16xf32>
      %convert_element_type3A_1046 = arith.fptosi %mul3A_1045 : vector<16xf32> to vector<16xi32>
      %mul3A_1047 = arith.constant 24 : i32
      %mul3A_1048 = vector.broadcast %mul3A_1047 : i32 to vector<16xi32>
      %mul3A_1049 = arith.muli %mul3A_1048, %convert_element_type3A_1046 : vector<16xi32>
      %add3A_1050 = arith.addi %get3A_1041, %mul3A_1049 : vector<16xi32>
      %swap3A_1051 = arith.constant 1 : i32
      %swap3A_1052 = arith.index_cast %swap3A_1051 : i32 to index
      %swap3A_1053 = arith.constant 32 : index
      %swap3A_1054 = tpu.vector_load %arg5[%swap3A_1052, %swap3A_1053] {strides = array<i32>} : memref<8x80xi32, #tpu.memory_space<vmem>>, vector<1x16xi32>,
      %swap3A_1055 = vector.shape_cast %swap3A_1054 : vector<1x16xi32> to vector<16xi32>
      %swap3A_1056 = vector.shape_cast %add3A_1050 : vector<16xi32> to vector<1x16xi32>
      tpu.vector_store %arg5[%swap3A_1052, %swap3A_1053], %swap3A_1056 {strides = array<i32>} : memref<8x80xi32, #tpu.memory_space<vmem>>, vector<1x16xi32>,
      %mul3A_1057 = arith.constant 80 : i32
      %mul3A_1058 = arith.muli %add3A_984, %mul3A_1057 : i32
      %add3A_1059 = arith.addi %rem3A_417, %mul3A_1058 : i32
      %add3A_1060 = arith.constant 48 : i32
      %add3A_1061 = arith.addi %add3A_1059, %add3A_1060 : i32
      %multiple_of3A_1062 = tpu.assume_multiple %add3A_1061, 8 : i32
      %get3A_1063 = arith.index_cast %multiple_of3A_1062 : i32 to index
      %get3A_1064 = tpu.vector_load %arg4[%get3A_1063] {strides = array<i32>} : memref<10112xi32, #tpu.memory_space<vmem>>, vector<16xi32>,
      %get3A_1065 = vector.shape_cast %get3A_1064 : vector<16xi32> to vector<16xi32>
      %convert_element_type3A_1066 = arith.sitofp %get3A_1065 : vector<16xi32> to vector<16xf32>
      %mul3A_1067 = arith.constant 1.000000e-03 : f32
      %mul3A_1068 = vector.broadcast %mul3A_1067 : f32 to vector<16xf32>
      %mul3A_1069 = arith.mulf %convert_element_type3A_1066, %mul3A_1068 : vector<16xf32>
      %convert_element_type3A_1070 = arith.fptosi %mul3A_1069 : vector<16xf32> to vector<16xi32>
      %mul3A_1071 = arith.constant 24 : i32
      %mul3A_1072 = vector.broadcast %mul3A_1071 : i32 to vector<16xi32>
      %mul3A_1073 = arith.muli %mul3A_1072, %convert_element_type3A_1070 : vector<16xi32>
      %add3A_1074 = arith.addi %get3A_1065, %mul3A_1073 : vector<16xi32>
      %swap3A_1075 = arith.constant 1 : i32
      %swap3A_1076 = arith.index_cast %swap3A_1075 : i32 to index
      %swap3A_1077 = arith.constant 48 : index
      %swap3A_1078 = tpu.vector_load %arg5[%swap3A_1076, %swap3A_1077] {strides = array<i32>} : memref<8x80xi32, #tpu.memory_space<vmem>>, vector<1x16xi32>,
      %swap3A_1079 = vector.shape_cast %swap3A_1078 : vector<1x16xi32> to vector<16xi32>
      %swap3A_1080 = vector.shape_cast %add3A_1074 : vector<16xi32> to vector<1x16xi32>
      tpu.vector_store %arg5[%swap3A_1076, %swap3A_1077], %swap3A_1080 {strides = array<i32>} : memref<8x80xi32, #tpu.memory_space<vmem>>, vector<1x16xi32>,
      %mul3A_1081 = arith.constant 80 : i32
      %mul3A_1082 = arith.muli %add3A_984, %mul3A_1081 : i32
      %add3A_1083 = arith.addi %rem3A_417, %mul3A_1082 : i32
      %add3A_1084 = arith.constant 64 : i32
      %add3A_1085 = arith.addi %add3A_1083, %add3A_1084 : i32
      %multiple_of3A_1086 = tpu.assume_multiple %add3A_1085, 8 : i32
      %get3A_1087 = arith.index_cast %multiple_of3A_1086 : i32 to index
      %get3A_1088 = tpu.vector_load %arg4[%get3A_1087] {strides = array<i32>} : memref<10112xi32, #tpu.memory_space<vmem>>, vector<16xi32>,
      %get3A_1089 = vector.shape_cast %get3A_1088 : vector<16xi32> to vector<16xi32>
      %convert_element_type3A_1090 = arith.sitofp %get3A_1089 : vector<16xi32> to vector<16xf32>
      %mul3A_1091 = arith.constant 1.000000e-03 : f32
      %mul3A_1092 = vector.broadcast %mul3A_1091 : f32 to vector<16xf32>
      %mul3A_1093 = arith.mulf %convert_element_type3A_1090, %mul3A_1092 : vector<16xf32>
      %convert_element_type3A_1094 = arith.fptosi %mul3A_1093 : vector<16xf32> to vector<16xi32>
      %mul3A_1095 = arith.constant 24 : i32
      %mul3A_1096 = vector.broadcast %mul3A_1095 : i32 to vector<16xi32>
      %mul3A_1097 = arith.muli %mul3A_1096, %convert_element_type3A_1094 : vector<16xi32>
      %add3A_1098 = arith.addi %get3A_1089, %mul3A_1097 : vector<16xi32>
      %swap3A_1099 = arith.constant 1 : i32
      %swap3A_1100 = arith.index_cast %swap3A_1099 : i32 to index
      %swap3A_1101 = arith.constant 64 : index
      %swap3A_1102 = tpu.vector_load %arg5[%swap3A_1100, %swap3A_1101] {strides = array<i32>} : memref<8x80xi32, #tpu.memory_space<vmem>>, vector<1x16xi32>,
      %swap3A_1103 = vector.shape_cast %swap3A_1102 : vector<1x16xi32> to vector<16xi32>
      %swap3A_1104 = vector.shape_cast %add3A_1098 : vector<16xi32> to vector<1x16xi32>
      tpu.vector_store %arg5[%swap3A_1100, %swap3A_1101], %swap3A_1104 {strides = array<i32>} : memref<8x80xi32, #tpu.memory_space<vmem>>, vector<1x16xi32>,
      %dma_start3A_1105 = arith.constant 1 : i32
      %dma_start3A_1106 = arith.constant 1 : i32
      %dma_start3A_1107 = arith.constant 0 : i32
      %dma_start3A_1108 = tpu.memref_slice %arg5[%dma_start3A_1105, %dma_start3A_1107] : memref<8x80xi32, #tpu.memory_space<vmem>> -> memref<1x80xi32, #tpu.memory_space<vmem>>
      %dma_start3A_1109 = tpu.memref_squeeze %dma_start3A_1108 : memref<1x80xi32, #tpu.memory_space<vmem>> -> memref<80xi32, #tpu.memory_space<vmem>>
      %dma_start3A_1110 = arith.constant 0 : i32
      %dma_start3A_1111 = tpu.memref_slice %arg8[%dma_start3A_1110] : memref<10240xf32, #tpu.memory_space<vmem_shared>> -> memref<10240xf32, #tpu.memory_space<vmem_shared>>
      %dma_start3A_1112 = tpu.memref_slice %arg9[%dma_start3A_1106] : memref<2x!tpu.dma_semaphore, #tpu.memory_space<semaphore_mem>> -> memref<1x!tpu.dma_semaphore, #tpu.memory_space<semaphore_mem>>
      %dma_start3A_1113 = tpu.memref_squeeze %dma_start3A_1112 : memref<1x!tpu.dma_semaphore, #tpu.memory_space<semaphore_mem>> -> memref<!tpu.dma_semaphore, #tpu.memory_space<semaphore_mem>>
      tpu.enqueue_indirect_dma source(%arg6 : memref<80xf32, #tpu.memory_space<vmem>>) target(%dma_start3A_1111 : memref<10240xf32, #tpu.memory_space<vmem_shared>>) offsets(%dma_start3A_1109 : memref<80xi32, #tpu.memory_space<vmem>>) semaphore(%dma_start3A_1113 : memref<!tpu.dma_semaphore, #tpu.memory_space<semaphore_mem>>) {add = true}
    }
    %scan3A_668 = arith.constant 61 : i32
    %dma_wait3A = arith.constant 0 : i32
    %dma_wait3A_669 = arith.constant 0 : i32
    %dma_wait3A_670 = arith.constant 0 : i32
    %dma_wait3A_671 = tpu.memref_slice %arg5[%dma_wait3A, %dma_wait3A_670] : memref<8x80xi32, #tpu.memory_space<vmem>> -> memref<1x80xi32, #tpu.memory_space<vmem>>
    %dma_wait3A_672 = tpu.memref_squeeze %dma_wait3A_671 : memref<1x80xi32, #tpu.memory_space<vmem>> -> memref<80xi32, #tpu.memory_space<vmem>>
    %dma_wait3A_673 = arith.constant 0 : i32
    %dma_wait3A_674 = tpu.memref_slice %arg8[%dma_wait3A_673] : memref<10240xf32, #tpu.memory_space<vmem_shared>> -> memref<10240xf32, #tpu.memory_space<vmem_shared>>
    %dma_wait3A_675 = tpu.memref_slice %arg9[%dma_wait3A_669] : memref<2x!tpu.dma_semaphore, #tpu.memory_space<semaphore_mem>> -> memref<1x!tpu.dma_semaphore, #tpu.memory_space<semaphore_mem>>
    %dma_wait3A_676 = tpu.memref_squeeze %dma_wait3A_675 : memref<1x!tpu.dma_semaphore, #tpu.memory_space<semaphore_mem>> -> memref<!tpu.dma_semaphore, #tpu.memory_space<semaphore_mem>>
    tpu.wait_indirect_dma semaphore(%dma_wait3A_676 : memref<!tpu.dma_semaphore, #tpu.memory_space<semaphore_mem>>) src(%arg6 : memref<80xf32, #tpu.memory_space<vmem>>) dst(%dma_wait3A_674 : memref<10240xf32, #tpu.memory_space<vmem_shared>>)
    %add3A_677 = arith.constant 9920 : i32
    %add3A_678 = arith.addi %rem3A_417, %add3A_677 : i32
    %add3A_679 = arith.constant 0 : i32
    %add3A_680 = arith.addi %add3A_678, %add3A_679 : i32
    %multiple_of3A_681 = tpu.assume_multiple %add3A_680, 8 : i32
    %get3A_682 = arith.index_cast %multiple_of3A_681 : i32 to index
    %get3A_683 = tpu.vector_load %arg4[%get3A_682] {strides = array<i32>} : memref<10112xi32, #tpu.memory_space<vmem>>, vector<16xi32>,
    %get3A_684 = vector.shape_cast %get3A_683 : vector<16xi32> to vector<16xi32>
    %convert_element_type3A_685 = arith.sitofp %get3A_684 : vector<16xi32> to vector<16xf32>
    %mul3A_686 = arith.constant 1.000000e-03 : f32
    %mul3A_687 = vector.broadcast %mul3A_686 : f32 to vector<16xf32>
    %mul3A_688 = arith.mulf %convert_element_type3A_685, %mul3A_687 : vector<16xf32>
    %convert_element_type3A_689 = arith.fptosi %mul3A_688 : vector<16xf32> to vector<16xi32>
    %mul3A_690 = arith.constant 24 : i32
    %mul3A_691 = vector.broadcast %mul3A_690 : i32 to vector<16xi32>
    %mul3A_692 = arith.muli %mul3A_691, %convert_element_type3A_689 : vector<16xi32>
    %add3A_693 = arith.addi %get3A_684, %mul3A_692 : vector<16xi32>
    %swap3A_694 = arith.constant 0 : i32
    %swap3A_695 = arith.index_cast %swap3A_694 : i32 to index
    %swap3A_696 = arith.constant 0 : index
    %swap3A_697 = tpu.vector_load %arg5[%swap3A_695, %swap3A_696] {strides = array<i32>} : memref<8x80xi32, #tpu.memory_space<vmem>>, vector<1x16xi32>,
    %swap3A_698 = vector.shape_cast %swap3A_697 : vector<1x16xi32> to vector<16xi32>
    %swap3A_699 = vector.shape_cast %add3A_693 : vector<16xi32> to vector<1x16xi32>
    tpu.vector_store %arg5[%swap3A_695, %swap3A_696], %swap3A_699 {strides = array<i32>} : memref<8x80xi32, #tpu.memory_space<vmem>>, vector<1x16xi32>,
    %add3A_700 = arith.constant 9920 : i32
    %add3A_701 = arith.addi %rem3A_417, %add3A_700 : i32
    %add3A_702 = arith.constant 16 : i32
    %add3A_703 = arith.addi %add3A_701, %add3A_702 : i32
    %multiple_of3A_704 = tpu.assume_multiple %add3A_703, 8 : i32
    %get3A_705 = arith.index_cast %multiple_of3A_704 : i32 to index
    %get3A_706 = tpu.vector_load %arg4[%get3A_705] {strides = array<i32>} : memref<10112xi32, #tpu.memory_space<vmem>>, vector<16xi32>,
    %get3A_707 = vector.shape_cast %get3A_706 : vector<16xi32> to vector<16xi32>
    %convert_element_type3A_708 = arith.sitofp %get3A_707 : vector<16xi32> to vector<16xf32>
    %mul3A_709 = arith.constant 1.000000e-03 : f32
    %mul3A_710 = vector.broadcast %mul3A_709 : f32 to vector<16xf32>
    %mul3A_711 = arith.mulf %convert_element_type3A_708, %mul3A_710 : vector<16xf32>
    %convert_element_type3A_712 = arith.fptosi %mul3A_711 : vector<16xf32> to vector<16xi32>
    %mul3A_713 = arith.constant 24 : i32
    %mul3A_714 = vector.broadcast %mul3A_713 : i32 to vector<16xi32>
    %mul3A_715 = arith.muli %mul3A_714, %convert_element_type3A_712 : vector<16xi32>
    %add3A_716 = arith.addi %get3A_707, %mul3A_715 : vector<16xi32>
    %swap3A_717 = arith.constant 0 : i32
    %swap3A_718 = arith.index_cast %swap3A_717 : i32 to index
    %swap3A_719 = arith.constant 16 : index
    %swap3A_720 = tpu.vector_load %arg5[%swap3A_718, %swap3A_719] {strides = array<i32>} : memref<8x80xi32, #tpu.memory_space<vmem>>, vector<1x16xi32>,
    %swap3A_721 = vector.shape_cast %swap3A_720 : vector<1x16xi32> to vector<16xi32>
    %swap3A_722 = vector.shape_cast %add3A_716 : vector<16xi32> to vector<1x16xi32>
    tpu.vector_store %arg5[%swap3A_718, %swap3A_719], %swap3A_722 {strides = array<i32>} : memref<8x80xi32, #tpu.memory_space<vmem>>, vector<1x16xi32>,
    %add3A_723 = arith.constant 9920 : i32
    %add3A_724 = arith.addi %rem3A_417, %add3A_723 : i32
    %add3A_725 = arith.constant 32 : i32
    %add3A_726 = arith.addi %add3A_724, %add3A_725 : i32
    %multiple_of3A_727 = tpu.assume_multiple %add3A_726, 8 : i32
    %get3A_728 = arith.index_cast %multiple_of3A_727 : i32 to index
    %get3A_729 = tpu.vector_load %arg4[%get3A_728] {strides = array<i32>} : memref<10112xi32, #tpu.memory_space<vmem>>, vector<16xi32>,
    %get3A_730 = vector.shape_cast %get3A_729 : vector<16xi32> to vector<16xi32>
    %convert_element_type3A_731 = arith.sitofp %get3A_730 : vector<16xi32> to vector<16xf32>
    %mul3A_732 = arith.constant 1.000000e-03 : f32
    %mul3A_733 = vector.broadcast %mul3A_732 : f32 to vector<16xf32>
    %mul3A_734 = arith.mulf %convert_element_type3A_731, %mul3A_733 : vector<16xf32>
    %convert_element_type3A_735 = arith.fptosi %mul3A_734 : vector<16xf32> to vector<16xi32>
    %mul3A_736 = arith.constant 24 : i32
    %mul3A_737 = vector.broadcast %mul3A_736 : i32 to vector<16xi32>
    %mul3A_738 = arith.muli %mul3A_737, %convert_element_type3A_735 : vector<16xi32>
    %add3A_739 = arith.addi %get3A_730, %mul3A_738 : vector<16xi32>
    %swap3A_740 = arith.constant 0 : i32
    %swap3A_741 = arith.index_cast %swap3A_740 : i32 to index
    %swap3A_742 = arith.constant 32 : index
    %swap3A_743 = tpu.vector_load %arg5[%swap3A_741, %swap3A_742] {strides = array<i32>} : memref<8x80xi32, #tpu.memory_space<vmem>>, vector<1x16xi32>,
    %swap3A_744 = vector.shape_cast %swap3A_743 : vector<1x16xi32> to vector<16xi32>
    %swap3A_745 = vector.shape_cast %add3A_739 : vector<16xi32> to vector<1x16xi32>
    tpu.vector_store %arg5[%swap3A_741, %swap3A_742], %swap3A_745 {strides = array<i32>} : memref<8x80xi32, #tpu.memory_space<vmem>>, vector<1x16xi32>,
    %add3A_746 = arith.constant 9920 : i32
    %add3A_747 = arith.addi %rem3A_417, %add3A_746 : i32
    %add3A_748 = arith.constant 48 : i32
    %add3A_749 = arith.addi %add3A_747, %add3A_748 : i32
    %multiple_of3A_750 = tpu.assume_multiple %add3A_749, 8 : i32
    %get3A_751 = arith.index_cast %multiple_of3A_750 : i32 to index
    %get3A_752 = tpu.vector_load %arg4[%get3A_751] {strides = array<i32>} : memref<10112xi32, #tpu.memory_space<vmem>>, vector<16xi32>,
    %get3A_753 = vector.shape_cast %get3A_752 : vector<16xi32> to vector<16xi32>
    %convert_element_type3A_754 = arith.sitofp %get3A_753 : vector<16xi32> to vector<16xf32>
    %mul3A_755 = arith.constant 1.000000e-03 : f32
    %mul3A_756 = vector.broadcast %mul3A_755 : f32 to vector<16xf32>
    %mul3A_757 = arith.mulf %convert_element_type3A_754, %mul3A_756 : vector<16xf32>
    %convert_element_type3A_758 = arith.fptosi %mul3A_757 : vector<16xf32> to vector<16xi32>
    %mul3A_759 = arith.constant 24 : i32
    %mul3A_760 = vector.broadcast %mul3A_759 : i32 to vector<16xi32>
    %mul3A_761 = arith.muli %mul3A_760, %convert_element_type3A_758 : vector<16xi32>
    %add3A_762 = arith.addi %get3A_753, %mul3A_761 : vector<16xi32>
    %swap3A_763 = arith.constant 0 : i32
    %swap3A_764 = arith.index_cast %swap3A_763 : i32 to index
    %swap3A_765 = arith.constant 48 : index
    %swap3A_766 = tpu.vector_load %arg5[%swap3A_764, %swap3A_765] {strides = array<i32>} : memref<8x80xi32, #tpu.memory_space<vmem>>, vector<1x16xi32>,
    %swap3A_767 = vector.shape_cast %swap3A_766 : vector<1x16xi32> to vector<16xi32>
    %swap3A_768 = vector.shape_cast %add3A_762 : vector<16xi32> to vector<1x16xi32>
    tpu.vector_store %arg5[%swap3A_764, %swap3A_765], %swap3A_768 {strides = array<i32>} : memref<8x80xi32, #tpu.memory_space<vmem>>, vector<1x16xi32>,
    %add3A_769 = arith.constant 9920 : i32
    %add3A_770 = arith.addi %rem3A_417, %add3A_769 : i32
    %add3A_771 = arith.constant 64 : i32
    %add3A_772 = arith.addi %add3A_770, %add3A_771 : i32
    %multiple_of3A_773 = tpu.assume_multiple %add3A_772, 8 : i32
    %get3A_774 = arith.index_cast %multiple_of3A_773 : i32 to index
    %get3A_775 = tpu.vector_load %arg4[%get3A_774] {strides = array<i32>} : memref<10112xi32, #tpu.memory_space<vmem>>, vector<16xi32>,
    %get3A_776 = vector.shape_cast %get3A_775 : vector<16xi32> to vector<16xi32>
    %convert_element_type3A_777 = arith.sitofp %get3A_776 : vector<16xi32> to vector<16xf32>
    %mul3A_778 = arith.constant 1.000000e-03 : f32
    %mul3A_779 = vector.broadcast %mul3A_778 : f32 to vector<16xf32>
    %mul3A_780 = arith.mulf %convert_element_type3A_777, %mul3A_779 : vector<16xf32>
    %convert_element_type3A_781 = arith.fptosi %mul3A_780 : vector<16xf32> to vector<16xi32>
    %mul3A_782 = arith.constant 24 : i32
    %mul3A_783 = vector.broadcast %mul3A_782 : i32 to vector<16xi32>
    %mul3A_784 = arith.muli %mul3A_783, %convert_element_type3A_781 : vector<16xi32>
    %add3A_785 = arith.addi %get3A_776, %mul3A_784 : vector<16xi32>
    %swap3A_786 = arith.constant 0 : i32
    %swap3A_787 = arith.index_cast %swap3A_786 : i32 to index
    %swap3A_788 = arith.constant 64 : index
    %swap3A_789 = tpu.vector_load %arg5[%swap3A_787, %swap3A_788] {strides = array<i32>} : memref<8x80xi32, #tpu.memory_space<vmem>>, vector<1x16xi32>,
    %swap3A_790 = vector.shape_cast %swap3A_789 : vector<1x16xi32> to vector<16xi32>
    %swap3A_791 = vector.shape_cast %add3A_785 : vector<16xi32> to vector<1x16xi32>
    tpu.vector_store %arg5[%swap3A_787, %swap3A_788], %swap3A_791 {strides = array<i32>} : memref<8x80xi32, #tpu.memory_space<vmem>>, vector<1x16xi32>,
    %dma_start3A_792 = arith.constant 0 : i32
    %dma_start3A_793 = arith.constant 0 : i32
    %dma_start3A_794 = arith.constant 0 : i32
    %dma_start3A_795 = tpu.memref_slice %arg5[%dma_start3A_792, %dma_start3A_794] : memref<8x80xi32, #tpu.memory_space<vmem>> -> memref<1x80xi32, #tpu.memory_space<vmem>>
    %dma_start3A_796 = tpu.memref_squeeze %dma_start3A_795 : memref<1x80xi32, #tpu.memory_space<vmem>> -> memref<80xi32, #tpu.memory_space<vmem>>
    %dma_start3A_797 = arith.constant 0 : i32
    %dma_start3A_798 = tpu.memref_slice %arg8[%dma_start3A_797] : memref<10240xf32, #tpu.memory_space<vmem_shared>> -> memref<10240xf32, #tpu.memory_space<vmem_shared>>
    %dma_start3A_799 = tpu.memref_slice %arg9[%dma_start3A_793] : memref<2x!tpu.dma_semaphore, #tpu.memory_space<semaphore_mem>> -> memref<1x!tpu.dma_semaphore, #tpu.memory_space<semaphore_mem>>
    %dma_start3A_800 = tpu.memref_squeeze %dma_start3A_799 : memref<1x!tpu.dma_semaphore, #tpu.memory_space<semaphore_mem>> -> memref<!tpu.dma_semaphore, #tpu.memory_space<semaphore_mem>>
    tpu.enqueue_indirect_dma source(%arg6 : memref<80xf32, #tpu.memory_space<vmem>>) target(%dma_start3A_798 : memref<10240xf32, #tpu.memory_space<vmem_shared>>) offsets(%dma_start3A_796 : memref<80xi32, #tpu.memory_space<vmem>>) semaphore(%dma_start3A_800 : memref<!tpu.dma_semaphore, #tpu.memory_space<semaphore_mem>>) {add = true}
    %dma_wait3A_801 = arith.constant 0 : i32
    %dma_wait3A_802 = arith.constant 0 : i32
    %dma_wait3A_803 = arith.constant 0 : i32
    %dma_wait3A_804 = tpu.memref_slice %arg5[%dma_wait3A_801, %dma_wait3A_803] : memref<8x80xi32, #tpu.memory_space<vmem>> -> memref<1x80xi32, #tpu.memory_space<vmem>>
    %dma_wait3A_805 = tpu.memref_squeeze %dma_wait3A_804 : memref<1x80xi32, #tpu.memory_space<vmem>> -> memref<80xi32, #tpu.memory_space<vmem>>
    %dma_wait3A_806 = arith.constant 0 : i32
    %dma_wait3A_807 = tpu.memref_slice %arg8[%dma_wait3A_806] : memref<10240xf32, #tpu.memory_space<vmem_shared>> -> memref<10240xf32, #tpu.memory_space<vmem_shared>>
    %dma_wait3A_808 = tpu.memref_slice %arg9[%dma_wait3A_802] : memref<2x!tpu.dma_semaphore, #tpu.memory_space<semaphore_mem>> -> memref<1x!tpu.dma_semaphore, #tpu.memory_space<semaphore_mem>>
    %dma_wait3A_809 = tpu.memref_squeeze %dma_wait3A_808 : memref<1x!tpu.dma_semaphore, #tpu.memory_space<semaphore_mem>> -> memref<!tpu.dma_semaphore, #tpu.memory_space<semaphore_mem>>
    tpu.wait_indirect_dma semaphore(%dma_wait3A_809 : memref<!tpu.dma_semaphore, #tpu.memory_space<semaphore_mem>>) src(%arg6 : memref<80xf32, #tpu.memory_space<vmem>>) dst(%dma_wait3A_807 : memref<10240xf32, #tpu.memory_space<vmem_shared>>)
    %dma_wait3A_810 = arith.constant 1 : i32
    %dma_wait3A_811 = arith.constant 1 : i32
    %dma_wait3A_812 = arith.constant 0 : i32
    %dma_wait3A_813 = tpu.memref_slice %arg5[%dma_wait3A_810, %dma_wait3A_812] : memref<8x80xi32, #tpu.memory_space<vmem>> -> memref<1x80xi32, #tpu.memory_space<vmem>>
    %dma_wait3A_814 = tpu.memref_squeeze %dma_wait3A_813 : memref<1x80xi32, #tpu.memory_space<vmem>> -> memref<80xi32, #tpu.memory_space<vmem>>
    %dma_wait3A_815 = arith.constant 0 : i32
    %dma_wait3A_816 = tpu.memref_slice %arg8[%dma_wait3A_815] : memref<10240xf32, #tpu.memory_space<vmem_shared>> -> memref<10240xf32, #tpu.memory_space<vmem_shared>>
    %dma_wait3A_817 = tpu.memref_slice %arg9[%dma_wait3A_811] : memref<2x!tpu.dma_semaphore, #tpu.memory_space<semaphore_mem>> -> memref<1x!tpu.dma_semaphore, #tpu.memory_space<semaphore_mem>>
    %dma_wait3A_818 = tpu.memref_squeeze %dma_wait3A_817 : memref<1x!tpu.dma_semaphore, #tpu.memory_space<semaphore_mem>> -> memref<!tpu.dma_semaphore, #tpu.memory_space<semaphore_mem>>
    tpu.wait_indirect_dma semaphore(%dma_wait3A_818 : memref<!tpu.dma_semaphore, #tpu.memory_space<semaphore_mem>>) src(%arg6 : memref<80xf32, #tpu.memory_space<vmem>>) dst(%dma_wait3A_816 : memref<10240xf32, #tpu.memory_space<vmem_shared>>)
    %barrier3A_819 = arith.constant 0 : index
    tpu.barrier barrier_id(%barrier3A_819)
    %lt3A_820 = arith.constant 10 : i32
    %lt3A_821 = arith.cmpi slt, %arg1, %lt3A_820 : i32
    %convert_element_type3A_822 = arith.extui %lt3A_821 : i1 to i32
    %cond3A_823 = arith.constant 0 : i32
    %cond3A_824 = arith.cmpi ne, %convert_element_type3A_822, %cond3A_823 : i32
    scf.if %cond3A_824 {
      %mul3A_825 = arith.constant 1024 : i32
      %mul3A_826 = arith.muli %arg1, %mul3A_825 : i32
      %multiple_of3A_827 = tpu.assume_multiple %mul3A_826, 8 : i32
      %mul3A_828 = arith.constant 10240 : i32
      %mul3A_829 = arith.muli %arg0, %mul3A_828 : i32
      %mul3A_830 = arith.constant 1024 : i32
      %mul3A_831 = arith.muli %arg1, %mul3A_830 : i32
      %add3A_832 = arith.addi %mul3A_829, %mul3A_831 : i32
      %multiple_of3A_833 = tpu.assume_multiple %add3A_832, 8 : i32
      "tpu.region"() ({
        %run_scoped3A_834 = tpu.sem_alloc : memref<!tpu.dma_semaphore, #tpu.memory_space<semaphore_mem>>
        %dma_start3A_835 = tpu.memref_slice %arg8[%multiple_of3A_827] : memref<10240xf32, #tpu.memory_space<vmem_shared>> -> memref<1024xf32, #tpu.memory_space<vmem_shared>>
        %dma_start3A_836 = tpu.memref_slice %arg8[%multiple_of3A_827] : memref<10240xf32, #tpu.memory_space<vmem_shared>> -> memref<1024xf32, #tpu.memory_space<vmem_shared>>
        tpu.enqueue_dma source(%dma_start3A_836 : memref<1024xf32, #tpu.memory_space<vmem_shared>>) target(%arg7 : memref<1024xf32, #tpu.memory_space<vmem>>) target_semaphore(%run_scoped3A_834 : memref<!tpu.dma_semaphore, #tpu.memory_space<semaphore_mem>>)
        %dma_wait3A_837 = tpu.memref_slice %arg8[%multiple_of3A_827] : memref<10240xf32, #tpu.memory_space<vmem_shared>> -> memref<1024xf32, #tpu.memory_space<vmem_shared>>
        %dma_wait3A_838 = tpu.memref_slice %arg8[%multiple_of3A_827] : memref<10240xf32, #tpu.memory_space<vmem_shared>> -> memref<1024xf32, #tpu.memory_space<vmem_shared>>
        tpu.wait_dma2 semaphore(%run_scoped3A_834 : memref<!tpu.dma_semaphore, #tpu.memory_space<semaphore_mem>>) src(%dma_wait3A_838 : memref<1024xf32, #tpu.memory_space<vmem_shared>>) dst(%arg7 : memref<1024xf32, #tpu.memory_space<vmem>>)
        tpu.yield
      }) : () -> ()
      "tpu.region"() ({
        %run_scoped3A_834 = tpu.sem_alloc : memref<!tpu.dma_semaphore, #tpu.memory_space<semaphore_mem>>
        %dma_start3A_835 = tpu.memref_slice %arg3[%multiple_of3A_833] : memref<20480xf32, #tpu.memory_space<hbm>> -> memref<1024xf32, #tpu.memory_space<hbm>>
        %dma_start3A_836 = tpu.memref_slice %arg3[%multiple_of3A_833] : memref<20480xf32, #tpu.memory_space<hbm>> -> memref<1024xf32, #tpu.memory_space<hbm>>
        tpu.enqueue_dma source(%arg7 : memref<1024xf32, #tpu.memory_space<vmem>>) target(%dma_start3A_836 : memref<1024xf32, #tpu.memory_space<hbm>>) target_semaphore(%run_scoped3A_834 : memref<!tpu.dma_semaphore, #tpu.memory_space<semaphore_mem>>)
        %dma_wait3A_837 = tpu.memref_slice %arg3[%multiple_of3A_833] : memref<20480xf32, #tpu.memory_space<hbm>> -> memref<1024xf32, #tpu.memory_space<hbm>>
        %dma_wait3A_838 = tpu.memref_slice %arg3[%multiple_of3A_833] : memref<20480xf32, #tpu.memory_space<hbm>> -> memref<1024xf32, #tpu.memory_space<hbm>>
        tpu.wait_dma2 semaphore(%run_scoped3A_834 : memref<!tpu.dma_semaphore, #tpu.memory_space<semaphore_mem>>) src(%arg7 : memref<1024xf32, #tpu.memory_space<vmem>>) dst(%dma_wait3A_838 : memref<1024xf32, #tpu.memory_space<hbm>>)
        tpu.yield
      }) : () -> ()
    } else {
    }
    return
  }
}

#map = affine_map<(d0, d1) -> (0, 0)>
#map1 = affine_map<(d0, d1) -> (0, 0, 0)>
module attributes {stable_mosaic.version = 14 : i64} {
  func.func @_sc_edge_scatter(%arg0: i32, %arg1: i32, %arg2: memref<10000x128xf32, #tpu.memory_space<hbm>>, %arg3: memref<2x320000xi32, #tpu.memory_space<hbm>>, %arg4: memref<2x10000x128xf32, #tpu.memory_space<hbm>>, %arg5: memref<10112xi32, #tpu.memory_space<vmem>>, %arg6: memref<10112xi32, #tpu.memory_space<vmem>>, %arg7: memref<240x128xf32, #tpu.memory_space<vmem>>, %arg8: memref<10000x128xf32, #tpu.memory_space<vmem_shared>>, %arg9: memref<6x!tpu.dma_semaphore, #tpu.memory_space<semaphore_mem>>) attributes {dimension_semantics = [#tpu.dimension_semantics<core_parallel>, #tpu.dimension_semantics<subcore_parallel>], iteration_bounds = array<i64: 2, 16>, scalar_prefetch = 0 : i64, scratch_operands = 5 : i64, tpu.core_type = #tpu.core_type<sc_vector_subcore>, window_params = [{transform_indices = #map}, {transform_indices = #map}, {transform_indices = #map1}]} {
    %mul3A = arith.constant 2 : i32
    %mul3A_0 = arith.muli %arg1, %mul3A : i32
    %add3A = arith.addi %mul3A_0, %arg0 : i32
    %scan3A = arith.constant 0 : i32
    %scan3A_1 = arith.constant 0 : i32
    %scan3A_2 = arith.constant 240 : i32
    %scan3A_3 = arith.addi %scan3A_1, %scan3A_2 : i32
    %scan3A_4 = arith.constant 1 : i32
    scf.for %scan3A_360 = %scan3A_1 to %scan3A_3 step %scan3A_4  : i32 {
      %broadcast_in_dim3A = arith.constant 0.000000e+00 : f32
      %broadcast_in_dim3A_361 = vector.broadcast %broadcast_in_dim3A : f32 to vector<16xf32>
      %swap3A = arith.index_cast %scan3A_360 : i32 to index
      %swap3A_362 = arith.constant 0 : index
      %swap3A_363 = tpu.vector_load %arg7[%swap3A, %swap3A_362] {strides = array<i32>} : memref<240x128xf32, #tpu.memory_space<vmem>>, vector<1x16xf32>,
      %swap3A_364 = vector.shape_cast %swap3A_363 : vector<1x16xf32> to vector<16xf32>
      %swap3A_365 = vector.shape_cast %broadcast_in_dim3A_361 : vector<16xf32> to vector<1x16xf32>
      tpu.vector_store %arg7[%swap3A, %swap3A_362], %swap3A_365 {strides = array<i32>} : memref<240x128xf32, #tpu.memory_space<vmem>>, vector<1x16xf32>,
      %broadcast_in_dim3A_366 = arith.constant 0.000000e+00 : f32
      %broadcast_in_dim3A_367 = vector.broadcast %broadcast_in_dim3A_366 : f32 to vector<16xf32>
      %swap3A_368 = arith.index_cast %scan3A_360 : i32 to index
      %swap3A_369 = arith.constant 16 : index
      %swap3A_370 = tpu.vector_load %arg7[%swap3A_368, %swap3A_369] {strides = array<i32>} : memref<240x128xf32, #tpu.memory_space<vmem>>, vector<1x16xf32>,
      %swap3A_371 = vector.shape_cast %swap3A_370 : vector<1x16xf32> to vector<16xf32>
      %swap3A_372 = vector.shape_cast %broadcast_in_dim3A_367 : vector<16xf32> to vector<1x16xf32>
      tpu.vector_store %arg7[%swap3A_368, %swap3A_369], %swap3A_372 {strides = array<i32>} : memref<240x128xf32, #tpu.memory_space<vmem>>, vector<1x16xf32>,
      %broadcast_in_dim3A_373 = arith.constant 0.000000e+00 : f32
      %broadcast_in_dim3A_374 = vector.broadcast %broadcast_in_dim3A_373 : f32 to vector<16xf32>
      %swap3A_375 = arith.index_cast %scan3A_360 : i32 to index
      %swap3A_376 = arith.constant 32 : index
      %swap3A_377 = tpu.vector_load %arg7[%swap3A_375, %swap3A_376] {strides = array<i32>} : memref<240x128xf32, #tpu.memory_space<vmem>>, vector<1x16xf32>,
      %swap3A_378 = vector.shape_cast %swap3A_377 : vector<1x16xf32> to vector<16xf32>
      %swap3A_379 = vector.shape_cast %broadcast_in_dim3A_374 : vector<16xf32> to vector<1x16xf32>
      tpu.vector_store %arg7[%swap3A_375, %swap3A_376], %swap3A_379 {strides = array<i32>} : memref<240x128xf32, #tpu.memory_space<vmem>>, vector<1x16xf32>,
      %broadcast_in_dim3A_380 = arith.constant 0.000000e+00 : f32
      %broadcast_in_dim3A_381 = vector.broadcast %broadcast_in_dim3A_380 : f32 to vector<16xf32>
      %swap3A_382 = arith.index_cast %scan3A_360 : i32 to index
      %swap3A_383 = arith.constant 48 : index
      %swap3A_384 = tpu.vector_load %arg7[%swap3A_382, %swap3A_383] {strides = array<i32>} : memref<240x128xf32, #tpu.memory_space<vmem>>, vector<1x16xf32>,
      %swap3A_385 = vector.shape_cast %swap3A_384 : vector<1x16xf32> to vector<16xf32>
      %swap3A_386 = vector.shape_cast %broadcast_in_dim3A_381 : vector<16xf32> to vector<1x16xf32>
      tpu.vector_store %arg7[%swap3A_382, %swap3A_383], %swap3A_386 {strides = array<i32>} : memref<240x128xf32, #tpu.memory_space<vmem>>, vector<1x16xf32>,
      %broadcast_in_dim3A_387 = arith.constant 0.000000e+00 : f32
      %broadcast_in_dim3A_388 = vector.broadcast %broadcast_in_dim3A_387 : f32 to vector<16xf32>
      %swap3A_389 = arith.index_cast %scan3A_360 : i32 to index
      %swap3A_390 = arith.constant 64 : index
      %swap3A_391 = tpu.vector_load %arg7[%swap3A_389, %swap3A_390] {strides = array<i32>} : memref<240x128xf32, #tpu.memory_space<vmem>>, vector<1x16xf32>,
      %swap3A_392 = vector.shape_cast %swap3A_391 : vector<1x16xf32> to vector<16xf32>
      %swap3A_393 = vector.shape_cast %broadcast_in_dim3A_388 : vector<16xf32> to vector<1x16xf32>
      tpu.vector_store %arg7[%swap3A_389, %swap3A_390], %swap3A_393 {strides = array<i32>} : memref<240x128xf32, #tpu.memory_space<vmem>>, vector<1x16xf32>,
      %broadcast_in_dim3A_394 = arith.constant 0.000000e+00 : f32
      %broadcast_in_dim3A_395 = vector.broadcast %broadcast_in_dim3A_394 : f32 to vector<16xf32>
      %swap3A_396 = arith.index_cast %scan3A_360 : i32 to index
      %swap3A_397 = arith.constant 80 : index
      %swap3A_398 = tpu.vector_load %arg7[%swap3A_396, %swap3A_397] {strides = array<i32>} : memref<240x128xf32, #tpu.memory_space<vmem>>, vector<1x16xf32>,
      %swap3A_399 = vector.shape_cast %swap3A_398 : vector<1x16xf32> to vector<16xf32>
      %swap3A_400 = vector.shape_cast %broadcast_in_dim3A_395 : vector<16xf32> to vector<1x16xf32>
      tpu.vector_store %arg7[%swap3A_396, %swap3A_397], %swap3A_400 {strides = array<i32>} : memref<240x128xf32, #tpu.memory_space<vmem>>, vector<1x16xf32>,
      %broadcast_in_dim3A_401 = arith.constant 0.000000e+00 : f32
      %broadcast_in_dim3A_402 = vector.broadcast %broadcast_in_dim3A_401 : f32 to vector<16xf32>
      %swap3A_403 = arith.index_cast %scan3A_360 : i32 to index
      %swap3A_404 = arith.constant 96 : index
      %swap3A_405 = tpu.vector_load %arg7[%swap3A_403, %swap3A_404] {strides = array<i32>} : memref<240x128xf32, #tpu.memory_space<vmem>>, vector<1x16xf32>,
      %swap3A_406 = vector.shape_cast %swap3A_405 : vector<1x16xf32> to vector<16xf32>
      %swap3A_407 = vector.shape_cast %broadcast_in_dim3A_402 : vector<16xf32> to vector<1x16xf32>
      tpu.vector_store %arg7[%swap3A_403, %swap3A_404], %swap3A_407 {strides = array<i32>} : memref<240x128xf32, #tpu.memory_space<vmem>>, vector<1x16xf32>,
      %broadcast_in_dim3A_408 = arith.constant 0.000000e+00 : f32
      %broadcast_in_dim3A_409 = vector.broadcast %broadcast_in_dim3A_408 : f32 to vector<16xf32>
      %swap3A_410 = arith.index_cast %scan3A_360 : i32 to index
      %swap3A_411 = arith.constant 112 : index
      %swap3A_412 = tpu.vector_load %arg7[%swap3A_410, %swap3A_411] {strides = array<i32>} : memref<240x128xf32, #tpu.memory_space<vmem>>, vector<1x16xf32>,
      %swap3A_413 = vector.shape_cast %swap3A_412 : vector<1x16xf32> to vector<16xf32>
      %swap3A_414 = vector.shape_cast %broadcast_in_dim3A_409 : vector<16xf32> to vector<1x16xf32>
      tpu.vector_store %arg7[%swap3A_410, %swap3A_411], %swap3A_414 {strides = array<i32>} : memref<240x128xf32, #tpu.memory_space<vmem>>, vector<1x16xf32>,
    }
    %scan3A_5 = arith.constant 240 : i32
    %mul3A_6 = arith.constant 625 : i32
    %mul3A_7 = arith.muli %arg1, %mul3A_6 : i32
    %jit3A = arith.constant 8 : i32
    %eq3A = arith.constant 0 : i32
    %eq3A_8 = arith.cmpi eq, %jit3A, %eq3A : i32
    %jit3A_9 = arith.constant 1 : i32
    %select_n3A = arith.select %eq3A_8, %jit3A_9, %jit3A : i32
    %rem3A = arith.remsi %arg1, %select_n3A : i32
    %ne3A = arith.constant 0 : i32
    %ne3A_10 = arith.cmpi ne, %rem3A, %ne3A : i32
    %lt3A = arith.constant 0 : i32
    %lt3A_11 = arith.cmpi slt, %rem3A, %lt3A : i32
    %lt3A_12 = arith.constant 0 : i32
    %lt3A_13 = arith.cmpi slt, %select_n3A, %lt3A_12 : i32
    %ne3A_14 = arith.xori %lt3A_11, %lt3A_13 : i1
    %and3A = arith.andi %ne3A_14, %ne3A_10 : i1
    %add3A_15 = arith.addi %rem3A, %select_n3A : i32
    %select_n3A_16 = arith.select %and3A, %add3A_15, %rem3A : i32
    %sub3A = arith.subi %mul3A_7, %select_n3A_16 : i32
    %multiple_of3A = tpu.assume_multiple %sub3A, 8 : i32
    %add3A_17 = arith.constant 0 : i32
    %add3A_18 = arith.addi %multiple_of3A, %add3A_17 : i32
    %min3A = arith.constant 9760 : i32
    %min3A_19 = arith.minsi %add3A_18, %min3A : i32
    %multiple_of3A_20 = tpu.assume_multiple %min3A_19, 8 : i32
    "tpu.region"() ({
      %run_scoped3A_360 = tpu.sem_alloc : memref<!tpu.dma_semaphore, #tpu.memory_space<semaphore_mem>>
      %dma_start3A_361 = arith.constant 0 : i32
      %dma_start3A_362 = tpu.memref_slice %arg8[%multiple_of3A_20, %dma_start3A_361] : memref<10000x128xf32, #tpu.memory_space<vmem_shared>> -> memref<240x128xf32, #tpu.memory_space<vmem_shared>>
      %dma_start3A_363 = arith.constant 0 : i32
      %dma_start3A_364 = tpu.memref_slice %arg8[%multiple_of3A_20, %dma_start3A_363] : memref<10000x128xf32, #tpu.memory_space<vmem_shared>> -> memref<240x128xf32, #tpu.memory_space<vmem_shared>>
      tpu.enqueue_dma source(%arg7 : memref<240x128xf32, #tpu.memory_space<vmem>>) target(%dma_start3A_364 : memref<240x128xf32, #tpu.memory_space<vmem_shared>>) target_semaphore(%run_scoped3A_360 : memref<!tpu.dma_semaphore, #tpu.memory_space<semaphore_mem>>)
      %dma_wait3A_365 = arith.constant 0 : i32
      %dma_wait3A_366 = tpu.memref_slice %arg8[%multiple_of3A_20, %dma_wait3A_365] : memref<10000x128xf32, #tpu.memory_space<vmem_shared>> -> memref<240x128xf32, #tpu.memory_space<vmem_shared>>
      %dma_wait3A_367 = arith.constant 0 : i32
      %dma_wait3A_368 = tpu.memref_slice %arg8[%multiple_of3A_20, %dma_wait3A_367] : memref<10000x128xf32, #tpu.memory_space<vmem_shared>> -> memref<240x128xf32, #tpu.memory_space<vmem_shared>>
      tpu.wait_dma2 semaphore(%run_scoped3A_360 : memref<!tpu.dma_semaphore, #tpu.memory_space<semaphore_mem>>) src(%arg7 : memref<240x128xf32, #tpu.memory_space<vmem>>) dst(%dma_wait3A_368 : memref<240x128xf32, #tpu.memory_space<vmem_shared>>)
      tpu.yield
    }) : () -> ()
    %add3A_21 = arith.constant 240 : i32
    %add3A_22 = arith.addi %multiple_of3A, %add3A_21 : i32
    %min3A_23 = arith.constant 9760 : i32
    %min3A_24 = arith.minsi %add3A_22, %min3A_23 : i32
    %multiple_of3A_25 = tpu.assume_multiple %min3A_24, 8 : i32
    "tpu.region"() ({
      %run_scoped3A_360 = tpu.sem_alloc : memref<!tpu.dma_semaphore, #tpu.memory_space<semaphore_mem>>
      %dma_start3A_361 = arith.constant 0 : i32
      %dma_start3A_362 = tpu.memref_slice %arg8[%multiple_of3A_25, %dma_start3A_361] : memref<10000x128xf32, #tpu.memory_space<vmem_shared>> -> memref<240x128xf32, #tpu.memory_space<vmem_shared>>
      %dma_start3A_363 = arith.constant 0 : i32
      %dma_start3A_364 = tpu.memref_slice %arg8[%multiple_of3A_25, %dma_start3A_363] : memref<10000x128xf32, #tpu.memory_space<vmem_shared>> -> memref<240x128xf32, #tpu.memory_space<vmem_shared>>
      tpu.enqueue_dma source(%arg7 : memref<240x128xf32, #tpu.memory_space<vmem>>) target(%dma_start3A_364 : memref<240x128xf32, #tpu.memory_space<vmem_shared>>) target_semaphore(%run_scoped3A_360 : memref<!tpu.dma_semaphore, #tpu.memory_space<semaphore_mem>>)
      %dma_wait3A_365 = arith.constant 0 : i32
      %dma_wait3A_366 = tpu.memref_slice %arg8[%multiple_of3A_25, %dma_wait3A_365] : memref<10000x128xf32, #tpu.memory_space<vmem_shared>> -> memref<240x128xf32, #tpu.memory_space<vmem_shared>>
      %dma_wait3A_367 = arith.constant 0 : i32
      %dma_wait3A_368 = tpu.memref_slice %arg8[%multiple_of3A_25, %dma_wait3A_367] : memref<10000x128xf32, #tpu.memory_space<vmem_shared>> -> memref<240x128xf32, #tpu.memory_space<vmem_shared>>
      tpu.wait_dma2 semaphore(%run_scoped3A_360 : memref<!tpu.dma_semaphore, #tpu.memory_space<semaphore_mem>>) src(%arg7 : memref<240x128xf32, #tpu.memory_space<vmem>>) dst(%dma_wait3A_368 : memref<240x128xf32, #tpu.memory_space<vmem_shared>>)
      tpu.yield
    }) : () -> ()
    %add3A_26 = arith.constant 480 : i32
    %add3A_27 = arith.addi %multiple_of3A, %add3A_26 : i32
    %min3A_28 = arith.constant 9760 : i32
    %min3A_29 = arith.minsi %add3A_27, %min3A_28 : i32
    %multiple_of3A_30 = tpu.assume_multiple %min3A_29, 8 : i32
    "tpu.region"() ({
      %run_scoped3A_360 = tpu.sem_alloc : memref<!tpu.dma_semaphore, #tpu.memory_space<semaphore_mem>>
      %dma_start3A_361 = arith.constant 0 : i32
      %dma_start3A_362 = tpu.memref_slice %arg8[%multiple_of3A_30, %dma_start3A_361] : memref<10000x128xf32, #tpu.memory_space<vmem_shared>> -> memref<240x128xf32, #tpu.memory_space<vmem_shared>>
      %dma_start3A_363 = arith.constant 0 : i32
      %dma_start3A_364 = tpu.memref_slice %arg8[%multiple_of3A_30, %dma_start3A_363] : memref<10000x128xf32, #tpu.memory_space<vmem_shared>> -> memref<240x128xf32, #tpu.memory_space<vmem_shared>>
      tpu.enqueue_dma source(%arg7 : memref<240x128xf32, #tpu.memory_space<vmem>>) target(%dma_start3A_364 : memref<240x128xf32, #tpu.memory_space<vmem_shared>>) target_semaphore(%run_scoped3A_360 : memref<!tpu.dma_semaphore, #tpu.memory_space<semaphore_mem>>)
      %dma_wait3A_365 = arith.constant 0 : i32
      %dma_wait3A_366 = tpu.memref_slice %arg8[%multiple_of3A_30, %dma_wait3A_365] : memref<10000x128xf32, #tpu.memory_space<vmem_shared>> -> memref<240x128xf32, #tpu.memory_space<vmem_shared>>
      %dma_wait3A_367 = arith.constant 0 : i32
      %dma_wait3A_368 = tpu.memref_slice %arg8[%multiple_of3A_30, %dma_wait3A_367] : memref<10000x128xf32, #tpu.memory_space<vmem_shared>> -> memref<240x128xf32, #tpu.memory_space<vmem_shared>>
      tpu.wait_dma2 semaphore(%run_scoped3A_360 : memref<!tpu.dma_semaphore, #tpu.memory_space<semaphore_mem>>) src(%arg7 : memref<240x128xf32, #tpu.memory_space<vmem>>) dst(%dma_wait3A_368 : memref<240x128xf32, #tpu.memory_space<vmem_shared>>)
      tpu.yield
    }) : () -> ()
    %mul3A_31 = arith.constant 10000 : i32
    %mul3A_32 = arith.muli %add3A, %mul3A_31 : i32
    %rem3A_33 = arith.constant 128 : i32
    %rem3A_34 = arith.remsi %mul3A_32, %rem3A_33 : i32
    %sub3A_35 = arith.subi %mul3A_32, %rem3A_34 : i32
    %multiple_of3A_36 = tpu.assume_multiple %sub3A_35, 128 : i32
    %run_scoped3A = arith.constant 0 : i32
    "tpu.region"() ({
      %run_scoped3A_360 = tpu.sem_alloc : memref<!tpu.dma_semaphore, #tpu.memory_space<semaphore_mem>>
      %dma_start3A_361 = tpu.memref_slice %arg3[%run_scoped3A, %multiple_of3A_36] : memref<2x320000xi32, #tpu.memory_space<hbm>> -> memref<1x10112xi32, #tpu.memory_space<hbm>>
      %dma_start3A_362 = tpu.memref_squeeze %dma_start3A_361 : memref<1x10112xi32, #tpu.memory_space<hbm>> -> memref<10112xi32, #tpu.memory_space<hbm>>
      %dma_start3A_363 = tpu.memref_slice %arg3[%run_scoped3A, %multiple_of3A_36] : memref<2x320000xi32, #tpu.memory_space<hbm>> -> memref<1x10112xi32, #tpu.memory_space<hbm>>
      %dma_start3A_364 = tpu.memref_squeeze %dma_start3A_363 : memref<1x10112xi32, #tpu.memory_space<hbm>> -> memref<10112xi32, #tpu.memory_space<hbm>>
      tpu.enqueue_dma source(%dma_start3A_364 : memref<10112xi32, #tpu.memory_space<hbm>>) target(%arg5 : memref<10112xi32, #tpu.memory_space<vmem>>) target_semaphore(%run_scoped3A_360 : memref<!tpu.dma_semaphore, #tpu.memory_space<semaphore_mem>>)
      %dma_wait3A_365 = tpu.memref_slice %arg3[%run_scoped3A, %multiple_of3A_36] : memref<2x320000xi32, #tpu.memory_space<hbm>> -> memref<1x10112xi32, #tpu.memory_space<hbm>>
      %dma_wait3A_366 = tpu.memref_squeeze %dma_wait3A_365 : memref<1x10112xi32, #tpu.memory_space<hbm>> -> memref<10112xi32, #tpu.memory_space<hbm>>
      %dma_wait3A_367 = tpu.memref_slice %arg3[%run_scoped3A, %multiple_of3A_36] : memref<2x320000xi32, #tpu.memory_space<hbm>> -> memref<1x10112xi32, #tpu.memory_space<hbm>>
      %dma_wait3A_368 = tpu.memref_squeeze %dma_wait3A_367 : memref<1x10112xi32, #tpu.memory_space<hbm>> -> memref<10112xi32, #tpu.memory_space<hbm>>
      tpu.wait_dma2 semaphore(%run_scoped3A_360 : memref<!tpu.dma_semaphore, #tpu.memory_space<semaphore_mem>>) src(%dma_wait3A_368 : memref<10112xi32, #tpu.memory_space<hbm>>) dst(%arg5 : memref<10112xi32, #tpu.memory_space<vmem>>)
      tpu.yield
    }) : () -> ()
    %run_scoped3A_37 = arith.constant 1 : i32
    "tpu.region"() ({
      %run_scoped3A_360 = tpu.sem_alloc : memref<!tpu.dma_semaphore, #tpu.memory_space<semaphore_mem>>
      %dma_start3A_361 = tpu.memref_slice %arg3[%run_scoped3A_37, %multiple_of3A_36] : memref<2x320000xi32, #tpu.memory_space<hbm>> -> memref<1x10112xi32, #tpu.memory_space<hbm>>
      %dma_start3A_362 = tpu.memref_squeeze %dma_start3A_361 : memref<1x10112xi32, #tpu.memory_space<hbm>> -> memref<10112xi32, #tpu.memory_space<hbm>>
      %dma_start3A_363 = tpu.memref_slice %arg3[%run_scoped3A_37, %multiple_of3A_36] : memref<2x320000xi32, #tpu.memory_space<hbm>> -> memref<1x10112xi32, #tpu.memory_space<hbm>>
      %dma_start3A_364 = tpu.memref_squeeze %dma_start3A_363 : memref<1x10112xi32, #tpu.memory_space<hbm>> -> memref<10112xi32, #tpu.memory_space<hbm>>
      tpu.enqueue_dma source(%dma_start3A_364 : memref<10112xi32, #tpu.memory_space<hbm>>) target(%arg6 : memref<10112xi32, #tpu.memory_space<vmem>>) target_semaphore(%run_scoped3A_360 : memref<!tpu.dma_semaphore, #tpu.memory_space<semaphore_mem>>)
      %dma_wait3A_365 = tpu.memref_slice %arg3[%run_scoped3A_37, %multiple_of3A_36] : memref<2x320000xi32, #tpu.memory_space<hbm>> -> memref<1x10112xi32, #tpu.memory_space<hbm>>
      %dma_wait3A_366 = tpu.memref_squeeze %dma_wait3A_365 : memref<1x10112xi32, #tpu.memory_space<hbm>> -> memref<10112xi32, #tpu.memory_space<hbm>>
      %dma_wait3A_367 = tpu.memref_slice %arg3[%run_scoped3A_37, %multiple_of3A_36] : memref<2x320000xi32, #tpu.memory_space<hbm>> -> memref<1x10112xi32, #tpu.memory_space<hbm>>
      %dma_wait3A_368 = tpu.memref_squeeze %dma_wait3A_367 : memref<1x10112xi32, #tpu.memory_space<hbm>> -> memref<10112xi32, #tpu.memory_space<hbm>>
      tpu.wait_dma2 semaphore(%run_scoped3A_360 : memref<!tpu.dma_semaphore, #tpu.memory_space<semaphore_mem>>) src(%dma_wait3A_368 : memref<10112xi32, #tpu.memory_space<hbm>>) dst(%arg6 : memref<10112xi32, #tpu.memory_space<vmem>>)
      tpu.yield
    }) : () -> ()
    %barrier3A = arith.constant 0 : index
    tpu.barrier barrier_id(%barrier3A)
    %add3A_38 = arith.constant 0 : i32
    %add3A_39 = arith.addi %rem3A_34, %add3A_38 : i32
    %multiple_of3A_40 = tpu.assume_multiple %add3A_39, 8 : i32
    %dma_start3A = arith.constant 0 : i32
    %dma_start3A_41 = arith.constant 0 : i32
    %dma_start3A_42 = arith.constant 0 : i32
    %dma_start3A_43 = tpu.memref_slice %arg7[%dma_start3A_41, %dma_start3A_42] : memref<240x128xf32, #tpu.memory_space<vmem>> -> memref<40x128xf32, #tpu.memory_space<vmem>>
    %dma_start3A_44 = tpu.memref_slice %arg5[%multiple_of3A_40] : memref<10112xi32, #tpu.memory_space<vmem>> -> memref<40xi32, #tpu.memory_space<vmem>>
    %dma_start3A_45 = arith.constant 0 : i32
    %dma_start3A_46 = arith.constant 0 : i32
    %dma_start3A_47 = tpu.memref_slice %arg2[%dma_start3A_45, %dma_start3A_46] : memref<10000x128xf32, #tpu.memory_space<hbm>> -> memref<10000x128xf32, #tpu.memory_space<hbm>>
    %dma_start3A_48 = tpu.memref_slice %arg9[%dma_start3A] : memref<6x!tpu.dma_semaphore, #tpu.memory_space<semaphore_mem>> -> memref<1x!tpu.dma_semaphore, #tpu.memory_space<semaphore_mem>>
    %dma_start3A_49 = tpu.memref_squeeze %dma_start3A_48 : memref<1x!tpu.dma_semaphore, #tpu.memory_space<semaphore_mem>> -> memref<!tpu.dma_semaphore, #tpu.memory_space<semaphore_mem>>
    tpu.enqueue_indirect_dma source(%dma_start3A_47 : memref<10000x128xf32, #tpu.memory_space<hbm>>) target(%dma_start3A_43 : memref<40x128xf32, #tpu.memory_space<vmem>>) offsets(%dma_start3A_44 : memref<40xi32, #tpu.memory_space<vmem>>) semaphore(%dma_start3A_49 : memref<!tpu.dma_semaphore, #tpu.memory_space<semaphore_mem>>)
    %add3A_50 = arith.constant 40 : i32
    %add3A_51 = arith.addi %rem3A_34, %add3A_50 : i32
    %multiple_of3A_52 = tpu.assume_multiple %add3A_51, 8 : i32
    %dma_start3A_53 = arith.constant 1 : i32
    %dma_start3A_54 = arith.constant 40 : i32
    %dma_start3A_55 = arith.constant 0 : i32
    %dma_start3A_56 = tpu.memref_slice %arg7[%dma_start3A_54, %dma_start3A_55] : memref<240x128xf32, #tpu.memory_space<vmem>> -> memref<40x128xf32, #tpu.memory_space<vmem>>
    %dma_start3A_57 = tpu.memref_slice %arg5[%multiple_of3A_52] : memref<10112xi32, #tpu.memory_space<vmem>> -> memref<40xi32, #tpu.memory_space<vmem>>
    %dma_start3A_58 = arith.constant 0 : i32
    %dma_start3A_59 = arith.constant 0 : i32
    %dma_start3A_60 = tpu.memref_slice %arg2[%dma_start3A_58, %dma_start3A_59] : memref<10000x128xf32, #tpu.memory_space<hbm>> -> memref<10000x128xf32, #tpu.memory_space<hbm>>
    %dma_start3A_61 = tpu.memref_slice %arg9[%dma_start3A_53] : memref<6x!tpu.dma_semaphore, #tpu.memory_space<semaphore_mem>> -> memref<1x!tpu.dma_semaphore, #tpu.memory_space<semaphore_mem>>
    %dma_start3A_62 = tpu.memref_squeeze %dma_start3A_61 : memref<1x!tpu.dma_semaphore, #tpu.memory_space<semaphore_mem>> -> memref<!tpu.dma_semaphore, #tpu.memory_space<semaphore_mem>>
    tpu.enqueue_indirect_dma source(%dma_start3A_60 : memref<10000x128xf32, #tpu.memory_space<hbm>>) target(%dma_start3A_56 : memref<40x128xf32, #tpu.memory_space<vmem>>) offsets(%dma_start3A_57 : memref<40xi32, #tpu.memory_space<vmem>>) semaphore(%dma_start3A_62 : memref<!tpu.dma_semaphore, #tpu.memory_space<semaphore_mem>>)
    %add3A_63 = arith.constant 80 : i32
    %add3A_64 = arith.addi %rem3A_34, %add3A_63 : i32
    %multiple_of3A_65 = tpu.assume_multiple %add3A_64, 8 : i32
    %dma_start3A_66 = arith.constant 2 : i32
    %dma_start3A_67 = arith.constant 80 : i32
    %dma_start3A_68 = arith.constant 0 : i32
    %dma_start3A_69 = tpu.memref_slice %arg7[%dma_start3A_67, %dma_start3A_68] : memref<240x128xf32, #tpu.memory_space<vmem>> -> memref<40x128xf32, #tpu.memory_space<vmem>>
    %dma_start3A_70 = tpu.memref_slice %arg5[%multiple_of3A_65] : memref<10112xi32, #tpu.memory_space<vmem>> -> memref<40xi32, #tpu.memory_space<vmem>>
    %dma_start3A_71 = arith.constant 0 : i32
    %dma_start3A_72 = arith.constant 0 : i32
    %dma_start3A_73 = tpu.memref_slice %arg2[%dma_start3A_71, %dma_start3A_72] : memref<10000x128xf32, #tpu.memory_space<hbm>> -> memref<10000x128xf32, #tpu.memory_space<hbm>>
    %dma_start3A_74 = tpu.memref_slice %arg9[%dma_start3A_66] : memref<6x!tpu.dma_semaphore, #tpu.memory_space<semaphore_mem>> -> memref<1x!tpu.dma_semaphore, #tpu.memory_space<semaphore_mem>>
    %dma_start3A_75 = tpu.memref_squeeze %dma_start3A_74 : memref<1x!tpu.dma_semaphore, #tpu.memory_space<semaphore_mem>> -> memref<!tpu.dma_semaphore, #tpu.memory_space<semaphore_mem>>
    tpu.enqueue_indirect_dma source(%dma_start3A_73 : memref<10000x128xf32, #tpu.memory_space<hbm>>) target(%dma_start3A_69 : memref<40x128xf32, #tpu.memory_space<vmem>>) offsets(%dma_start3A_70 : memref<40xi32, #tpu.memory_space<vmem>>) semaphore(%dma_start3A_75 : memref<!tpu.dma_semaphore, #tpu.memory_space<semaphore_mem>>)
    %add3A_76 = arith.constant 120 : i32
    %add3A_77 = arith.addi %rem3A_34, %add3A_76 : i32
    %multiple_of3A_78 = tpu.assume_multiple %add3A_77, 8 : i32
    %dma_start3A_79 = arith.constant 3 : i32
    %dma_start3A_80 = arith.constant 120 : i32
    %dma_start3A_81 = arith.constant 0 : i32
    %dma_start3A_82 = tpu.memref_slice %arg7[%dma_start3A_80, %dma_start3A_81] : memref<240x128xf32, #tpu.memory_space<vmem>> -> memref<40x128xf32, #tpu.memory_space<vmem>>
    %dma_start3A_83 = tpu.memref_slice %arg5[%multiple_of3A_78] : memref<10112xi32, #tpu.memory_space<vmem>> -> memref<40xi32, #tpu.memory_space<vmem>>
    %dma_start3A_84 = arith.constant 0 : i32
    %dma_start3A_85 = arith.constant 0 : i32
    %dma_start3A_86 = tpu.memref_slice %arg2[%dma_start3A_84, %dma_start3A_85] : memref<10000x128xf32, #tpu.memory_space<hbm>> -> memref<10000x128xf32, #tpu.memory_space<hbm>>
    %dma_start3A_87 = tpu.memref_slice %arg9[%dma_start3A_79] : memref<6x!tpu.dma_semaphore, #tpu.memory_space<semaphore_mem>> -> memref<1x!tpu.dma_semaphore, #tpu.memory_space<semaphore_mem>>
    %dma_start3A_88 = tpu.memref_squeeze %dma_start3A_87 : memref<1x!tpu.dma_semaphore, #tpu.memory_space<semaphore_mem>> -> memref<!tpu.dma_semaphore, #tpu.memory_space<semaphore_mem>>
    tpu.enqueue_indirect_dma source(%dma_start3A_86 : memref<10000x128xf32, #tpu.memory_space<hbm>>) target(%dma_start3A_82 : memref<40x128xf32, #tpu.memory_space<vmem>>) offsets(%dma_start3A_83 : memref<40xi32, #tpu.memory_space<vmem>>) semaphore(%dma_start3A_88 : memref<!tpu.dma_semaphore, #tpu.memory_space<semaphore_mem>>)
    %add3A_89 = arith.constant 160 : i32
    %add3A_90 = arith.addi %rem3A_34, %add3A_89 : i32
    %multiple_of3A_91 = tpu.assume_multiple %add3A_90, 8 : i32
    %dma_start3A_92 = arith.constant 4 : i32
    %dma_start3A_93 = arith.constant 160 : i32
    %dma_start3A_94 = arith.constant 0 : i32
    %dma_start3A_95 = tpu.memref_slice %arg7[%dma_start3A_93, %dma_start3A_94] : memref<240x128xf32, #tpu.memory_space<vmem>> -> memref<40x128xf32, #tpu.memory_space<vmem>>
    %dma_start3A_96 = tpu.memref_slice %arg5[%multiple_of3A_91] : memref<10112xi32, #tpu.memory_space<vmem>> -> memref<40xi32, #tpu.memory_space<vmem>>
    %dma_start3A_97 = arith.constant 0 : i32
    %dma_start3A_98 = arith.constant 0 : i32
    %dma_start3A_99 = tpu.memref_slice %arg2[%dma_start3A_97, %dma_start3A_98] : memref<10000x128xf32, #tpu.memory_space<hbm>> -> memref<10000x128xf32, #tpu.memory_space<hbm>>
    %dma_start3A_100 = tpu.memref_slice %arg9[%dma_start3A_92] : memref<6x!tpu.dma_semaphore, #tpu.memory_space<semaphore_mem>> -> memref<1x!tpu.dma_semaphore, #tpu.memory_space<semaphore_mem>>
    %dma_start3A_101 = tpu.memref_squeeze %dma_start3A_100 : memref<1x!tpu.dma_semaphore, #tpu.memory_space<semaphore_mem>> -> memref<!tpu.dma_semaphore, #tpu.memory_space<semaphore_mem>>
    tpu.enqueue_indirect_dma source(%dma_start3A_99 : memref<10000x128xf32, #tpu.memory_space<hbm>>) target(%dma_start3A_95 : memref<40x128xf32, #tpu.memory_space<vmem>>) offsets(%dma_start3A_96 : memref<40xi32, #tpu.memory_space<vmem>>) semaphore(%dma_start3A_101 : memref<!tpu.dma_semaphore, #tpu.memory_space<semaphore_mem>>)
    %scan3A_102 = arith.constant 0 : i32
    %scan3A_103 = arith.constant 0 : i32
    %scan3A_104 = arith.constant 41 : i32
    %scan3A_105 = arith.addi %scan3A_103, %scan3A_104 : i32
    %scan3A_106 = arith.constant 1 : i32
    scf.for %scan3A_360 = %scan3A_103 to %scan3A_105 step %scan3A_106  : i32 {
      %mul3A_361 = arith.constant 6 : i32
      %mul3A_362 = arith.muli %mul3A_361, %scan3A_360 : i32
      %add3A_363 = arith.constant 0 : i32
      %add3A_364 = arith.addi %mul3A_362, %add3A_363 : i32
      %add3A_365 = arith.constant 0 : i32
      %add3A_366 = arith.addi %add3A_364, %add3A_365 : i32
      %dma_wait3A_367 = arith.constant 0 : i32
      %dma_wait3A_368 = arith.constant 0 : i32
      %dma_wait3A_369 = arith.constant 0 : i32
      %dma_wait3A_370 = tpu.memref_slice %arg7[%dma_wait3A_368, %dma_wait3A_369] : memref<240x128xf32, #tpu.memory_space<vmem>> -> memref<40x128xf32, #tpu.memory_space<vmem>>
      %dma_wait3A_371 = arith.constant 0 : i32
      %dma_wait3A_372 = arith.constant 0 : i32
      %dma_wait3A_373 = tpu.memref_slice %arg2[%dma_wait3A_371, %dma_wait3A_372] : memref<10000x128xf32, #tpu.memory_space<hbm>> -> memref<40x128xf32, #tpu.memory_space<hbm>>
      %dma_wait3A_374 = tpu.memref_slice %arg9[%dma_wait3A_367] : memref<6x!tpu.dma_semaphore, #tpu.memory_space<semaphore_mem>> -> memref<1x!tpu.dma_semaphore, #tpu.memory_space<semaphore_mem>>
      %dma_wait3A_375 = tpu.memref_squeeze %dma_wait3A_374 : memref<1x!tpu.dma_semaphore, #tpu.memory_space<semaphore_mem>> -> memref<!tpu.dma_semaphore, #tpu.memory_space<semaphore_mem>>
      %dma_wait3A_376 = arith.constant 0 : i32
      %dma_wait3A_377 = arith.constant 0 : i32
      %dma_wait3A_378 = tpu.memref_slice %arg7[%dma_wait3A_376, %dma_wait3A_377] : memref<240x128xf32, #tpu.memory_space<vmem>> -> memref<40x128xf32, #tpu.memory_space<vmem>>
      %dma_wait3A_379 = arith.constant 0 : i32
      %dma_wait3A_380 = arith.constant 0 : i32
      %dma_wait3A_381 = tpu.memref_slice %arg2[%dma_wait3A_379, %dma_wait3A_380] : memref<10000x128xf32, #tpu.memory_space<hbm>> -> memref<40x128xf32, #tpu.memory_space<hbm>>
      tpu.wait_dma2 semaphore(%dma_wait3A_375 : memref<!tpu.dma_semaphore, #tpu.memory_space<semaphore_mem>>) src(%dma_wait3A_381 : memref<40x128xf32, #tpu.memory_space<hbm>>) dst(%dma_wait3A_378 : memref<40x128xf32, #tpu.memory_space<vmem>>)
      %add3A_382 = arith.constant 6 : i32
      %add3A_383 = arith.addi %add3A_366, %add3A_382 : i32
      %sub3A_384 = arith.constant 1 : i32
      %sub3A_385 = arith.subi %add3A_383, %sub3A_384 : i32
      %lt3A_386 = arith.constant 250 : i32
      %lt3A_387 = arith.cmpi slt, %sub3A_385, %lt3A_386 : i32
      %convert_element_type3A = arith.extui %lt3A_387 : i1 to i32
      %cond3A = arith.constant 0 : i32
      %cond3A_388 = arith.cmpi ne, %convert_element_type3A, %cond3A : i32
      scf.if %cond3A_388 {
        %add3A_563 = arith.constant 6 : i32
        %add3A_564 = arith.addi %add3A_366, %add3A_563 : i32
        %sub3A_565 = arith.constant 1 : i32
        %sub3A_566 = arith.subi %add3A_564, %sub3A_565 : i32
        %mul3A_567 = arith.constant 40 : i32
        %mul3A_568 = arith.muli %sub3A_566, %mul3A_567 : i32
        %add3A_569 = arith.addi %rem3A_34, %mul3A_568 : i32
        %multiple_of3A_570 = tpu.assume_multiple %add3A_569, 8 : i32
        %dma_start3A_571 = arith.constant 5 : i32
        %dma_start3A_572 = arith.constant 200 : i32
        %dma_start3A_573 = arith.constant 0 : i32
        %dma_start3A_574 = tpu.memref_slice %arg7[%dma_start3A_572, %dma_start3A_573] : memref<240x128xf32, #tpu.memory_space<vmem>> -> memref<40x128xf32, #tpu.memory_space<vmem>>
        %dma_start3A_575 = tpu.memref_slice %arg5[%multiple_of3A_570] : memref<10112xi32, #tpu.memory_space<vmem>> -> memref<40xi32, #tpu.memory_space<vmem>>
        %dma_start3A_576 = arith.constant 0 : i32
        %dma_start3A_577 = arith.constant 0 : i32
        %dma_start3A_578 = tpu.memref_slice %arg2[%dma_start3A_576, %dma_start3A_577] : memref<10000x128xf32, #tpu.memory_space<hbm>> -> memref<10000x128xf32, #tpu.memory_space<hbm>>
        %dma_start3A_579 = tpu.memref_slice %arg9[%dma_start3A_571] : memref<6x!tpu.dma_semaphore, #tpu.memory_space<semaphore_mem>> -> memref<1x!tpu.dma_semaphore, #tpu.memory_space<semaphore_mem>>
        %dma_start3A_580 = tpu.memref_squeeze %dma_start3A_579 : memref<1x!tpu.dma_semaphore, #tpu.memory_space<semaphore_mem>> -> memref<!tpu.dma_semaphore, #tpu.memory_space<semaphore_mem>>
        tpu.enqueue_indirect_dma source(%dma_start3A_578 : memref<10000x128xf32, #tpu.memory_space<hbm>>) target(%dma_start3A_574 : memref<40x128xf32, #tpu.memory_space<vmem>>) offsets(%dma_start3A_575 : memref<40xi32, #tpu.memory_space<vmem>>) semaphore(%dma_start3A_580 : memref<!tpu.dma_semaphore, #tpu.memory_space<semaphore_mem>>)
      } else {
      }
      %mul3A_389 = arith.constant 6 : i32
      %mul3A_390 = arith.muli %mul3A_389, %scan3A_360 : i32
      %add3A_391 = arith.constant 0 : i32
      %add3A_392 = arith.addi %mul3A_390, %add3A_391 : i32
      %add3A_393 = arith.constant 1 : i32
      %add3A_394 = arith.addi %add3A_392, %add3A_393 : i32
      %dma_wait3A_395 = arith.constant 1 : i32
      %dma_wait3A_396 = arith.constant 40 : i32
      %dma_wait3A_397 = arith.constant 0 : i32
      %dma_wait3A_398 = tpu.memref_slice %arg7[%dma_wait3A_396, %dma_wait3A_397] : memref<240x128xf32, #tpu.memory_space<vmem>> -> memref<40x128xf32, #tpu.memory_space<vmem>>
      %dma_wait3A_399 = arith.constant 0 : i32
      %dma_wait3A_400 = arith.constant 0 : i32
      %dma_wait3A_401 = tpu.memref_slice %arg2[%dma_wait3A_399, %dma_wait3A_400] : memref<10000x128xf32, #tpu.memory_space<hbm>> -> memref<40x128xf32, #tpu.memory_space<hbm>>
      %dma_wait3A_402 = tpu.memref_slice %arg9[%dma_wait3A_395] : memref<6x!tpu.dma_semaphore, #tpu.memory_space<semaphore_mem>> -> memref<1x!tpu.dma_semaphore, #tpu.memory_space<semaphore_mem>>
      %dma_wait3A_403 = tpu.memref_squeeze %dma_wait3A_402 : memref<1x!tpu.dma_semaphore, #tpu.memory_space<semaphore_mem>> -> memref<!tpu.dma_semaphore, #tpu.memory_space<semaphore_mem>>
      %dma_wait3A_404 = arith.constant 40 : i32
      %dma_wait3A_405 = arith.constant 0 : i32
      %dma_wait3A_406 = tpu.memref_slice %arg7[%dma_wait3A_404, %dma_wait3A_405] : memref<240x128xf32, #tpu.memory_space<vmem>> -> memref<40x128xf32, #tpu.memory_space<vmem>>
      %dma_wait3A_407 = arith.constant 0 : i32
      %dma_wait3A_408 = arith.constant 0 : i32
      %dma_wait3A_409 = tpu.memref_slice %arg2[%dma_wait3A_407, %dma_wait3A_408] : memref<10000x128xf32, #tpu.memory_space<hbm>> -> memref<40x128xf32, #tpu.memory_space<hbm>>
      tpu.wait_dma2 semaphore(%dma_wait3A_403 : memref<!tpu.dma_semaphore, #tpu.memory_space<semaphore_mem>>) src(%dma_wait3A_409 : memref<40x128xf32, #tpu.memory_space<hbm>>) dst(%dma_wait3A_406 : memref<40x128xf32, #tpu.memory_space<vmem>>)
      %add3A_410 = arith.constant 6 : i32
      %add3A_411 = arith.addi %add3A_394, %add3A_410 : i32
      %sub3A_412 = arith.constant 1 : i32
      %sub3A_413 = arith.subi %add3A_411, %sub3A_412 : i32
      %lt3A_414 = arith.constant 250 : i32
      %lt3A_415 = arith.cmpi slt, %sub3A_413, %lt3A_414 : i32
      %convert_element_type3A_416 = arith.extui %lt3A_415 : i1 to i32
      %cond3A_417 = arith.constant 0 : i32
      %cond3A_418 = arith.cmpi ne, %convert_element_type3A_416, %cond3A_417 : i32
      scf.if %cond3A_418 {
        %add3A_563 = arith.constant 6 : i32
        %add3A_564 = arith.addi %add3A_394, %add3A_563 : i32
        %sub3A_565 = arith.constant 1 : i32
        %sub3A_566 = arith.subi %add3A_564, %sub3A_565 : i32
        %mul3A_567 = arith.constant 40 : i32
        %mul3A_568 = arith.muli %sub3A_566, %mul3A_567 : i32
        %add3A_569 = arith.addi %rem3A_34, %mul3A_568 : i32
        %multiple_of3A_570 = tpu.assume_multiple %add3A_569, 8 : i32
        %dma_start3A_571 = arith.constant 0 : i32
        %dma_start3A_572 = arith.constant 0 : i32
        %dma_start3A_573 = arith.constant 0 : i32
        %dma_start3A_574 = tpu.memref_slice %arg7[%dma_start3A_572, %dma_start3A_573] : memref<240x128xf32, #tpu.memory_space<vmem>> -> memref<40x128xf32, #tpu.memory_space<vmem>>
        %dma_start3A_575 = tpu.memref_slice %arg5[%multiple_of3A_570] : memref<10112xi32, #tpu.memory_space<vmem>> -> memref<40xi32, #tpu.memory_space<vmem>>
        %dma_start3A_576 = arith.constant 0 : i32
        %dma_start3A_577 = arith.constant 0 : i32
        %dma_start3A_578 = tpu.memref_slice %arg2[%dma_start3A_576, %dma_start3A_577] : memref<10000x128xf32, #tpu.memory_space<hbm>> -> memref<10000x128xf32, #tpu.memory_space<hbm>>
        %dma_start3A_579 = tpu.memref_slice %arg9[%dma_start3A_571] : memref<6x!tpu.dma_semaphore, #tpu.memory_space<semaphore_mem>> -> memref<1x!tpu.dma_semaphore, #tpu.memory_space<semaphore_mem>>
        %dma_start3A_580 = tpu.memref_squeeze %dma_start3A_579 : memref<1x!tpu.dma_semaphore, #tpu.memory_space<semaphore_mem>> -> memref<!tpu.dma_semaphore, #tpu.memory_space<semaphore_mem>>
        tpu.enqueue_indirect_dma source(%dma_start3A_578 : memref<10000x128xf32, #tpu.memory_space<hbm>>) target(%dma_start3A_574 : memref<40x128xf32, #tpu.memory_space<vmem>>) offsets(%dma_start3A_575 : memref<40xi32, #tpu.memory_space<vmem>>) semaphore(%dma_start3A_580 : memref<!tpu.dma_semaphore, #tpu.memory_space<semaphore_mem>>)
      } else {
      }
      %mul3A_419 = arith.constant 3 : i32
      %mul3A_420 = arith.muli %mul3A_419, %scan3A_360 : i32
      %add3A_421 = arith.constant 0 : i32
      %add3A_422 = arith.addi %mul3A_420, %add3A_421 : i32
      %mul3A_423 = arith.constant 80 : i32
      %mul3A_424 = arith.muli %add3A_422, %mul3A_423 : i32
      %add3A_425 = arith.addi %rem3A_34, %mul3A_424 : i32
      %multiple_of3A_426 = tpu.assume_multiple %add3A_425, 8 : i32
      "tpu.region"() ({
        %run_scoped3A_563 = tpu.sem_alloc : memref<!tpu.dma_semaphore, #tpu.memory_space<semaphore_mem>>
        %dma_start3A_564 = arith.constant 0 : i32
        %dma_start3A_565 = arith.constant 0 : i32
        %dma_start3A_566 = tpu.memref_slice %arg7[%dma_start3A_564, %dma_start3A_565] : memref<240x128xf32, #tpu.memory_space<vmem>> -> memref<80x128xf32, #tpu.memory_space<vmem>>
        %dma_start3A_567 = tpu.memref_slice %arg6[%multiple_of3A_426] : memref<10112xi32, #tpu.memory_space<vmem>> -> memref<80xi32, #tpu.memory_space<vmem>>
        %dma_start3A_568 = arith.constant 0 : i32
        %dma_start3A_569 = arith.constant 0 : i32
        %dma_start3A_570 = tpu.memref_slice %arg8[%dma_start3A_568, %dma_start3A_569] : memref<10000x128xf32, #tpu.memory_space<vmem_shared>> -> memref<10000x128xf32, #tpu.memory_space<vmem_shared>>
        tpu.enqueue_indirect_dma source(%dma_start3A_566 : memref<80x128xf32, #tpu.memory_space<vmem>>) target(%dma_start3A_570 : memref<10000x128xf32, #tpu.memory_space<vmem_shared>>) offsets(%dma_start3A_567 : memref<80xi32, #tpu.memory_space<vmem>>) semaphore(%run_scoped3A_563 : memref<!tpu.dma_semaphore, #tpu.memory_space<semaphore_mem>>) {add = true}
        %dma_wait3A_571 = arith.constant 0 : i32
        %dma_wait3A_572 = arith.constant 0 : i32
        %dma_wait3A_573 = tpu.memref_slice %arg7[%dma_wait3A_571, %dma_wait3A_572] : memref<240x128xf32, #tpu.memory_space<vmem>> -> memref<80x128xf32, #tpu.memory_space<vmem>>
        %dma_wait3A_574 = tpu.memref_slice %arg6[%multiple_of3A_426] : memref<10112xi32, #tpu.memory_space<vmem>> -> memref<80xi32, #tpu.memory_space<vmem>>
        %dma_wait3A_575 = arith.constant 0 : i32
        %dma_wait3A_576 = arith.constant 0 : i32
        %dma_wait3A_577 = tpu.memref_slice %arg8[%dma_wait3A_575, %dma_wait3A_576] : memref<10000x128xf32, #tpu.memory_space<vmem_shared>> -> memref<10000x128xf32, #tpu.memory_space<vmem_shared>>
        tpu.wait_indirect_dma semaphore(%run_scoped3A_563 : memref<!tpu.dma_semaphore, #tpu.memory_space<semaphore_mem>>) src(%dma_wait3A_573 : memref<80x128xf32, #tpu.memory_space<vmem>>) dst(%dma_wait3A_577 : memref<10000x128xf32, #tpu.memory_space<vmem_shared>>)
        tpu.yield
      }) : () -> ()
      %mul3A_427 = arith.constant 6 : i32
      %mul3A_428 = arith.muli %mul3A_427, %scan3A_360 : i32
      %add3A_429 = arith.constant 2 : i32
      %add3A_430 = arith.addi %mul3A_428, %add3A_429 : i32
      %add3A_431 = arith.constant 0 : i32
      %add3A_432 = arith.addi %add3A_430, %add3A_431 : i32
      %dma_wait3A_433 = arith.constant 2 : i32
      %dma_wait3A_434 = arith.constant 80 : i32
      %dma_wait3A_435 = arith.constant 0 : i32
      %dma_wait3A_436 = tpu.memref_slice %arg7[%dma_wait3A_434, %dma_wait3A_435] : memref<240x128xf32, #tpu.memory_space<vmem>> -> memref<40x128xf32, #tpu.memory_space<vmem>>
      %dma_wait3A_437 = arith.constant 0 : i32
      %dma_wait3A_438 = arith.constant 0 : i32
      %dma_wait3A_439 = tpu.memref_slice %arg2[%dma_wait3A_437, %dma_wait3A_438] : memref<10000x128xf32, #tpu.memory_space<hbm>> -> memref<40x128xf32, #tpu.memory_space<hbm>>
      %dma_wait3A_440 = tpu.memref_slice %arg9[%dma_wait3A_433] : memref<6x!tpu.dma_semaphore, #tpu.memory_space<semaphore_mem>> -> memref<1x!tpu.dma_semaphore, #tpu.memory_space<semaphore_mem>>
      %dma_wait3A_441 = tpu.memref_squeeze %dma_wait3A_440 : memref<1x!tpu.dma_semaphore, #tpu.memory_space<semaphore_mem>> -> memref<!tpu.dma_semaphore, #tpu.memory_space<semaphore_mem>>
      %dma_wait3A_442 = arith.constant 80 : i32
      %dma_wait3A_443 = arith.constant 0 : i32
      %dma_wait3A_444 = tpu.memref_slice %arg7[%dma_wait3A_442, %dma_wait3A_443] : memref<240x128xf32, #tpu.memory_space<vmem>> -> memref<40x128xf32, #tpu.memory_space<vmem>>
      %dma_wait3A_445 = arith.constant 0 : i32
      %dma_wait3A_446 = arith.constant 0 : i32
      %dma_wait3A_447 = tpu.memref_slice %arg2[%dma_wait3A_445, %dma_wait3A_446] : memref<10000x128xf32, #tpu.memory_space<hbm>> -> memref<40x128xf32, #tpu.memory_space<hbm>>
      tpu.wait_dma2 semaphore(%dma_wait3A_441 : memref<!tpu.dma_semaphore, #tpu.memory_space<semaphore_mem>>) src(%dma_wait3A_447 : memref<40x128xf32, #tpu.memory_space<hbm>>) dst(%dma_wait3A_444 : memref<40x128xf32, #tpu.memory_space<vmem>>)
      %add3A_448 = arith.constant 6 : i32
      %add3A_449 = arith.addi %add3A_432, %add3A_448 : i32
      %sub3A_450 = arith.constant 1 : i32
      %sub3A_451 = arith.subi %add3A_449, %sub3A_450 : i32
      %lt3A_452 = arith.constant 250 : i32
      %lt3A_453 = arith.cmpi slt, %sub3A_451, %lt3A_452 : i32
      %convert_element_type3A_454 = arith.extui %lt3A_453 : i1 to i32
      %cond3A_455 = arith.constant 0 : i32
      %cond3A_456 = arith.cmpi ne, %convert_element_type3A_454, %cond3A_455 : i32
      scf.if %cond3A_456 {
        %add3A_563 = arith.constant 6 : i32
        %add3A_564 = arith.addi %add3A_432, %add3A_563 : i32
        %sub3A_565 = arith.constant 1 : i32
        %sub3A_566 = arith.subi %add3A_564, %sub3A_565 : i32
        %mul3A_567 = arith.constant 40 : i32
        %mul3A_568 = arith.muli %sub3A_566, %mul3A_567 : i32
        %add3A_569 = arith.addi %rem3A_34, %mul3A_568 : i32
        %multiple_of3A_570 = tpu.assume_multiple %add3A_569, 8 : i32
        %dma_start3A_571 = arith.constant 1 : i32
        %dma_start3A_572 = arith.constant 40 : i32
        %dma_start3A_573 = arith.constant 0 : i32
        %dma_start3A_574 = tpu.memref_slice %arg7[%dma_start3A_572, %dma_start3A_573] : memref<240x128xf32, #tpu.memory_space<vmem>> -> memref<40x128xf32, #tpu.memory_space<vmem>>
        %dma_start3A_575 = tpu.memref_slice %arg5[%multiple_of3A_570] : memref<10112xi32, #tpu.memory_space<vmem>> -> memref<40xi32, #tpu.memory_space<vmem>>
        %dma_start3A_576 = arith.constant 0 : i32
        %dma_start3A_577 = arith.constant 0 : i32
        %dma_start3A_578 = tpu.memref_slice %arg2[%dma_start3A_576, %dma_start3A_577] : memref<10000x128xf32, #tpu.memory_space<hbm>> -> memref<10000x128xf32, #tpu.memory_space<hbm>>
        %dma_start3A_579 = tpu.memref_slice %arg9[%dma_start3A_571] : memref<6x!tpu.dma_semaphore, #tpu.memory_space<semaphore_mem>> -> memref<1x!tpu.dma_semaphore, #tpu.memory_space<semaphore_mem>>
        %dma_start3A_580 = tpu.memref_squeeze %dma_start3A_579 : memref<1x!tpu.dma_semaphore, #tpu.memory_space<semaphore_mem>> -> memref<!tpu.dma_semaphore, #tpu.memory_space<semaphore_mem>>
        tpu.enqueue_indirect_dma source(%dma_start3A_578 : memref<10000x128xf32, #tpu.memory_space<hbm>>) target(%dma_start3A_574 : memref<40x128xf32, #tpu.memory_space<vmem>>) offsets(%dma_start3A_575 : memref<40xi32, #tpu.memory_space<vmem>>) semaphore(%dma_start3A_580 : memref<!tpu.dma_semaphore, #tpu.memory_space<semaphore_mem>>)
      } else {
      }
      %mul3A_457 = arith.constant 6 : i32
      %mul3A_458 = arith.muli %mul3A_457, %scan3A_360 : i32
      %add3A_459 = arith.constant 2 : i32
      %add3A_460 = arith.addi %mul3A_458, %add3A_459 : i32
      %add3A_461 = arith.constant 1 : i32
      %add3A_462 = arith.addi %add3A_460, %add3A_461 : i32
      %dma_wait3A_463 = arith.constant 3 : i32
      %dma_wait3A_464 = arith.constant 120 : i32
      %dma_wait3A_465 = arith.constant 0 : i32
      %dma_wait3A_466 = tpu.memref_slice %arg7[%dma_wait3A_464, %dma_wait3A_465] : memref<240x128xf32, #tpu.memory_space<vmem>> -> memref<40x128xf32, #tpu.memory_space<vmem>>
      %dma_wait3A_467 = arith.constant 0 : i32
      %dma_wait3A_468 = arith.constant 0 : i32
      %dma_wait3A_469 = tpu.memref_slice %arg2[%dma_wait3A_467, %dma_wait3A_468] : memref<10000x128xf32, #tpu.memory_space<hbm>> -> memref<40x128xf32, #tpu.memory_space<hbm>>
      %dma_wait3A_470 = tpu.memref_slice %arg9[%dma_wait3A_463] : memref<6x!tpu.dma_semaphore, #tpu.memory_space<semaphore_mem>> -> memref<1x!tpu.dma_semaphore, #tpu.memory_space<semaphore_mem>>
      %dma_wait3A_471 = tpu.memref_squeeze %dma_wait3A_470 : memref<1x!tpu.dma_semaphore, #tpu.memory_space<semaphore_mem>> -> memref<!tpu.dma_semaphore, #tpu.memory_space<semaphore_mem>>
      %dma_wait3A_472 = arith.constant 120 : i32
      %dma_wait3A_473 = arith.constant 0 : i32
      %dma_wait3A_474 = tpu.memref_slice %arg7[%dma_wait3A_472, %dma_wait3A_473] : memref<240x128xf32, #tpu.memory_space<vmem>> -> memref<40x128xf32, #tpu.memory_space<vmem>>
      %dma_wait3A_475 = arith.constant 0 : i32
      %dma_wait3A_476 = arith.constant 0 : i32
      %dma_wait3A_477 = tpu.memref_slice %arg2[%dma_wait3A_475, %dma_wait3A_476] : memref<10000x128xf32, #tpu.memory_space<hbm>> -> memref<40x128xf32, #tpu.memory_space<hbm>>
      tpu.wait_dma2 semaphore(%dma_wait3A_471 : memref<!tpu.dma_semaphore, #tpu.memory_space<semaphore_mem>>) src(%dma_wait3A_477 : memref<40x128xf32, #tpu.memory_space<hbm>>) dst(%dma_wait3A_474 : memref<40x128xf32, #tpu.memory_space<vmem>>)
      %add3A_478 = arith.constant 6 : i32
      %add3A_479 = arith.addi %add3A_462, %add3A_478 : i32
      %sub3A_480 = arith.constant 1 : i32
      %sub3A_481 = arith.subi %add3A_479, %sub3A_480 : i32
      %lt3A_482 = arith.constant 250 : i32
      %lt3A_483 = arith.cmpi slt, %sub3A_481, %lt3A_482 : i32
      %convert_element_type3A_484 = arith.extui %lt3A_483 : i1 to i32
      %cond3A_485 = arith.constant 0 : i32
      %cond3A_486 = arith.cmpi ne, %convert_element_type3A_484, %cond3A_485 : i32
      scf.if %cond3A_486 {
        %add3A_563 = arith.constant 6 : i32
        %add3A_564 = arith.addi %add3A_462, %add3A_563 : i32
        %sub3A_565 = arith.constant 1 : i32
        %sub3A_566 = arith.subi %add3A_564, %sub3A_565 : i32
        %mul3A_567 = arith.constant 40 : i32
        %mul3A_568 = arith.muli %sub3A_566, %mul3A_567 : i32
        %add3A_569 = arith.addi %rem3A_34, %mul3A_568 : i32
        %multiple_of3A_570 = tpu.assume_multiple %add3A_569, 8 : i32
        %dma_start3A_571 = arith.constant 2 : i32
        %dma_start3A_572 = arith.constant 80 : i32
        %dma_start3A_573 = arith.constant 0 : i32
        %dma_start3A_574 = tpu.memref_slice %arg7[%dma_start3A_572, %dma_start3A_573] : memref<240x128xf32, #tpu.memory_space<vmem>> -> memref<40x128xf32, #tpu.memory_space<vmem>>
        %dma_start3A_575 = tpu.memref_slice %arg5[%multiple_of3A_570] : memref<10112xi32, #tpu.memory_space<vmem>> -> memref<40xi32, #tpu.memory_space<vmem>>
        %dma_start3A_576 = arith.constant 0 : i32
        %dma_start3A_577 = arith.constant 0 : i32
        %dma_start3A_578 = tpu.memref_slice %arg2[%dma_start3A_576, %dma_start3A_577] : memref<10000x128xf32, #tpu.memory_space<hbm>> -> memref<10000x128xf32, #tpu.memory_space<hbm>>
        %dma_start3A_579 = tpu.memref_slice %arg9[%dma_start3A_571] : memref<6x!tpu.dma_semaphore, #tpu.memory_space<semaphore_mem>> -> memref<1x!tpu.dma_semaphore, #tpu.memory_space<semaphore_mem>>
        %dma_start3A_580 = tpu.memref_squeeze %dma_start3A_579 : memref<1x!tpu.dma_semaphore, #tpu.memory_space<semaphore_mem>> -> memref<!tpu.dma_semaphore, #tpu.memory_space<semaphore_mem>>
        tpu.enqueue_indirect_dma source(%dma_start3A_578 : memref<10000x128xf32, #tpu.memory_space<hbm>>) target(%dma_start3A_574 : memref<40x128xf32, #tpu.memory_space<vmem>>) offsets(%dma_start3A_575 : memref<40xi32, #tpu.memory_space<vmem>>) semaphore(%dma_start3A_580 : memref<!tpu.dma_semaphore, #tpu.memory_space<semaphore_mem>>)
      } else {
      }
      %mul3A_487 = arith.constant 3 : i32
      %mul3A_488 = arith.muli %mul3A_487, %scan3A_360 : i32
      %add3A_489 = arith.constant 1 : i32
      %add3A_490 = arith.addi %mul3A_488, %add3A_489 : i32
      %mul3A_491 = arith.constant 80 : i32
      %mul3A_492 = arith.muli %add3A_490, %mul3A_491 : i32
      %add3A_493 = arith.addi %rem3A_34, %mul3A_492 : i32
      %multiple_of3A_494 = tpu.assume_multiple %add3A_493, 8 : i32
      "tpu.region"() ({
        %run_scoped3A_563 = tpu.sem_alloc : memref<!tpu.dma_semaphore, #tpu.memory_space<semaphore_mem>>
        %dma_start3A_564 = arith.constant 80 : i32
        %dma_start3A_565 = arith.constant 0 : i32
        %dma_start3A_566 = tpu.memref_slice %arg7[%dma_start3A_564, %dma_start3A_565] : memref<240x128xf32, #tpu.memory_space<vmem>> -> memref<80x128xf32, #tpu.memory_space<vmem>>
        %dma_start3A_567 = tpu.memref_slice %arg6[%multiple_of3A_494] : memref<10112xi32, #tpu.memory_space<vmem>> -> memref<80xi32, #tpu.memory_space<vmem>>
        %dma_start3A_568 = arith.constant 0 : i32
        %dma_start3A_569 = arith.constant 0 : i32
        %dma_start3A_570 = tpu.memref_slice %arg8[%dma_start3A_568, %dma_start3A_569] : memref<10000x128xf32, #tpu.memory_space<vmem_shared>> -> memref<10000x128xf32, #tpu.memory_space<vmem_shared>>
        tpu.enqueue_indirect_dma source(%dma_start3A_566 : memref<80x128xf32, #tpu.memory_space<vmem>>) target(%dma_start3A_570 : memref<10000x128xf32, #tpu.memory_space<vmem_shared>>) offsets(%dma_start3A_567 : memref<80xi32, #tpu.memory_space<vmem>>) semaphore(%run_scoped3A_563 : memref<!tpu.dma_semaphore, #tpu.memory_space<semaphore_mem>>) {add = true}
        %dma_wait3A_571 = arith.constant 80 : i32
        %dma_wait3A_572 = arith.constant 0 : i32
        %dma_wait3A_573 = tpu.memref_slice %arg7[%dma_wait3A_571, %dma_wait3A_572] : memref<240x128xf32, #tpu.memory_space<vmem>> -> memref<80x128xf32, #tpu.memory_space<vmem>>
        %dma_wait3A_574 = tpu.memref_slice %arg6[%multiple_of3A_494] : memref<10112xi32, #tpu.memory_space<vmem>> -> memref<80xi32, #tpu.memory_space<vmem>>
        %dma_wait3A_575 = arith.constant 0 : i32
        %dma_wait3A_576 = arith.constant 0 : i32
        %dma_wait3A_577 = tpu.memref_slice %arg8[%dma_wait3A_575, %dma_wait3A_576] : memref<10000x128xf32, #tpu.memory_space<vmem_shared>> -> memref<10000x128xf32, #tpu.memory_space<vmem_shared>>
        tpu.wait_indirect_dma semaphore(%run_scoped3A_563 : memref<!tpu.dma_semaphore, #tpu.memory_space<semaphore_mem>>) src(%dma_wait3A_573 : memref<80x128xf32, #tpu.memory_space<vmem>>) dst(%dma_wait3A_577 : memref<10000x128xf32, #tpu.memory_space<vmem_shared>>)
        tpu.yield
      }) : () -> ()
      %mul3A_495 = arith.constant 6 : i32
      %mul3A_496 = arith.muli %mul3A_495, %scan3A_360 : i32
      %add3A_497 = arith.constant 4 : i32
      %add3A_498 = arith.addi %mul3A_496, %add3A_497 : i32
      %add3A_499 = arith.constant 0 : i32
      %add3A_500 = arith.addi %add3A_498, %add3A_499 : i32
      %dma_wait3A_501 = arith.constant 4 : i32
      %dma_wait3A_502 = arith.constant 160 : i32
      %dma_wait3A_503 = arith.constant 0 : i32
      %dma_wait3A_504 = tpu.memref_slice %arg7[%dma_wait3A_502, %dma_wait3A_503] : memref<240x128xf32, #tpu.memory_space<vmem>> -> memref<40x128xf32, #tpu.memory_space<vmem>>
      %dma_wait3A_505 = arith.constant 0 : i32
      %dma_wait3A_506 = arith.constant 0 : i32
      %dma_wait3A_507 = tpu.memref_slice %arg2[%dma_wait3A_505, %dma_wait3A_506] : memref<10000x128xf32, #tpu.memory_space<hbm>> -> memref<40x128xf32, #tpu.memory_space<hbm>>
      %dma_wait3A_508 = tpu.memref_slice %arg9[%dma_wait3A_501] : memref<6x!tpu.dma_semaphore, #tpu.memory_space<semaphore_mem>> -> memref<1x!tpu.dma_semaphore, #tpu.memory_space<semaphore_mem>>
      %dma_wait3A_509 = tpu.memref_squeeze %dma_wait3A_508 : memref<1x!tpu.dma_semaphore, #tpu.memory_space<semaphore_mem>> -> memref<!tpu.dma_semaphore, #tpu.memory_space<semaphore_mem>>
      %dma_wait3A_510 = arith.constant 160 : i32
      %dma_wait3A_511 = arith.constant 0 : i32
      %dma_wait3A_512 = tpu.memref_slice %arg7[%dma_wait3A_510, %dma_wait3A_511] : memref<240x128xf32, #tpu.memory_space<vmem>> -> memref<40x128xf32, #tpu.memory_space<vmem>>
      %dma_wait3A_513 = arith.constant 0 : i32
      %dma_wait3A_514 = arith.constant 0 : i32
      %dma_wait3A_515 = tpu.memref_slice %arg2[%dma_wait3A_513, %dma_wait3A_514] : memref<10000x128xf32, #tpu.memory_space<hbm>> -> memref<40x128xf32, #tpu.memory_space<hbm>>
      tpu.wait_dma2 semaphore(%dma_wait3A_509 : memref<!tpu.dma_semaphore, #tpu.memory_space<semaphore_mem>>) src(%dma_wait3A_515 : memref<40x128xf32, #tpu.memory_space<hbm>>) dst(%dma_wait3A_512 : memref<40x128xf32, #tpu.memory_space<vmem>>)
      %add3A_516 = arith.constant 6 : i32
      %add3A_517 = arith.addi %add3A_500, %add3A_516 : i32
      %sub3A_518 = arith.constant 1 : i32
      %sub3A_519 = arith.subi %add3A_517, %sub3A_518 : i32
      %lt3A_520 = arith.constant 250 : i32
      %lt3A_521 = arith.cmpi slt, %sub3A_519, %lt3A_520 : i32
      %convert_element_type3A_522 = arith.extui %lt3A_521 : i1 to i32
      %cond3A_523 = arith.constant 0 : i32
      %cond3A_524 = arith.cmpi ne, %convert_element_type3A_522, %cond3A_523 : i32
      scf.if %cond3A_524 {
        %add3A_563 = arith.constant 6 : i32
        %add3A_564 = arith.addi %add3A_500, %add3A_563 : i32
        %sub3A_565 = arith.constant 1 : i32
        %sub3A_566 = arith.subi %add3A_564, %sub3A_565 : i32
        %mul3A_567 = arith.constant 40 : i32
        %mul3A_568 = arith.muli %sub3A_566, %mul3A_567 : i32
        %add3A_569 = arith.addi %rem3A_34, %mul3A_568 : i32
        %multiple_of3A_570 = tpu.assume_multiple %add3A_569, 8 : i32
        %dma_start3A_571 = arith.constant 3 : i32
        %dma_start3A_572 = arith.constant 120 : i32
        %dma_start3A_573 = arith.constant 0 : i32
        %dma_start3A_574 = tpu.memref_slice %arg7[%dma_start3A_572, %dma_start3A_573] : memref<240x128xf32, #tpu.memory_space<vmem>> -> memref<40x128xf32, #tpu.memory_space<vmem>>
        %dma_start3A_575 = tpu.memref_slice %arg5[%multiple_of3A_570] : memref<10112xi32, #tpu.memory_space<vmem>> -> memref<40xi32, #tpu.memory_space<vmem>>
        %dma_start3A_576 = arith.constant 0 : i32
        %dma_start3A_577 = arith.constant 0 : i32
        %dma_start3A_578 = tpu.memref_slice %arg2[%dma_start3A_576, %dma_start3A_577] : memref<10000x128xf32, #tpu.memory_space<hbm>> -> memref<10000x128xf32, #tpu.memory_space<hbm>>
        %dma_start3A_579 = tpu.memref_slice %arg9[%dma_start3A_571] : memref<6x!tpu.dma_semaphore, #tpu.memory_space<semaphore_mem>> -> memref<1x!tpu.dma_semaphore, #tpu.memory_space<semaphore_mem>>
        %dma_start3A_580 = tpu.memref_squeeze %dma_start3A_579 : memref<1x!tpu.dma_semaphore, #tpu.memory_space<semaphore_mem>> -> memref<!tpu.dma_semaphore, #tpu.memory_space<semaphore_mem>>
        tpu.enqueue_indirect_dma source(%dma_start3A_578 : memref<10000x128xf32, #tpu.memory_space<hbm>>) target(%dma_start3A_574 : memref<40x128xf32, #tpu.memory_space<vmem>>) offsets(%dma_start3A_575 : memref<40xi32, #tpu.memory_space<vmem>>) semaphore(%dma_start3A_580 : memref<!tpu.dma_semaphore, #tpu.memory_space<semaphore_mem>>)
      } else {
      }
      %mul3A_525 = arith.constant 6 : i32
      %mul3A_526 = arith.muli %mul3A_525, %scan3A_360 : i32
      %add3A_527 = arith.constant 4 : i32
      %add3A_528 = arith.addi %mul3A_526, %add3A_527 : i32
      %add3A_529 = arith.constant 1 : i32
      %add3A_530 = arith.addi %add3A_528, %add3A_529 : i32
      %dma_wait3A_531 = arith.constant 5 : i32
      %dma_wait3A_532 = arith.constant 200 : i32
      %dma_wait3A_533 = arith.constant 0 : i32
      %dma_wait3A_534 = tpu.memref_slice %arg7[%dma_wait3A_532, %dma_wait3A_533] : memref<240x128xf32, #tpu.memory_space<vmem>> -> memref<40x128xf32, #tpu.memory_space<vmem>>
      %dma_wait3A_535 = arith.constant 0 : i32
      %dma_wait3A_536 = arith.constant 0 : i32
      %dma_wait3A_537 = tpu.memref_slice %arg2[%dma_wait3A_535, %dma_wait3A_536] : memref<10000x128xf32, #tpu.memory_space<hbm>> -> memref<40x128xf32, #tpu.memory_space<hbm>>
      %dma_wait3A_538 = tpu.memref_slice %arg9[%dma_wait3A_531] : memref<6x!tpu.dma_semaphore, #tpu.memory_space<semaphore_mem>> -> memref<1x!tpu.dma_semaphore, #tpu.memory_space<semaphore_mem>>
      %dma_wait3A_539 = tpu.memref_squeeze %dma_wait3A_538 : memref<1x!tpu.dma_semaphore, #tpu.memory_space<semaphore_mem>> -> memref<!tpu.dma_semaphore, #tpu.memory_space<semaphore_mem>>
      %dma_wait3A_540 = arith.constant 200 : i32
      %dma_wait3A_541 = arith.constant 0 : i32
      %dma_wait3A_542 = tpu.memref_slice %arg7[%dma_wait3A_540, %dma_wait3A_541] : memref<240x128xf32, #tpu.memory_space<vmem>> -> memref<40x128xf32, #tpu.memory_space<vmem>>
      %dma_wait3A_543 = arith.constant 0 : i32
      %dma_wait3A_544 = arith.constant 0 : i32
      %dma_wait3A_545 = tpu.memref_slice %arg2[%dma_wait3A_543, %dma_wait3A_544] : memref<10000x128xf32, #tpu.memory_space<hbm>> -> memref<40x128xf32, #tpu.memory_space<hbm>>
      tpu.wait_dma2 semaphore(%dma_wait3A_539 : memref<!tpu.dma_semaphore, #tpu.memory_space<semaphore_mem>>) src(%dma_wait3A_545 : memref<40x128xf32, #tpu.memory_space<hbm>>) dst(%dma_wait3A_542 : memref<40x128xf32, #tpu.memory_space<vmem>>)
      %add3A_546 = arith.constant 6 : i32
      %add3A_547 = arith.addi %add3A_530, %add3A_546 : i32
      %sub3A_548 = arith.constant 1 : i32
      %sub3A_549 = arith.subi %add3A_547, %sub3A_548 : i32
      %lt3A_550 = arith.constant 250 : i32
      %lt3A_551 = arith.cmpi slt, %sub3A_549, %lt3A_550 : i32
      %convert_element_type3A_552 = arith.extui %lt3A_551 : i1 to i32
      %cond3A_553 = arith.constant 0 : i32
      %cond3A_554 = arith.cmpi ne, %convert_element_type3A_552, %cond3A_553 : i32
      scf.if %cond3A_554 {
        %add3A_563 = arith.constant 6 : i32
        %add3A_564 = arith.addi %add3A_530, %add3A_563 : i32
        %sub3A_565 = arith.constant 1 : i32
        %sub3A_566 = arith.subi %add3A_564, %sub3A_565 : i32
        %mul3A_567 = arith.constant 40 : i32
        %mul3A_568 = arith.muli %sub3A_566, %mul3A_567 : i32
        %add3A_569 = arith.addi %rem3A_34, %mul3A_568 : i32
        %multiple_of3A_570 = tpu.assume_multiple %add3A_569, 8 : i32
        %dma_start3A_571 = arith.constant 4 : i32
        %dma_start3A_572 = arith.constant 160 : i32
        %dma_start3A_573 = arith.constant 0 : i32
        %dma_start3A_574 = tpu.memref_slice %arg7[%dma_start3A_572, %dma_start3A_573] : memref<240x128xf32, #tpu.memory_space<vmem>> -> memref<40x128xf32, #tpu.memory_space<vmem>>
        %dma_start3A_575 = tpu.memref_slice %arg5[%multiple_of3A_570] : memref<10112xi32, #tpu.memory_space<vmem>> -> memref<40xi32, #tpu.memory_space<vmem>>
        %dma_start3A_576 = arith.constant 0 : i32
        %dma_start3A_577 = arith.constant 0 : i32
        %dma_start3A_578 = tpu.memref_slice %arg2[%dma_start3A_576, %dma_start3A_577] : memref<10000x128xf32, #tpu.memory_space<hbm>> -> memref<10000x128xf32, #tpu.memory_space<hbm>>
        %dma_start3A_579 = tpu.memref_slice %arg9[%dma_start3A_571] : memref<6x!tpu.dma_semaphore, #tpu.memory_space<semaphore_mem>> -> memref<1x!tpu.dma_semaphore, #tpu.memory_space<semaphore_mem>>
        %dma_start3A_580 = tpu.memref_squeeze %dma_start3A_579 : memref<1x!tpu.dma_semaphore, #tpu.memory_space<semaphore_mem>> -> memref<!tpu.dma_semaphore, #tpu.memory_space<semaphore_mem>>
        tpu.enqueue_indirect_dma source(%dma_start3A_578 : memref<10000x128xf32, #tpu.memory_space<hbm>>) target(%dma_start3A_574 : memref<40x128xf32, #tpu.memory_space<vmem>>) offsets(%dma_start3A_575 : memref<40xi32, #tpu.memory_space<vmem>>) semaphore(%dma_start3A_580 : memref<!tpu.dma_semaphore, #tpu.memory_space<semaphore_mem>>)
      } else {
      }
      %mul3A_555 = arith.constant 3 : i32
      %mul3A_556 = arith.muli %mul3A_555, %scan3A_360 : i32
      %add3A_557 = arith.constant 2 : i32
      %add3A_558 = arith.addi %mul3A_556, %add3A_557 : i32
      %mul3A_559 = arith.constant 80 : i32
      %mul3A_560 = arith.muli %add3A_558, %mul3A_559 : i32
      %add3A_561 = arith.addi %rem3A_34, %mul3A_560 : i32
      %multiple_of3A_562 = tpu.assume_multiple %add3A_561, 8 : i32
      "tpu.region"() ({
        %run_scoped3A_563 = tpu.sem_alloc : memref<!tpu.dma_semaphore, #tpu.memory_space<semaphore_mem>>
        %dma_start3A_564 = arith.constant 160 : i32
        %dma_start3A_565 = arith.constant 0 : i32
        %dma_start3A_566 = tpu.memref_slice %arg7[%dma_start3A_564, %dma_start3A_565] : memref<240x128xf32, #tpu.memory_space<vmem>> -> memref<80x128xf32, #tpu.memory_space<vmem>>
        %dma_start3A_567 = tpu.memref_slice %arg6[%multiple_of3A_562] : memref<10112xi32, #tpu.memory_space<vmem>> -> memref<80xi32, #tpu.memory_space<vmem>>
        %dma_start3A_568 = arith.constant 0 : i32
        %dma_start3A_569 = arith.constant 0 : i32
        %dma_start3A_570 = tpu.memref_slice %arg8[%dma_start3A_568, %dma_start3A_569] : memref<10000x128xf32, #tpu.memory_space<vmem_shared>> -> memref<10000x128xf32, #tpu.memory_space<vmem_shared>>
        tpu.enqueue_indirect_dma source(%dma_start3A_566 : memref<80x128xf32, #tpu.memory_space<vmem>>) target(%dma_start3A_570 : memref<10000x128xf32, #tpu.memory_space<vmem_shared>>) offsets(%dma_start3A_567 : memref<80xi32, #tpu.memory_space<vmem>>) semaphore(%run_scoped3A_563 : memref<!tpu.dma_semaphore, #tpu.memory_space<semaphore_mem>>) {add = true}
        %dma_wait3A_571 = arith.constant 160 : i32
        %dma_wait3A_572 = arith.constant 0 : i32
        %dma_wait3A_573 = tpu.memref_slice %arg7[%dma_wait3A_571, %dma_wait3A_572] : memref<240x128xf32, #tpu.memory_space<vmem>> -> memref<80x128xf32, #tpu.memory_space<vmem>>
        %dma_wait3A_574 = tpu.memref_slice %arg6[%multiple_of3A_562] : memref<10112xi32, #tpu.memory_space<vmem>> -> memref<80xi32, #tpu.memory_space<vmem>>
        %dma_wait3A_575 = arith.constant 0 : i32
        %dma_wait3A_576 = arith.constant 0 : i32
        %dma_wait3A_577 = tpu.memref_slice %arg8[%dma_wait3A_575, %dma_wait3A_576] : memref<10000x128xf32, #tpu.memory_space<vmem_shared>> -> memref<10000x128xf32, #tpu.memory_space<vmem_shared>>
        tpu.wait_indirect_dma semaphore(%run_scoped3A_563 : memref<!tpu.dma_semaphore, #tpu.memory_space<semaphore_mem>>) src(%dma_wait3A_573 : memref<80x128xf32, #tpu.memory_space<vmem>>) dst(%dma_wait3A_577 : memref<10000x128xf32, #tpu.memory_space<vmem_shared>>)
        tpu.yield
      }) : () -> ()
    }
    %scan3A_107 = arith.constant 41 : i32
    %dma_wait3A = arith.constant 0 : i32
    %dma_wait3A_108 = arith.constant 0 : i32
    %dma_wait3A_109 = arith.constant 0 : i32
    %dma_wait3A_110 = tpu.memref_slice %arg7[%dma_wait3A_108, %dma_wait3A_109] : memref<240x128xf32, #tpu.memory_space<vmem>> -> memref<40x128xf32, #tpu.memory_space<vmem>>
    %dma_wait3A_111 = arith.constant 0 : i32
    %dma_wait3A_112 = arith.constant 0 : i32
    %dma_wait3A_113 = tpu.memref_slice %arg2[%dma_wait3A_111, %dma_wait3A_112] : memref<10000x128xf32, #tpu.memory_space<hbm>> -> memref<40x128xf32, #tpu.memory_space<hbm>>
    %dma_wait3A_114 = tpu.memref_slice %arg9[%dma_wait3A] : memref<6x!tpu.dma_semaphore, #tpu.memory_space<semaphore_mem>> -> memref<1x!tpu.dma_semaphore, #tpu.memory_space<semaphore_mem>>
    %dma_wait3A_115 = tpu.memref_squeeze %dma_wait3A_114 : memref<1x!tpu.dma_semaphore, #tpu.memory_space<semaphore_mem>> -> memref<!tpu.dma_semaphore, #tpu.memory_space<semaphore_mem>>
    %dma_wait3A_116 = arith.constant 0 : i32
    %dma_wait3A_117 = arith.constant 0 : i32
    %dma_wait3A_118 = tpu.memref_slice %arg7[%dma_wait3A_116, %dma_wait3A_117] : memref<240x128xf32, #tpu.memory_space<vmem>> -> memref<40x128xf32, #tpu.memory_space<vmem>>
    %dma_wait3A_119 = arith.constant 0 : i32
    %dma_wait3A_120 = arith.constant 0 : i32
    %dma_wait3A_121 = tpu.memref_slice %arg2[%dma_wait3A_119, %dma_wait3A_120] : memref<10000x128xf32, #tpu.memory_space<hbm>> -> memref<40x128xf32, #tpu.memory_space<hbm>>
    tpu.wait_dma2 semaphore(%dma_wait3A_115 : memref<!tpu.dma_semaphore, #tpu.memory_space<semaphore_mem>>) src(%dma_wait3A_121 : memref<40x128xf32, #tpu.memory_space<hbm>>) dst(%dma_wait3A_118 : memref<40x128xf32, #tpu.memory_space<vmem>>)
    %dma_wait3A_122 = arith.constant 1 : i32
    %dma_wait3A_123 = arith.constant 40 : i32
    %dma_wait3A_124 = arith.constant 0 : i32
    %dma_wait3A_125 = tpu.memref_slice %arg7[%dma_wait3A_123, %dma_wait3A_124] : memref<240x128xf32, #tpu.memory_space<vmem>> -> memref<40x128xf32, #tpu.memory_space<vmem>>
    %dma_wait3A_126 = arith.constant 0 : i32
    %dma_wait3A_127 = arith.constant 0 : i32
    %dma_wait3A_128 = tpu.memref_slice %arg2[%dma_wait3A_126, %dma_wait3A_127] : memref<10000x128xf32, #tpu.memory_space<hbm>> -> memref<40x128xf32, #tpu.memory_space<hbm>>
    %dma_wait3A_129 = tpu.memref_slice %arg9[%dma_wait3A_122] : memref<6x!tpu.dma_semaphore, #tpu.memory_space<semaphore_mem>> -> memref<1x!tpu.dma_semaphore, #tpu.memory_space<semaphore_mem>>
    %dma_wait3A_130 = tpu.memref_squeeze %dma_wait3A_129 : memref<1x!tpu.dma_semaphore, #tpu.memory_space<semaphore_mem>> -> memref<!tpu.dma_semaphore, #tpu.memory_space<semaphore_mem>>
    %dma_wait3A_131 = arith.constant 40 : i32
    %dma_wait3A_132 = arith.constant 0 : i32
    %dma_wait3A_133 = tpu.memref_slice %arg7[%dma_wait3A_131, %dma_wait3A_132] : memref<240x128xf32, #tpu.memory_space<vmem>> -> memref<40x128xf32, #tpu.memory_space<vmem>>
    %dma_wait3A_134 = arith.constant 0 : i32
    %dma_wait3A_135 = arith.constant 0 : i32
    %dma_wait3A_136 = tpu.memref_slice %arg2[%dma_wait3A_134, %dma_wait3A_135] : memref<10000x128xf32, #tpu.memory_space<hbm>> -> memref<40x128xf32, #tpu.memory_space<hbm>>
    tpu.wait_dma2 semaphore(%dma_wait3A_130 : memref<!tpu.dma_semaphore, #tpu.memory_space<semaphore_mem>>) src(%dma_wait3A_136 : memref<40x128xf32, #tpu.memory_space<hbm>>) dst(%dma_wait3A_133 : memref<40x128xf32, #tpu.memory_space<vmem>>)
    %dma_wait3A_137 = arith.constant 2 : i32
    %dma_wait3A_138 = arith.constant 80 : i32
    %dma_wait3A_139 = arith.constant 0 : i32
    %dma_wait3A_140 = tpu.memref_slice %arg7[%dma_wait3A_138, %dma_wait3A_139] : memref<240x128xf32, #tpu.memory_space<vmem>> -> memref<40x128xf32, #tpu.memory_space<vmem>>
    %dma_wait3A_141 = arith.constant 0 : i32
    %dma_wait3A_142 = arith.constant 0 : i32
    %dma_wait3A_143 = tpu.memref_slice %arg2[%dma_wait3A_141, %dma_wait3A_142] : memref<10000x128xf32, #tpu.memory_space<hbm>> -> memref<40x128xf32, #tpu.memory_space<hbm>>
    %dma_wait3A_144 = tpu.memref_slice %arg9[%dma_wait3A_137] : memref<6x!tpu.dma_semaphore, #tpu.memory_space<semaphore_mem>> -> memref<1x!tpu.dma_semaphore, #tpu.memory_space<semaphore_mem>>
    %dma_wait3A_145 = tpu.memref_squeeze %dma_wait3A_144 : memref<1x!tpu.dma_semaphore, #tpu.memory_space<semaphore_mem>> -> memref<!tpu.dma_semaphore, #tpu.memory_space<semaphore_mem>>
    %dma_wait3A_146 = arith.constant 80 : i32
    %dma_wait3A_147 = arith.constant 0 : i32
    %dma_wait3A_148 = tpu.memref_slice %arg7[%dma_wait3A_146, %dma_wait3A_147] : memref<240x128xf32, #tpu.memory_space<vmem>> -> memref<40x128xf32, #tpu.memory_space<vmem>>
    %dma_wait3A_149 = arith.constant 0 : i32
    %dma_wait3A_150 = arith.constant 0 : i32
    %dma_wait3A_151 = tpu.memref_slice %arg2[%dma_wait3A_149, %dma_wait3A_150] : memref<10000x128xf32, #tpu.memory_space<hbm>> -> memref<40x128xf32, #tpu.memory_space<hbm>>
    tpu.wait_dma2 semaphore(%dma_wait3A_145 : memref<!tpu.dma_semaphore, #tpu.memory_space<semaphore_mem>>) src(%dma_wait3A_151 : memref<40x128xf32, #tpu.memory_space<hbm>>) dst(%dma_wait3A_148 : memref<40x128xf32, #tpu.memory_space<vmem>>)
    %dma_wait3A_152 = arith.constant 3 : i32
    %dma_wait3A_153 = arith.constant 120 : i32
    %dma_wait3A_154 = arith.constant 0 : i32
    %dma_wait3A_155 = tpu.memref_slice %arg7[%dma_wait3A_153, %dma_wait3A_154] : memref<240x128xf32, #tpu.memory_space<vmem>> -> memref<40x128xf32, #tpu.memory_space<vmem>>
    %dma_wait3A_156 = arith.constant 0 : i32
    %dma_wait3A_157 = arith.constant 0 : i32
    %dma_wait3A_158 = tpu.memref_slice %arg2[%dma_wait3A_156, %dma_wait3A_157] : memref<10000x128xf32, #tpu.memory_space<hbm>> -> memref<40x128xf32, #tpu.memory_space<hbm>>
    %dma_wait3A_159 = tpu.memref_slice %arg9[%dma_wait3A_152] : memref<6x!tpu.dma_semaphore, #tpu.memory_space<semaphore_mem>> -> memref<1x!tpu.dma_semaphore, #tpu.memory_space<semaphore_mem>>
    %dma_wait3A_160 = tpu.memref_squeeze %dma_wait3A_159 : memref<1x!tpu.dma_semaphore, #tpu.memory_space<semaphore_mem>> -> memref<!tpu.dma_semaphore, #tpu.memory_space<semaphore_mem>>
    %dma_wait3A_161 = arith.constant 120 : i32
    %dma_wait3A_162 = arith.constant 0 : i32
    %dma_wait3A_163 = tpu.memref_slice %arg7[%dma_wait3A_161, %dma_wait3A_162] : memref<240x128xf32, #tpu.memory_space<vmem>> -> memref<40x128xf32, #tpu.memory_space<vmem>>
    %dma_wait3A_164 = arith.constant 0 : i32
    %dma_wait3A_165 = arith.constant 0 : i32
    %dma_wait3A_166 = tpu.memref_slice %arg2[%dma_wait3A_164, %dma_wait3A_165] : memref<10000x128xf32, #tpu.memory_space<hbm>> -> memref<40x128xf32, #tpu.memory_space<hbm>>
    tpu.wait_dma2 semaphore(%dma_wait3A_160 : memref<!tpu.dma_semaphore, #tpu.memory_space<semaphore_mem>>) src(%dma_wait3A_166 : memref<40x128xf32, #tpu.memory_space<hbm>>) dst(%dma_wait3A_163 : memref<40x128xf32, #tpu.memory_space<vmem>>)
    %add3A_167 = arith.constant 9840 : i32
    %add3A_168 = arith.addi %rem3A_34, %add3A_167 : i32
    %multiple_of3A_169 = tpu.assume_multiple %add3A_168, 8 : i32
    "tpu.region"() ({
      %run_scoped3A_360 = tpu.sem_alloc : memref<!tpu.dma_semaphore, #tpu.memory_space<semaphore_mem>>
      %dma_start3A_361 = arith.constant 0 : i32
      %dma_start3A_362 = arith.constant 0 : i32
      %dma_start3A_363 = tpu.memref_slice %arg7[%dma_start3A_361, %dma_start3A_362] : memref<240x128xf32, #tpu.memory_space<vmem>> -> memref<80x128xf32, #tpu.memory_space<vmem>>
      %dma_start3A_364 = tpu.memref_slice %arg6[%multiple_of3A_169] : memref<10112xi32, #tpu.memory_space<vmem>> -> memref<80xi32, #tpu.memory_space<vmem>>
      %dma_start3A_365 = arith.constant 0 : i32
      %dma_start3A_366 = arith.constant 0 : i32
      %dma_start3A_367 = tpu.memref_slice %arg8[%dma_start3A_365, %dma_start3A_366] : memref<10000x128xf32, #tpu.memory_space<vmem_shared>> -> memref<10000x128xf32, #tpu.memory_space<vmem_shared>>
      tpu.enqueue_indirect_dma source(%dma_start3A_363 : memref<80x128xf32, #tpu.memory_space<vmem>>) target(%dma_start3A_367 : memref<10000x128xf32, #tpu.memory_space<vmem_shared>>) offsets(%dma_start3A_364 : memref<80xi32, #tpu.memory_space<vmem>>) semaphore(%run_scoped3A_360 : memref<!tpu.dma_semaphore, #tpu.memory_space<semaphore_mem>>) {add = true}
      %dma_wait3A_368 = arith.constant 0 : i32
      %dma_wait3A_369 = arith.constant 0 : i32
      %dma_wait3A_370 = tpu.memref_slice %arg7[%dma_wait3A_368, %dma_wait3A_369] : memref<240x128xf32, #tpu.memory_space<vmem>> -> memref<80x128xf32, #tpu.memory_space<vmem>>
      %dma_wait3A_371 = tpu.memref_slice %arg6[%multiple_of3A_169] : memref<10112xi32, #tpu.memory_space<vmem>> -> memref<80xi32, #tpu.memory_space<vmem>>
      %dma_wait3A_372 = arith.constant 0 : i32
      %dma_wait3A_373 = arith.constant 0 : i32
      %dma_wait3A_374 = tpu.memref_slice %arg8[%dma_wait3A_372, %dma_wait3A_373] : memref<10000x128xf32, #tpu.memory_space<vmem_shared>> -> memref<10000x128xf32, #tpu.memory_space<vmem_shared>>
      tpu.wait_indirect_dma semaphore(%run_scoped3A_360 : memref<!tpu.dma_semaphore, #tpu.memory_space<semaphore_mem>>) src(%dma_wait3A_370 : memref<80x128xf32, #tpu.memory_space<vmem>>) dst(%dma_wait3A_374 : memref<10000x128xf32, #tpu.memory_space<vmem_shared>>)
      tpu.yield
    }) : () -> ()
    %add3A_170 = arith.constant 9920 : i32
    %add3A_171 = arith.addi %rem3A_34, %add3A_170 : i32
    %multiple_of3A_172 = tpu.assume_multiple %add3A_171, 8 : i32
    "tpu.region"() ({
      %run_scoped3A_360 = tpu.sem_alloc : memref<!tpu.dma_semaphore, #tpu.memory_space<semaphore_mem>>
      %dma_start3A_361 = arith.constant 80 : i32
      %dma_start3A_362 = arith.constant 0 : i32
      %dma_start3A_363 = tpu.memref_slice %arg7[%dma_start3A_361, %dma_start3A_362] : memref<240x128xf32, #tpu.memory_space<vmem>> -> memref<80x128xf32, #tpu.memory_space<vmem>>
      %dma_start3A_364 = tpu.memref_slice %arg6[%multiple_of3A_172] : memref<10112xi32, #tpu.memory_space<vmem>> -> memref<80xi32, #tpu.memory_space<vmem>>
      %dma_start3A_365 = arith.constant 0 : i32
      %dma_start3A_366 = arith.constant 0 : i32
      %dma_start3A_367 = tpu.memref_slice %arg8[%dma_start3A_365, %dma_start3A_366] : memref<10000x128xf32, #tpu.memory_space<vmem_shared>> -> memref<10000x128xf32, #tpu.memory_space<vmem_shared>>
      tpu.enqueue_indirect_dma source(%dma_start3A_363 : memref<80x128xf32, #tpu.memory_space<vmem>>) target(%dma_start3A_367 : memref<10000x128xf32, #tpu.memory_space<vmem_shared>>) offsets(%dma_start3A_364 : memref<80xi32, #tpu.memory_space<vmem>>) semaphore(%run_scoped3A_360 : memref<!tpu.dma_semaphore, #tpu.memory_space<semaphore_mem>>) {add = true}
      %dma_wait3A_368 = arith.constant 80 : i32
      %dma_wait3A_369 = arith.constant 0 : i32
      %dma_wait3A_370 = tpu.memref_slice %arg7[%dma_wait3A_368, %dma_wait3A_369] : memref<240x128xf32, #tpu.memory_space<vmem>> -> memref<80x128xf32, #tpu.memory_space<vmem>>
      %dma_wait3A_371 = tpu.memref_slice %arg6[%multiple_of3A_172] : memref<10112xi32, #tpu.memory_space<vmem>> -> memref<80xi32, #tpu.memory_space<vmem>>
      %dma_wait3A_372 = arith.constant 0 : i32
      %dma_wait3A_373 = arith.constant 0 : i32
      %dma_wait3A_374 = tpu.memref_slice %arg8[%dma_wait3A_372, %dma_wait3A_373] : memref<10000x128xf32, #tpu.memory_space<vmem_shared>> -> memref<10000x128xf32, #tpu.memory_space<vmem_shared>>
      tpu.wait_indirect_dma semaphore(%run_scoped3A_360 : memref<!tpu.dma_semaphore, #tpu.memory_space<semaphore_mem>>) src(%dma_wait3A_370 : memref<80x128xf32, #tpu.memory_space<vmem>>) dst(%dma_wait3A_374 : memref<10000x128xf32, #tpu.memory_space<vmem_shared>>)
      tpu.yield
    }) : () -> ()
    %barrier3A_173 = arith.constant 0 : index
    tpu.barrier barrier_id(%barrier3A_173)
    %add3A_174 = arith.constant 0 : i32
    %add3A_175 = arith.addi %multiple_of3A, %add3A_174 : i32
    %multiple_of3A_176 = tpu.assume_multiple %add3A_175, 8 : i32
    "tpu.region"() ({
      %run_scoped3A_360 = tpu.sem_alloc : memref<!tpu.dma_semaphore, #tpu.memory_space<semaphore_mem>>
      %dma_start3A_361 = arith.constant 0 : i32
      %dma_start3A_362 = arith.constant 0 : i32
      %dma_start3A_363 = tpu.memref_slice %arg7[%dma_start3A_361, %dma_start3A_362] : memref<240x128xf32, #tpu.memory_space<vmem>> -> memref<120x128xf32, #tpu.memory_space<vmem>>
      %dma_start3A_364 = arith.constant 0 : i32
      %dma_start3A_365 = tpu.memref_slice %arg8[%multiple_of3A_176, %dma_start3A_364] : memref<10000x128xf32, #tpu.memory_space<vmem_shared>> -> memref<120x128xf32, #tpu.memory_space<vmem_shared>>
      %dma_start3A_366 = arith.constant 0 : i32
      %dma_start3A_367 = arith.constant 0 : i32
      %dma_start3A_368 = tpu.memref_slice %arg7[%dma_start3A_366, %dma_start3A_367] : memref<240x128xf32, #tpu.memory_space<vmem>> -> memref<120x128xf32, #tpu.memory_space<vmem>>
      %dma_start3A_369 = arith.constant 0 : i32
      %dma_start3A_370 = tpu.memref_slice %arg8[%multiple_of3A_176, %dma_start3A_369] : memref<10000x128xf32, #tpu.memory_space<vmem_shared>> -> memref<120x128xf32, #tpu.memory_space<vmem_shared>>
      tpu.enqueue_dma source(%dma_start3A_370 : memref<120x128xf32, #tpu.memory_space<vmem_shared>>) target(%dma_start3A_368 : memref<120x128xf32, #tpu.memory_space<vmem>>) target_semaphore(%run_scoped3A_360 : memref<!tpu.dma_semaphore, #tpu.memory_space<semaphore_mem>>)
      %dma_wait3A_371 = arith.constant 0 : i32
      %dma_wait3A_372 = arith.constant 0 : i32
      %dma_wait3A_373 = tpu.memref_slice %arg7[%dma_wait3A_371, %dma_wait3A_372] : memref<240x128xf32, #tpu.memory_space<vmem>> -> memref<120x128xf32, #tpu.memory_space<vmem>>
      %dma_wait3A_374 = arith.constant 0 : i32
      %dma_wait3A_375 = tpu.memref_slice %arg8[%multiple_of3A_176, %dma_wait3A_374] : memref<10000x128xf32, #tpu.memory_space<vmem_shared>> -> memref<120x128xf32, #tpu.memory_space<vmem_shared>>
      %dma_wait3A_376 = arith.constant 0 : i32
      %dma_wait3A_377 = arith.constant 0 : i32
      %dma_wait3A_378 = tpu.memref_slice %arg7[%dma_wait3A_376, %dma_wait3A_377] : memref<240x128xf32, #tpu.memory_space<vmem>> -> memref<120x128xf32, #tpu.memory_space<vmem>>
      %dma_wait3A_379 = arith.constant 0 : i32
      %dma_wait3A_380 = tpu.memref_slice %arg8[%multiple_of3A_176, %dma_wait3A_379] : memref<10000x128xf32, #tpu.memory_space<vmem_shared>> -> memref<120x128xf32, #tpu.memory_space<vmem_shared>>
      tpu.wait_dma2 semaphore(%run_scoped3A_360 : memref<!tpu.dma_semaphore, #tpu.memory_space<semaphore_mem>>) src(%dma_wait3A_380 : memref<120x128xf32, #tpu.memory_space<vmem_shared>>) dst(%dma_wait3A_378 : memref<120x128xf32, #tpu.memory_space<vmem>>)
      tpu.yield
    }) : () -> ()
    %dma_start3A_177 = arith.constant 0 : i32
    %dma_start3A_178 = arith.constant 0 : i32
    %dma_start3A_179 = arith.constant 0 : i32
    %dma_start3A_180 = tpu.memref_slice %arg7[%dma_start3A_178, %dma_start3A_179] : memref<240x128xf32, #tpu.memory_space<vmem>> -> memref<120x128xf32, #tpu.memory_space<vmem>>
    %dma_start3A_181 = arith.constant 0 : i32
    %dma_start3A_182 = tpu.memref_slice %arg4[%arg0, %multiple_of3A_176, %dma_start3A_181] : memref<2x10000x128xf32, #tpu.memory_space<hbm>> -> memref<1x120x128xf32, #tpu.memory_space<hbm>>
    %dma_start3A_183 = tpu.memref_squeeze %dma_start3A_182 : memref<1x120x128xf32, #tpu.memory_space<hbm>> -> memref<120x128xf32, #tpu.memory_space<hbm>>
    %dma_start3A_184 = tpu.memref_slice %arg9[%dma_start3A_177] : memref<6x!tpu.dma_semaphore, #tpu.memory_space<semaphore_mem>> -> memref<1x!tpu.dma_semaphore, #tpu.memory_space<semaphore_mem>>
    %dma_start3A_185 = tpu.memref_squeeze %dma_start3A_184 : memref<1x!tpu.dma_semaphore, #tpu.memory_space<semaphore_mem>> -> memref<!tpu.dma_semaphore, #tpu.memory_space<semaphore_mem>>
    %dma_start3A_186 = arith.constant 0 : i32
    %dma_start3A_187 = tpu.memref_slice %arg4[%arg0, %multiple_of3A_176, %dma_start3A_186] : memref<2x10000x128xf32, #tpu.memory_space<hbm>> -> memref<1x120x128xf32, #tpu.memory_space<hbm>>
    %dma_start3A_188 = tpu.memref_squeeze %dma_start3A_187 : memref<1x120x128xf32, #tpu.memory_space<hbm>> -> memref<120x128xf32, #tpu.memory_space<hbm>>
    %dma_start3A_189 = arith.constant 0 : i32
    %dma_start3A_190 = arith.constant 0 : i32
    %dma_start3A_191 = tpu.memref_slice %arg7[%dma_start3A_189, %dma_start3A_190] : memref<240x128xf32, #tpu.memory_space<vmem>> -> memref<120x128xf32, #tpu.memory_space<vmem>>
    tpu.enqueue_dma source(%dma_start3A_191 : memref<120x128xf32, #tpu.memory_space<vmem>>) target(%dma_start3A_188 : memref<120x128xf32, #tpu.memory_space<hbm>>) target_semaphore(%dma_start3A_185 : memref<!tpu.dma_semaphore, #tpu.memory_space<semaphore_mem>>)
    %add3A_192 = arith.constant 120 : i32
    %add3A_193 = arith.addi %multiple_of3A, %add3A_192 : i32
    %multiple_of3A_194 = tpu.assume_multiple %add3A_193, 8 : i32
    "tpu.region"() ({
      %run_scoped3A_360 = tpu.sem_alloc : memref<!tpu.dma_semaphore, #tpu.memory_space<semaphore_mem>>
      %dma_start3A_361 = arith.constant 120 : i32
      %dma_start3A_362 = arith.constant 0 : i32
      %dma_start3A_363 = tpu.memref_slice %arg7[%dma_start3A_361, %dma_start3A_362] : memref<240x128xf32, #tpu.memory_space<vmem>> -> memref<120x128xf32, #tpu.memory_space<vmem>>
      %dma_start3A_364 = arith.constant 0 : i32
      %dma_start3A_365 = tpu.memref_slice %arg8[%multiple_of3A_194, %dma_start3A_364] : memref<10000x128xf32, #tpu.memory_space<vmem_shared>> -> memref<120x128xf32, #tpu.memory_space<vmem_shared>>
      %dma_start3A_366 = arith.constant 120 : i32
      %dma_start3A_367 = arith.constant 0 : i32
      %dma_start3A_368 = tpu.memref_slice %arg7[%dma_start3A_366, %dma_start3A_367] : memref<240x128xf32, #tpu.memory_space<vmem>> -> memref<120x128xf32, #tpu.memory_space<vmem>>
      %dma_start3A_369 = arith.constant 0 : i32
      %dma_start3A_370 = tpu.memref_slice %arg8[%multiple_of3A_194, %dma_start3A_369] : memref<10000x128xf32, #tpu.memory_space<vmem_shared>> -> memref<120x128xf32, #tpu.memory_space<vmem_shared>>
      tpu.enqueue_dma source(%dma_start3A_370 : memref<120x128xf32, #tpu.memory_space<vmem_shared>>) target(%dma_start3A_368 : memref<120x128xf32, #tpu.memory_space<vmem>>) target_semaphore(%run_scoped3A_360 : memref<!tpu.dma_semaphore, #tpu.memory_space<semaphore_mem>>)
      %dma_wait3A_371 = arith.constant 120 : i32
      %dma_wait3A_372 = arith.constant 0 : i32
      %dma_wait3A_373 = tpu.memref_slice %arg7[%dma_wait3A_371, %dma_wait3A_372] : memref<240x128xf32, #tpu.memory_space<vmem>> -> memref<120x128xf32, #tpu.memory_space<vmem>>
      %dma_wait3A_374 = arith.constant 0 : i32
      %dma_wait3A_375 = tpu.memref_slice %arg8[%multiple_of3A_194, %dma_wait3A_374] : memref<10000x128xf32, #tpu.memory_space<vmem_shared>> -> memref<120x128xf32, #tpu.memory_space<vmem_shared>>
      %dma_wait3A_376 = arith.constant 120 : i32
      %dma_wait3A_377 = arith.constant 0 : i32
      %dma_wait3A_378 = tpu.memref_slice %arg7[%dma_wait3A_376, %dma_wait3A_377] : memref<240x128xf32, #tpu.memory_space<vmem>> -> memref<120x128xf32, #tpu.memory_space<vmem>>
      %dma_wait3A_379 = arith.constant 0 : i32
      %dma_wait3A_380 = tpu.memref_slice %arg8[%multiple_of3A_194, %dma_wait3A_379] : memref<10000x128xf32, #tpu.memory_space<vmem_shared>> -> memref<120x128xf32, #tpu.memory_space<vmem_shared>>
      tpu.wait_dma2 semaphore(%run_scoped3A_360 : memref<!tpu.dma_semaphore, #tpu.memory_space<semaphore_mem>>) src(%dma_wait3A_380 : memref<120x128xf32, #tpu.memory_space<vmem_shared>>) dst(%dma_wait3A_378 : memref<120x128xf32, #tpu.memory_space<vmem>>)
      tpu.yield
    }) : () -> ()
    %dma_start3A_195 = arith.constant 1 : i32
    %dma_start3A_196 = arith.constant 120 : i32
    %dma_start3A_197 = arith.constant 0 : i32
    %dma_start3A_198 = tpu.memref_slice %arg7[%dma_start3A_196, %dma_start3A_197] : memref<240x128xf32, #tpu.memory_space<vmem>> -> memref<120x128xf32, #tpu.memory_space<vmem>>
    %dma_start3A_199 = arith.constant 0 : i32
    %dma_start3A_200 = tpu.memref_slice %arg4[%arg0, %multiple_of3A_194, %dma_start3A_199] : memref<2x10000x128xf32, #tpu.memory_space<hbm>> -> memref<1x120x128xf32, #tpu.memory_space<hbm>>
    %dma_start3A_201 = tpu.memref_squeeze %dma_start3A_200 : memref<1x120x128xf32, #tpu.memory_space<hbm>> -> memref<120x128xf32, #tpu.memory_space<hbm>>
    %dma_start3A_202 = tpu.memref_slice %arg9[%dma_start3A_195] : memref<6x!tpu.dma_semaphore, #tpu.memory_space<semaphore_mem>> -> memref<1x!tpu.dma_semaphore, #tpu.memory_space<semaphore_mem>>
    %dma_start3A_203 = tpu.memref_squeeze %dma_start3A_202 : memref<1x!tpu.dma_semaphore, #tpu.memory_space<semaphore_mem>> -> memref<!tpu.dma_semaphore, #tpu.memory_space<semaphore_mem>>
    %dma_start3A_204 = arith.constant 0 : i32
    %dma_start3A_205 = tpu.memref_slice %arg4[%arg0, %multiple_of3A_194, %dma_start3A_204] : memref<2x10000x128xf32, #tpu.memory_space<hbm>> -> memref<1x120x128xf32, #tpu.memory_space<hbm>>
    %dma_start3A_206 = tpu.memref_squeeze %dma_start3A_205 : memref<1x120x128xf32, #tpu.memory_space<hbm>> -> memref<120x128xf32, #tpu.memory_space<hbm>>
    %dma_start3A_207 = arith.constant 120 : i32
    %dma_start3A_208 = arith.constant 0 : i32
    %dma_start3A_209 = tpu.memref_slice %arg7[%dma_start3A_207, %dma_start3A_208] : memref<240x128xf32, #tpu.memory_space<vmem>> -> memref<120x128xf32, #tpu.memory_space<vmem>>
    tpu.enqueue_dma source(%dma_start3A_209 : memref<120x128xf32, #tpu.memory_space<vmem>>) target(%dma_start3A_206 : memref<120x128xf32, #tpu.memory_space<hbm>>) target_semaphore(%dma_start3A_203 : memref<!tpu.dma_semaphore, #tpu.memory_space<semaphore_mem>>)
    %add3A_210 = arith.constant 240 : i32
    %add3A_211 = arith.addi %multiple_of3A, %add3A_210 : i32
    %multiple_of3A_212 = tpu.assume_multiple %add3A_211, 8 : i32
    %dma_wait3A_213 = arith.constant 0 : i32
    %dma_wait3A_214 = arith.constant 0 : i32
    %dma_wait3A_215 = arith.constant 0 : i32
    %dma_wait3A_216 = tpu.memref_slice %arg7[%dma_wait3A_214, %dma_wait3A_215] : memref<240x128xf32, #tpu.memory_space<vmem>> -> memref<120x128xf32, #tpu.memory_space<vmem>>
    %dma_wait3A_217 = arith.constant 0 : i32
    %dma_wait3A_218 = tpu.memref_slice %arg8[%multiple_of3A_212, %dma_wait3A_217] : memref<10000x128xf32, #tpu.memory_space<vmem_shared>> -> memref<120x128xf32, #tpu.memory_space<vmem_shared>>
    %dma_wait3A_219 = tpu.memref_slice %arg9[%dma_wait3A_213] : memref<6x!tpu.dma_semaphore, #tpu.memory_space<semaphore_mem>> -> memref<1x!tpu.dma_semaphore, #tpu.memory_space<semaphore_mem>>
    %dma_wait3A_220 = tpu.memref_squeeze %dma_wait3A_219 : memref<1x!tpu.dma_semaphore, #tpu.memory_space<semaphore_mem>> -> memref<!tpu.dma_semaphore, #tpu.memory_space<semaphore_mem>>
    %dma_wait3A_221 = arith.constant 0 : i32
    %dma_wait3A_222 = arith.constant 0 : i32
    %dma_wait3A_223 = tpu.memref_slice %arg7[%dma_wait3A_221, %dma_wait3A_222] : memref<240x128xf32, #tpu.memory_space<vmem>> -> memref<120x128xf32, #tpu.memory_space<vmem>>
    %dma_wait3A_224 = arith.constant 0 : i32
    %dma_wait3A_225 = tpu.memref_slice %arg8[%multiple_of3A_212, %dma_wait3A_224] : memref<10000x128xf32, #tpu.memory_space<vmem_shared>> -> memref<120x128xf32, #tpu.memory_space<vmem_shared>>
    tpu.wait_dma2 semaphore(%dma_wait3A_220 : memref<!tpu.dma_semaphore, #tpu.memory_space<semaphore_mem>>) src(%dma_wait3A_225 : memref<120x128xf32, #tpu.memory_space<vmem_shared>>) dst(%dma_wait3A_223 : memref<120x128xf32, #tpu.memory_space<vmem>>)
    "tpu.region"() ({
      %run_scoped3A_360 = tpu.sem_alloc : memref<!tpu.dma_semaphore, #tpu.memory_space<semaphore_mem>>
      %dma_start3A_361 = arith.constant 0 : i32
      %dma_start3A_362 = arith.constant 0 : i32
      %dma_start3A_363 = tpu.memref_slice %arg7[%dma_start3A_361, %dma_start3A_362] : memref<240x128xf32, #tpu.memory_space<vmem>> -> memref<120x128xf32, #tpu.memory_space<vmem>>
      %dma_start3A_364 = arith.constant 0 : i32
      %dma_start3A_365 = tpu.memref_slice %arg8[%multiple_of3A_212, %dma_start3A_364] : memref<10000x128xf32, #tpu.memory_space<vmem_shared>> -> memref<120x128xf32, #tpu.memory_space<vmem_shared>>
      %dma_start3A_366 = arith.constant 0 : i32
      %dma_start3A_367 = arith.constant 0 : i32
      %dma_start3A_368 = tpu.memref_slice %arg7[%dma_start3A_366, %dma_start3A_367] : memref<240x128xf32, #tpu.memory_space<vmem>> -> memref<120x128xf32, #tpu.memory_space<vmem>>
      %dma_start3A_369 = arith.constant 0 : i32
      %dma_start3A_370 = tpu.memref_slice %arg8[%multiple_of3A_212, %dma_start3A_369] : memref<10000x128xf32, #tpu.memory_space<vmem_shared>> -> memref<120x128xf32, #tpu.memory_space<vmem_shared>>
      tpu.enqueue_dma source(%dma_start3A_370 : memref<120x128xf32, #tpu.memory_space<vmem_shared>>) target(%dma_start3A_368 : memref<120x128xf32, #tpu.memory_space<vmem>>) target_semaphore(%run_scoped3A_360 : memref<!tpu.dma_semaphore, #tpu.memory_space<semaphore_mem>>)
      %dma_wait3A_371 = arith.constant 0 : i32
      %dma_wait3A_372 = arith.constant 0 : i32
      %dma_wait3A_373 = tpu.memref_slice %arg7[%dma_wait3A_371, %dma_wait3A_372] : memref<240x128xf32, #tpu.memory_space<vmem>> -> memref<120x128xf32, #tpu.memory_space<vmem>>
      %dma_wait3A_374 = arith.constant 0 : i32
      %dma_wait3A_375 = tpu.memref_slice %arg8[%multiple_of3A_212, %dma_wait3A_374] : memref<10000x128xf32, #tpu.memory_space<vmem_shared>> -> memref<120x128xf32, #tpu.memory_space<vmem_shared>>
      %dma_wait3A_376 = arith.constant 0 : i32
      %dma_wait3A_377 = arith.constant 0 : i32
      %dma_wait3A_378 = tpu.memref_slice %arg7[%dma_wait3A_376, %dma_wait3A_377] : memref<240x128xf32, #tpu.memory_space<vmem>> -> memref<120x128xf32, #tpu.memory_space<vmem>>
      %dma_wait3A_379 = arith.constant 0 : i32
      %dma_wait3A_380 = tpu.memref_slice %arg8[%multiple_of3A_212, %dma_wait3A_379] : memref<10000x128xf32, #tpu.memory_space<vmem_shared>> -> memref<120x128xf32, #tpu.memory_space<vmem_shared>>
      tpu.wait_dma2 semaphore(%run_scoped3A_360 : memref<!tpu.dma_semaphore, #tpu.memory_space<semaphore_mem>>) src(%dma_wait3A_380 : memref<120x128xf32, #tpu.memory_space<vmem_shared>>) dst(%dma_wait3A_378 : memref<120x128xf32, #tpu.memory_space<vmem>>)
      tpu.yield
    }) : () -> ()
    %dma_start3A_226 = arith.constant 0 : i32
    %dma_start3A_227 = arith.constant 0 : i32
    %dma_start3A_228 = arith.constant 0 : i32
    %dma_start3A_229 = tpu.memref_slice %arg7[%dma_start3A_227, %dma_start3A_228] : memref<240x128xf32, #tpu.memory_space<vmem>> -> memref<120x128xf32, #tpu.memory_space<vmem>>
    %dma_start3A_230 = arith.constant 0 : i32
    %dma_start3A_231 = tpu.memref_slice %arg4[%arg0, %multiple_of3A_212, %dma_start3A_230] : memref<2x10000x128xf32, #tpu.memory_space<hbm>> -> memref<1x120x128xf32, #tpu.memory_space<hbm>>
    %dma_start3A_232 = tpu.memref_squeeze %dma_start3A_231 : memref<1x120x128xf32, #tpu.memory_space<hbm>> -> memref<120x128xf32, #tpu.memory_space<hbm>>
    %dma_start3A_233 = tpu.memref_slice %arg9[%dma_start3A_226] : memref<6x!tpu.dma_semaphore, #tpu.memory_space<semaphore_mem>> -> memref<1x!tpu.dma_semaphore, #tpu.memory_space<semaphore_mem>>
    %dma_start3A_234 = tpu.memref_squeeze %dma_start3A_233 : memref<1x!tpu.dma_semaphore, #tpu.memory_space<semaphore_mem>> -> memref<!tpu.dma_semaphore, #tpu.memory_space<semaphore_mem>>
    %dma_start3A_235 = arith.constant 0 : i32
    %dma_start3A_236 = tpu.memref_slice %arg4[%arg0, %multiple_of3A_212, %dma_start3A_235] : memref<2x10000x128xf32, #tpu.memory_space<hbm>> -> memref<1x120x128xf32, #tpu.memory_space<hbm>>
    %dma_start3A_237 = tpu.memref_squeeze %dma_start3A_236 : memref<1x120x128xf32, #tpu.memory_space<hbm>> -> memref<120x128xf32, #tpu.memory_space<hbm>>
    %dma_start3A_238 = arith.constant 0 : i32
    %dma_start3A_239 = arith.constant 0 : i32
    %dma_start3A_240 = tpu.memref_slice %arg7[%dma_start3A_238, %dma_start3A_239] : memref<240x128xf32, #tpu.memory_space<vmem>> -> memref<120x128xf32, #tpu.memory_space<vmem>>
    tpu.enqueue_dma source(%dma_start3A_240 : memref<120x128xf32, #tpu.memory_space<vmem>>) target(%dma_start3A_237 : memref<120x128xf32, #tpu.memory_space<hbm>>) target_semaphore(%dma_start3A_234 : memref<!tpu.dma_semaphore, #tpu.memory_space<semaphore_mem>>)
    %add3A_241 = arith.constant 360 : i32
    %add3A_242 = arith.addi %multiple_of3A, %add3A_241 : i32
    %multiple_of3A_243 = tpu.assume_multiple %add3A_242, 8 : i32
    %dma_wait3A_244 = arith.constant 1 : i32
    %dma_wait3A_245 = arith.constant 120 : i32
    %dma_wait3A_246 = arith.constant 0 : i32
    %dma_wait3A_247 = tpu.memref_slice %arg7[%dma_wait3A_245, %dma_wait3A_246] : memref<240x128xf32, #tpu.memory_space<vmem>> -> memref<120x128xf32, #tpu.memory_space<vmem>>
    %dma_wait3A_248 = arith.constant 0 : i32
    %dma_wait3A_249 = tpu.memref_slice %arg8[%multiple_of3A_243, %dma_wait3A_248] : memref<10000x128xf32, #tpu.memory_space<vmem_shared>> -> memref<120x128xf32, #tpu.memory_space<vmem_shared>>
    %dma_wait3A_250 = tpu.memref_slice %arg9[%dma_wait3A_244] : memref<6x!tpu.dma_semaphore, #tpu.memory_space<semaphore_mem>> -> memref<1x!tpu.dma_semaphore, #tpu.memory_space<semaphore_mem>>
    %dma_wait3A_251 = tpu.memref_squeeze %dma_wait3A_250 : memref<1x!tpu.dma_semaphore, #tpu.memory_space<semaphore_mem>> -> memref<!tpu.dma_semaphore, #tpu.memory_space<semaphore_mem>>
    %dma_wait3A_252 = arith.constant 120 : i32
    %dma_wait3A_253 = arith.constant 0 : i32
    %dma_wait3A_254 = tpu.memref_slice %arg7[%dma_wait3A_252, %dma_wait3A_253] : memref<240x128xf32, #tpu.memory_space<vmem>> -> memref<120x128xf32, #tpu.memory_space<vmem>>
    %dma_wait3A_255 = arith.constant 0 : i32
    %dma_wait3A_256 = tpu.memref_slice %arg8[%multiple_of3A_243, %dma_wait3A_255] : memref<10000x128xf32, #tpu.memory_space<vmem_shared>> -> memref<120x128xf32, #tpu.memory_space<vmem_shared>>
    tpu.wait_dma2 semaphore(%dma_wait3A_251 : memref<!tpu.dma_semaphore, #tpu.memory_space<semaphore_mem>>) src(%dma_wait3A_256 : memref<120x128xf32, #tpu.memory_space<vmem_shared>>) dst(%dma_wait3A_254 : memref<120x128xf32, #tpu.memory_space<vmem>>)
    "tpu.region"() ({
      %run_scoped3A_360 = tpu.sem_alloc : memref<!tpu.dma_semaphore, #tpu.memory_space<semaphore_mem>>
      %dma_start3A_361 = arith.constant 120 : i32
      %dma_start3A_362 = arith.constant 0 : i32
      %dma_start3A_363 = tpu.memref_slice %arg7[%dma_start3A_361, %dma_start3A_362] : memref<240x128xf32, #tpu.memory_space<vmem>> -> memref<120x128xf32, #tpu.memory_space<vmem>>
      %dma_start3A_364 = arith.constant 0 : i32
      %dma_start3A_365 = tpu.memref_slice %arg8[%multiple_of3A_243, %dma_start3A_364] : memref<10000x128xf32, #tpu.memory_space<vmem_shared>> -> memref<120x128xf32, #tpu.memory_space<vmem_shared>>
      %dma_start3A_366 = arith.constant 120 : i32
      %dma_start3A_367 = arith.constant 0 : i32
      %dma_start3A_368 = tpu.memref_slice %arg7[%dma_start3A_366, %dma_start3A_367] : memref<240x128xf32, #tpu.memory_space<vmem>> -> memref<120x128xf32, #tpu.memory_space<vmem>>
      %dma_start3A_369 = arith.constant 0 : i32
      %dma_start3A_370 = tpu.memref_slice %arg8[%multiple_of3A_243, %dma_start3A_369] : memref<10000x128xf32, #tpu.memory_space<vmem_shared>> -> memref<120x128xf32, #tpu.memory_space<vmem_shared>>
      tpu.enqueue_dma source(%dma_start3A_370 : memref<120x128xf32, #tpu.memory_space<vmem_shared>>) target(%dma_start3A_368 : memref<120x128xf32, #tpu.memory_space<vmem>>) target_semaphore(%run_scoped3A_360 : memref<!tpu.dma_semaphore, #tpu.memory_space<semaphore_mem>>)
      %dma_wait3A_371 = arith.constant 120 : i32
      %dma_wait3A_372 = arith.constant 0 : i32
      %dma_wait3A_373 = tpu.memref_slice %arg7[%dma_wait3A_371, %dma_wait3A_372] : memref<240x128xf32, #tpu.memory_space<vmem>> -> memref<120x128xf32, #tpu.memory_space<vmem>>
      %dma_wait3A_374 = arith.constant 0 : i32
      %dma_wait3A_375 = tpu.memref_slice %arg8[%multiple_of3A_243, %dma_wait3A_374] : memref<10000x128xf32, #tpu.memory_space<vmem_shared>> -> memref<120x128xf32, #tpu.memory_space<vmem_shared>>
      %dma_wait3A_376 = arith.constant 120 : i32
      %dma_wait3A_377 = arith.constant 0 : i32
      %dma_wait3A_378 = tpu.memref_slice %arg7[%dma_wait3A_376, %dma_wait3A_377] : memref<240x128xf32, #tpu.memory_space<vmem>> -> memref<120x128xf32, #tpu.memory_space<vmem>>
      %dma_wait3A_379 = arith.constant 0 : i32
      %dma_wait3A_380 = tpu.memref_slice %arg8[%multiple_of3A_243, %dma_wait3A_379] : memref<10000x128xf32, #tpu.memory_space<vmem_shared>> -> memref<120x128xf32, #tpu.memory_space<vmem_shared>>
      tpu.wait_dma2 semaphore(%run_scoped3A_360 : memref<!tpu.dma_semaphore, #tpu.memory_space<semaphore_mem>>) src(%dma_wait3A_380 : memref<120x128xf32, #tpu.memory_space<vmem_shared>>) dst(%dma_wait3A_378 : memref<120x128xf32, #tpu.memory_space<vmem>>)
      tpu.yield
    }) : () -> ()
    %dma_start3A_257 = arith.constant 1 : i32
    %dma_start3A_258 = arith.constant 120 : i32
    %dma_start3A_259 = arith.constant 0 : i32
    %dma_start3A_260 = tpu.memref_slice %arg7[%dma_start3A_258, %dma_start3A_259] : memref<240x128xf32, #tpu.memory_space<vmem>> -> memref<120x128xf32, #tpu.memory_space<vmem>>
    %dma_start3A_261 = arith.constant 0 : i32
    %dma_start3A_262 = tpu.memref_slice %arg4[%arg0, %multiple_of3A_243, %dma_start3A_261] : memref<2x10000x128xf32, #tpu.memory_space<hbm>> -> memref<1x120x128xf32, #tpu.memory_space<hbm>>
    %dma_start3A_263 = tpu.memref_squeeze %dma_start3A_262 : memref<1x120x128xf32, #tpu.memory_space<hbm>> -> memref<120x128xf32, #tpu.memory_space<hbm>>
    %dma_start3A_264 = tpu.memref_slice %arg9[%dma_start3A_257] : memref<6x!tpu.dma_semaphore, #tpu.memory_space<semaphore_mem>> -> memref<1x!tpu.dma_semaphore, #tpu.memory_space<semaphore_mem>>
    %dma_start3A_265 = tpu.memref_squeeze %dma_start3A_264 : memref<1x!tpu.dma_semaphore, #tpu.memory_space<semaphore_mem>> -> memref<!tpu.dma_semaphore, #tpu.memory_space<semaphore_mem>>
    %dma_start3A_266 = arith.constant 0 : i32
    %dma_start3A_267 = tpu.memref_slice %arg4[%arg0, %multiple_of3A_243, %dma_start3A_266] : memref<2x10000x128xf32, #tpu.memory_space<hbm>> -> memref<1x120x128xf32, #tpu.memory_space<hbm>>
    %dma_start3A_268 = tpu.memref_squeeze %dma_start3A_267 : memref<1x120x128xf32, #tpu.memory_space<hbm>> -> memref<120x128xf32, #tpu.memory_space<hbm>>
    %dma_start3A_269 = arith.constant 120 : i32
    %dma_start3A_270 = arith.constant 0 : i32
    %dma_start3A_271 = tpu.memref_slice %arg7[%dma_start3A_269, %dma_start3A_270] : memref<240x128xf32, #tpu.memory_space<vmem>> -> memref<120x128xf32, #tpu.memory_space<vmem>>
    tpu.enqueue_dma source(%dma_start3A_271 : memref<120x128xf32, #tpu.memory_space<vmem>>) target(%dma_start3A_268 : memref<120x128xf32, #tpu.memory_space<hbm>>) target_semaphore(%dma_start3A_265 : memref<!tpu.dma_semaphore, #tpu.memory_space<semaphore_mem>>)
    %add3A_272 = arith.constant 480 : i32
    %add3A_273 = arith.addi %multiple_of3A, %add3A_272 : i32
    %multiple_of3A_274 = tpu.assume_multiple %add3A_273, 8 : i32
    %dma_wait3A_275 = arith.constant 0 : i32
    %dma_wait3A_276 = arith.constant 0 : i32
    %dma_wait3A_277 = arith.constant 0 : i32
    %dma_wait3A_278 = tpu.memref_slice %arg7[%dma_wait3A_276, %dma_wait3A_277] : memref<240x128xf32, #tpu.memory_space<vmem>> -> memref<120x128xf32, #tpu.memory_space<vmem>>
    %dma_wait3A_279 = arith.constant 0 : i32
    %dma_wait3A_280 = tpu.memref_slice %arg8[%multiple_of3A_274, %dma_wait3A_279] : memref<10000x128xf32, #tpu.memory_space<vmem_shared>> -> memref<120x128xf32, #tpu.memory_space<vmem_shared>>
    %dma_wait3A_281 = tpu.memref_slice %arg9[%dma_wait3A_275] : memref<6x!tpu.dma_semaphore, #tpu.memory_space<semaphore_mem>> -> memref<1x!tpu.dma_semaphore, #tpu.memory_space<semaphore_mem>>
    %dma_wait3A_282 = tpu.memref_squeeze %dma_wait3A_281 : memref<1x!tpu.dma_semaphore, #tpu.memory_space<semaphore_mem>> -> memref<!tpu.dma_semaphore, #tpu.memory_space<semaphore_mem>>
    %dma_wait3A_283 = arith.constant 0 : i32
    %dma_wait3A_284 = arith.constant 0 : i32
    %dma_wait3A_285 = tpu.memref_slice %arg7[%dma_wait3A_283, %dma_wait3A_284] : memref<240x128xf32, #tpu.memory_space<vmem>> -> memref<120x128xf32, #tpu.memory_space<vmem>>
    %dma_wait3A_286 = arith.constant 0 : i32
    %dma_wait3A_287 = tpu.memref_slice %arg8[%multiple_of3A_274, %dma_wait3A_286] : memref<10000x128xf32, #tpu.memory_space<vmem_shared>> -> memref<120x128xf32, #tpu.memory_space<vmem_shared>>
    tpu.wait_dma2 semaphore(%dma_wait3A_282 : memref<!tpu.dma_semaphore, #tpu.memory_space<semaphore_mem>>) src(%dma_wait3A_287 : memref<120x128xf32, #tpu.memory_space<vmem_shared>>) dst(%dma_wait3A_285 : memref<120x128xf32, #tpu.memory_space<vmem>>)
    "tpu.region"() ({
      %run_scoped3A_360 = tpu.sem_alloc : memref<!tpu.dma_semaphore, #tpu.memory_space<semaphore_mem>>
      %dma_start3A_361 = arith.constant 0 : i32
      %dma_start3A_362 = arith.constant 0 : i32
      %dma_start3A_363 = tpu.memref_slice %arg7[%dma_start3A_361, %dma_start3A_362] : memref<240x128xf32, #tpu.memory_space<vmem>> -> memref<120x128xf32, #tpu.memory_space<vmem>>
      %dma_start3A_364 = arith.constant 0 : i32
      %dma_start3A_365 = tpu.memref_slice %arg8[%multiple_of3A_274, %dma_start3A_364] : memref<10000x128xf32, #tpu.memory_space<vmem_shared>> -> memref<120x128xf32, #tpu.memory_space<vmem_shared>>
      %dma_start3A_366 = arith.constant 0 : i32
      %dma_start3A_367 = arith.constant 0 : i32
      %dma_start3A_368 = tpu.memref_slice %arg7[%dma_start3A_366, %dma_start3A_367] : memref<240x128xf32, #tpu.memory_space<vmem>> -> memref<120x128xf32, #tpu.memory_space<vmem>>
      %dma_start3A_369 = arith.constant 0 : i32
      %dma_start3A_370 = tpu.memref_slice %arg8[%multiple_of3A_274, %dma_start3A_369] : memref<10000x128xf32, #tpu.memory_space<vmem_shared>> -> memref<120x128xf32, #tpu.memory_space<vmem_shared>>
      tpu.enqueue_dma source(%dma_start3A_370 : memref<120x128xf32, #tpu.memory_space<vmem_shared>>) target(%dma_start3A_368 : memref<120x128xf32, #tpu.memory_space<vmem>>) target_semaphore(%run_scoped3A_360 : memref<!tpu.dma_semaphore, #tpu.memory_space<semaphore_mem>>)
      %dma_wait3A_371 = arith.constant 0 : i32
      %dma_wait3A_372 = arith.constant 0 : i32
      %dma_wait3A_373 = tpu.memref_slice %arg7[%dma_wait3A_371, %dma_wait3A_372] : memref<240x128xf32, #tpu.memory_space<vmem>> -> memref<120x128xf32, #tpu.memory_space<vmem>>
      %dma_wait3A_374 = arith.constant 0 : i32
      %dma_wait3A_375 = tpu.memref_slice %arg8[%multiple_of3A_274, %dma_wait3A_374] : memref<10000x128xf32, #tpu.memory_space<vmem_shared>> -> memref<120x128xf32, #tpu.memory_space<vmem_shared>>
      %dma_wait3A_376 = arith.constant 0 : i32
      %dma_wait3A_377 = arith.constant 0 : i32
      %dma_wait3A_378 = tpu.memref_slice %arg7[%dma_wait3A_376, %dma_wait3A_377] : memref<240x128xf32, #tpu.memory_space<vmem>> -> memref<120x128xf32, #tpu.memory_space<vmem>>
      %dma_wait3A_379 = arith.constant 0 : i32
      %dma_wait3A_380 = tpu.memref_slice %arg8[%multiple_of3A_274, %dma_wait3A_379] : memref<10000x128xf32, #tpu.memory_space<vmem_shared>> -> memref<120x128xf32, #tpu.memory_space<vmem_shared>>
      tpu.wait_dma2 semaphore(%run_scoped3A_360 : memref<!tpu.dma_semaphore, #tpu.memory_space<semaphore_mem>>) src(%dma_wait3A_380 : memref<120x128xf32, #tpu.memory_space<vmem_shared>>) dst(%dma_wait3A_378 : memref<120x128xf32, #tpu.memory_space<vmem>>)
      tpu.yield
    }) : () -> ()
    %dma_start3A_288 = arith.constant 0 : i32
    %dma_start3A_289 = arith.constant 0 : i32
    %dma_start3A_290 = arith.constant 0 : i32
    %dma_start3A_291 = tpu.memref_slice %arg7[%dma_start3A_289, %dma_start3A_290] : memref<240x128xf32, #tpu.memory_space<vmem>> -> memref<120x128xf32, #tpu.memory_space<vmem>>
    %dma_start3A_292 = arith.constant 0 : i32
    %dma_start3A_293 = tpu.memref_slice %arg4[%arg0, %multiple_of3A_274, %dma_start3A_292] : memref<2x10000x128xf32, #tpu.memory_space<hbm>> -> memref<1x120x128xf32, #tpu.memory_space<hbm>>
    %dma_start3A_294 = tpu.memref_squeeze %dma_start3A_293 : memref<1x120x128xf32, #tpu.memory_space<hbm>> -> memref<120x128xf32, #tpu.memory_space<hbm>>
    %dma_start3A_295 = tpu.memref_slice %arg9[%dma_start3A_288] : memref<6x!tpu.dma_semaphore, #tpu.memory_space<semaphore_mem>> -> memref<1x!tpu.dma_semaphore, #tpu.memory_space<semaphore_mem>>
    %dma_start3A_296 = tpu.memref_squeeze %dma_start3A_295 : memref<1x!tpu.dma_semaphore, #tpu.memory_space<semaphore_mem>> -> memref<!tpu.dma_semaphore, #tpu.memory_space<semaphore_mem>>
    %dma_start3A_297 = arith.constant 0 : i32
    %dma_start3A_298 = tpu.memref_slice %arg4[%arg0, %multiple_of3A_274, %dma_start3A_297] : memref<2x10000x128xf32, #tpu.memory_space<hbm>> -> memref<1x120x128xf32, #tpu.memory_space<hbm>>
    %dma_start3A_299 = tpu.memref_squeeze %dma_start3A_298 : memref<1x120x128xf32, #tpu.memory_space<hbm>> -> memref<120x128xf32, #tpu.memory_space<hbm>>
    %dma_start3A_300 = arith.constant 0 : i32
    %dma_start3A_301 = arith.constant 0 : i32
    %dma_start3A_302 = tpu.memref_slice %arg7[%dma_start3A_300, %dma_start3A_301] : memref<240x128xf32, #tpu.memory_space<vmem>> -> memref<120x128xf32, #tpu.memory_space<vmem>>
    tpu.enqueue_dma source(%dma_start3A_302 : memref<120x128xf32, #tpu.memory_space<vmem>>) target(%dma_start3A_299 : memref<120x128xf32, #tpu.memory_space<hbm>>) target_semaphore(%dma_start3A_296 : memref<!tpu.dma_semaphore, #tpu.memory_space<semaphore_mem>>)
    %add3A_303 = arith.constant 600 : i32
    %add3A_304 = arith.addi %multiple_of3A, %add3A_303 : i32
    %multiple_of3A_305 = tpu.assume_multiple %add3A_304, 8 : i32
    %dma_wait3A_306 = arith.constant 1 : i32
    %dma_wait3A_307 = arith.constant 120 : i32
    %dma_wait3A_308 = arith.constant 0 : i32
    %dma_wait3A_309 = tpu.memref_slice %arg7[%dma_wait3A_307, %dma_wait3A_308] : memref<240x128xf32, #tpu.memory_space<vmem>> -> memref<120x128xf32, #tpu.memory_space<vmem>>
    %dma_wait3A_310 = arith.constant 0 : i32
    %dma_wait3A_311 = tpu.memref_slice %arg8[%multiple_of3A_305, %dma_wait3A_310] : memref<10000x128xf32, #tpu.memory_space<vmem_shared>> -> memref<120x128xf32, #tpu.memory_space<vmem_shared>>
    %dma_wait3A_312 = tpu.memref_slice %arg9[%dma_wait3A_306] : memref<6x!tpu.dma_semaphore, #tpu.memory_space<semaphore_mem>> -> memref<1x!tpu.dma_semaphore, #tpu.memory_space<semaphore_mem>>
    %dma_wait3A_313 = tpu.memref_squeeze %dma_wait3A_312 : memref<1x!tpu.dma_semaphore, #tpu.memory_space<semaphore_mem>> -> memref<!tpu.dma_semaphore, #tpu.memory_space<semaphore_mem>>
    %dma_wait3A_314 = arith.constant 120 : i32
    %dma_wait3A_315 = arith.constant 0 : i32
    %dma_wait3A_316 = tpu.memref_slice %arg7[%dma_wait3A_314, %dma_wait3A_315] : memref<240x128xf32, #tpu.memory_space<vmem>> -> memref<120x128xf32, #tpu.memory_space<vmem>>
    %dma_wait3A_317 = arith.constant 0 : i32
    %dma_wait3A_318 = tpu.memref_slice %arg8[%multiple_of3A_305, %dma_wait3A_317] : memref<10000x128xf32, #tpu.memory_space<vmem_shared>> -> memref<120x128xf32, #tpu.memory_space<vmem_shared>>
    tpu.wait_dma2 semaphore(%dma_wait3A_313 : memref<!tpu.dma_semaphore, #tpu.memory_space<semaphore_mem>>) src(%dma_wait3A_318 : memref<120x128xf32, #tpu.memory_space<vmem_shared>>) dst(%dma_wait3A_316 : memref<120x128xf32, #tpu.memory_space<vmem>>)
    "tpu.region"() ({
      %run_scoped3A_360 = tpu.sem_alloc : memref<!tpu.dma_semaphore, #tpu.memory_space<semaphore_mem>>
      %dma_start3A_361 = arith.constant 120 : i32
      %dma_start3A_362 = arith.constant 0 : i32
      %dma_start3A_363 = tpu.memref_slice %arg7[%dma_start3A_361, %dma_start3A_362] : memref<240x128xf32, #tpu.memory_space<vmem>> -> memref<32x128xf32, #tpu.memory_space<vmem>>
      %dma_start3A_364 = arith.constant 0 : i32
      %dma_start3A_365 = tpu.memref_slice %arg8[%multiple_of3A_305, %dma_start3A_364] : memref<10000x128xf32, #tpu.memory_space<vmem_shared>> -> memref<32x128xf32, #tpu.memory_space<vmem_shared>>
      %dma_start3A_366 = arith.constant 120 : i32
      %dma_start3A_367 = arith.constant 0 : i32
      %dma_start3A_368 = tpu.memref_slice %arg7[%dma_start3A_366, %dma_start3A_367] : memref<240x128xf32, #tpu.memory_space<vmem>> -> memref<32x128xf32, #tpu.memory_space<vmem>>
      %dma_start3A_369 = arith.constant 0 : i32
      %dma_start3A_370 = tpu.memref_slice %arg8[%multiple_of3A_305, %dma_start3A_369] : memref<10000x128xf32, #tpu.memory_space<vmem_shared>> -> memref<32x128xf32, #tpu.memory_space<vmem_shared>>
      tpu.enqueue_dma source(%dma_start3A_370 : memref<32x128xf32, #tpu.memory_space<vmem_shared>>) target(%dma_start3A_368 : memref<32x128xf32, #tpu.memory_space<vmem>>) target_semaphore(%run_scoped3A_360 : memref<!tpu.dma_semaphore, #tpu.memory_space<semaphore_mem>>)
      %dma_wait3A_371 = arith.constant 120 : i32
      %dma_wait3A_372 = arith.constant 0 : i32
      %dma_wait3A_373 = tpu.memref_slice %arg7[%dma_wait3A_371, %dma_wait3A_372] : memref<240x128xf32, #tpu.memory_space<vmem>> -> memref<32x128xf32, #tpu.memory_space<vmem>>
      %dma_wait3A_374 = arith.constant 0 : i32
      %dma_wait3A_375 = tpu.memref_slice %arg8[%multiple_of3A_305, %dma_wait3A_374] : memref<10000x128xf32, #tpu.memory_space<vmem_shared>> -> memref<32x128xf32, #tpu.memory_space<vmem_shared>>
      %dma_wait3A_376 = arith.constant 120 : i32
      %dma_wait3A_377 = arith.constant 0 : i32
      %dma_wait3A_378 = tpu.memref_slice %arg7[%dma_wait3A_376, %dma_wait3A_377] : memref<240x128xf32, #tpu.memory_space<vmem>> -> memref<32x128xf32, #tpu.memory_space<vmem>>
      %dma_wait3A_379 = arith.constant 0 : i32
      %dma_wait3A_380 = tpu.memref_slice %arg8[%multiple_of3A_305, %dma_wait3A_379] : memref<10000x128xf32, #tpu.memory_space<vmem_shared>> -> memref<32x128xf32, #tpu.memory_space<vmem_shared>>
      tpu.wait_dma2 semaphore(%run_scoped3A_360 : memref<!tpu.dma_semaphore, #tpu.memory_space<semaphore_mem>>) src(%dma_wait3A_380 : memref<32x128xf32, #tpu.memory_space<vmem_shared>>) dst(%dma_wait3A_378 : memref<32x128xf32, #tpu.memory_space<vmem>>)
      tpu.yield
    }) : () -> ()
    %dma_start3A_319 = arith.constant 1 : i32
    %dma_start3A_320 = arith.constant 120 : i32
    %dma_start3A_321 = arith.constant 0 : i32
    %dma_start3A_322 = tpu.memref_slice %arg7[%dma_start3A_320, %dma_start3A_321] : memref<240x128xf32, #tpu.memory_space<vmem>> -> memref<32x128xf32, #tpu.memory_space<vmem>>
    %dma_start3A_323 = arith.constant 0 : i32
    %dma_start3A_324 = tpu.memref_slice %arg4[%arg0, %multiple_of3A_305, %dma_start3A_323] : memref<2x10000x128xf32, #tpu.memory_space<hbm>> -> memref<1x32x128xf32, #tpu.memory_space<hbm>>
    %dma_start3A_325 = tpu.memref_squeeze %dma_start3A_324 : memref<1x32x128xf32, #tpu.memory_space<hbm>> -> memref<32x128xf32, #tpu.memory_space<hbm>>
    %dma_start3A_326 = tpu.memref_slice %arg9[%dma_start3A_319] : memref<6x!tpu.dma_semaphore, #tpu.memory_space<semaphore_mem>> -> memref<1x!tpu.dma_semaphore, #tpu.memory_space<semaphore_mem>>
    %dma_start3A_327 = tpu.memref_squeeze %dma_start3A_326 : memref<1x!tpu.dma_semaphore, #tpu.memory_space<semaphore_mem>> -> memref<!tpu.dma_semaphore, #tpu.memory_space<semaphore_mem>>
    %dma_start3A_328 = arith.constant 0 : i32
    %dma_start3A_329 = tpu.memref_slice %arg4[%arg0, %multiple_of3A_305, %dma_start3A_328] : memref<2x10000x128xf32, #tpu.memory_space<hbm>> -> memref<1x32x128xf32, #tpu.memory_space<hbm>>
    %dma_start3A_330 = tpu.memref_squeeze %dma_start3A_329 : memref<1x32x128xf32, #tpu.memory_space<hbm>> -> memref<32x128xf32, #tpu.memory_space<hbm>>
    %dma_start3A_331 = arith.constant 120 : i32
    %dma_start3A_332 = arith.constant 0 : i32
    %dma_start3A_333 = tpu.memref_slice %arg7[%dma_start3A_331, %dma_start3A_332] : memref<240x128xf32, #tpu.memory_space<vmem>> -> memref<32x128xf32, #tpu.memory_space<vmem>>
    tpu.enqueue_dma source(%dma_start3A_333 : memref<32x128xf32, #tpu.memory_space<vmem>>) target(%dma_start3A_330 : memref<32x128xf32, #tpu.memory_space<hbm>>) target_semaphore(%dma_start3A_327 : memref<!tpu.dma_semaphore, #tpu.memory_space<semaphore_mem>>)
    %dma_wait3A_334 = arith.constant 0 : i32
    %dma_wait3A_335 = arith.constant 0 : i32
    %dma_wait3A_336 = arith.constant 0 : i32
    %dma_wait3A_337 = tpu.memref_slice %arg7[%dma_wait3A_335, %dma_wait3A_336] : memref<240x128xf32, #tpu.memory_space<vmem>> -> memref<120x128xf32, #tpu.memory_space<vmem>>
    %dma_wait3A_338 = arith.constant 0 : i32
    %dma_wait3A_339 = tpu.memref_slice %arg8[%multiple_of3A, %dma_wait3A_338] : memref<10000x128xf32, #tpu.memory_space<vmem_shared>> -> memref<120x128xf32, #tpu.memory_space<vmem_shared>>
    %dma_wait3A_340 = tpu.memref_slice %arg9[%dma_wait3A_334] : memref<6x!tpu.dma_semaphore, #tpu.memory_space<semaphore_mem>> -> memref<1x!tpu.dma_semaphore, #tpu.memory_space<semaphore_mem>>
    %dma_wait3A_341 = tpu.memref_squeeze %dma_wait3A_340 : memref<1x!tpu.dma_semaphore, #tpu.memory_space<semaphore_mem>> -> memref<!tpu.dma_semaphore, #tpu.memory_space<semaphore_mem>>
    %dma_wait3A_342 = arith.constant 0 : i32
    %dma_wait3A_343 = arith.constant 0 : i32
    %dma_wait3A_344 = tpu.memref_slice %arg7[%dma_wait3A_342, %dma_wait3A_343] : memref<240x128xf32, #tpu.memory_space<vmem>> -> memref<120x128xf32, #tpu.memory_space<vmem>>
    %dma_wait3A_345 = arith.constant 0 : i32
    %dma_wait3A_346 = tpu.memref_slice %arg8[%multiple_of3A, %dma_wait3A_345] : memref<10000x128xf32, #tpu.memory_space<vmem_shared>> -> memref<120x128xf32, #tpu.memory_space<vmem_shared>>
    tpu.wait_dma2 semaphore(%dma_wait3A_341 : memref<!tpu.dma_semaphore, #tpu.memory_space<semaphore_mem>>) src(%dma_wait3A_346 : memref<120x128xf32, #tpu.memory_space<vmem_shared>>) dst(%dma_wait3A_344 : memref<120x128xf32, #tpu.memory_space<vmem>>)
    %dma_wait3A_347 = arith.constant 1 : i32
    %dma_wait3A_348 = arith.constant 120 : i32
    %dma_wait3A_349 = arith.constant 0 : i32
    %dma_wait3A_350 = tpu.memref_slice %arg7[%dma_wait3A_348, %dma_wait3A_349] : memref<240x128xf32, #tpu.memory_space<vmem>> -> memref<32x128xf32, #tpu.memory_space<vmem>>
    %dma_wait3A_351 = arith.constant 0 : i32
    %dma_wait3A_352 = tpu.memref_slice %arg8[%multiple_of3A, %dma_wait3A_351] : memref<10000x128xf32, #tpu.memory_space<vmem_shared>> -> memref<32x128xf32, #tpu.memory_space<vmem_shared>>
    %dma_wait3A_353 = tpu.memref_slice %arg9[%dma_wait3A_347] : memref<6x!tpu.dma_semaphore, #tpu.memory_space<semaphore_mem>> -> memref<1x!tpu.dma_semaphore, #tpu.memory_space<semaphore_mem>>
    %dma_wait3A_354 = tpu.memref_squeeze %dma_wait3A_353 : memref<1x!tpu.dma_semaphore, #tpu.memory_space<semaphore_mem>> -> memref<!tpu.dma_semaphore, #tpu.memory_space<semaphore_mem>>
    %dma_wait3A_355 = arith.constant 120 : i32
    %dma_wait3A_356 = arith.constant 0 : i32
    %dma_wait3A_357 = tpu.memref_slice %arg7[%dma_wait3A_355, %dma_wait3A_356] : memref<240x128xf32, #tpu.memory_space<vmem>> -> memref<32x128xf32, #tpu.memory_space<vmem>>
    %dma_wait3A_358 = arith.constant 0 : i32
    %dma_wait3A_359 = tpu.memref_slice %arg8[%multiple_of3A, %dma_wait3A_358] : memref<10000x128xf32, #tpu.memory_space<vmem_shared>> -> memref<32x128xf32, #tpu.memory_space<vmem_shared>>
    tpu.wait_dma2 semaphore(%dma_wait3A_354 : memref<!tpu.dma_semaphore, #tpu.memory_space<semaphore_mem>>) src(%dma_wait3A_359 : memref<32x128xf32, #tpu.memory_space<vmem_shared>>) dst(%dma_wait3A_357 : memref<32x128xf32, #tpu.memory_space<vmem>>)
    return
  }
}

#map = affine_map<(d0, d1) -> (0, 0)>
#map1 = affine_map<(d0, d1) -> (0, 0, 0)>
module attributes {stable_mosaic.version = 14 : i64} {
  func.func @_sc_edge_scatter(%arg0: i32, %arg1: i32, %arg2: memref<10000x128xf32, #tpu.memory_space<hbm>>, %arg3: memref<2x320000xi32, #tpu.memory_space<hbm>>, %arg4: memref<2x10000x128xf32, #tpu.memory_space<hbm>>, %arg5: memref<10112xi32, #tpu.memory_space<vmem>>, %arg6: memref<10112xi32, #tpu.memory_space<vmem>>, %arg7: memref<240x128xf32, #tpu.memory_space<vmem>>, %arg8: memref<10000x128xf32, #tpu.memory_space<vmem_shared>>, %arg9: memref<6x!tpu.dma_semaphore, #tpu.memory_space<semaphore_mem>>) attributes {dimension_semantics = [#tpu.dimension_semantics<core_parallel>, #tpu.dimension_semantics<subcore_parallel>], iteration_bounds = array<i64: 2, 16>, scalar_prefetch = 0 : i64, scratch_operands = 5 : i64, tpu.core_type = #tpu.core_type<sc_vector_subcore>, window_params = [{transform_indices = #map}, {transform_indices = #map}, {transform_indices = #map1}]} {
    %mul3A = arith.constant 2 : i32
    %mul3A_0 = arith.muli %arg1, %mul3A : i32
    %add3A = arith.addi %mul3A_0, %arg0 : i32
    %scan3A = arith.constant 0 : i32
    %scan3A_1 = arith.constant 0 : i32
    %scan3A_2 = arith.constant 240 : i32
    %scan3A_3 = arith.addi %scan3A_1, %scan3A_2 : i32
    %scan3A_4 = arith.constant 1 : i32
    scf.for %scan3A_360 = %scan3A_1 to %scan3A_3 step %scan3A_4  : i32 {
      %broadcast_in_dim3A = arith.constant 0.000000e+00 : f32
      %broadcast_in_dim3A_361 = vector.broadcast %broadcast_in_dim3A : f32 to vector<16xf32>
      %swap3A = arith.index_cast %scan3A_360 : i32 to index
      %swap3A_362 = arith.constant 0 : index
      %swap3A_363 = tpu.vector_load %arg7[%swap3A, %swap3A_362] {strides = array<i32>} : memref<240x128xf32, #tpu.memory_space<vmem>>, vector<1x16xf32>,
      %swap3A_364 = vector.shape_cast %swap3A_363 : vector<1x16xf32> to vector<16xf32>
      %swap3A_365 = vector.shape_cast %broadcast_in_dim3A_361 : vector<16xf32> to vector<1x16xf32>
      tpu.vector_store %arg7[%swap3A, %swap3A_362], %swap3A_365 {strides = array<i32>} : memref<240x128xf32, #tpu.memory_space<vmem>>, vector<1x16xf32>,
      %broadcast_in_dim3A_366 = arith.constant 0.000000e+00 : f32
      %broadcast_in_dim3A_367 = vector.broadcast %broadcast_in_dim3A_366 : f32 to vector<16xf32>
      %swap3A_368 = arith.index_cast %scan3A_360 : i32 to index
      %swap3A_369 = arith.constant 16 : index
      %swap3A_370 = tpu.vector_load %arg7[%swap3A_368, %swap3A_369] {strides = array<i32>} : memref<240x128xf32, #tpu.memory_space<vmem>>, vector<1x16xf32>,
      %swap3A_371 = vector.shape_cast %swap3A_370 : vector<1x16xf32> to vector<16xf32>
      %swap3A_372 = vector.shape_cast %broadcast_in_dim3A_367 : vector<16xf32> to vector<1x16xf32>
      tpu.vector_store %arg7[%swap3A_368, %swap3A_369], %swap3A_372 {strides = array<i32>} : memref<240x128xf32, #tpu.memory_space<vmem>>, vector<1x16xf32>,
      %broadcast_in_dim3A_373 = arith.constant 0.000000e+00 : f32
      %broadcast_in_dim3A_374 = vector.broadcast %broadcast_in_dim3A_373 : f32 to vector<16xf32>
      %swap3A_375 = arith.index_cast %scan3A_360 : i32 to index
      %swap3A_376 = arith.constant 32 : index
      %swap3A_377 = tpu.vector_load %arg7[%swap3A_375, %swap3A_376] {strides = array<i32>} : memref<240x128xf32, #tpu.memory_space<vmem>>, vector<1x16xf32>,
      %swap3A_378 = vector.shape_cast %swap3A_377 : vector<1x16xf32> to vector<16xf32>
      %swap3A_379 = vector.shape_cast %broadcast_in_dim3A_374 : vector<16xf32> to vector<1x16xf32>
      tpu.vector_store %arg7[%swap3A_375, %swap3A_376], %swap3A_379 {strides = array<i32>} : memref<240x128xf32, #tpu.memory_space<vmem>>, vector<1x16xf32>,
      %broadcast_in_dim3A_380 = arith.constant 0.000000e+00 : f32
      %broadcast_in_dim3A_381 = vector.broadcast %broadcast_in_dim3A_380 : f32 to vector<16xf32>
      %swap3A_382 = arith.index_cast %scan3A_360 : i32 to index
      %swap3A_383 = arith.constant 48 : index
      %swap3A_384 = tpu.vector_load %arg7[%swap3A_382, %swap3A_383] {strides = array<i32>} : memref<240x128xf32, #tpu.memory_space<vmem>>, vector<1x16xf32>,
      %swap3A_385 = vector.shape_cast %swap3A_384 : vector<1x16xf32> to vector<16xf32>
      %swap3A_386 = vector.shape_cast %broadcast_in_dim3A_381 : vector<16xf32> to vector<1x16xf32>
      tpu.vector_store %arg7[%swap3A_382, %swap3A_383], %swap3A_386 {strides = array<i32>} : memref<240x128xf32, #tpu.memory_space<vmem>>, vector<1x16xf32>,
      %broadcast_in_dim3A_387 = arith.constant 0.000000e+00 : f32
      %broadcast_in_dim3A_388 = vector.broadcast %broadcast_in_dim3A_387 : f32 to vector<16xf32>
      %swap3A_389 = arith.index_cast %scan3A_360 : i32 to index
      %swap3A_390 = arith.constant 64 : index
      %swap3A_391 = tpu.vector_load %arg7[%swap3A_389, %swap3A_390] {strides = array<i32>} : memref<240x128xf32, #tpu.memory_space<vmem>>, vector<1x16xf32>,
      %swap3A_392 = vector.shape_cast %swap3A_391 : vector<1x16xf32> to vector<16xf32>
      %swap3A_393 = vector.shape_cast %broadcast_in_dim3A_388 : vector<16xf32> to vector<1x16xf32>
      tpu.vector_store %arg7[%swap3A_389, %swap3A_390], %swap3A_393 {strides = array<i32>} : memref<240x128xf32, #tpu.memory_space<vmem>>, vector<1x16xf32>,
      %broadcast_in_dim3A_394 = arith.constant 0.000000e+00 : f32
      %broadcast_in_dim3A_395 = vector.broadcast %broadcast_in_dim3A_394 : f32 to vector<16xf32>
      %swap3A_396 = arith.index_cast %scan3A_360 : i32 to index
      %swap3A_397 = arith.constant 80 : index
      %swap3A_398 = tpu.vector_load %arg7[%swap3A_396, %swap3A_397] {strides = array<i32>} : memref<240x128xf32, #tpu.memory_space<vmem>>, vector<1x16xf32>,
      %swap3A_399 = vector.shape_cast %swap3A_398 : vector<1x16xf32> to vector<16xf32>
      %swap3A_400 = vector.shape_cast %broadcast_in_dim3A_395 : vector<16xf32> to vector<1x16xf32>
      tpu.vector_store %arg7[%swap3A_396, %swap3A_397], %swap3A_400 {strides = array<i32>} : memref<240x128xf32, #tpu.memory_space<vmem>>, vector<1x16xf32>,
      %broadcast_in_dim3A_401 = arith.constant 0.000000e+00 : f32
      %broadcast_in_dim3A_402 = vector.broadcast %broadcast_in_dim3A_401 : f32 to vector<16xf32>
      %swap3A_403 = arith.index_cast %scan3A_360 : i32 to index
      %swap3A_404 = arith.constant 96 : index
      %swap3A_405 = tpu.vector_load %arg7[%swap3A_403, %swap3A_404] {strides = array<i32>} : memref<240x128xf32, #tpu.memory_space<vmem>>, vector<1x16xf32>,
      %swap3A_406 = vector.shape_cast %swap3A_405 : vector<1x16xf32> to vector<16xf32>
      %swap3A_407 = vector.shape_cast %broadcast_in_dim3A_402 : vector<16xf32> to vector<1x16xf32>
      tpu.vector_store %arg7[%swap3A_403, %swap3A_404], %swap3A_407 {strides = array<i32>} : memref<240x128xf32, #tpu.memory_space<vmem>>, vector<1x16xf32>,
      %broadcast_in_dim3A_408 = arith.constant 0.000000e+00 : f32
      %broadcast_in_dim3A_409 = vector.broadcast %broadcast_in_dim3A_408 : f32 to vector<16xf32>
      %swap3A_410 = arith.index_cast %scan3A_360 : i32 to index
      %swap3A_411 = arith.constant 112 : index
      %swap3A_412 = tpu.vector_load %arg7[%swap3A_410, %swap3A_411] {strides = array<i32>} : memref<240x128xf32, #tpu.memory_space<vmem>>, vector<1x16xf32>,
      %swap3A_413 = vector.shape_cast %swap3A_412 : vector<1x16xf32> to vector<16xf32>
      %swap3A_414 = vector.shape_cast %broadcast_in_dim3A_409 : vector<16xf32> to vector<1x16xf32>
      tpu.vector_store %arg7[%swap3A_410, %swap3A_411], %swap3A_414 {strides = array<i32>} : memref<240x128xf32, #tpu.memory_space<vmem>>, vector<1x16xf32>,
    }
    %scan3A_5 = arith.constant 240 : i32
    %mul3A_6 = arith.constant 625 : i32
    %mul3A_7 = arith.muli %arg1, %mul3A_6 : i32
    %jit3A = arith.constant 8 : i32
    %eq3A = arith.constant 0 : i32
    %eq3A_8 = arith.cmpi eq, %jit3A, %eq3A : i32
    %jit3A_9 = arith.constant 1 : i32
    %select_n3A = arith.select %eq3A_8, %jit3A_9, %jit3A : i32
    %rem3A = arith.remsi %arg1, %select_n3A : i32
    %ne3A = arith.constant 0 : i32
    %ne3A_10 = arith.cmpi ne, %rem3A, %ne3A : i32
    %lt3A = arith.constant 0 : i32
    %lt3A_11 = arith.cmpi slt, %rem3A, %lt3A : i32
    %lt3A_12 = arith.constant 0 : i32
    %lt3A_13 = arith.cmpi slt, %select_n3A, %lt3A_12 : i32
    %ne3A_14 = arith.xori %lt3A_11, %lt3A_13 : i1
    %and3A = arith.andi %ne3A_14, %ne3A_10 : i1
    %add3A_15 = arith.addi %rem3A, %select_n3A : i32
    %select_n3A_16 = arith.select %and3A, %add3A_15, %rem3A : i32
    %sub3A = arith.subi %mul3A_7, %select_n3A_16 : i32
    %multiple_of3A = tpu.assume_multiple %sub3A, 8 : i32
    %add3A_17 = arith.constant 0 : i32
    %add3A_18 = arith.addi %multiple_of3A, %add3A_17 : i32
    %min3A = arith.constant 9760 : i32
    %min3A_19 = arith.minsi %add3A_18, %min3A : i32
    %multiple_of3A_20 = tpu.assume_multiple %min3A_19, 8 : i32
    "tpu.region"() ({
      %run_scoped3A_360 = tpu.sem_alloc : memref<!tpu.dma_semaphore, #tpu.memory_space<semaphore_mem>>
      %dma_start3A_361 = arith.constant 0 : i32
      %dma_start3A_362 = tpu.memref_slice %arg8[%multiple_of3A_20, %dma_start3A_361] : memref<10000x128xf32, #tpu.memory_space<vmem_shared>> -> memref<240x128xf32, #tpu.memory_space<vmem_shared>>
      %dma_start3A_363 = arith.constant 0 : i32
      %dma_start3A_364 = tpu.memref_slice %arg8[%multiple_of3A_20, %dma_start3A_363] : memref<10000x128xf32, #tpu.memory_space<vmem_shared>> -> memref<240x128xf32, #tpu.memory_space<vmem_shared>>
      tpu.enqueue_dma source(%arg7 : memref<240x128xf32, #tpu.memory_space<vmem>>) target(%dma_start3A_364 : memref<240x128xf32, #tpu.memory_space<vmem_shared>>) target_semaphore(%run_scoped3A_360 : memref<!tpu.dma_semaphore, #tpu.memory_space<semaphore_mem>>)
      %dma_wait3A_365 = arith.constant 0 : i32
      %dma_wait3A_366 = tpu.memref_slice %arg8[%multiple_of3A_20, %dma_wait3A_365] : memref<10000x128xf32, #tpu.memory_space<vmem_shared>> -> memref<240x128xf32, #tpu.memory_space<vmem_shared>>
      %dma_wait3A_367 = arith.constant 0 : i32
      %dma_wait3A_368 = tpu.memref_slice %arg8[%multiple_of3A_20, %dma_wait3A_367] : memref<10000x128xf32, #tpu.memory_space<vmem_shared>> -> memref<240x128xf32, #tpu.memory_space<vmem_shared>>
      tpu.wait_dma2 semaphore(%run_scoped3A_360 : memref<!tpu.dma_semaphore, #tpu.memory_space<semaphore_mem>>) src(%arg7 : memref<240x128xf32, #tpu.memory_space<vmem>>) dst(%dma_wait3A_368 : memref<240x128xf32, #tpu.memory_space<vmem_shared>>)
      tpu.yield
    }) : () -> ()
    %add3A_21 = arith.constant 240 : i32
    %add3A_22 = arith.addi %multiple_of3A, %add3A_21 : i32
    %min3A_23 = arith.constant 9760 : i32
    %min3A_24 = arith.minsi %add3A_22, %min3A_23 : i32
    %multiple_of3A_25 = tpu.assume_multiple %min3A_24, 8 : i32
    "tpu.region"() ({
      %run_scoped3A_360 = tpu.sem_alloc : memref<!tpu.dma_semaphore, #tpu.memory_space<semaphore_mem>>
      %dma_start3A_361 = arith.constant 0 : i32
      %dma_start3A_362 = tpu.memref_slice %arg8[%multiple_of3A_25, %dma_start3A_361] : memref<10000x128xf32, #tpu.memory_space<vmem_shared>> -> memref<240x128xf32, #tpu.memory_space<vmem_shared>>
      %dma_start3A_363 = arith.constant 0 : i32
      %dma_start3A_364 = tpu.memref_slice %arg8[%multiple_of3A_25, %dma_start3A_363] : memref<10000x128xf32, #tpu.memory_space<vmem_shared>> -> memref<240x128xf32, #tpu.memory_space<vmem_shared>>
      tpu.enqueue_dma source(%arg7 : memref<240x128xf32, #tpu.memory_space<vmem>>) target(%dma_start3A_364 : memref<240x128xf32, #tpu.memory_space<vmem_shared>>) target_semaphore(%run_scoped3A_360 : memref<!tpu.dma_semaphore, #tpu.memory_space<semaphore_mem>>)
      %dma_wait3A_365 = arith.constant 0 : i32
      %dma_wait3A_366 = tpu.memref_slice %arg8[%multiple_of3A_25, %dma_wait3A_365] : memref<10000x128xf32, #tpu.memory_space<vmem_shared>> -> memref<240x128xf32, #tpu.memory_space<vmem_shared>>
      %dma_wait3A_367 = arith.constant 0 : i32
      %dma_wait3A_368 = tpu.memref_slice %arg8[%multiple_of3A_25, %dma_wait3A_367] : memref<10000x128xf32, #tpu.memory_space<vmem_shared>> -> memref<240x128xf32, #tpu.memory_space<vmem_shared>>
      tpu.wait_dma2 semaphore(%run_scoped3A_360 : memref<!tpu.dma_semaphore, #tpu.memory_space<semaphore_mem>>) src(%arg7 : memref<240x128xf32, #tpu.memory_space<vmem>>) dst(%dma_wait3A_368 : memref<240x128xf32, #tpu.memory_space<vmem_shared>>)
      tpu.yield
    }) : () -> ()
    %add3A_26 = arith.constant 480 : i32
    %add3A_27 = arith.addi %multiple_of3A, %add3A_26 : i32
    %min3A_28 = arith.constant 9760 : i32
    %min3A_29 = arith.minsi %add3A_27, %min3A_28 : i32
    %multiple_of3A_30 = tpu.assume_multiple %min3A_29, 8 : i32
    "tpu.region"() ({
      %run_scoped3A_360 = tpu.sem_alloc : memref<!tpu.dma_semaphore, #tpu.memory_space<semaphore_mem>>
      %dma_start3A_361 = arith.constant 0 : i32
      %dma_start3A_362 = tpu.memref_slice %arg8[%multiple_of3A_30, %dma_start3A_361] : memref<10000x128xf32, #tpu.memory_space<vmem_shared>> -> memref<240x128xf32, #tpu.memory_space<vmem_shared>>
      %dma_start3A_363 = arith.constant 0 : i32
      %dma_start3A_364 = tpu.memref_slice %arg8[%multiple_of3A_30, %dma_start3A_363] : memref<10000x128xf32, #tpu.memory_space<vmem_shared>> -> memref<240x128xf32, #tpu.memory_space<vmem_shared>>
      tpu.enqueue_dma source(%arg7 : memref<240x128xf32, #tpu.memory_space<vmem>>) target(%dma_start3A_364 : memref<240x128xf32, #tpu.memory_space<vmem_shared>>) target_semaphore(%run_scoped3A_360 : memref<!tpu.dma_semaphore, #tpu.memory_space<semaphore_mem>>)
      %dma_wait3A_365 = arith.constant 0 : i32
      %dma_wait3A_366 = tpu.memref_slice %arg8[%multiple_of3A_30, %dma_wait3A_365] : memref<10000x128xf32, #tpu.memory_space<vmem_shared>> -> memref<240x128xf32, #tpu.memory_space<vmem_shared>>
      %dma_wait3A_367 = arith.constant 0 : i32
      %dma_wait3A_368 = tpu.memref_slice %arg8[%multiple_of3A_30, %dma_wait3A_367] : memref<10000x128xf32, #tpu.memory_space<vmem_shared>> -> memref<240x128xf32, #tpu.memory_space<vmem_shared>>
      tpu.wait_dma2 semaphore(%run_scoped3A_360 : memref<!tpu.dma_semaphore, #tpu.memory_space<semaphore_mem>>) src(%arg7 : memref<240x128xf32, #tpu.memory_space<vmem>>) dst(%dma_wait3A_368 : memref<240x128xf32, #tpu.memory_space<vmem_shared>>)
      tpu.yield
    }) : () -> ()
    %mul3A_31 = arith.constant 10000 : i32
    %mul3A_32 = arith.muli %add3A, %mul3A_31 : i32
    %rem3A_33 = arith.constant 128 : i32
    %rem3A_34 = arith.remsi %mul3A_32, %rem3A_33 : i32
    %sub3A_35 = arith.subi %mul3A_32, %rem3A_34 : i32
    %multiple_of3A_36 = tpu.assume_multiple %sub3A_35, 128 : i32
    %run_scoped3A = arith.constant 0 : i32
    "tpu.region"() ({
      %run_scoped3A_360 = tpu.sem_alloc : memref<!tpu.dma_semaphore, #tpu.memory_space<semaphore_mem>>
      %dma_start3A_361 = tpu.memref_slice %arg3[%run_scoped3A, %multiple_of3A_36] : memref<2x320000xi32, #tpu.memory_space<hbm>> -> memref<1x10112xi32, #tpu.memory_space<hbm>>
      %dma_start3A_362 = tpu.memref_squeeze %dma_start3A_361 : memref<1x10112xi32, #tpu.memory_space<hbm>> -> memref<10112xi32, #tpu.memory_space<hbm>>
      %dma_start3A_363 = tpu.memref_slice %arg3[%run_scoped3A, %multiple_of3A_36] : memref<2x320000xi32, #tpu.memory_space<hbm>> -> memref<1x10112xi32, #tpu.memory_space<hbm>>
      %dma_start3A_364 = tpu.memref_squeeze %dma_start3A_363 : memref<1x10112xi32, #tpu.memory_space<hbm>> -> memref<10112xi32, #tpu.memory_space<hbm>>
      tpu.enqueue_dma source(%dma_start3A_364 : memref<10112xi32, #tpu.memory_space<hbm>>) target(%arg5 : memref<10112xi32, #tpu.memory_space<vmem>>) target_semaphore(%run_scoped3A_360 : memref<!tpu.dma_semaphore, #tpu.memory_space<semaphore_mem>>)
      %dma_wait3A_365 = tpu.memref_slice %arg3[%run_scoped3A, %multiple_of3A_36] : memref<2x320000xi32, #tpu.memory_space<hbm>> -> memref<1x10112xi32, #tpu.memory_space<hbm>>
      %dma_wait3A_366 = tpu.memref_squeeze %dma_wait3A_365 : memref<1x10112xi32, #tpu.memory_space<hbm>> -> memref<10112xi32, #tpu.memory_space<hbm>>
      %dma_wait3A_367 = tpu.memref_slice %arg3[%run_scoped3A, %multiple_of3A_36] : memref<2x320000xi32, #tpu.memory_space<hbm>> -> memref<1x10112xi32, #tpu.memory_space<hbm>>
      %dma_wait3A_368 = tpu.memref_squeeze %dma_wait3A_367 : memref<1x10112xi32, #tpu.memory_space<hbm>> -> memref<10112xi32, #tpu.memory_space<hbm>>
      tpu.wait_dma2 semaphore(%run_scoped3A_360 : memref<!tpu.dma_semaphore, #tpu.memory_space<semaphore_mem>>) src(%dma_wait3A_368 : memref<10112xi32, #tpu.memory_space<hbm>>) dst(%arg5 : memref<10112xi32, #tpu.memory_space<vmem>>)
      tpu.yield
    }) : () -> ()
    %run_scoped3A_37 = arith.constant 1 : i32
    "tpu.region"() ({
      %run_scoped3A_360 = tpu.sem_alloc : memref<!tpu.dma_semaphore, #tpu.memory_space<semaphore_mem>>
      %dma_start3A_361 = tpu.memref_slice %arg3[%run_scoped3A_37, %multiple_of3A_36] : memref<2x320000xi32, #tpu.memory_space<hbm>> -> memref<1x10112xi32, #tpu.memory_space<hbm>>
      %dma_start3A_362 = tpu.memref_squeeze %dma_start3A_361 : memref<1x10112xi32, #tpu.memory_space<hbm>> -> memref<10112xi32, #tpu.memory_space<hbm>>
      %dma_start3A_363 = tpu.memref_slice %arg3[%run_scoped3A_37, %multiple_of3A_36] : memref<2x320000xi32, #tpu.memory_space<hbm>> -> memref<1x10112xi32, #tpu.memory_space<hbm>>
      %dma_start3A_364 = tpu.memref_squeeze %dma_start3A_363 : memref<1x10112xi32, #tpu.memory_space<hbm>> -> memref<10112xi32, #tpu.memory_space<hbm>>
      tpu.enqueue_dma source(%dma_start3A_364 : memref<10112xi32, #tpu.memory_space<hbm>>) target(%arg6 : memref<10112xi32, #tpu.memory_space<vmem>>) target_semaphore(%run_scoped3A_360 : memref<!tpu.dma_semaphore, #tpu.memory_space<semaphore_mem>>)
      %dma_wait3A_365 = tpu.memref_slice %arg3[%run_scoped3A_37, %multiple_of3A_36] : memref<2x320000xi32, #tpu.memory_space<hbm>> -> memref<1x10112xi32, #tpu.memory_space<hbm>>
      %dma_wait3A_366 = tpu.memref_squeeze %dma_wait3A_365 : memref<1x10112xi32, #tpu.memory_space<hbm>> -> memref<10112xi32, #tpu.memory_space<hbm>>
      %dma_wait3A_367 = tpu.memref_slice %arg3[%run_scoped3A_37, %multiple_of3A_36] : memref<2x320000xi32, #tpu.memory_space<hbm>> -> memref<1x10112xi32, #tpu.memory_space<hbm>>
      %dma_wait3A_368 = tpu.memref_squeeze %dma_wait3A_367 : memref<1x10112xi32, #tpu.memory_space<hbm>> -> memref<10112xi32, #tpu.memory_space<hbm>>
      tpu.wait_dma2 semaphore(%run_scoped3A_360 : memref<!tpu.dma_semaphore, #tpu.memory_space<semaphore_mem>>) src(%dma_wait3A_368 : memref<10112xi32, #tpu.memory_space<hbm>>) dst(%arg6 : memref<10112xi32, #tpu.memory_space<vmem>>)
      tpu.yield
    }) : () -> ()
    %barrier3A = arith.constant 0 : index
    tpu.barrier barrier_id(%barrier3A)
    %add3A_38 = arith.constant 0 : i32
    %add3A_39 = arith.addi %rem3A_34, %add3A_38 : i32
    %multiple_of3A_40 = tpu.assume_multiple %add3A_39, 8 : i32
    %dma_start3A = arith.constant 0 : i32
    %dma_start3A_41 = arith.constant 0 : i32
    %dma_start3A_42 = arith.constant 0 : i32
    %dma_start3A_43 = tpu.memref_slice %arg7[%dma_start3A_41, %dma_start3A_42] : memref<240x128xf32, #tpu.memory_space<vmem>> -> memref<40x128xf32, #tpu.memory_space<vmem>>
    %dma_start3A_44 = tpu.memref_slice %arg5[%multiple_of3A_40] : memref<10112xi32, #tpu.memory_space<vmem>> -> memref<40xi32, #tpu.memory_space<vmem>>
    %dma_start3A_45 = arith.constant 0 : i32
    %dma_start3A_46 = arith.constant 0 : i32
    %dma_start3A_47 = tpu.memref_slice %arg2[%dma_start3A_45, %dma_start3A_46] : memref<10000x128xf32, #tpu.memory_space<hbm>> -> memref<10000x128xf32, #tpu.memory_space<hbm>>
    %dma_start3A_48 = tpu.memref_slice %arg9[%dma_start3A] : memref<6x!tpu.dma_semaphore, #tpu.memory_space<semaphore_mem>> -> memref<1x!tpu.dma_semaphore, #tpu.memory_space<semaphore_mem>>
    %dma_start3A_49 = tpu.memref_squeeze %dma_start3A_48 : memref<1x!tpu.dma_semaphore, #tpu.memory_space<semaphore_mem>> -> memref<!tpu.dma_semaphore, #tpu.memory_space<semaphore_mem>>
    tpu.enqueue_indirect_dma source(%dma_start3A_47 : memref<10000x128xf32, #tpu.memory_space<hbm>>) target(%dma_start3A_43 : memref<40x128xf32, #tpu.memory_space<vmem>>) offsets(%dma_start3A_44 : memref<40xi32, #tpu.memory_space<vmem>>) semaphore(%dma_start3A_49 : memref<!tpu.dma_semaphore, #tpu.memory_space<semaphore_mem>>)
    %add3A_50 = arith.constant 40 : i32
    %add3A_51 = arith.addi %rem3A_34, %add3A_50 : i32
    %multiple_of3A_52 = tpu.assume_multiple %add3A_51, 8 : i32
    %dma_start3A_53 = arith.constant 1 : i32
    %dma_start3A_54 = arith.constant 40 : i32
    %dma_start3A_55 = arith.constant 0 : i32
    %dma_start3A_56 = tpu.memref_slice %arg7[%dma_start3A_54, %dma_start3A_55] : memref<240x128xf32, #tpu.memory_space<vmem>> -> memref<40x128xf32, #tpu.memory_space<vmem>>
    %dma_start3A_57 = tpu.memref_slice %arg5[%multiple_of3A_52] : memref<10112xi32, #tpu.memory_space<vmem>> -> memref<40xi32, #tpu.memory_space<vmem>>
    %dma_start3A_58 = arith.constant 0 : i32
    %dma_start3A_59 = arith.constant 0 : i32
    %dma_start3A_60 = tpu.memref_slice %arg2[%dma_start3A_58, %dma_start3A_59] : memref<10000x128xf32, #tpu.memory_space<hbm>> -> memref<10000x128xf32, #tpu.memory_space<hbm>>
    %dma_start3A_61 = tpu.memref_slice %arg9[%dma_start3A_53] : memref<6x!tpu.dma_semaphore, #tpu.memory_space<semaphore_mem>> -> memref<1x!tpu.dma_semaphore, #tpu.memory_space<semaphore_mem>>
    %dma_start3A_62 = tpu.memref_squeeze %dma_start3A_61 : memref<1x!tpu.dma_semaphore, #tpu.memory_space<semaphore_mem>> -> memref<!tpu.dma_semaphore, #tpu.memory_space<semaphore_mem>>
    tpu.enqueue_indirect_dma source(%dma_start3A_60 : memref<10000x128xf32, #tpu.memory_space<hbm>>) target(%dma_start3A_56 : memref<40x128xf32, #tpu.memory_space<vmem>>) offsets(%dma_start3A_57 : memref<40xi32, #tpu.memory_space<vmem>>) semaphore(%dma_start3A_62 : memref<!tpu.dma_semaphore, #tpu.memory_space<semaphore_mem>>)
    %add3A_63 = arith.constant 80 : i32
    %add3A_64 = arith.addi %rem3A_34, %add3A_63 : i32
    %multiple_of3A_65 = tpu.assume_multiple %add3A_64, 8 : i32
    %dma_start3A_66 = arith.constant 2 : i32
    %dma_start3A_67 = arith.constant 80 : i32
    %dma_start3A_68 = arith.constant 0 : i32
    %dma_start3A_69 = tpu.memref_slice %arg7[%dma_start3A_67, %dma_start3A_68] : memref<240x128xf32, #tpu.memory_space<vmem>> -> memref<40x128xf32, #tpu.memory_space<vmem>>
    %dma_start3A_70 = tpu.memref_slice %arg5[%multiple_of3A_65] : memref<10112xi32, #tpu.memory_space<vmem>> -> memref<40xi32, #tpu.memory_space<vmem>>
    %dma_start3A_71 = arith.constant 0 : i32
    %dma_start3A_72 = arith.constant 0 : i32
    %dma_start3A_73 = tpu.memref_slice %arg2[%dma_start3A_71, %dma_start3A_72] : memref<10000x128xf32, #tpu.memory_space<hbm>> -> memref<10000x128xf32, #tpu.memory_space<hbm>>
    %dma_start3A_74 = tpu.memref_slice %arg9[%dma_start3A_66] : memref<6x!tpu.dma_semaphore, #tpu.memory_space<semaphore_mem>> -> memref<1x!tpu.dma_semaphore, #tpu.memory_space<semaphore_mem>>
    %dma_start3A_75 = tpu.memref_squeeze %dma_start3A_74 : memref<1x!tpu.dma_semaphore, #tpu.memory_space<semaphore_mem>> -> memref<!tpu.dma_semaphore, #tpu.memory_space<semaphore_mem>>
    tpu.enqueue_indirect_dma source(%dma_start3A_73 : memref<10000x128xf32, #tpu.memory_space<hbm>>) target(%dma_start3A_69 : memref<40x128xf32, #tpu.memory_space<vmem>>) offsets(%dma_start3A_70 : memref<40xi32, #tpu.memory_space<vmem>>) semaphore(%dma_start3A_75 : memref<!tpu.dma_semaphore, #tpu.memory_space<semaphore_mem>>)
    %add3A_76 = arith.constant 120 : i32
    %add3A_77 = arith.addi %rem3A_34, %add3A_76 : i32
    %multiple_of3A_78 = tpu.assume_multiple %add3A_77, 8 : i32
    %dma_start3A_79 = arith.constant 3 : i32
    %dma_start3A_80 = arith.constant 120 : i32
    %dma_start3A_81 = arith.constant 0 : i32
    %dma_start3A_82 = tpu.memref_slice %arg7[%dma_start3A_80, %dma_start3A_81] : memref<240x128xf32, #tpu.memory_space<vmem>> -> memref<40x128xf32, #tpu.memory_space<vmem>>
    %dma_start3A_83 = tpu.memref_slice %arg5[%multiple_of3A_78] : memref<10112xi32, #tpu.memory_space<vmem>> -> memref<40xi32, #tpu.memory_space<vmem>>
    %dma_start3A_84 = arith.constant 0 : i32
    %dma_start3A_85 = arith.constant 0 : i32
    %dma_start3A_86 = tpu.memref_slice %arg2[%dma_start3A_84, %dma_start3A_85] : memref<10000x128xf32, #tpu.memory_space<hbm>> -> memref<10000x128xf32, #tpu.memory_space<hbm>>
    %dma_start3A_87 = tpu.memref_slice %arg9[%dma_start3A_79] : memref<6x!tpu.dma_semaphore, #tpu.memory_space<semaphore_mem>> -> memref<1x!tpu.dma_semaphore, #tpu.memory_space<semaphore_mem>>
    %dma_start3A_88 = tpu.memref_squeeze %dma_start3A_87 : memref<1x!tpu.dma_semaphore, #tpu.memory_space<semaphore_mem>> -> memref<!tpu.dma_semaphore, #tpu.memory_space<semaphore_mem>>
    tpu.enqueue_indirect_dma source(%dma_start3A_86 : memref<10000x128xf32, #tpu.memory_space<hbm>>) target(%dma_start3A_82 : memref<40x128xf32, #tpu.memory_space<vmem>>) offsets(%dma_start3A_83 : memref<40xi32, #tpu.memory_space<vmem>>) semaphore(%dma_start3A_88 : memref<!tpu.dma_semaphore, #tpu.memory_space<semaphore_mem>>)
    %add3A_89 = arith.constant 160 : i32
    %add3A_90 = arith.addi %rem3A_34, %add3A_89 : i32
    %multiple_of3A_91 = tpu.assume_multiple %add3A_90, 8 : i32
    %dma_start3A_92 = arith.constant 4 : i32
    %dma_start3A_93 = arith.constant 160 : i32
    %dma_start3A_94 = arith.constant 0 : i32
    %dma_start3A_95 = tpu.memref_slice %arg7[%dma_start3A_93, %dma_start3A_94] : memref<240x128xf32, #tpu.memory_space<vmem>> -> memref<40x128xf32, #tpu.memory_space<vmem>>
    %dma_start3A_96 = tpu.memref_slice %arg5[%multiple_of3A_91] : memref<10112xi32, #tpu.memory_space<vmem>> -> memref<40xi32, #tpu.memory_space<vmem>>
    %dma_start3A_97 = arith.constant 0 : i32
    %dma_start3A_98 = arith.constant 0 : i32
    %dma_start3A_99 = tpu.memref_slice %arg2[%dma_start3A_97, %dma_start3A_98] : memref<10000x128xf32, #tpu.memory_space<hbm>> -> memref<10000x128xf32, #tpu.memory_space<hbm>>
    %dma_start3A_100 = tpu.memref_slice %arg9[%dma_start3A_92] : memref<6x!tpu.dma_semaphore, #tpu.memory_space<semaphore_mem>> -> memref<1x!tpu.dma_semaphore, #tpu.memory_space<semaphore_mem>>
    %dma_start3A_101 = tpu.memref_squeeze %dma_start3A_100 : memref<1x!tpu.dma_semaphore, #tpu.memory_space<semaphore_mem>> -> memref<!tpu.dma_semaphore, #tpu.memory_space<semaphore_mem>>
    tpu.enqueue_indirect_dma source(%dma_start3A_99 : memref<10000x128xf32, #tpu.memory_space<hbm>>) target(%dma_start3A_95 : memref<40x128xf32, #tpu.memory_space<vmem>>) offsets(%dma_start3A_96 : memref<40xi32, #tpu.memory_space<vmem>>) semaphore(%dma_start3A_101 : memref<!tpu.dma_semaphore, #tpu.memory_space<semaphore_mem>>)
    %scan3A_102 = arith.constant 0 : i32
    %scan3A_103 = arith.constant 0 : i32
    %scan3A_104 = arith.constant 41 : i32
    %scan3A_105 = arith.addi %scan3A_103, %scan3A_104 : i32
    %scan3A_106 = arith.constant 1 : i32
    scf.for %scan3A_360 = %scan3A_103 to %scan3A_105 step %scan3A_106  : i32 {
      %mul3A_361 = arith.constant 6 : i32
      %mul3A_362 = arith.muli %mul3A_361, %scan3A_360 : i32
      %add3A_363 = arith.constant 0 : i32
      %add3A_364 = arith.addi %mul3A_362, %add3A_363 : i32
      %add3A_365 = arith.constant 0 : i32
      %add3A_366 = arith.addi %add3A_364, %add3A_365 : i32
      %dma_wait3A_367 = arith.constant 0 : i32
      %dma_wait3A_368 = arith.constant 0 : i32
      %dma_wait3A_369 = arith.constant 0 : i32
      %dma_wait3A_370 = tpu.memref_slice %arg7[%dma_wait3A_368, %dma_wait3A_369] : memref<240x128xf32, #tpu.memory_space<vmem>> -> memref<40x128xf32, #tpu.memory_space<vmem>>
      %dma_wait3A_371 = arith.constant 0 : i32
      %dma_wait3A_372 = arith.constant 0 : i32
      %dma_wait3A_373 = tpu.memref_slice %arg2[%dma_wait3A_371, %dma_wait3A_372] : memref<10000x128xf32, #tpu.memory_space<hbm>> -> memref<40x128xf32, #tpu.memory_space<hbm>>
      %dma_wait3A_374 = tpu.memref_slice %arg9[%dma_wait3A_367] : memref<6x!tpu.dma_semaphore, #tpu.memory_space<semaphore_mem>> -> memref<1x!tpu.dma_semaphore, #tpu.memory_space<semaphore_mem>>
      %dma_wait3A_375 = tpu.memref_squeeze %dma_wait3A_374 : memref<1x!tpu.dma_semaphore, #tpu.memory_space<semaphore_mem>> -> memref<!tpu.dma_semaphore, #tpu.memory_space<semaphore_mem>>
      %dma_wait3A_376 = arith.constant 0 : i32
      %dma_wait3A_377 = arith.constant 0 : i32
      %dma_wait3A_378 = tpu.memref_slice %arg7[%dma_wait3A_376, %dma_wait3A_377] : memref<240x128xf32, #tpu.memory_space<vmem>> -> memref<40x128xf32, #tpu.memory_space<vmem>>
      %dma_wait3A_379 = arith.constant 0 : i32
      %dma_wait3A_380 = arith.constant 0 : i32
      %dma_wait3A_381 = tpu.memref_slice %arg2[%dma_wait3A_379, %dma_wait3A_380] : memref<10000x128xf32, #tpu.memory_space<hbm>> -> memref<40x128xf32, #tpu.memory_space<hbm>>
      tpu.wait_dma2 semaphore(%dma_wait3A_375 : memref<!tpu.dma_semaphore, #tpu.memory_space<semaphore_mem>>) src(%dma_wait3A_381 : memref<40x128xf32, #tpu.memory_space<hbm>>) dst(%dma_wait3A_378 : memref<40x128xf32, #tpu.memory_space<vmem>>)
      %add3A_382 = arith.constant 6 : i32
      %add3A_383 = arith.addi %add3A_366, %add3A_382 : i32
      %sub3A_384 = arith.constant 1 : i32
      %sub3A_385 = arith.subi %add3A_383, %sub3A_384 : i32
      %lt3A_386 = arith.constant 250 : i32
      %lt3A_387 = arith.cmpi slt, %sub3A_385, %lt3A_386 : i32
      %convert_element_type3A = arith.extui %lt3A_387 : i1 to i32
      %cond3A = arith.constant 0 : i32
      %cond3A_388 = arith.cmpi ne, %convert_element_type3A, %cond3A : i32
      scf.if %cond3A_388 {
        %add3A_563 = arith.constant 6 : i32
        %add3A_564 = arith.addi %add3A_366, %add3A_563 : i32
        %sub3A_565 = arith.constant 1 : i32
        %sub3A_566 = arith.subi %add3A_564, %sub3A_565 : i32
        %mul3A_567 = arith.constant 40 : i32
        %mul3A_568 = arith.muli %sub3A_566, %mul3A_567 : i32
        %add3A_569 = arith.addi %rem3A_34, %mul3A_568 : i32
        %multiple_of3A_570 = tpu.assume_multiple %add3A_569, 8 : i32
        %dma_start3A_571 = arith.constant 5 : i32
        %dma_start3A_572 = arith.constant 200 : i32
        %dma_start3A_573 = arith.constant 0 : i32
        %dma_start3A_574 = tpu.memref_slice %arg7[%dma_start3A_572, %dma_start3A_573] : memref<240x128xf32, #tpu.memory_space<vmem>> -> memref<40x128xf32, #tpu.memory_space<vmem>>
        %dma_start3A_575 = tpu.memref_slice %arg5[%multiple_of3A_570] : memref<10112xi32, #tpu.memory_space<vmem>> -> memref<40xi32, #tpu.memory_space<vmem>>
        %dma_start3A_576 = arith.constant 0 : i32
        %dma_start3A_577 = arith.constant 0 : i32
        %dma_start3A_578 = tpu.memref_slice %arg2[%dma_start3A_576, %dma_start3A_577] : memref<10000x128xf32, #tpu.memory_space<hbm>> -> memref<10000x128xf32, #tpu.memory_space<hbm>>
        %dma_start3A_579 = tpu.memref_slice %arg9[%dma_start3A_571] : memref<6x!tpu.dma_semaphore, #tpu.memory_space<semaphore_mem>> -> memref<1x!tpu.dma_semaphore, #tpu.memory_space<semaphore_mem>>
        %dma_start3A_580 = tpu.memref_squeeze %dma_start3A_579 : memref<1x!tpu.dma_semaphore, #tpu.memory_space<semaphore_mem>> -> memref<!tpu.dma_semaphore, #tpu.memory_space<semaphore_mem>>
        tpu.enqueue_indirect_dma source(%dma_start3A_578 : memref<10000x128xf32, #tpu.memory_space<hbm>>) target(%dma_start3A_574 : memref<40x128xf32, #tpu.memory_space<vmem>>) offsets(%dma_start3A_575 : memref<40xi32, #tpu.memory_space<vmem>>) semaphore(%dma_start3A_580 : memref<!tpu.dma_semaphore, #tpu.memory_space<semaphore_mem>>)
      } else {
      }
      %mul3A_389 = arith.constant 6 : i32
      %mul3A_390 = arith.muli %mul3A_389, %scan3A_360 : i32
      %add3A_391 = arith.constant 0 : i32
      %add3A_392 = arith.addi %mul3A_390, %add3A_391 : i32
      %add3A_393 = arith.constant 1 : i32
      %add3A_394 = arith.addi %add3A_392, %add3A_393 : i32
      %dma_wait3A_395 = arith.constant 1 : i32
      %dma_wait3A_396 = arith.constant 40 : i32
      %dma_wait3A_397 = arith.constant 0 : i32
      %dma_wait3A_398 = tpu.memref_slice %arg7[%dma_wait3A_396, %dma_wait3A_397] : memref<240x128xf32, #tpu.memory_space<vmem>> -> memref<40x128xf32, #tpu.memory_space<vmem>>
      %dma_wait3A_399 = arith.constant 0 : i32
      %dma_wait3A_400 = arith.constant 0 : i32
      %dma_wait3A_401 = tpu.memref_slice %arg2[%dma_wait3A_399, %dma_wait3A_400] : memref<10000x128xf32, #tpu.memory_space<hbm>> -> memref<40x128xf32, #tpu.memory_space<hbm>>
      %dma_wait3A_402 = tpu.memref_slice %arg9[%dma_wait3A_395] : memref<6x!tpu.dma_semaphore, #tpu.memory_space<semaphore_mem>> -> memref<1x!tpu.dma_semaphore, #tpu.memory_space<semaphore_mem>>
      %dma_wait3A_403 = tpu.memref_squeeze %dma_wait3A_402 : memref<1x!tpu.dma_semaphore, #tpu.memory_space<semaphore_mem>> -> memref<!tpu.dma_semaphore, #tpu.memory_space<semaphore_mem>>
      %dma_wait3A_404 = arith.constant 40 : i32
      %dma_wait3A_405 = arith.constant 0 : i32
      %dma_wait3A_406 = tpu.memref_slice %arg7[%dma_wait3A_404, %dma_wait3A_405] : memref<240x128xf32, #tpu.memory_space<vmem>> -> memref<40x128xf32, #tpu.memory_space<vmem>>
      %dma_wait3A_407 = arith.constant 0 : i32
      %dma_wait3A_408 = arith.constant 0 : i32
      %dma_wait3A_409 = tpu.memref_slice %arg2[%dma_wait3A_407, %dma_wait3A_408] : memref<10000x128xf32, #tpu.memory_space<hbm>> -> memref<40x128xf32, #tpu.memory_space<hbm>>
      tpu.wait_dma2 semaphore(%dma_wait3A_403 : memref<!tpu.dma_semaphore, #tpu.memory_space<semaphore_mem>>) src(%dma_wait3A_409 : memref<40x128xf32, #tpu.memory_space<hbm>>) dst(%dma_wait3A_406 : memref<40x128xf32, #tpu.memory_space<vmem>>)
      %add3A_410 = arith.constant 6 : i32
      %add3A_411 = arith.addi %add3A_394, %add3A_410 : i32
      %sub3A_412 = arith.constant 1 : i32
      %sub3A_413 = arith.subi %add3A_411, %sub3A_412 : i32
      %lt3A_414 = arith.constant 250 : i32
      %lt3A_415 = arith.cmpi slt, %sub3A_413, %lt3A_414 : i32
      %convert_element_type3A_416 = arith.extui %lt3A_415 : i1 to i32
      %cond3A_417 = arith.constant 0 : i32
      %cond3A_418 = arith.cmpi ne, %convert_element_type3A_416, %cond3A_417 : i32
      scf.if %cond3A_418 {
        %add3A_563 = arith.constant 6 : i32
        %add3A_564 = arith.addi %add3A_394, %add3A_563 : i32
        %sub3A_565 = arith.constant 1 : i32
        %sub3A_566 = arith.subi %add3A_564, %sub3A_565 : i32
        %mul3A_567 = arith.constant 40 : i32
        %mul3A_568 = arith.muli %sub3A_566, %mul3A_567 : i32
        %add3A_569 = arith.addi %rem3A_34, %mul3A_568 : i32
        %multiple_of3A_570 = tpu.assume_multiple %add3A_569, 8 : i32
        %dma_start3A_571 = arith.constant 0 : i32
        %dma_start3A_572 = arith.constant 0 : i32
        %dma_start3A_573 = arith.constant 0 : i32
        %dma_start3A_574 = tpu.memref_slice %arg7[%dma_start3A_572, %dma_start3A_573] : memref<240x128xf32, #tpu.memory_space<vmem>> -> memref<40x128xf32, #tpu.memory_space<vmem>>
        %dma_start3A_575 = tpu.memref_slice %arg5[%multiple_of3A_570] : memref<10112xi32, #tpu.memory_space<vmem>> -> memref<40xi32, #tpu.memory_space<vmem>>
        %dma_start3A_576 = arith.constant 0 : i32
        %dma_start3A_577 = arith.constant 0 : i32
        %dma_start3A_578 = tpu.memref_slice %arg2[%dma_start3A_576, %dma_start3A_577] : memref<10000x128xf32, #tpu.memory_space<hbm>> -> memref<10000x128xf32, #tpu.memory_space<hbm>>
        %dma_start3A_579 = tpu.memref_slice %arg9[%dma_start3A_571] : memref<6x!tpu.dma_semaphore, #tpu.memory_space<semaphore_mem>> -> memref<1x!tpu.dma_semaphore, #tpu.memory_space<semaphore_mem>>
        %dma_start3A_580 = tpu.memref_squeeze %dma_start3A_579 : memref<1x!tpu.dma_semaphore, #tpu.memory_space<semaphore_mem>> -> memref<!tpu.dma_semaphore, #tpu.memory_space<semaphore_mem>>
        tpu.enqueue_indirect_dma source(%dma_start3A_578 : memref<10000x128xf32, #tpu.memory_space<hbm>>) target(%dma_start3A_574 : memref<40x128xf32, #tpu.memory_space<vmem>>) offsets(%dma_start3A_575 : memref<40xi32, #tpu.memory_space<vmem>>) semaphore(%dma_start3A_580 : memref<!tpu.dma_semaphore, #tpu.memory_space<semaphore_mem>>)
      } else {
      }
      %mul3A_419 = arith.constant 3 : i32
      %mul3A_420 = arith.muli %mul3A_419, %scan3A_360 : i32
      %add3A_421 = arith.constant 0 : i32
      %add3A_422 = arith.addi %mul3A_420, %add3A_421 : i32
      %mul3A_423 = arith.constant 80 : i32
      %mul3A_424 = arith.muli %add3A_422, %mul3A_423 : i32
      %add3A_425 = arith.addi %rem3A_34, %mul3A_424 : i32
      %multiple_of3A_426 = tpu.assume_multiple %add3A_425, 8 : i32
      "tpu.region"() ({
        %run_scoped3A_563 = tpu.sem_alloc : memref<!tpu.dma_semaphore, #tpu.memory_space<semaphore_mem>>
        %dma_start3A_564 = arith.constant 0 : i32
        %dma_start3A_565 = arith.constant 0 : i32
        %dma_start3A_566 = tpu.memref_slice %arg7[%dma_start3A_564, %dma_start3A_565] : memref<240x128xf32, #tpu.memory_space<vmem>> -> memref<80x128xf32, #tpu.memory_space<vmem>>
        %dma_start3A_567 = tpu.memref_slice %arg6[%multiple_of3A_426] : memref<10112xi32, #tpu.memory_space<vmem>> -> memref<80xi32, #tpu.memory_space<vmem>>
        %dma_start3A_568 = arith.constant 0 : i32
        %dma_start3A_569 = arith.constant 0 : i32
        %dma_start3A_570 = tpu.memref_slice %arg8[%dma_start3A_568, %dma_start3A_569] : memref<10000x128xf32, #tpu.memory_space<vmem_shared>> -> memref<10000x128xf32, #tpu.memory_space<vmem_shared>>
        tpu.enqueue_indirect_dma source(%dma_start3A_566 : memref<80x128xf32, #tpu.memory_space<vmem>>) target(%dma_start3A_570 : memref<10000x128xf32, #tpu.memory_space<vmem_shared>>) offsets(%dma_start3A_567 : memref<80xi32, #tpu.memory_space<vmem>>) semaphore(%run_scoped3A_563 : memref<!tpu.dma_semaphore, #tpu.memory_space<semaphore_mem>>) {add = true}
        %dma_wait3A_571 = arith.constant 0 : i32
        %dma_wait3A_572 = arith.constant 0 : i32
        %dma_wait3A_573 = tpu.memref_slice %arg7[%dma_wait3A_571, %dma_wait3A_572] : memref<240x128xf32, #tpu.memory_space<vmem>> -> memref<80x128xf32, #tpu.memory_space<vmem>>
        %dma_wait3A_574 = tpu.memref_slice %arg6[%multiple_of3A_426] : memref<10112xi32, #tpu.memory_space<vmem>> -> memref<80xi32, #tpu.memory_space<vmem>>
        %dma_wait3A_575 = arith.constant 0 : i32
        %dma_wait3A_576 = arith.constant 0 : i32
        %dma_wait3A_577 = tpu.memref_slice %arg8[%dma_wait3A_575, %dma_wait3A_576] : memref<10000x128xf32, #tpu.memory_space<vmem_shared>> -> memref<10000x128xf32, #tpu.memory_space<vmem_shared>>
        tpu.wait_indirect_dma semaphore(%run_scoped3A_563 : memref<!tpu.dma_semaphore, #tpu.memory_space<semaphore_mem>>) src(%dma_wait3A_573 : memref<80x128xf32, #tpu.memory_space<vmem>>) dst(%dma_wait3A_577 : memref<10000x128xf32, #tpu.memory_space<vmem_shared>>)
        tpu.yield
      }) : () -> ()
      %mul3A_427 = arith.constant 6 : i32
      %mul3A_428 = arith.muli %mul3A_427, %scan3A_360 : i32
      %add3A_429 = arith.constant 2 : i32
      %add3A_430 = arith.addi %mul3A_428, %add3A_429 : i32
      %add3A_431 = arith.constant 0 : i32
      %add3A_432 = arith.addi %add3A_430, %add3A_431 : i32
      %dma_wait3A_433 = arith.constant 2 : i32
      %dma_wait3A_434 = arith.constant 80 : i32
      %dma_wait3A_435 = arith.constant 0 : i32
      %dma_wait3A_436 = tpu.memref_slice %arg7[%dma_wait3A_434, %dma_wait3A_435] : memref<240x128xf32, #tpu.memory_space<vmem>> -> memref<40x128xf32, #tpu.memory_space<vmem>>
      %dma_wait3A_437 = arith.constant 0 : i32
      %dma_wait3A_438 = arith.constant 0 : i32
      %dma_wait3A_439 = tpu.memref_slice %arg2[%dma_wait3A_437, %dma_wait3A_438] : memref<10000x128xf32, #tpu.memory_space<hbm>> -> memref<40x128xf32, #tpu.memory_space<hbm>>
      %dma_wait3A_440 = tpu.memref_slice %arg9[%dma_wait3A_433] : memref<6x!tpu.dma_semaphore, #tpu.memory_space<semaphore_mem>> -> memref<1x!tpu.dma_semaphore, #tpu.memory_space<semaphore_mem>>
      %dma_wait3A_441 = tpu.memref_squeeze %dma_wait3A_440 : memref<1x!tpu.dma_semaphore, #tpu.memory_space<semaphore_mem>> -> memref<!tpu.dma_semaphore, #tpu.memory_space<semaphore_mem>>
      %dma_wait3A_442 = arith.constant 80 : i32
      %dma_wait3A_443 = arith.constant 0 : i32
      %dma_wait3A_444 = tpu.memref_slice %arg7[%dma_wait3A_442, %dma_wait3A_443] : memref<240x128xf32, #tpu.memory_space<vmem>> -> memref<40x128xf32, #tpu.memory_space<vmem>>
      %dma_wait3A_445 = arith.constant 0 : i32
      %dma_wait3A_446 = arith.constant 0 : i32
      %dma_wait3A_447 = tpu.memref_slice %arg2[%dma_wait3A_445, %dma_wait3A_446] : memref<10000x128xf32, #tpu.memory_space<hbm>> -> memref<40x128xf32, #tpu.memory_space<hbm>>
      tpu.wait_dma2 semaphore(%dma_wait3A_441 : memref<!tpu.dma_semaphore, #tpu.memory_space<semaphore_mem>>) src(%dma_wait3A_447 : memref<40x128xf32, #tpu.memory_space<hbm>>) dst(%dma_wait3A_444 : memref<40x128xf32, #tpu.memory_space<vmem>>)
      %add3A_448 = arith.constant 6 : i32
      %add3A_449 = arith.addi %add3A_432, %add3A_448 : i32
      %sub3A_450 = arith.constant 1 : i32
      %sub3A_451 = arith.subi %add3A_449, %sub3A_450 : i32
      %lt3A_452 = arith.constant 250 : i32
      %lt3A_453 = arith.cmpi slt, %sub3A_451, %lt3A_452 : i32
      %convert_element_type3A_454 = arith.extui %lt3A_453 : i1 to i32
      %cond3A_455 = arith.constant 0 : i32
      %cond3A_456 = arith.cmpi ne, %convert_element_type3A_454, %cond3A_455 : i32
      scf.if %cond3A_456 {
        %add3A_563 = arith.constant 6 : i32
        %add3A_564 = arith.addi %add3A_432, %add3A_563 : i32
        %sub3A_565 = arith.constant 1 : i32
        %sub3A_566 = arith.subi %add3A_564, %sub3A_565 : i32
        %mul3A_567 = arith.constant 40 : i32
        %mul3A_568 = arith.muli %sub3A_566, %mul3A_567 : i32
        %add3A_569 = arith.addi %rem3A_34, %mul3A_568 : i32
        %multiple_of3A_570 = tpu.assume_multiple %add3A_569, 8 : i32
        %dma_start3A_571 = arith.constant 1 : i32
        %dma_start3A_572 = arith.constant 40 : i32
        %dma_start3A_573 = arith.constant 0 : i32
        %dma_start3A_574 = tpu.memref_slice %arg7[%dma_start3A_572, %dma_start3A_573] : memref<240x128xf32, #tpu.memory_space<vmem>> -> memref<40x128xf32, #tpu.memory_space<vmem>>
        %dma_start3A_575 = tpu.memref_slice %arg5[%multiple_of3A_570] : memref<10112xi32, #tpu.memory_space<vmem>> -> memref<40xi32, #tpu.memory_space<vmem>>
        %dma_start3A_576 = arith.constant 0 : i32
        %dma_start3A_577 = arith.constant 0 : i32
        %dma_start3A_578 = tpu.memref_slice %arg2[%dma_start3A_576, %dma_start3A_577] : memref<10000x128xf32, #tpu.memory_space<hbm>> -> memref<10000x128xf32, #tpu.memory_space<hbm>>
        %dma_start3A_579 = tpu.memref_slice %arg9[%dma_start3A_571] : memref<6x!tpu.dma_semaphore, #tpu.memory_space<semaphore_mem>> -> memref<1x!tpu.dma_semaphore, #tpu.memory_space<semaphore_mem>>
        %dma_start3A_580 = tpu.memref_squeeze %dma_start3A_579 : memref<1x!tpu.dma_semaphore, #tpu.memory_space<semaphore_mem>> -> memref<!tpu.dma_semaphore, #tpu.memory_space<semaphore_mem>>
        tpu.enqueue_indirect_dma source(%dma_start3A_578 : memref<10000x128xf32, #tpu.memory_space<hbm>>) target(%dma_start3A_574 : memref<40x128xf32, #tpu.memory_space<vmem>>) offsets(%dma_start3A_575 : memref<40xi32, #tpu.memory_space<vmem>>) semaphore(%dma_start3A_580 : memref<!tpu.dma_semaphore, #tpu.memory_space<semaphore_mem>>)
      } else {
      }
      %mul3A_457 = arith.constant 6 : i32
      %mul3A_458 = arith.muli %mul3A_457, %scan3A_360 : i32
      %add3A_459 = arith.constant 2 : i32
      %add3A_460 = arith.addi %mul3A_458, %add3A_459 : i32
      %add3A_461 = arith.constant 1 : i32
      %add3A_462 = arith.addi %add3A_460, %add3A_461 : i32
      %dma_wait3A_463 = arith.constant 3 : i32
      %dma_wait3A_464 = arith.constant 120 : i32
      %dma_wait3A_465 = arith.constant 0 : i32
      %dma_wait3A_466 = tpu.memref_slice %arg7[%dma_wait3A_464, %dma_wait3A_465] : memref<240x128xf32, #tpu.memory_space<vmem>> -> memref<40x128xf32, #tpu.memory_space<vmem>>
      %dma_wait3A_467 = arith.constant 0 : i32
      %dma_wait3A_468 = arith.constant 0 : i32
      %dma_wait3A_469 = tpu.memref_slice %arg2[%dma_wait3A_467, %dma_wait3A_468] : memref<10000x128xf32, #tpu.memory_space<hbm>> -> memref<40x128xf32, #tpu.memory_space<hbm>>
      %dma_wait3A_470 = tpu.memref_slice %arg9[%dma_wait3A_463] : memref<6x!tpu.dma_semaphore, #tpu.memory_space<semaphore_mem>> -> memref<1x!tpu.dma_semaphore, #tpu.memory_space<semaphore_mem>>
      %dma_wait3A_471 = tpu.memref_squeeze %dma_wait3A_470 : memref<1x!tpu.dma_semaphore, #tpu.memory_space<semaphore_mem>> -> memref<!tpu.dma_semaphore, #tpu.memory_space<semaphore_mem>>
      %dma_wait3A_472 = arith.constant 120 : i32
      %dma_wait3A_473 = arith.constant 0 : i32
      %dma_wait3A_474 = tpu.memref_slice %arg7[%dma_wait3A_472, %dma_wait3A_473] : memref<240x128xf32, #tpu.memory_space<vmem>> -> memref<40x128xf32, #tpu.memory_space<vmem>>
      %dma_wait3A_475 = arith.constant 0 : i32
      %dma_wait3A_476 = arith.constant 0 : i32
      %dma_wait3A_477 = tpu.memref_slice %arg2[%dma_wait3A_475, %dma_wait3A_476] : memref<10000x128xf32, #tpu.memory_space<hbm>> -> memref<40x128xf32, #tpu.memory_space<hbm>>
      tpu.wait_dma2 semaphore(%dma_wait3A_471 : memref<!tpu.dma_semaphore, #tpu.memory_space<semaphore_mem>>) src(%dma_wait3A_477 : memref<40x128xf32, #tpu.memory_space<hbm>>) dst(%dma_wait3A_474 : memref<40x128xf32, #tpu.memory_space<vmem>>)
      %add3A_478 = arith.constant 6 : i32
      %add3A_479 = arith.addi %add3A_462, %add3A_478 : i32
      %sub3A_480 = arith.constant 1 : i32
      %sub3A_481 = arith.subi %add3A_479, %sub3A_480 : i32
      %lt3A_482 = arith.constant 250 : i32
      %lt3A_483 = arith.cmpi slt, %sub3A_481, %lt3A_482 : i32
      %convert_element_type3A_484 = arith.extui %lt3A_483 : i1 to i32
      %cond3A_485 = arith.constant 0 : i32
      %cond3A_486 = arith.cmpi ne, %convert_element_type3A_484, %cond3A_485 : i32
      scf.if %cond3A_486 {
        %add3A_563 = arith.constant 6 : i32
        %add3A_564 = arith.addi %add3A_462, %add3A_563 : i32
        %sub3A_565 = arith.constant 1 : i32
        %sub3A_566 = arith.subi %add3A_564, %sub3A_565 : i32
        %mul3A_567 = arith.constant 40 : i32
        %mul3A_568 = arith.muli %sub3A_566, %mul3A_567 : i32
        %add3A_569 = arith.addi %rem3A_34, %mul3A_568 : i32
        %multiple_of3A_570 = tpu.assume_multiple %add3A_569, 8 : i32
        %dma_start3A_571 = arith.constant 2 : i32
        %dma_start3A_572 = arith.constant 80 : i32
        %dma_start3A_573 = arith.constant 0 : i32
        %dma_start3A_574 = tpu.memref_slice %arg7[%dma_start3A_572, %dma_start3A_573] : memref<240x128xf32, #tpu.memory_space<vmem>> -> memref<40x128xf32, #tpu.memory_space<vmem>>
        %dma_start3A_575 = tpu.memref_slice %arg5[%multiple_of3A_570] : memref<10112xi32, #tpu.memory_space<vmem>> -> memref<40xi32, #tpu.memory_space<vmem>>
        %dma_start3A_576 = arith.constant 0 : i32
        %dma_start3A_577 = arith.constant 0 : i32
        %dma_start3A_578 = tpu.memref_slice %arg2[%dma_start3A_576, %dma_start3A_577] : memref<10000x128xf32, #tpu.memory_space<hbm>> -> memref<10000x128xf32, #tpu.memory_space<hbm>>
        %dma_start3A_579 = tpu.memref_slice %arg9[%dma_start3A_571] : memref<6x!tpu.dma_semaphore, #tpu.memory_space<semaphore_mem>> -> memref<1x!tpu.dma_semaphore, #tpu.memory_space<semaphore_mem>>
        %dma_start3A_580 = tpu.memref_squeeze %dma_start3A_579 : memref<1x!tpu.dma_semaphore, #tpu.memory_space<semaphore_mem>> -> memref<!tpu.dma_semaphore, #tpu.memory_space<semaphore_mem>>
        tpu.enqueue_indirect_dma source(%dma_start3A_578 : memref<10000x128xf32, #tpu.memory_space<hbm>>) target(%dma_start3A_574 : memref<40x128xf32, #tpu.memory_space<vmem>>) offsets(%dma_start3A_575 : memref<40xi32, #tpu.memory_space<vmem>>) semaphore(%dma_start3A_580 : memref<!tpu.dma_semaphore, #tpu.memory_space<semaphore_mem>>)
      } else {
      }
      %mul3A_487 = arith.constant 3 : i32
      %mul3A_488 = arith.muli %mul3A_487, %scan3A_360 : i32
      %add3A_489 = arith.constant 1 : i32
      %add3A_490 = arith.addi %mul3A_488, %add3A_489 : i32
      %mul3A_491 = arith.constant 80 : i32
      %mul3A_492 = arith.muli %add3A_490, %mul3A_491 : i32
      %add3A_493 = arith.addi %rem3A_34, %mul3A_492 : i32
      %multiple_of3A_494 = tpu.assume_multiple %add3A_493, 8 : i32
      "tpu.region"() ({
        %run_scoped3A_563 = tpu.sem_alloc : memref<!tpu.dma_semaphore, #tpu.memory_space<semaphore_mem>>
        %dma_start3A_564 = arith.constant 80 : i32
        %dma_start3A_565 = arith.constant 0 : i32
        %dma_start3A_566 = tpu.memref_slice %arg7[%dma_start3A_564, %dma_start3A_565] : memref<240x128xf32, #tpu.memory_space<vmem>> -> memref<80x128xf32, #tpu.memory_space<vmem>>
        %dma_start3A_567 = tpu.memref_slice %arg6[%multiple_of3A_494] : memref<10112xi32, #tpu.memory_space<vmem>> -> memref<80xi32, #tpu.memory_space<vmem>>
        %dma_start3A_568 = arith.constant 0 : i32
        %dma_start3A_569 = arith.constant 0 : i32
        %dma_start3A_570 = tpu.memref_slice %arg8[%dma_start3A_568, %dma_start3A_569] : memref<10000x128xf32, #tpu.memory_space<vmem_shared>> -> memref<10000x128xf32, #tpu.memory_space<vmem_shared>>
        tpu.enqueue_indirect_dma source(%dma_start3A_566 : memref<80x128xf32, #tpu.memory_space<vmem>>) target(%dma_start3A_570 : memref<10000x128xf32, #tpu.memory_space<vmem_shared>>) offsets(%dma_start3A_567 : memref<80xi32, #tpu.memory_space<vmem>>) semaphore(%run_scoped3A_563 : memref<!tpu.dma_semaphore, #tpu.memory_space<semaphore_mem>>) {add = true}
        %dma_wait3A_571 = arith.constant 80 : i32
        %dma_wait3A_572 = arith.constant 0 : i32
        %dma_wait3A_573 = tpu.memref_slice %arg7[%dma_wait3A_571, %dma_wait3A_572] : memref<240x128xf32, #tpu.memory_space<vmem>> -> memref<80x128xf32, #tpu.memory_space<vmem>>
        %dma_wait3A_574 = tpu.memref_slice %arg6[%multiple_of3A_494] : memref<10112xi32, #tpu.memory_space<vmem>> -> memref<80xi32, #tpu.memory_space<vmem>>
        %dma_wait3A_575 = arith.constant 0 : i32
        %dma_wait3A_576 = arith.constant 0 : i32
        %dma_wait3A_577 = tpu.memref_slice %arg8[%dma_wait3A_575, %dma_wait3A_576] : memref<10000x128xf32, #tpu.memory_space<vmem_shared>> -> memref<10000x128xf32, #tpu.memory_space<vmem_shared>>
        tpu.wait_indirect_dma semaphore(%run_scoped3A_563 : memref<!tpu.dma_semaphore, #tpu.memory_space<semaphore_mem>>) src(%dma_wait3A_573 : memref<80x128xf32, #tpu.memory_space<vmem>>) dst(%dma_wait3A_577 : memref<10000x128xf32, #tpu.memory_space<vmem_shared>>)
        tpu.yield
      }) : () -> ()
      %mul3A_495 = arith.constant 6 : i32
      %mul3A_496 = arith.muli %mul3A_495, %scan3A_360 : i32
      %add3A_497 = arith.constant 4 : i32
      %add3A_498 = arith.addi %mul3A_496, %add3A_497 : i32
      %add3A_499 = arith.constant 0 : i32
      %add3A_500 = arith.addi %add3A_498, %add3A_499 : i32
      %dma_wait3A_501 = arith.constant 4 : i32
      %dma_wait3A_502 = arith.constant 160 : i32
      %dma_wait3A_503 = arith.constant 0 : i32
      %dma_wait3A_504 = tpu.memref_slice %arg7[%dma_wait3A_502, %dma_wait3A_503] : memref<240x128xf32, #tpu.memory_space<vmem>> -> memref<40x128xf32, #tpu.memory_space<vmem>>
      %dma_wait3A_505 = arith.constant 0 : i32
      %dma_wait3A_506 = arith.constant 0 : i32
      %dma_wait3A_507 = tpu.memref_slice %arg2[%dma_wait3A_505, %dma_wait3A_506] : memref<10000x128xf32, #tpu.memory_space<hbm>> -> memref<40x128xf32, #tpu.memory_space<hbm>>
      %dma_wait3A_508 = tpu.memref_slice %arg9[%dma_wait3A_501] : memref<6x!tpu.dma_semaphore, #tpu.memory_space<semaphore_mem>> -> memref<1x!tpu.dma_semaphore, #tpu.memory_space<semaphore_mem>>
      %dma_wait3A_509 = tpu.memref_squeeze %dma_wait3A_508 : memref<1x!tpu.dma_semaphore, #tpu.memory_space<semaphore_mem>> -> memref<!tpu.dma_semaphore, #tpu.memory_space<semaphore_mem>>
      %dma_wait3A_510 = arith.constant 160 : i32
      %dma_wait3A_511 = arith.constant 0 : i32
      %dma_wait3A_512 = tpu.memref_slice %arg7[%dma_wait3A_510, %dma_wait3A_511] : memref<240x128xf32, #tpu.memory_space<vmem>> -> memref<40x128xf32, #tpu.memory_space<vmem>>
      %dma_wait3A_513 = arith.constant 0 : i32
      %dma_wait3A_514 = arith.constant 0 : i32
      %dma_wait3A_515 = tpu.memref_slice %arg2[%dma_wait3A_513, %dma_wait3A_514] : memref<10000x128xf32, #tpu.memory_space<hbm>> -> memref<40x128xf32, #tpu.memory_space<hbm>>
      tpu.wait_dma2 semaphore(%dma_wait3A_509 : memref<!tpu.dma_semaphore, #tpu.memory_space<semaphore_mem>>) src(%dma_wait3A_515 : memref<40x128xf32, #tpu.memory_space<hbm>>) dst(%dma_wait3A_512 : memref<40x128xf32, #tpu.memory_space<vmem>>)
      %add3A_516 = arith.constant 6 : i32
      %add3A_517 = arith.addi %add3A_500, %add3A_516 : i32
      %sub3A_518 = arith.constant 1 : i32
      %sub3A_519 = arith.subi %add3A_517, %sub3A_518 : i32
      %lt3A_520 = arith.constant 250 : i32
      %lt3A_521 = arith.cmpi slt, %sub3A_519, %lt3A_520 : i32
      %convert_element_type3A_522 = arith.extui %lt3A_521 : i1 to i32
      %cond3A_523 = arith.constant 0 : i32
      %cond3A_524 = arith.cmpi ne, %convert_element_type3A_522, %cond3A_523 : i32
      scf.if %cond3A_524 {
        %add3A_563 = arith.constant 6 : i32
        %add3A_564 = arith.addi %add3A_500, %add3A_563 : i32
        %sub3A_565 = arith.constant 1 : i32
        %sub3A_566 = arith.subi %add3A_564, %sub3A_565 : i32
        %mul3A_567 = arith.constant 40 : i32
        %mul3A_568 = arith.muli %sub3A_566, %mul3A_567 : i32
        %add3A_569 = arith.addi %rem3A_34, %mul3A_568 : i32
        %multiple_of3A_570 = tpu.assume_multiple %add3A_569, 8 : i32
        %dma_start3A_571 = arith.constant 3 : i32
        %dma_start3A_572 = arith.constant 120 : i32
        %dma_start3A_573 = arith.constant 0 : i32
        %dma_start3A_574 = tpu.memref_slice %arg7[%dma_start3A_572, %dma_start3A_573] : memref<240x128xf32, #tpu.memory_space<vmem>> -> memref<40x128xf32, #tpu.memory_space<vmem>>
        %dma_start3A_575 = tpu.memref_slice %arg5[%multiple_of3A_570] : memref<10112xi32, #tpu.memory_space<vmem>> -> memref<40xi32, #tpu.memory_space<vmem>>
        %dma_start3A_576 = arith.constant 0 : i32
        %dma_start3A_577 = arith.constant 0 : i32
        %dma_start3A_578 = tpu.memref_slice %arg2[%dma_start3A_576, %dma_start3A_577] : memref<10000x128xf32, #tpu.memory_space<hbm>> -> memref<10000x128xf32, #tpu.memory_space<hbm>>
        %dma_start3A_579 = tpu.memref_slice %arg9[%dma_start3A_571] : memref<6x!tpu.dma_semaphore, #tpu.memory_space<semaphore_mem>> -> memref<1x!tpu.dma_semaphore, #tpu.memory_space<semaphore_mem>>
        %dma_start3A_580 = tpu.memref_squeeze %dma_start3A_579 : memref<1x!tpu.dma_semaphore, #tpu.memory_space<semaphore_mem>> -> memref<!tpu.dma_semaphore, #tpu.memory_space<semaphore_mem>>
        tpu.enqueue_indirect_dma source(%dma_start3A_578 : memref<10000x128xf32, #tpu.memory_space<hbm>>) target(%dma_start3A_574 : memref<40x128xf32, #tpu.memory_space<vmem>>) offsets(%dma_start3A_575 : memref<40xi32, #tpu.memory_space<vmem>>) semaphore(%dma_start3A_580 : memref<!tpu.dma_semaphore, #tpu.memory_space<semaphore_mem>>)
      } else {
      }
      %mul3A_525 = arith.constant 6 : i32
      %mul3A_526 = arith.muli %mul3A_525, %scan3A_360 : i32
      %add3A_527 = arith.constant 4 : i32
      %add3A_528 = arith.addi %mul3A_526, %add3A_527 : i32
      %add3A_529 = arith.constant 1 : i32
      %add3A_530 = arith.addi %add3A_528, %add3A_529 : i32
      %dma_wait3A_531 = arith.constant 5 : i32
      %dma_wait3A_532 = arith.constant 200 : i32
      %dma_wait3A_533 = arith.constant 0 : i32
      %dma_wait3A_534 = tpu.memref_slice %arg7[%dma_wait3A_532, %dma_wait3A_533] : memref<240x128xf32, #tpu.memory_space<vmem>> -> memref<40x128xf32, #tpu.memory_space<vmem>>
      %dma_wait3A_535 = arith.constant 0 : i32
      %dma_wait3A_536 = arith.constant 0 : i32
      %dma_wait3A_537 = tpu.memref_slice %arg2[%dma_wait3A_535, %dma_wait3A_536] : memref<10000x128xf32, #tpu.memory_space<hbm>> -> memref<40x128xf32, #tpu.memory_space<hbm>>
      %dma_wait3A_538 = tpu.memref_slice %arg9[%dma_wait3A_531] : memref<6x!tpu.dma_semaphore, #tpu.memory_space<semaphore_mem>> -> memref<1x!tpu.dma_semaphore, #tpu.memory_space<semaphore_mem>>
      %dma_wait3A_539 = tpu.memref_squeeze %dma_wait3A_538 : memref<1x!tpu.dma_semaphore, #tpu.memory_space<semaphore_mem>> -> memref<!tpu.dma_semaphore, #tpu.memory_space<semaphore_mem>>
      %dma_wait3A_540 = arith.constant 200 : i32
      %dma_wait3A_541 = arith.constant 0 : i32
      %dma_wait3A_542 = tpu.memref_slice %arg7[%dma_wait3A_540, %dma_wait3A_541] : memref<240x128xf32, #tpu.memory_space<vmem>> -> memref<40x128xf32, #tpu.memory_space<vmem>>
      %dma_wait3A_543 = arith.constant 0 : i32
      %dma_wait3A_544 = arith.constant 0 : i32
      %dma_wait3A_545 = tpu.memref_slice %arg2[%dma_wait3A_543, %dma_wait3A_544] : memref<10000x128xf32, #tpu.memory_space<hbm>> -> memref<40x128xf32, #tpu.memory_space<hbm>>
      tpu.wait_dma2 semaphore(%dma_wait3A_539 : memref<!tpu.dma_semaphore, #tpu.memory_space<semaphore_mem>>) src(%dma_wait3A_545 : memref<40x128xf32, #tpu.memory_space<hbm>>) dst(%dma_wait3A_542 : memref<40x128xf32, #tpu.memory_space<vmem>>)
      %add3A_546 = arith.constant 6 : i32
      %add3A_547 = arith.addi %add3A_530, %add3A_546 : i32
      %sub3A_548 = arith.constant 1 : i32
      %sub3A_549 = arith.subi %add3A_547, %sub3A_548 : i32
      %lt3A_550 = arith.constant 250 : i32
      %lt3A_551 = arith.cmpi slt, %sub3A_549, %lt3A_550 : i32
      %convert_element_type3A_552 = arith.extui %lt3A_551 : i1 to i32
      %cond3A_553 = arith.constant 0 : i32
      %cond3A_554 = arith.cmpi ne, %convert_element_type3A_552, %cond3A_553 : i32
      scf.if %cond3A_554 {
        %add3A_563 = arith.constant 6 : i32
        %add3A_564 = arith.addi %add3A_530, %add3A_563 : i32
        %sub3A_565 = arith.constant 1 : i32
        %sub3A_566 = arith.subi %add3A_564, %sub3A_565 : i32
        %mul3A_567 = arith.constant 40 : i32
        %mul3A_568 = arith.muli %sub3A_566, %mul3A_567 : i32
        %add3A_569 = arith.addi %rem3A_34, %mul3A_568 : i32
        %multiple_of3A_570 = tpu.assume_multiple %add3A_569, 8 : i32
        %dma_start3A_571 = arith.constant 4 : i32
        %dma_start3A_572 = arith.constant 160 : i32
        %dma_start3A_573 = arith.constant 0 : i32
        %dma_start3A_574 = tpu.memref_slice %arg7[%dma_start3A_572, %dma_start3A_573] : memref<240x128xf32, #tpu.memory_space<vmem>> -> memref<40x128xf32, #tpu.memory_space<vmem>>
        %dma_start3A_575 = tpu.memref_slice %arg5[%multiple_of3A_570] : memref<10112xi32, #tpu.memory_space<vmem>> -> memref<40xi32, #tpu.memory_space<vmem>>
        %dma_start3A_576 = arith.constant 0 : i32
        %dma_start3A_577 = arith.constant 0 : i32
        %dma_start3A_578 = tpu.memref_slice %arg2[%dma_start3A_576, %dma_start3A_577] : memref<10000x128xf32, #tpu.memory_space<hbm>> -> memref<10000x128xf32, #tpu.memory_space<hbm>>
        %dma_start3A_579 = tpu.memref_slice %arg9[%dma_start3A_571] : memref<6x!tpu.dma_semaphore, #tpu.memory_space<semaphore_mem>> -> memref<1x!tpu.dma_semaphore, #tpu.memory_space<semaphore_mem>>
        %dma_start3A_580 = tpu.memref_squeeze %dma_start3A_579 : memref<1x!tpu.dma_semaphore, #tpu.memory_space<semaphore_mem>> -> memref<!tpu.dma_semaphore, #tpu.memory_space<semaphore_mem>>
        tpu.enqueue_indirect_dma source(%dma_start3A_578 : memref<10000x128xf32, #tpu.memory_space<hbm>>) target(%dma_start3A_574 : memref<40x128xf32, #tpu.memory_space<vmem>>) offsets(%dma_start3A_575 : memref<40xi32, #tpu.memory_space<vmem>>) semaphore(%dma_start3A_580 : memref<!tpu.dma_semaphore, #tpu.memory_space<semaphore_mem>>)
      } else {
      }
      %mul3A_555 = arith.constant 3 : i32
      %mul3A_556 = arith.muli %mul3A_555, %scan3A_360 : i32
      %add3A_557 = arith.constant 2 : i32
      %add3A_558 = arith.addi %mul3A_556, %add3A_557 : i32
      %mul3A_559 = arith.constant 80 : i32
      %mul3A_560 = arith.muli %add3A_558, %mul3A_559 : i32
      %add3A_561 = arith.addi %rem3A_34, %mul3A_560 : i32
      %multiple_of3A_562 = tpu.assume_multiple %add3A_561, 8 : i32
      "tpu.region"() ({
        %run_scoped3A_563 = tpu.sem_alloc : memref<!tpu.dma_semaphore, #tpu.memory_space<semaphore_mem>>
        %dma_start3A_564 = arith.constant 160 : i32
        %dma_start3A_565 = arith.constant 0 : i32
        %dma_start3A_566 = tpu.memref_slice %arg7[%dma_start3A_564, %dma_start3A_565] : memref<240x128xf32, #tpu.memory_space<vmem>> -> memref<80x128xf32, #tpu.memory_space<vmem>>
        %dma_start3A_567 = tpu.memref_slice %arg6[%multiple_of3A_562] : memref<10112xi32, #tpu.memory_space<vmem>> -> memref<80xi32, #tpu.memory_space<vmem>>
        %dma_start3A_568 = arith.constant 0 : i32
        %dma_start3A_569 = arith.constant 0 : i32
        %dma_start3A_570 = tpu.memref_slice %arg8[%dma_start3A_568, %dma_start3A_569] : memref<10000x128xf32, #tpu.memory_space<vmem_shared>> -> memref<10000x128xf32, #tpu.memory_space<vmem_shared>>
        tpu.enqueue_indirect_dma source(%dma_start3A_566 : memref<80x128xf32, #tpu.memory_space<vmem>>) target(%dma_start3A_570 : memref<10000x128xf32, #tpu.memory_space<vmem_shared>>) offsets(%dma_start3A_567 : memref<80xi32, #tpu.memory_space<vmem>>) semaphore(%run_scoped3A_563 : memref<!tpu.dma_semaphore, #tpu.memory_space<semaphore_mem>>) {add = true}
        %dma_wait3A_571 = arith.constant 160 : i32
        %dma_wait3A_572 = arith.constant 0 : i32
        %dma_wait3A_573 = tpu.memref_slice %arg7[%dma_wait3A_571, %dma_wait3A_572] : memref<240x128xf32, #tpu.memory_space<vmem>> -> memref<80x128xf32, #tpu.memory_space<vmem>>
        %dma_wait3A_574 = tpu.memref_slice %arg6[%multiple_of3A_562] : memref<10112xi32, #tpu.memory_space<vmem>> -> memref<80xi32, #tpu.memory_space<vmem>>
        %dma_wait3A_575 = arith.constant 0 : i32
        %dma_wait3A_576 = arith.constant 0 : i32
        %dma_wait3A_577 = tpu.memref_slice %arg8[%dma_wait3A_575, %dma_wait3A_576] : memref<10000x128xf32, #tpu.memory_space<vmem_shared>> -> memref<10000x128xf32, #tpu.memory_space<vmem_shared>>
        tpu.wait_indirect_dma semaphore(%run_scoped3A_563 : memref<!tpu.dma_semaphore, #tpu.memory_space<semaphore_mem>>) src(%dma_wait3A_573 : memref<80x128xf32, #tpu.memory_space<vmem>>) dst(%dma_wait3A_577 : memref<10000x128xf32, #tpu.memory_space<vmem_shared>>)
        tpu.yield
      }) : () -> ()
    }
    %scan3A_107 = arith.constant 41 : i32
    %dma_wait3A = arith.constant 0 : i32
    %dma_wait3A_108 = arith.constant 0 : i32
    %dma_wait3A_109 = arith.constant 0 : i32
    %dma_wait3A_110 = tpu.memref_slice %arg7[%dma_wait3A_108, %dma_wait3A_109] : memref<240x128xf32, #tpu.memory_space<vmem>> -> memref<40x128xf32, #tpu.memory_space<vmem>>
    %dma_wait3A_111 = arith.constant 0 : i32
    %dma_wait3A_112 = arith.constant 0 : i32
    %dma_wait3A_113 = tpu.memref_slice %arg2[%dma_wait3A_111, %dma_wait3A_112] : memref<10000x128xf32, #tpu.memory_space<hbm>> -> memref<40x128xf32, #tpu.memory_space<hbm>>
    %dma_wait3A_114 = tpu.memref_slice %arg9[%dma_wait3A] : memref<6x!tpu.dma_semaphore, #tpu.memory_space<semaphore_mem>> -> memref<1x!tpu.dma_semaphore, #tpu.memory_space<semaphore_mem>>
    %dma_wait3A_115 = tpu.memref_squeeze %dma_wait3A_114 : memref<1x!tpu.dma_semaphore, #tpu.memory_space<semaphore_mem>> -> memref<!tpu.dma_semaphore, #tpu.memory_space<semaphore_mem>>
    %dma_wait3A_116 = arith.constant 0 : i32
    %dma_wait3A_117 = arith.constant 0 : i32
    %dma_wait3A_118 = tpu.memref_slice %arg7[%dma_wait3A_116, %dma_wait3A_117] : memref<240x128xf32, #tpu.memory_space<vmem>> -> memref<40x128xf32, #tpu.memory_space<vmem>>
    %dma_wait3A_119 = arith.constant 0 : i32
    %dma_wait3A_120 = arith.constant 0 : i32
    %dma_wait3A_121 = tpu.memref_slice %arg2[%dma_wait3A_119, %dma_wait3A_120] : memref<10000x128xf32, #tpu.memory_space<hbm>> -> memref<40x128xf32, #tpu.memory_space<hbm>>
    tpu.wait_dma2 semaphore(%dma_wait3A_115 : memref<!tpu.dma_semaphore, #tpu.memory_space<semaphore_mem>>) src(%dma_wait3A_121 : memref<40x128xf32, #tpu.memory_space<hbm>>) dst(%dma_wait3A_118 : memref<40x128xf32, #tpu.memory_space<vmem>>)
    %dma_wait3A_122 = arith.constant 1 : i32
    %dma_wait3A_123 = arith.constant 40 : i32
    %dma_wait3A_124 = arith.constant 0 : i32
    %dma_wait3A_125 = tpu.memref_slice %arg7[%dma_wait3A_123, %dma_wait3A_124] : memref<240x128xf32, #tpu.memory_space<vmem>> -> memref<40x128xf32, #tpu.memory_space<vmem>>
    %dma_wait3A_126 = arith.constant 0 : i32
    %dma_wait3A_127 = arith.constant 0 : i32
    %dma_wait3A_128 = tpu.memref_slice %arg2[%dma_wait3A_126, %dma_wait3A_127] : memref<10000x128xf32, #tpu.memory_space<hbm>> -> memref<40x128xf32, #tpu.memory_space<hbm>>
    %dma_wait3A_129 = tpu.memref_slice %arg9[%dma_wait3A_122] : memref<6x!tpu.dma_semaphore, #tpu.memory_space<semaphore_mem>> -> memref<1x!tpu.dma_semaphore, #tpu.memory_space<semaphore_mem>>
    %dma_wait3A_130 = tpu.memref_squeeze %dma_wait3A_129 : memref<1x!tpu.dma_semaphore, #tpu.memory_space<semaphore_mem>> -> memref<!tpu.dma_semaphore, #tpu.memory_space<semaphore_mem>>
    %dma_wait3A_131 = arith.constant 40 : i32
    %dma_wait3A_132 = arith.constant 0 : i32
    %dma_wait3A_133 = tpu.memref_slice %arg7[%dma_wait3A_131, %dma_wait3A_132] : memref<240x128xf32, #tpu.memory_space<vmem>> -> memref<40x128xf32, #tpu.memory_space<vmem>>
    %dma_wait3A_134 = arith.constant 0 : i32
    %dma_wait3A_135 = arith.constant 0 : i32
    %dma_wait3A_136 = tpu.memref_slice %arg2[%dma_wait3A_134, %dma_wait3A_135] : memref<10000x128xf32, #tpu.memory_space<hbm>> -> memref<40x128xf32, #tpu.memory_space<hbm>>
    tpu.wait_dma2 semaphore(%dma_wait3A_130 : memref<!tpu.dma_semaphore, #tpu.memory_space<semaphore_mem>>) src(%dma_wait3A_136 : memref<40x128xf32, #tpu.memory_space<hbm>>) dst(%dma_wait3A_133 : memref<40x128xf32, #tpu.memory_space<vmem>>)
    %dma_wait3A_137 = arith.constant 2 : i32
    %dma_wait3A_138 = arith.constant 80 : i32
    %dma_wait3A_139 = arith.constant 0 : i32
    %dma_wait3A_140 = tpu.memref_slice %arg7[%dma_wait3A_138, %dma_wait3A_139] : memref<240x128xf32, #tpu.memory_space<vmem>> -> memref<40x128xf32, #tpu.memory_space<vmem>>
    %dma_wait3A_141 = arith.constant 0 : i32
    %dma_wait3A_142 = arith.constant 0 : i32
    %dma_wait3A_143 = tpu.memref_slice %arg2[%dma_wait3A_141, %dma_wait3A_142] : memref<10000x128xf32, #tpu.memory_space<hbm>> -> memref<40x128xf32, #tpu.memory_space<hbm>>
    %dma_wait3A_144 = tpu.memref_slice %arg9[%dma_wait3A_137] : memref<6x!tpu.dma_semaphore, #tpu.memory_space<semaphore_mem>> -> memref<1x!tpu.dma_semaphore, #tpu.memory_space<semaphore_mem>>
    %dma_wait3A_145 = tpu.memref_squeeze %dma_wait3A_144 : memref<1x!tpu.dma_semaphore, #tpu.memory_space<semaphore_mem>> -> memref<!tpu.dma_semaphore, #tpu.memory_space<semaphore_mem>>
    %dma_wait3A_146 = arith.constant 80 : i32
    %dma_wait3A_147 = arith.constant 0 : i32
    %dma_wait3A_148 = tpu.memref_slice %arg7[%dma_wait3A_146, %dma_wait3A_147] : memref<240x128xf32, #tpu.memory_space<vmem>> -> memref<40x128xf32, #tpu.memory_space<vmem>>
    %dma_wait3A_149 = arith.constant 0 : i32
    %dma_wait3A_150 = arith.constant 0 : i32
    %dma_wait3A_151 = tpu.memref_slice %arg2[%dma_wait3A_149, %dma_wait3A_150] : memref<10000x128xf32, #tpu.memory_space<hbm>> -> memref<40x128xf32, #tpu.memory_space<hbm>>
    tpu.wait_dma2 semaphore(%dma_wait3A_145 : memref<!tpu.dma_semaphore, #tpu.memory_space<semaphore_mem>>) src(%dma_wait3A_151 : memref<40x128xf32, #tpu.memory_space<hbm>>) dst(%dma_wait3A_148 : memref<40x128xf32, #tpu.memory_space<vmem>>)
    %dma_wait3A_152 = arith.constant 3 : i32
    %dma_wait3A_153 = arith.constant 120 : i32
    %dma_wait3A_154 = arith.constant 0 : i32
    %dma_wait3A_155 = tpu.memref_slice %arg7[%dma_wait3A_153, %dma_wait3A_154] : memref<240x128xf32, #tpu.memory_space<vmem>> -> memref<40x128xf32, #tpu.memory_space<vmem>>
    %dma_wait3A_156 = arith.constant 0 : i32
    %dma_wait3A_157 = arith.constant 0 : i32
    %dma_wait3A_158 = tpu.memref_slice %arg2[%dma_wait3A_156, %dma_wait3A_157] : memref<10000x128xf32, #tpu.memory_space<hbm>> -> memref<40x128xf32, #tpu.memory_space<hbm>>
    %dma_wait3A_159 = tpu.memref_slice %arg9[%dma_wait3A_152] : memref<6x!tpu.dma_semaphore, #tpu.memory_space<semaphore_mem>> -> memref<1x!tpu.dma_semaphore, #tpu.memory_space<semaphore_mem>>
    %dma_wait3A_160 = tpu.memref_squeeze %dma_wait3A_159 : memref<1x!tpu.dma_semaphore, #tpu.memory_space<semaphore_mem>> -> memref<!tpu.dma_semaphore, #tpu.memory_space<semaphore_mem>>
    %dma_wait3A_161 = arith.constant 120 : i32
    %dma_wait3A_162 = arith.constant 0 : i32
    %dma_wait3A_163 = tpu.memref_slice %arg7[%dma_wait3A_161, %dma_wait3A_162] : memref<240x128xf32, #tpu.memory_space<vmem>> -> memref<40x128xf32, #tpu.memory_space<vmem>>
    %dma_wait3A_164 = arith.constant 0 : i32
    %dma_wait3A_165 = arith.constant 0 : i32
    %dma_wait3A_166 = tpu.memref_slice %arg2[%dma_wait3A_164, %dma_wait3A_165] : memref<10000x128xf32, #tpu.memory_space<hbm>> -> memref<40x128xf32, #tpu.memory_space<hbm>>
    tpu.wait_dma2 semaphore(%dma_wait3A_160 : memref<!tpu.dma_semaphore, #tpu.memory_space<semaphore_mem>>) src(%dma_wait3A_166 : memref<40x128xf32, #tpu.memory_space<hbm>>) dst(%dma_wait3A_163 : memref<40x128xf32, #tpu.memory_space<vmem>>)
    %add3A_167 = arith.constant 9840 : i32
    %add3A_168 = arith.addi %rem3A_34, %add3A_167 : i32
    %multiple_of3A_169 = tpu.assume_multiple %add3A_168, 8 : i32
    "tpu.region"() ({
      %run_scoped3A_360 = tpu.sem_alloc : memref<!tpu.dma_semaphore, #tpu.memory_space<semaphore_mem>>
      %dma_start3A_361 = arith.constant 0 : i32
      %dma_start3A_362 = arith.constant 0 : i32
      %dma_start3A_363 = tpu.memref_slice %arg7[%dma_start3A_361, %dma_start3A_362] : memref<240x128xf32, #tpu.memory_space<vmem>> -> memref<80x128xf32, #tpu.memory_space<vmem>>
      %dma_start3A_364 = tpu.memref_slice %arg6[%multiple_of3A_169] : memref<10112xi32, #tpu.memory_space<vmem>> -> memref<80xi32, #tpu.memory_space<vmem>>
      %dma_start3A_365 = arith.constant 0 : i32
      %dma_start3A_366 = arith.constant 0 : i32
      %dma_start3A_367 = tpu.memref_slice %arg8[%dma_start3A_365, %dma_start3A_366] : memref<10000x128xf32, #tpu.memory_space<vmem_shared>> -> memref<10000x128xf32, #tpu.memory_space<vmem_shared>>
      tpu.enqueue_indirect_dma source(%dma_start3A_363 : memref<80x128xf32, #tpu.memory_space<vmem>>) target(%dma_start3A_367 : memref<10000x128xf32, #tpu.memory_space<vmem_shared>>) offsets(%dma_start3A_364 : memref<80xi32, #tpu.memory_space<vmem>>) semaphore(%run_scoped3A_360 : memref<!tpu.dma_semaphore, #tpu.memory_space<semaphore_mem>>) {add = true}
      %dma_wait3A_368 = arith.constant 0 : i32
      %dma_wait3A_369 = arith.constant 0 : i32
      %dma_wait3A_370 = tpu.memref_slice %arg7[%dma_wait3A_368, %dma_wait3A_369] : memref<240x128xf32, #tpu.memory_space<vmem>> -> memref<80x128xf32, #tpu.memory_space<vmem>>
      %dma_wait3A_371 = tpu.memref_slice %arg6[%multiple_of3A_169] : memref<10112xi32, #tpu.memory_space<vmem>> -> memref<80xi32, #tpu.memory_space<vmem>>
      %dma_wait3A_372 = arith.constant 0 : i32
      %dma_wait3A_373 = arith.constant 0 : i32
      %dma_wait3A_374 = tpu.memref_slice %arg8[%dma_wait3A_372, %dma_wait3A_373] : memref<10000x128xf32, #tpu.memory_space<vmem_shared>> -> memref<10000x128xf32, #tpu.memory_space<vmem_shared>>
      tpu.wait_indirect_dma semaphore(%run_scoped3A_360 : memref<!tpu.dma_semaphore, #tpu.memory_space<semaphore_mem>>) src(%dma_wait3A_370 : memref<80x128xf32, #tpu.memory_space<vmem>>) dst(%dma_wait3A_374 : memref<10000x128xf32, #tpu.memory_space<vmem_shared>>)
      tpu.yield
    }) : () -> ()
    %add3A_170 = arith.constant 9920 : i32
    %add3A_171 = arith.addi %rem3A_34, %add3A_170 : i32
    %multiple_of3A_172 = tpu.assume_multiple %add3A_171, 8 : i32
    "tpu.region"() ({
      %run_scoped3A_360 = tpu.sem_alloc : memref<!tpu.dma_semaphore, #tpu.memory_space<semaphore_mem>>
      %dma_start3A_361 = arith.constant 80 : i32
      %dma_start3A_362 = arith.constant 0 : i32
      %dma_start3A_363 = tpu.memref_slice %arg7[%dma_start3A_361, %dma_start3A_362] : memref<240x128xf32, #tpu.memory_space<vmem>> -> memref<80x128xf32, #tpu.memory_space<vmem>>
      %dma_start3A_364 = tpu.memref_slice %arg6[%multiple_of3A_172] : memref<10112xi32, #tpu.memory_space<vmem>> -> memref<80xi32, #tpu.memory_space<vmem>>
      %dma_start3A_365 = arith.constant 0 : i32
      %dma_start3A_366 = arith.constant 0 : i32
      %dma_start3A_367 = tpu.memref_slice %arg8[%dma_start3A_365, %dma_start3A_366] : memref<10000x128xf32, #tpu.memory_space<vmem_shared>> -> memref<10000x128xf32, #tpu.memory_space<vmem_shared>>
      tpu.enqueue_indirect_dma source(%dma_start3A_363 : memref<80x128xf32, #tpu.memory_space<vmem>>) target(%dma_start3A_367 : memref<10000x128xf32, #tpu.memory_space<vmem_shared>>) offsets(%dma_start3A_364 : memref<80xi32, #tpu.memory_space<vmem>>) semaphore(%run_scoped3A_360 : memref<!tpu.dma_semaphore, #tpu.memory_space<semaphore_mem>>) {add = true}
      %dma_wait3A_368 = arith.constant 80 : i32
      %dma_wait3A_369 = arith.constant 0 : i32
      %dma_wait3A_370 = tpu.memref_slice %arg7[%dma_wait3A_368, %dma_wait3A_369] : memref<240x128xf32, #tpu.memory_space<vmem>> -> memref<80x128xf32, #tpu.memory_space<vmem>>
      %dma_wait3A_371 = tpu.memref_slice %arg6[%multiple_of3A_172] : memref<10112xi32, #tpu.memory_space<vmem>> -> memref<80xi32, #tpu.memory_space<vmem>>
      %dma_wait3A_372 = arith.constant 0 : i32
      %dma_wait3A_373 = arith.constant 0 : i32
      %dma_wait3A_374 = tpu.memref_slice %arg8[%dma_wait3A_372, %dma_wait3A_373] : memref<10000x128xf32, #tpu.memory_space<vmem_shared>> -> memref<10000x128xf32, #tpu.memory_space<vmem_shared>>
      tpu.wait_indirect_dma semaphore(%run_scoped3A_360 : memref<!tpu.dma_semaphore, #tpu.memory_space<semaphore_mem>>) src(%dma_wait3A_370 : memref<80x128xf32, #tpu.memory_space<vmem>>) dst(%dma_wait3A_374 : memref<10000x128xf32, #tpu.memory_space<vmem_shared>>)
      tpu.yield
    }) : () -> ()
    %barrier3A_173 = arith.constant 0 : index
    tpu.barrier barrier_id(%barrier3A_173)
    %add3A_174 = arith.constant 0 : i32
    %add3A_175 = arith.addi %multiple_of3A, %add3A_174 : i32
    %multiple_of3A_176 = tpu.assume_multiple %add3A_175, 8 : i32
    "tpu.region"() ({
      %run_scoped3A_360 = tpu.sem_alloc : memref<!tpu.dma_semaphore, #tpu.memory_space<semaphore_mem>>
      %dma_start3A_361 = arith.constant 0 : i32
      %dma_start3A_362 = arith.constant 0 : i32
      %dma_start3A_363 = tpu.memref_slice %arg7[%dma_start3A_361, %dma_start3A_362] : memref<240x128xf32, #tpu.memory_space<vmem>> -> memref<120x128xf32, #tpu.memory_space<vmem>>
      %dma_start3A_364 = arith.constant 0 : i32
      %dma_start3A_365 = tpu.memref_slice %arg8[%multiple_of3A_176, %dma_start3A_364] : memref<10000x128xf32, #tpu.memory_space<vmem_shared>> -> memref<120x128xf32, #tpu.memory_space<vmem_shared>>
      %dma_start3A_366 = arith.constant 0 : i32
      %dma_start3A_367 = arith.constant 0 : i32
      %dma_start3A_368 = tpu.memref_slice %arg7[%dma_start3A_366, %dma_start3A_367] : memref<240x128xf32, #tpu.memory_space<vmem>> -> memref<120x128xf32, #tpu.memory_space<vmem>>
      %dma_start3A_369 = arith.constant 0 : i32
      %dma_start3A_370 = tpu.memref_slice %arg8[%multiple_of3A_176, %dma_start3A_369] : memref<10000x128xf32, #tpu.memory_space<vmem_shared>> -> memref<120x128xf32, #tpu.memory_space<vmem_shared>>
      tpu.enqueue_dma source(%dma_start3A_370 : memref<120x128xf32, #tpu.memory_space<vmem_shared>>) target(%dma_start3A_368 : memref<120x128xf32, #tpu.memory_space<vmem>>) target_semaphore(%run_scoped3A_360 : memref<!tpu.dma_semaphore, #tpu.memory_space<semaphore_mem>>)
      %dma_wait3A_371 = arith.constant 0 : i32
      %dma_wait3A_372 = arith.constant 0 : i32
      %dma_wait3A_373 = tpu.memref_slice %arg7[%dma_wait3A_371, %dma_wait3A_372] : memref<240x128xf32, #tpu.memory_space<vmem>> -> memref<120x128xf32, #tpu.memory_space<vmem>>
      %dma_wait3A_374 = arith.constant 0 : i32
      %dma_wait3A_375 = tpu.memref_slice %arg8[%multiple_of3A_176, %dma_wait3A_374] : memref<10000x128xf32, #tpu.memory_space<vmem_shared>> -> memref<120x128xf32, #tpu.memory_space<vmem_shared>>
      %dma_wait3A_376 = arith.constant 0 : i32
      %dma_wait3A_377 = arith.constant 0 : i32
      %dma_wait3A_378 = tpu.memref_slice %arg7[%dma_wait3A_376, %dma_wait3A_377] : memref<240x128xf32, #tpu.memory_space<vmem>> -> memref<120x128xf32, #tpu.memory_space<vmem>>
      %dma_wait3A_379 = arith.constant 0 : i32
      %dma_wait3A_380 = tpu.memref_slice %arg8[%multiple_of3A_176, %dma_wait3A_379] : memref<10000x128xf32, #tpu.memory_space<vmem_shared>> -> memref<120x128xf32, #tpu.memory_space<vmem_shared>>
      tpu.wait_dma2 semaphore(%run_scoped3A_360 : memref<!tpu.dma_semaphore, #tpu.memory_space<semaphore_mem>>) src(%dma_wait3A_380 : memref<120x128xf32, #tpu.memory_space<vmem_shared>>) dst(%dma_wait3A_378 : memref<120x128xf32, #tpu.memory_space<vmem>>)
      tpu.yield
    }) : () -> ()
    %dma_start3A_177 = arith.constant 0 : i32
    %dma_start3A_178 = arith.constant 0 : i32
    %dma_start3A_179 = arith.constant 0 : i32
    %dma_start3A_180 = tpu.memref_slice %arg7[%dma_start3A_178, %dma_start3A_179] : memref<240x128xf32, #tpu.memory_space<vmem>> -> memref<120x128xf32, #tpu.memory_space<vmem>>
    %dma_start3A_181 = arith.constant 0 : i32
    %dma_start3A_182 = tpu.memref_slice %arg4[%arg0, %multiple_of3A_176, %dma_start3A_181] : memref<2x10000x128xf32, #tpu.memory_space<hbm>> -> memref<1x120x128xf32, #tpu.memory_space<hbm>>
    %dma_start3A_183 = tpu.memref_squeeze %dma_start3A_182 : memref<1x120x128xf32, #tpu.memory_space<hbm>> -> memref<120x128xf32, #tpu.memory_space<hbm>>
    %dma_start3A_184 = tpu.memref_slice %arg9[%dma_start3A_177] : memref<6x!tpu.dma_semaphore, #tpu.memory_space<semaphore_mem>> -> memref<1x!tpu.dma_semaphore, #tpu.memory_space<semaphore_mem>>
    %dma_start3A_185 = tpu.memref_squeeze %dma_start3A_184 : memref<1x!tpu.dma_semaphore, #tpu.memory_space<semaphore_mem>> -> memref<!tpu.dma_semaphore, #tpu.memory_space<semaphore_mem>>
    %dma_start3A_186 = arith.constant 0 : i32
    %dma_start3A_187 = tpu.memref_slice %arg4[%arg0, %multiple_of3A_176, %dma_start3A_186] : memref<2x10000x128xf32, #tpu.memory_space<hbm>> -> memref<1x120x128xf32, #tpu.memory_space<hbm>>
    %dma_start3A_188 = tpu.memref_squeeze %dma_start3A_187 : memref<1x120x128xf32, #tpu.memory_space<hbm>> -> memref<120x128xf32, #tpu.memory_space<hbm>>
    %dma_start3A_189 = arith.constant 0 : i32
    %dma_start3A_190 = arith.constant 0 : i32
    %dma_start3A_191 = tpu.memref_slice %arg7[%dma_start3A_189, %dma_start3A_190] : memref<240x128xf32, #tpu.memory_space<vmem>> -> memref<120x128xf32, #tpu.memory_space<vmem>>
    tpu.enqueue_dma source(%dma_start3A_191 : memref<120x128xf32, #tpu.memory_space<vmem>>) target(%dma_start3A_188 : memref<120x128xf32, #tpu.memory_space<hbm>>) target_semaphore(%dma_start3A_185 : memref<!tpu.dma_semaphore, #tpu.memory_space<semaphore_mem>>)
    %add3A_192 = arith.constant 120 : i32
    %add3A_193 = arith.addi %multiple_of3A, %add3A_192 : i32
    %multiple_of3A_194 = tpu.assume_multiple %add3A_193, 8 : i32
    "tpu.region"() ({
      %run_scoped3A_360 = tpu.sem_alloc : memref<!tpu.dma_semaphore, #tpu.memory_space<semaphore_mem>>
      %dma_start3A_361 = arith.constant 120 : i32
      %dma_start3A_362 = arith.constant 0 : i32
      %dma_start3A_363 = tpu.memref_slice %arg7[%dma_start3A_361, %dma_start3A_362] : memref<240x128xf32, #tpu.memory_space<vmem>> -> memref<120x128xf32, #tpu.memory_space<vmem>>
      %dma_start3A_364 = arith.constant 0 : i32
      %dma_start3A_365 = tpu.memref_slice %arg8[%multiple_of3A_194, %dma_start3A_364] : memref<10000x128xf32, #tpu.memory_space<vmem_shared>> -> memref<120x128xf32, #tpu.memory_space<vmem_shared>>
      %dma_start3A_366 = arith.constant 120 : i32
      %dma_start3A_367 = arith.constant 0 : i32
      %dma_start3A_368 = tpu.memref_slice %arg7[%dma_start3A_366, %dma_start3A_367] : memref<240x128xf32, #tpu.memory_space<vmem>> -> memref<120x128xf32, #tpu.memory_space<vmem>>
      %dma_start3A_369 = arith.constant 0 : i32
      %dma_start3A_370 = tpu.memref_slice %arg8[%multiple_of3A_194, %dma_start3A_369] : memref<10000x128xf32, #tpu.memory_space<vmem_shared>> -> memref<120x128xf32, #tpu.memory_space<vmem_shared>>
      tpu.enqueue_dma source(%dma_start3A_370 : memref<120x128xf32, #tpu.memory_space<vmem_shared>>) target(%dma_start3A_368 : memref<120x128xf32, #tpu.memory_space<vmem>>) target_semaphore(%run_scoped3A_360 : memref<!tpu.dma_semaphore, #tpu.memory_space<semaphore_mem>>)
      %dma_wait3A_371 = arith.constant 120 : i32
      %dma_wait3A_372 = arith.constant 0 : i32
      %dma_wait3A_373 = tpu.memref_slice %arg7[%dma_wait3A_371, %dma_wait3A_372] : memref<240x128xf32, #tpu.memory_space<vmem>> -> memref<120x128xf32, #tpu.memory_space<vmem>>
      %dma_wait3A_374 = arith.constant 0 : i32
      %dma_wait3A_375 = tpu.memref_slice %arg8[%multiple_of3A_194, %dma_wait3A_374] : memref<10000x128xf32, #tpu.memory_space<vmem_shared>> -> memref<120x128xf32, #tpu.memory_space<vmem_shared>>
      %dma_wait3A_376 = arith.constant 120 : i32
      %dma_wait3A_377 = arith.constant 0 : i32
      %dma_wait3A_378 = tpu.memref_slice %arg7[%dma_wait3A_376, %dma_wait3A_377] : memref<240x128xf32, #tpu.memory_space<vmem>> -> memref<120x128xf32, #tpu.memory_space<vmem>>
      %dma_wait3A_379 = arith.constant 0 : i32
      %dma_wait3A_380 = tpu.memref_slice %arg8[%multiple_of3A_194, %dma_wait3A_379] : memref<10000x128xf32, #tpu.memory_space<vmem_shared>> -> memref<120x128xf32, #tpu.memory_space<vmem_shared>>
      tpu.wait_dma2 semaphore(%run_scoped3A_360 : memref<!tpu.dma_semaphore, #tpu.memory_space<semaphore_mem>>) src(%dma_wait3A_380 : memref<120x128xf32, #tpu.memory_space<vmem_shared>>) dst(%dma_wait3A_378 : memref<120x128xf32, #tpu.memory_space<vmem>>)
      tpu.yield
    }) : () -> ()
    %dma_start3A_195 = arith.constant 1 : i32
    %dma_start3A_196 = arith.constant 120 : i32
    %dma_start3A_197 = arith.constant 0 : i32
    %dma_start3A_198 = tpu.memref_slice %arg7[%dma_start3A_196, %dma_start3A_197] : memref<240x128xf32, #tpu.memory_space<vmem>> -> memref<120x128xf32, #tpu.memory_space<vmem>>
    %dma_start3A_199 = arith.constant 0 : i32
    %dma_start3A_200 = tpu.memref_slice %arg4[%arg0, %multiple_of3A_194, %dma_start3A_199] : memref<2x10000x128xf32, #tpu.memory_space<hbm>> -> memref<1x120x128xf32, #tpu.memory_space<hbm>>
    %dma_start3A_201 = tpu.memref_squeeze %dma_start3A_200 : memref<1x120x128xf32, #tpu.memory_space<hbm>> -> memref<120x128xf32, #tpu.memory_space<hbm>>
    %dma_start3A_202 = tpu.memref_slice %arg9[%dma_start3A_195] : memref<6x!tpu.dma_semaphore, #tpu.memory_space<semaphore_mem>> -> memref<1x!tpu.dma_semaphore, #tpu.memory_space<semaphore_mem>>
    %dma_start3A_203 = tpu.memref_squeeze %dma_start3A_202 : memref<1x!tpu.dma_semaphore, #tpu.memory_space<semaphore_mem>> -> memref<!tpu.dma_semaphore, #tpu.memory_space<semaphore_mem>>
    %dma_start3A_204 = arith.constant 0 : i32
    %dma_start3A_205 = tpu.memref_slice %arg4[%arg0, %multiple_of3A_194, %dma_start3A_204] : memref<2x10000x128xf32, #tpu.memory_space<hbm>> -> memref<1x120x128xf32, #tpu.memory_space<hbm>>
    %dma_start3A_206 = tpu.memref_squeeze %dma_start3A_205 : memref<1x120x128xf32, #tpu.memory_space<hbm>> -> memref<120x128xf32, #tpu.memory_space<hbm>>
    %dma_start3A_207 = arith.constant 120 : i32
    %dma_start3A_208 = arith.constant 0 : i32
    %dma_start3A_209 = tpu.memref_slice %arg7[%dma_start3A_207, %dma_start3A_208] : memref<240x128xf32, #tpu.memory_space<vmem>> -> memref<120x128xf32, #tpu.memory_space<vmem>>
    tpu.enqueue_dma source(%dma_start3A_209 : memref<120x128xf32, #tpu.memory_space<vmem>>) target(%dma_start3A_206 : memref<120x128xf32, #tpu.memory_space<hbm>>) target_semaphore(%dma_start3A_203 : memref<!tpu.dma_semaphore, #tpu.memory_space<semaphore_mem>>)
    %add3A_210 = arith.constant 240 : i32
    %add3A_211 = arith.addi %multiple_of3A, %add3A_210 : i32
    %multiple_of3A_212 = tpu.assume_multiple %add3A_211, 8 : i32
    %dma_wait3A_213 = arith.constant 0 : i32
    %dma_wait3A_214 = arith.constant 0 : i32
    %dma_wait3A_215 = arith.constant 0 : i32
    %dma_wait3A_216 = tpu.memref_slice %arg7[%dma_wait3A_214, %dma_wait3A_215] : memref<240x128xf32, #tpu.memory_space<vmem>> -> memref<120x128xf32, #tpu.memory_space<vmem>>
    %dma_wait3A_217 = arith.constant 0 : i32
    %dma_wait3A_218 = tpu.memref_slice %arg8[%multiple_of3A_212, %dma_wait3A_217] : memref<10000x128xf32, #tpu.memory_space<vmem_shared>> -> memref<120x128xf32, #tpu.memory_space<vmem_shared>>
    %dma_wait3A_219 = tpu.memref_slice %arg9[%dma_wait3A_213] : memref<6x!tpu.dma_semaphore, #tpu.memory_space<semaphore_mem>> -> memref<1x!tpu.dma_semaphore, #tpu.memory_space<semaphore_mem>>
    %dma_wait3A_220 = tpu.memref_squeeze %dma_wait3A_219 : memref<1x!tpu.dma_semaphore, #tpu.memory_space<semaphore_mem>> -> memref<!tpu.dma_semaphore, #tpu.memory_space<semaphore_mem>>
    %dma_wait3A_221 = arith.constant 0 : i32
    %dma_wait3A_222 = arith.constant 0 : i32
    %dma_wait3A_223 = tpu.memref_slice %arg7[%dma_wait3A_221, %dma_wait3A_222] : memref<240x128xf32, #tpu.memory_space<vmem>> -> memref<120x128xf32, #tpu.memory_space<vmem>>
    %dma_wait3A_224 = arith.constant 0 : i32
    %dma_wait3A_225 = tpu.memref_slice %arg8[%multiple_of3A_212, %dma_wait3A_224] : memref<10000x128xf32, #tpu.memory_space<vmem_shared>> -> memref<120x128xf32, #tpu.memory_space<vmem_shared>>
    tpu.wait_dma2 semaphore(%dma_wait3A_220 : memref<!tpu.dma_semaphore, #tpu.memory_space<semaphore_mem>>) src(%dma_wait3A_225 : memref<120x128xf32, #tpu.memory_space<vmem_shared>>) dst(%dma_wait3A_223 : memref<120x128xf32, #tpu.memory_space<vmem>>)
    "tpu.region"() ({
      %run_scoped3A_360 = tpu.sem_alloc : memref<!tpu.dma_semaphore, #tpu.memory_space<semaphore_mem>>
      %dma_start3A_361 = arith.constant 0 : i32
      %dma_start3A_362 = arith.constant 0 : i32
      %dma_start3A_363 = tpu.memref_slice %arg7[%dma_start3A_361, %dma_start3A_362] : memref<240x128xf32, #tpu.memory_space<vmem>> -> memref<120x128xf32, #tpu.memory_space<vmem>>
      %dma_start3A_364 = arith.constant 0 : i32
      %dma_start3A_365 = tpu.memref_slice %arg8[%multiple_of3A_212, %dma_start3A_364] : memref<10000x128xf32, #tpu.memory_space<vmem_shared>> -> memref<120x128xf32, #tpu.memory_space<vmem_shared>>
      %dma_start3A_366 = arith.constant 0 : i32
      %dma_start3A_367 = arith.constant 0 : i32
      %dma_start3A_368 = tpu.memref_slice %arg7[%dma_start3A_366, %dma_start3A_367] : memref<240x128xf32, #tpu.memory_space<vmem>> -> memref<120x128xf32, #tpu.memory_space<vmem>>
      %dma_start3A_369 = arith.constant 0 : i32
      %dma_start3A_370 = tpu.memref_slice %arg8[%multiple_of3A_212, %dma_start3A_369] : memref<10000x128xf32, #tpu.memory_space<vmem_shared>> -> memref<120x128xf32, #tpu.memory_space<vmem_shared>>
      tpu.enqueue_dma source(%dma_start3A_370 : memref<120x128xf32, #tpu.memory_space<vmem_shared>>) target(%dma_start3A_368 : memref<120x128xf32, #tpu.memory_space<vmem>>) target_semaphore(%run_scoped3A_360 : memref<!tpu.dma_semaphore, #tpu.memory_space<semaphore_mem>>)
      %dma_wait3A_371 = arith.constant 0 : i32
      %dma_wait3A_372 = arith.constant 0 : i32
      %dma_wait3A_373 = tpu.memref_slice %arg7[%dma_wait3A_371, %dma_wait3A_372] : memref<240x128xf32, #tpu.memory_space<vmem>> -> memref<120x128xf32, #tpu.memory_space<vmem>>
      %dma_wait3A_374 = arith.constant 0 : i32
      %dma_wait3A_375 = tpu.memref_slice %arg8[%multiple_of3A_212, %dma_wait3A_374] : memref<10000x128xf32, #tpu.memory_space<vmem_shared>> -> memref<120x128xf32, #tpu.memory_space<vmem_shared>>
      %dma_wait3A_376 = arith.constant 0 : i32
      %dma_wait3A_377 = arith.constant 0 : i32
      %dma_wait3A_378 = tpu.memref_slice %arg7[%dma_wait3A_376, %dma_wait3A_377] : memref<240x128xf32, #tpu.memory_space<vmem>> -> memref<120x128xf32, #tpu.memory_space<vmem>>
      %dma_wait3A_379 = arith.constant 0 : i32
      %dma_wait3A_380 = tpu.memref_slice %arg8[%multiple_of3A_212, %dma_wait3A_379] : memref<10000x128xf32, #tpu.memory_space<vmem_shared>> -> memref<120x128xf32, #tpu.memory_space<vmem_shared>>
      tpu.wait_dma2 semaphore(%run_scoped3A_360 : memref<!tpu.dma_semaphore, #tpu.memory_space<semaphore_mem>>) src(%dma_wait3A_380 : memref<120x128xf32, #tpu.memory_space<vmem_shared>>) dst(%dma_wait3A_378 : memref<120x128xf32, #tpu.memory_space<vmem>>)
      tpu.yield
    }) : () -> ()
    %dma_start3A_226 = arith.constant 0 : i32
    %dma_start3A_227 = arith.constant 0 : i32
    %dma_start3A_228 = arith.constant 0 : i32
    %dma_start3A_229 = tpu.memref_slice %arg7[%dma_start3A_227, %dma_start3A_228] : memref<240x128xf32, #tpu.memory_space<vmem>> -> memref<120x128xf32, #tpu.memory_space<vmem>>
    %dma_start3A_230 = arith.constant 0 : i32
    %dma_start3A_231 = tpu.memref_slice %arg4[%arg0, %multiple_of3A_212, %dma_start3A_230] : memref<2x10000x128xf32, #tpu.memory_space<hbm>> -> memref<1x120x128xf32, #tpu.memory_space<hbm>>
    %dma_start3A_232 = tpu.memref_squeeze %dma_start3A_231 : memref<1x120x128xf32, #tpu.memory_space<hbm>> -> memref<120x128xf32, #tpu.memory_space<hbm>>
    %dma_start3A_233 = tpu.memref_slice %arg9[%dma_start3A_226] : memref<6x!tpu.dma_semaphore, #tpu.memory_space<semaphore_mem>> -> memref<1x!tpu.dma_semaphore, #tpu.memory_space<semaphore_mem>>
    %dma_start3A_234 = tpu.memref_squeeze %dma_start3A_233 : memref<1x!tpu.dma_semaphore, #tpu.memory_space<semaphore_mem>> -> memref<!tpu.dma_semaphore, #tpu.memory_space<semaphore_mem>>
    %dma_start3A_235 = arith.constant 0 : i32
    %dma_start3A_236 = tpu.memref_slice %arg4[%arg0, %multiple_of3A_212, %dma_start3A_235] : memref<2x10000x128xf32, #tpu.memory_space<hbm>> -> memref<1x120x128xf32, #tpu.memory_space<hbm>>
    %dma_start3A_237 = tpu.memref_squeeze %dma_start3A_236 : memref<1x120x128xf32, #tpu.memory_space<hbm>> -> memref<120x128xf32, #tpu.memory_space<hbm>>
    %dma_start3A_238 = arith.constant 0 : i32
    %dma_start3A_239 = arith.constant 0 : i32
    %dma_start3A_240 = tpu.memref_slice %arg7[%dma_start3A_238, %dma_start3A_239] : memref<240x128xf32, #tpu.memory_space<vmem>> -> memref<120x128xf32, #tpu.memory_space<vmem>>
    tpu.enqueue_dma source(%dma_start3A_240 : memref<120x128xf32, #tpu.memory_space<vmem>>) target(%dma_start3A_237 : memref<120x128xf32, #tpu.memory_space<hbm>>) target_semaphore(%dma_start3A_234 : memref<!tpu.dma_semaphore, #tpu.memory_space<semaphore_mem>>)
    %add3A_241 = arith.constant 360 : i32
    %add3A_242 = arith.addi %multiple_of3A, %add3A_241 : i32
    %multiple_of3A_243 = tpu.assume_multiple %add3A_242, 8 : i32
    %dma_wait3A_244 = arith.constant 1 : i32
    %dma_wait3A_245 = arith.constant 120 : i32
    %dma_wait3A_246 = arith.constant 0 : i32
    %dma_wait3A_247 = tpu.memref_slice %arg7[%dma_wait3A_245, %dma_wait3A_246] : memref<240x128xf32, #tpu.memory_space<vmem>> -> memref<120x128xf32, #tpu.memory_space<vmem>>
    %dma_wait3A_248 = arith.constant 0 : i32
    %dma_wait3A_249 = tpu.memref_slice %arg8[%multiple_of3A_243, %dma_wait3A_248] : memref<10000x128xf32, #tpu.memory_space<vmem_shared>> -> memref<120x128xf32, #tpu.memory_space<vmem_shared>>
    %dma_wait3A_250 = tpu.memref_slice %arg9[%dma_wait3A_244] : memref<6x!tpu.dma_semaphore, #tpu.memory_space<semaphore_mem>> -> memref<1x!tpu.dma_semaphore, #tpu.memory_space<semaphore_mem>>
    %dma_wait3A_251 = tpu.memref_squeeze %dma_wait3A_250 : memref<1x!tpu.dma_semaphore, #tpu.memory_space<semaphore_mem>> -> memref<!tpu.dma_semaphore, #tpu.memory_space<semaphore_mem>>
    %dma_wait3A_252 = arith.constant 120 : i32
    %dma_wait3A_253 = arith.constant 0 : i32
    %dma_wait3A_254 = tpu.memref_slice %arg7[%dma_wait3A_252, %dma_wait3A_253] : memref<240x128xf32, #tpu.memory_space<vmem>> -> memref<120x128xf32, #tpu.memory_space<vmem>>
    %dma_wait3A_255 = arith.constant 0 : i32
    %dma_wait3A_256 = tpu.memref_slice %arg8[%multiple_of3A_243, %dma_wait3A_255] : memref<10000x128xf32, #tpu.memory_space<vmem_shared>> -> memref<120x128xf32, #tpu.memory_space<vmem_shared>>
    tpu.wait_dma2 semaphore(%dma_wait3A_251 : memref<!tpu.dma_semaphore, #tpu.memory_space<semaphore_mem>>) src(%dma_wait3A_256 : memref<120x128xf32, #tpu.memory_space<vmem_shared>>) dst(%dma_wait3A_254 : memref<120x128xf32, #tpu.memory_space<vmem>>)
    "tpu.region"() ({
      %run_scoped3A_360 = tpu.sem_alloc : memref<!tpu.dma_semaphore, #tpu.memory_space<semaphore_mem>>
      %dma_start3A_361 = arith.constant 120 : i32
      %dma_start3A_362 = arith.constant 0 : i32
      %dma_start3A_363 = tpu.memref_slice %arg7[%dma_start3A_361, %dma_start3A_362] : memref<240x128xf32, #tpu.memory_space<vmem>> -> memref<120x128xf32, #tpu.memory_space<vmem>>
      %dma_start3A_364 = arith.constant 0 : i32
      %dma_start3A_365 = tpu.memref_slice %arg8[%multiple_of3A_243, %dma_start3A_364] : memref<10000x128xf32, #tpu.memory_space<vmem_shared>> -> memref<120x128xf32, #tpu.memory_space<vmem_shared>>
      %dma_start3A_366 = arith.constant 120 : i32
      %dma_start3A_367 = arith.constant 0 : i32
      %dma_start3A_368 = tpu.memref_slice %arg7[%dma_start3A_366, %dma_start3A_367] : memref<240x128xf32, #tpu.memory_space<vmem>> -> memref<120x128xf32, #tpu.memory_space<vmem>>
      %dma_start3A_369 = arith.constant 0 : i32
      %dma_start3A_370 = tpu.memref_slice %arg8[%multiple_of3A_243, %dma_start3A_369] : memref<10000x128xf32, #tpu.memory_space<vmem_shared>> -> memref<120x128xf32, #tpu.memory_space<vmem_shared>>
      tpu.enqueue_dma source(%dma_start3A_370 : memref<120x128xf32, #tpu.memory_space<vmem_shared>>) target(%dma_start3A_368 : memref<120x128xf32, #tpu.memory_space<vmem>>) target_semaphore(%run_scoped3A_360 : memref<!tpu.dma_semaphore, #tpu.memory_space<semaphore_mem>>)
      %dma_wait3A_371 = arith.constant 120 : i32
      %dma_wait3A_372 = arith.constant 0 : i32
      %dma_wait3A_373 = tpu.memref_slice %arg7[%dma_wait3A_371, %dma_wait3A_372] : memref<240x128xf32, #tpu.memory_space<vmem>> -> memref<120x128xf32, #tpu.memory_space<vmem>>
      %dma_wait3A_374 = arith.constant 0 : i32
      %dma_wait3A_375 = tpu.memref_slice %arg8[%multiple_of3A_243, %dma_wait3A_374] : memref<10000x128xf32, #tpu.memory_space<vmem_shared>> -> memref<120x128xf32, #tpu.memory_space<vmem_shared>>
      %dma_wait3A_376 = arith.constant 120 : i32
      %dma_wait3A_377 = arith.constant 0 : i32
      %dma_wait3A_378 = tpu.memref_slice %arg7[%dma_wait3A_376, %dma_wait3A_377] : memref<240x128xf32, #tpu.memory_space<vmem>> -> memref<120x128xf32, #tpu.memory_space<vmem>>
      %dma_wait3A_379 = arith.constant 0 : i32
      %dma_wait3A_380 = tpu.memref_slice %arg8[%multiple_of3A_243, %dma_wait3A_379] : memref<10000x128xf32, #tpu.memory_space<vmem_shared>> -> memref<120x128xf32, #tpu.memory_space<vmem_shared>>
      tpu.wait_dma2 semaphore(%run_scoped3A_360 : memref<!tpu.dma_semaphore, #tpu.memory_space<semaphore_mem>>) src(%dma_wait3A_380 : memref<120x128xf32, #tpu.memory_space<vmem_shared>>) dst(%dma_wait3A_378 : memref<120x128xf32, #tpu.memory_space<vmem>>)
      tpu.yield
    }) : () -> ()
    %dma_start3A_257 = arith.constant 1 : i32
    %dma_start3A_258 = arith.constant 120 : i32
    %dma_start3A_259 = arith.constant 0 : i32
    %dma_start3A_260 = tpu.memref_slice %arg7[%dma_start3A_258, %dma_start3A_259] : memref<240x128xf32, #tpu.memory_space<vmem>> -> memref<120x128xf32, #tpu.memory_space<vmem>>
    %dma_start3A_261 = arith.constant 0 : i32
    %dma_start3A_262 = tpu.memref_slice %arg4[%arg0, %multiple_of3A_243, %dma_start3A_261] : memref<2x10000x128xf32, #tpu.memory_space<hbm>> -> memref<1x120x128xf32, #tpu.memory_space<hbm>>
    %dma_start3A_263 = tpu.memref_squeeze %dma_start3A_262 : memref<1x120x128xf32, #tpu.memory_space<hbm>> -> memref<120x128xf32, #tpu.memory_space<hbm>>
    %dma_start3A_264 = tpu.memref_slice %arg9[%dma_start3A_257] : memref<6x!tpu.dma_semaphore, #tpu.memory_space<semaphore_mem>> -> memref<1x!tpu.dma_semaphore, #tpu.memory_space<semaphore_mem>>
    %dma_start3A_265 = tpu.memref_squeeze %dma_start3A_264 : memref<1x!tpu.dma_semaphore, #tpu.memory_space<semaphore_mem>> -> memref<!tpu.dma_semaphore, #tpu.memory_space<semaphore_mem>>
    %dma_start3A_266 = arith.constant 0 : i32
    %dma_start3A_267 = tpu.memref_slice %arg4[%arg0, %multiple_of3A_243, %dma_start3A_266] : memref<2x10000x128xf32, #tpu.memory_space<hbm>> -> memref<1x120x128xf32, #tpu.memory_space<hbm>>
    %dma_start3A_268 = tpu.memref_squeeze %dma_start3A_267 : memref<1x120x128xf32, #tpu.memory_space<hbm>> -> memref<120x128xf32, #tpu.memory_space<hbm>>
    %dma_start3A_269 = arith.constant 120 : i32
    %dma_start3A_270 = arith.constant 0 : i32
    %dma_start3A_271 = tpu.memref_slice %arg7[%dma_start3A_269, %dma_start3A_270] : memref<240x128xf32, #tpu.memory_space<vmem>> -> memref<120x128xf32, #tpu.memory_space<vmem>>
    tpu.enqueue_dma source(%dma_start3A_271 : memref<120x128xf32, #tpu.memory_space<vmem>>) target(%dma_start3A_268 : memref<120x128xf32, #tpu.memory_space<hbm>>) target_semaphore(%dma_start3A_265 : memref<!tpu.dma_semaphore, #tpu.memory_space<semaphore_mem>>)
    %add3A_272 = arith.constant 480 : i32
    %add3A_273 = arith.addi %multiple_of3A, %add3A_272 : i32
    %multiple_of3A_274 = tpu.assume_multiple %add3A_273, 8 : i32
    %dma_wait3A_275 = arith.constant 0 : i32
    %dma_wait3A_276 = arith.constant 0 : i32
    %dma_wait3A_277 = arith.constant 0 : i32
    %dma_wait3A_278 = tpu.memref_slice %arg7[%dma_wait3A_276, %dma_wait3A_277] : memref<240x128xf32, #tpu.memory_space<vmem>> -> memref<120x128xf32, #tpu.memory_space<vmem>>
    %dma_wait3A_279 = arith.constant 0 : i32
    %dma_wait3A_280 = tpu.memref_slice %arg8[%multiple_of3A_274, %dma_wait3A_279] : memref<10000x128xf32, #tpu.memory_space<vmem_shared>> -> memref<120x128xf32, #tpu.memory_space<vmem_shared>>
    %dma_wait3A_281 = tpu.memref_slice %arg9[%dma_wait3A_275] : memref<6x!tpu.dma_semaphore, #tpu.memory_space<semaphore_mem>> -> memref<1x!tpu.dma_semaphore, #tpu.memory_space<semaphore_mem>>
    %dma_wait3A_282 = tpu.memref_squeeze %dma_wait3A_281 : memref<1x!tpu.dma_semaphore, #tpu.memory_space<semaphore_mem>> -> memref<!tpu.dma_semaphore, #tpu.memory_space<semaphore_mem>>
    %dma_wait3A_283 = arith.constant 0 : i32
    %dma_wait3A_284 = arith.constant 0 : i32
    %dma_wait3A_285 = tpu.memref_slice %arg7[%dma_wait3A_283, %dma_wait3A_284] : memref<240x128xf32, #tpu.memory_space<vmem>> -> memref<120x128xf32, #tpu.memory_space<vmem>>
    %dma_wait3A_286 = arith.constant 0 : i32
    %dma_wait3A_287 = tpu.memref_slice %arg8[%multiple_of3A_274, %dma_wait3A_286] : memref<10000x128xf32, #tpu.memory_space<vmem_shared>> -> memref<120x128xf32, #tpu.memory_space<vmem_shared>>
    tpu.wait_dma2 semaphore(%dma_wait3A_282 : memref<!tpu.dma_semaphore, #tpu.memory_space<semaphore_mem>>) src(%dma_wait3A_287 : memref<120x128xf32, #tpu.memory_space<vmem_shared>>) dst(%dma_wait3A_285 : memref<120x128xf32, #tpu.memory_space<vmem>>)
    "tpu.region"() ({
      %run_scoped3A_360 = tpu.sem_alloc : memref<!tpu.dma_semaphore, #tpu.memory_space<semaphore_mem>>
      %dma_start3A_361 = arith.constant 0 : i32
      %dma_start3A_362 = arith.constant 0 : i32
      %dma_start3A_363 = tpu.memref_slice %arg7[%dma_start3A_361, %dma_start3A_362] : memref<240x128xf32, #tpu.memory_space<vmem>> -> memref<120x128xf32, #tpu.memory_space<vmem>>
      %dma_start3A_364 = arith.constant 0 : i32
      %dma_start3A_365 = tpu.memref_slice %arg8[%multiple_of3A_274, %dma_start3A_364] : memref<10000x128xf32, #tpu.memory_space<vmem_shared>> -> memref<120x128xf32, #tpu.memory_space<vmem_shared>>
      %dma_start3A_366 = arith.constant 0 : i32
      %dma_start3A_367 = arith.constant 0 : i32
      %dma_start3A_368 = tpu.memref_slice %arg7[%dma_start3A_366, %dma_start3A_367] : memref<240x128xf32, #tpu.memory_space<vmem>> -> memref<120x128xf32, #tpu.memory_space<vmem>>
      %dma_start3A_369 = arith.constant 0 : i32
      %dma_start3A_370 = tpu.memref_slice %arg8[%multiple_of3A_274, %dma_start3A_369] : memref<10000x128xf32, #tpu.memory_space<vmem_shared>> -> memref<120x128xf32, #tpu.memory_space<vmem_shared>>
      tpu.enqueue_dma source(%dma_start3A_370 : memref<120x128xf32, #tpu.memory_space<vmem_shared>>) target(%dma_start3A_368 : memref<120x128xf32, #tpu.memory_space<vmem>>) target_semaphore(%run_scoped3A_360 : memref<!tpu.dma_semaphore, #tpu.memory_space<semaphore_mem>>)
      %dma_wait3A_371 = arith.constant 0 : i32
      %dma_wait3A_372 = arith.constant 0 : i32
      %dma_wait3A_373 = tpu.memref_slice %arg7[%dma_wait3A_371, %dma_wait3A_372] : memref<240x128xf32, #tpu.memory_space<vmem>> -> memref<120x128xf32, #tpu.memory_space<vmem>>
      %dma_wait3A_374 = arith.constant 0 : i32
      %dma_wait3A_375 = tpu.memref_slice %arg8[%multiple_of3A_274, %dma_wait3A_374] : memref<10000x128xf32, #tpu.memory_space<vmem_shared>> -> memref<120x128xf32, #tpu.memory_space<vmem_shared>>
      %dma_wait3A_376 = arith.constant 0 : i32
      %dma_wait3A_377 = arith.constant 0 : i32
      %dma_wait3A_378 = tpu.memref_slice %arg7[%dma_wait3A_376, %dma_wait3A_377] : memref<240x128xf32, #tpu.memory_space<vmem>> -> memref<120x128xf32, #tpu.memory_space<vmem>>
      %dma_wait3A_379 = arith.constant 0 : i32
      %dma_wait3A_380 = tpu.memref_slice %arg8[%multiple_of3A_274, %dma_wait3A_379] : memref<10000x128xf32, #tpu.memory_space<vmem_shared>> -> memref<120x128xf32, #tpu.memory_space<vmem_shared>>
      tpu.wait_dma2 semaphore(%run_scoped3A_360 : memref<!tpu.dma_semaphore, #tpu.memory_space<semaphore_mem>>) src(%dma_wait3A_380 : memref<120x128xf32, #tpu.memory_space<vmem_shared>>) dst(%dma_wait3A_378 : memref<120x128xf32, #tpu.memory_space<vmem>>)
      tpu.yield
    }) : () -> ()
    %dma_start3A_288 = arith.constant 0 : i32
    %dma_start3A_289 = arith.constant 0 : i32
    %dma_start3A_290 = arith.constant 0 : i32
    %dma_start3A_291 = tpu.memref_slice %arg7[%dma_start3A_289, %dma_start3A_290] : memref<240x128xf32, #tpu.memory_space<vmem>> -> memref<120x128xf32, #tpu.memory_space<vmem>>
    %dma_start3A_292 = arith.constant 0 : i32
    %dma_start3A_293 = tpu.memref_slice %arg4[%arg0, %multiple_of3A_274, %dma_start3A_292] : memref<2x10000x128xf32, #tpu.memory_space<hbm>> -> memref<1x120x128xf32, #tpu.memory_space<hbm>>
    %dma_start3A_294 = tpu.memref_squeeze %dma_start3A_293 : memref<1x120x128xf32, #tpu.memory_space<hbm>> -> memref<120x128xf32, #tpu.memory_space<hbm>>
    %dma_start3A_295 = tpu.memref_slice %arg9[%dma_start3A_288] : memref<6x!tpu.dma_semaphore, #tpu.memory_space<semaphore_mem>> -> memref<1x!tpu.dma_semaphore, #tpu.memory_space<semaphore_mem>>
    %dma_start3A_296 = tpu.memref_squeeze %dma_start3A_295 : memref<1x!tpu.dma_semaphore, #tpu.memory_space<semaphore_mem>> -> memref<!tpu.dma_semaphore, #tpu.memory_space<semaphore_mem>>
    %dma_start3A_297 = arith.constant 0 : i32
    %dma_start3A_298 = tpu.memref_slice %arg4[%arg0, %multiple_of3A_274, %dma_start3A_297] : memref<2x10000x128xf32, #tpu.memory_space<hbm>> -> memref<1x120x128xf32, #tpu.memory_space<hbm>>
    %dma_start3A_299 = tpu.memref_squeeze %dma_start3A_298 : memref<1x120x128xf32, #tpu.memory_space<hbm>> -> memref<120x128xf32, #tpu.memory_space<hbm>>
    %dma_start3A_300 = arith.constant 0 : i32
    %dma_start3A_301 = arith.constant 0 : i32
    %dma_start3A_302 = tpu.memref_slice %arg7[%dma_start3A_300, %dma_start3A_301] : memref<240x128xf32, #tpu.memory_space<vmem>> -> memref<120x128xf32, #tpu.memory_space<vmem>>
    tpu.enqueue_dma source(%dma_start3A_302 : memref<120x128xf32, #tpu.memory_space<vmem>>) target(%dma_start3A_299 : memref<120x128xf32, #tpu.memory_space<hbm>>) target_semaphore(%dma_start3A_296 : memref<!tpu.dma_semaphore, #tpu.memory_space<semaphore_mem>>)
    %add3A_303 = arith.constant 600 : i32
    %add3A_304 = arith.addi %multiple_of3A, %add3A_303 : i32
    %multiple_of3A_305 = tpu.assume_multiple %add3A_304, 8 : i32
    %dma_wait3A_306 = arith.constant 1 : i32
    %dma_wait3A_307 = arith.constant 120 : i32
    %dma_wait3A_308 = arith.constant 0 : i32
    %dma_wait3A_309 = tpu.memref_slice %arg7[%dma_wait3A_307, %dma_wait3A_308] : memref<240x128xf32, #tpu.memory_space<vmem>> -> memref<120x128xf32, #tpu.memory_space<vmem>>
    %dma_wait3A_310 = arith.constant 0 : i32
    %dma_wait3A_311 = tpu.memref_slice %arg8[%multiple_of3A_305, %dma_wait3A_310] : memref<10000x128xf32, #tpu.memory_space<vmem_shared>> -> memref<120x128xf32, #tpu.memory_space<vmem_shared>>
    %dma_wait3A_312 = tpu.memref_slice %arg9[%dma_wait3A_306] : memref<6x!tpu.dma_semaphore, #tpu.memory_space<semaphore_mem>> -> memref<1x!tpu.dma_semaphore, #tpu.memory_space<semaphore_mem>>
    %dma_wait3A_313 = tpu.memref_squeeze %dma_wait3A_312 : memref<1x!tpu.dma_semaphore, #tpu.memory_space<semaphore_mem>> -> memref<!tpu.dma_semaphore, #tpu.memory_space<semaphore_mem>>
    %dma_wait3A_314 = arith.constant 120 : i32
    %dma_wait3A_315 = arith.constant 0 : i32
    %dma_wait3A_316 = tpu.memref_slice %arg7[%dma_wait3A_314, %dma_wait3A_315] : memref<240x128xf32, #tpu.memory_space<vmem>> -> memref<120x128xf32, #tpu.memory_space<vmem>>
    %dma_wait3A_317 = arith.constant 0 : i32
    %dma_wait3A_318 = tpu.memref_slice %arg8[%multiple_of3A_305, %dma_wait3A_317] : memref<10000x128xf32, #tpu.memory_space<vmem_shared>> -> memref<120x128xf32, #tpu.memory_space<vmem_shared>>
    tpu.wait_dma2 semaphore(%dma_wait3A_313 : memref<!tpu.dma_semaphore, #tpu.memory_space<semaphore_mem>>) src(%dma_wait3A_318 : memref<120x128xf32, #tpu.memory_space<vmem_shared>>) dst(%dma_wait3A_316 : memref<120x128xf32, #tpu.memory_space<vmem>>)
    "tpu.region"() ({
      %run_scoped3A_360 = tpu.sem_alloc : memref<!tpu.dma_semaphore, #tpu.memory_space<semaphore_mem>>
      %dma_start3A_361 = arith.constant 120 : i32
      %dma_start3A_362 = arith.constant 0 : i32
      %dma_start3A_363 = tpu.memref_slice %arg7[%dma_start3A_361, %dma_start3A_362] : memref<240x128xf32, #tpu.memory_space<vmem>> -> memref<32x128xf32, #tpu.memory_space<vmem>>
      %dma_start3A_364 = arith.constant 0 : i32
      %dma_start3A_365 = tpu.memref_slice %arg8[%multiple_of3A_305, %dma_start3A_364] : memref<10000x128xf32, #tpu.memory_space<vmem_shared>> -> memref<32x128xf32, #tpu.memory_space<vmem_shared>>
      %dma_start3A_366 = arith.constant 120 : i32
      %dma_start3A_367 = arith.constant 0 : i32
      %dma_start3A_368 = tpu.memref_slice %arg7[%dma_start3A_366, %dma_start3A_367] : memref<240x128xf32, #tpu.memory_space<vmem>> -> memref<32x128xf32, #tpu.memory_space<vmem>>
      %dma_start3A_369 = arith.constant 0 : i32
      %dma_start3A_370 = tpu.memref_slice %arg8[%multiple_of3A_305, %dma_start3A_369] : memref<10000x128xf32, #tpu.memory_space<vmem_shared>> -> memref<32x128xf32, #tpu.memory_space<vmem_shared>>
      tpu.enqueue_dma source(%dma_start3A_370 : memref<32x128xf32, #tpu.memory_space<vmem_shared>>) target(%dma_start3A_368 : memref<32x128xf32, #tpu.memory_space<vmem>>) target_semaphore(%run_scoped3A_360 : memref<!tpu.dma_semaphore, #tpu.memory_space<semaphore_mem>>)
      %dma_wait3A_371 = arith.constant 120 : i32
      %dma_wait3A_372 = arith.constant 0 : i32
      %dma_wait3A_373 = tpu.memref_slice %arg7[%dma_wait3A_371, %dma_wait3A_372] : memref<240x128xf32, #tpu.memory_space<vmem>> -> memref<32x128xf32, #tpu.memory_space<vmem>>
      %dma_wait3A_374 = arith.constant 0 : i32
      %dma_wait3A_375 = tpu.memref_slice %arg8[%multiple_of3A_305, %dma_wait3A_374] : memref<10000x128xf32, #tpu.memory_space<vmem_shared>> -> memref<32x128xf32, #tpu.memory_space<vmem_shared>>
      %dma_wait3A_376 = arith.constant 120 : i32
      %dma_wait3A_377 = arith.constant 0 : i32
      %dma_wait3A_378 = tpu.memref_slice %arg7[%dma_wait3A_376, %dma_wait3A_377] : memref<240x128xf32, #tpu.memory_space<vmem>> -> memref<32x128xf32, #tpu.memory_space<vmem>>
      %dma_wait3A_379 = arith.constant 0 : i32
      %dma_wait3A_380 = tpu.memref_slice %arg8[%multiple_of3A_305, %dma_wait3A_379] : memref<10000x128xf32, #tpu.memory_space<vmem_shared>> -> memref<32x128xf32, #tpu.memory_space<vmem_shared>>
      tpu.wait_dma2 semaphore(%run_scoped3A_360 : memref<!tpu.dma_semaphore, #tpu.memory_space<semaphore_mem>>) src(%dma_wait3A_380 : memref<32x128xf32, #tpu.memory_space<vmem_shared>>) dst(%dma_wait3A_378 : memref<32x128xf32, #tpu.memory_space<vmem>>)
      tpu.yield
    }) : () -> ()
    %dma_start3A_319 = arith.constant 1 : i32
    %dma_start3A_320 = arith.constant 120 : i32
    %dma_start3A_321 = arith.constant 0 : i32
    %dma_start3A_322 = tpu.memref_slice %arg7[%dma_start3A_320, %dma_start3A_321] : memref<240x128xf32, #tpu.memory_space<vmem>> -> memref<32x128xf32, #tpu.memory_space<vmem>>
    %dma_start3A_323 = arith.constant 0 : i32
    %dma_start3A_324 = tpu.memref_slice %arg4[%arg0, %multiple_of3A_305, %dma_start3A_323] : memref<2x10000x128xf32, #tpu.memory_space<hbm>> -> memref<1x32x128xf32, #tpu.memory_space<hbm>>
    %dma_start3A_325 = tpu.memref_squeeze %dma_start3A_324 : memref<1x32x128xf32, #tpu.memory_space<hbm>> -> memref<32x128xf32, #tpu.memory_space<hbm>>
    %dma_start3A_326 = tpu.memref_slice %arg9[%dma_start3A_319] : memref<6x!tpu.dma_semaphore, #tpu.memory_space<semaphore_mem>> -> memref<1x!tpu.dma_semaphore, #tpu.memory_space<semaphore_mem>>
    %dma_start3A_327 = tpu.memref_squeeze %dma_start3A_326 : memref<1x!tpu.dma_semaphore, #tpu.memory_space<semaphore_mem>> -> memref<!tpu.dma_semaphore, #tpu.memory_space<semaphore_mem>>
    %dma_start3A_328 = arith.constant 0 : i32
    %dma_start3A_329 = tpu.memref_slice %arg4[%arg0, %multiple_of3A_305, %dma_start3A_328] : memref<2x10000x128xf32, #tpu.memory_space<hbm>> -> memref<1x32x128xf32, #tpu.memory_space<hbm>>
    %dma_start3A_330 = tpu.memref_squeeze %dma_start3A_329 : memref<1x32x128xf32, #tpu.memory_space<hbm>> -> memref<32x128xf32, #tpu.memory_space<hbm>>
    %dma_start3A_331 = arith.constant 120 : i32
    %dma_start3A_332 = arith.constant 0 : i32
    %dma_start3A_333 = tpu.memref_slice %arg7[%dma_start3A_331, %dma_start3A_332] : memref<240x128xf32, #tpu.memory_space<vmem>> -> memref<32x128xf32, #tpu.memory_space<vmem>>
    tpu.enqueue_dma source(%dma_start3A_333 : memref<32x128xf32, #tpu.memory_space<vmem>>) target(%dma_start3A_330 : memref<32x128xf32, #tpu.memory_space<hbm>>) target_semaphore(%dma_start3A_327 : memref<!tpu.dma_semaphore, #tpu.memory_space<semaphore_mem>>)
    %dma_wait3A_334 = arith.constant 0 : i32
    %dma_wait3A_335 = arith.constant 0 : i32
    %dma_wait3A_336 = arith.constant 0 : i32
    %dma_wait3A_337 = tpu.memref_slice %arg7[%dma_wait3A_335, %dma_wait3A_336] : memref<240x128xf32, #tpu.memory_space<vmem>> -> memref<120x128xf32, #tpu.memory_space<vmem>>
    %dma_wait3A_338 = arith.constant 0 : i32
    %dma_wait3A_339 = tpu.memref_slice %arg8[%multiple_of3A, %dma_wait3A_338] : memref<10000x128xf32, #tpu.memory_space<vmem_shared>> -> memref<120x128xf32, #tpu.memory_space<vmem_shared>>
    %dma_wait3A_340 = tpu.memref_slice %arg9[%dma_wait3A_334] : memref<6x!tpu.dma_semaphore, #tpu.memory_space<semaphore_mem>> -> memref<1x!tpu.dma_semaphore, #tpu.memory_space<semaphore_mem>>
    %dma_wait3A_341 = tpu.memref_squeeze %dma_wait3A_340 : memref<1x!tpu.dma_semaphore, #tpu.memory_space<semaphore_mem>> -> memref<!tpu.dma_semaphore, #tpu.memory_space<semaphore_mem>>
    %dma_wait3A_342 = arith.constant 0 : i32
    %dma_wait3A_343 = arith.constant 0 : i32
    %dma_wait3A_344 = tpu.memref_slice %arg7[%dma_wait3A_342, %dma_wait3A_343] : memref<240x128xf32, #tpu.memory_space<vmem>> -> memref<120x128xf32, #tpu.memory_space<vmem>>
    %dma_wait3A_345 = arith.constant 0 : i32
    %dma_wait3A_346 = tpu.memref_slice %arg8[%multiple_of3A, %dma_wait3A_345] : memref<10000x128xf32, #tpu.memory_space<vmem_shared>> -> memref<120x128xf32, #tpu.memory_space<vmem_shared>>
    tpu.wait_dma2 semaphore(%dma_wait3A_341 : memref<!tpu.dma_semaphore, #tpu.memory_space<semaphore_mem>>) src(%dma_wait3A_346 : memref<120x128xf32, #tpu.memory_space<vmem_shared>>) dst(%dma_wait3A_344 : memref<120x128xf32, #tpu.memory_space<vmem>>)
    %dma_wait3A_347 = arith.constant 1 : i32
    %dma_wait3A_348 = arith.constant 120 : i32
    %dma_wait3A_349 = arith.constant 0 : i32
    %dma_wait3A_350 = tpu.memref_slice %arg7[%dma_wait3A_348, %dma_wait3A_349] : memref<240x128xf32, #tpu.memory_space<vmem>> -> memref<32x128xf32, #tpu.memory_space<vmem>>
    %dma_wait3A_351 = arith.constant 0 : i32
    %dma_wait3A_352 = tpu.memref_slice %arg8[%multiple_of3A, %dma_wait3A_351] : memref<10000x128xf32, #tpu.memory_space<vmem_shared>> -> memref<32x128xf32, #tpu.memory_space<vmem_shared>>
    %dma_wait3A_353 = tpu.memref_slice %arg9[%dma_wait3A_347] : memref<6x!tpu.dma_semaphore, #tpu.memory_space<semaphore_mem>> -> memref<1x!tpu.dma_semaphore, #tpu.memory_space<semaphore_mem>>
    %dma_wait3A_354 = tpu.memref_squeeze %dma_wait3A_353 : memref<1x!tpu.dma_semaphore, #tpu.memory_space<semaphore_mem>> -> memref<!tpu.dma_semaphore, #tpu.memory_space<semaphore_mem>>
    %dma_wait3A_355 = arith.constant 120 : i32
    %dma_wait3A_356 = arith.constant 0 : i32
    %dma_wait3A_357 = tpu.memref_slice %arg7[%dma_wait3A_355, %dma_wait3A_356] : memref<240x128xf32, #tpu.memory_space<vmem>> -> memref<32x128xf32, #tpu.memory_space<vmem>>
    %dma_wait3A_358 = arith.constant 0 : i32
    %dma_wait3A_359 = tpu.memref_slice %arg8[%multiple_of3A, %dma_wait3A_358] : memref<10000x128xf32, #tpu.memory_space<vmem_shared>> -> memref<32x128xf32, #tpu.memory_space<vmem_shared>>
    tpu.wait_dma2 semaphore(%dma_wait3A_354 : memref<!tpu.dma_semaphore, #tpu.memory_space<semaphore_mem>>) src(%dma_wait3A_359 : memref<32x128xf32, #tpu.memory_space<vmem_shared>>) dst(%dma_wait3A_357 : memref<32x128xf32, #tpu.memory_space<vmem>>)
    return
  }
}

module attributes {stable_mosaic.version = 14 : i64} {
  func.func @_tc3_body(%arg0: i32, %arg1: memref<2x1000x128xf32, #tpu.memory_space<vmem>>, %arg2: memref<1000x128xf32, #tpu.memory_space<vmem>>, %arg3: memref<20480xf32, #tpu.memory_space<vmem>>, %arg4: memref<1x128xf32, #tpu.memory_space<vmem>>, %arg5: memref<1000x128xf32, #tpu.memory_space<vmem>>) attributes {dimension_semantics = [#tpu.dimension_semantics<arbitrary>], iteration_bounds = array<i64: 10>, scalar_prefetch = 0 : i64, scratch_operands = 0 : i64, tpu.core_type = #tpu.core_type<tc>, window_params = [{transform_indices = @transform_0, window_bounds = array<i64: 2, 1000, 128>}, {transform_indices = @transform_1, window_bounds = array<i64: 1000, 128>}, {pipeline_mode = #tpu.pipeline_mode<synchronous>, transform_indices = @transform_2, window_bounds = array<i64: 20480>}, {pipeline_mode = #tpu.pipeline_mode<synchronous>, transform_indices = @transform_3, window_bounds = array<i64: 1, 128>}, {transform_indices = @transform_4, window_bounds = array<i64: 1000, 128>}]} {
    %mul3A = arith.constant 1024 : i32
    %mul3A_0 = arith.muli %arg0, %mul3A : i32
    %multiple_of3A = tpu.assume_multiple %mul3A_0, 128 : i32
    %get3A = arith.index_cast %multiple_of3A : i32 to index
    %get3A_1 = vector.load %arg3[%get3A] : memref<20480xf32, #tpu.memory_space<vmem>>, vector<1024xf32>
    %slice3A = vector.extract_strided_slice %get3A_1 {offsets = [0], sizes = [1000], strides = [1]} : vector<1024xf32> to vector<1000xf32>
    %mul3A_2 = arith.constant 1024 : i32
    %mul3A_3 = arith.muli %arg0, %mul3A_2 : i32
    %add3A = arith.constant 10240 : i32
    %add3A_4 = arith.addi %add3A, %mul3A_3 : i32
    %multiple_of3A_5 = tpu.assume_multiple %add3A_4, 128 : i32
    %get3A_6 = arith.index_cast %multiple_of3A_5 : i32 to index
    %get3A_7 = vector.load %arg3[%get3A_6] : memref<20480xf32, #tpu.memory_space<vmem>>, vector<1024xf32>
    %slice3A_8 = vector.extract_strided_slice %get3A_7 {offsets = [0], sizes = [1000], strides = [1]} : vector<1024xf32> to vector<1000xf32>
    %add3A_9 = arith.constant 1.000000e+00 : f32
    %add3A_10 = vector.broadcast %add3A_9 : f32 to vector<1000xf32>
    %add3A_11 = arith.addf %add3A_10, %slice3A : vector<1000xf32>
    %add3A_12 = arith.addf %add3A_11, %slice3A_8 : vector<1000xf32>
    %rsqrt3A = math.rsqrt %add3A_12 : vector<1000xf32>
    %reshape3A = vector.shape_cast %rsqrt3A : vector<1000xf32> to vector<1000x1xf32>
    %get3A_13 = arith.constant 0 : index
    %get3A_14 = arith.constant 0 : index
    %get3A_15 = arith.constant 0 : index
    %get3A_16 = vector.load %arg1[%get3A_13, %get3A_14, %get3A_15] : memref<2x1000x128xf32, #tpu.memory_space<vmem>>, vector<1x1000x128xf32>
    %get3A_17 = vector.shape_cast %get3A_16 : vector<1x1000x128xf32> to vector<1000x128xf32>
    %get3A_18 = arith.constant 1 : index
    %get3A_19 = arith.constant 0 : index
    %get3A_20 = arith.constant 0 : index
    %get3A_21 = vector.load %arg1[%get3A_18, %get3A_19, %get3A_20] : memref<2x1000x128xf32, #tpu.memory_space<vmem>>, vector<1x1000x128xf32>
    %get3A_22 = vector.shape_cast %get3A_21 : vector<1x1000x128xf32> to vector<1000x128xf32>
    %add3A_23 = arith.addf %get3A_17, %get3A_22 : vector<1000x128xf32>
    %get3A_24 = arith.constant 0 : index
    %get3A_25 = arith.constant 0 : index
    %get3A_26 = vector.load %arg2[%get3A_24, %get3A_25] : memref<1000x128xf32, #tpu.memory_space<vmem>>, vector<1000x128xf32>
    %add3A_27 = arith.addf %add3A_23, %get3A_26 : vector<1000x128xf32>
    %mul3A_28 = vector.broadcast %reshape3A : vector<1000x1xf32> to vector<1000x128xf32>
    %mul3A_29 = arith.mulf %mul3A_28, %add3A_27 : vector<1000x128xf32>
    %get3A_30 = arith.constant 0 : index
    %get3A_31 = arith.constant 0 : index
    %get3A_32 = vector.load %arg4[%get3A_30, %get3A_31] : memref<1x128xf32, #tpu.memory_space<vmem>>, vector<1x128xf32>
    %add3A_33 = vector.broadcast %get3A_32 : vector<1x128xf32> to vector<1000x128xf32>
    %add3A_34 = arith.addf %mul3A_29, %add3A_33 : vector<1000x128xf32>
    %swap3A = arith.constant 0 : index
    %swap3A_35 = arith.constant 0 : index
    %swap3A_36 = vector.load %arg5[%swap3A, %swap3A_35] : memref<1000x128xf32, #tpu.memory_space<vmem>>, vector<1000x128xf32>
    tpu.vector_store %arg5[%swap3A, %swap3A_35], %add3A_34 {strides = array<i32>} : memref<1000x128xf32, #tpu.memory_space<vmem>>, vector<1000x128xf32>,
    return
  }
  func.func @transform_0(%arg0: i32) -> (i32, i32, i32) {
    %c0_i32 = arith.constant 0 : i32
    %c0_i32_0 = arith.constant 0 : i32
    %c0_i32_1 = arith.constant 0 : i32
    return %c0_i32, %arg0, %c0_i32_0 : i32, i32, i32
  }
  func.func @transform_1(%arg0: i32) -> (i32, i32) {
    %c0_i32 = arith.constant 0 : i32
    %c0_i32_0 = arith.constant 0 : i32
    return %arg0, %c0_i32 : i32, i32
  }
  func.func @transform_2(%arg0: i32) -> i32 {
    %c0_i32 = arith.constant 0 : i32
    %c0_i32_0 = arith.constant 0 : i32
    return %c0_i32 : i32
  }
  func.func @transform_3(%arg0: i32) -> (i32, i32) {
    %c0_i32 = arith.constant 0 : i32
    %c0_i32_0 = arith.constant 0 : i32
    %c0_i32_1 = arith.constant 0 : i32
    return %c0_i32, %c0_i32_0 : i32, i32
  }
  func.func @transform_4(%arg0: i32) -> (i32, i32) {
    %c0_i32 = arith.constant 0 : i32
    %c0_i32_0 = arith.constant 0 : i32
    return %arg0, %c0_i32 : i32, i32
  }
}

module attributes {stable_mosaic.version = 14 : i64} {
  func.func @_tc1_body(%arg0: i32, %arg1: memref<1000x128xf32, #tpu.memory_space<vmem>>, %arg2: memref<128x128xf32, #tpu.memory_space<vmem>>, %arg3: memref<20480xf32, #tpu.memory_space<vmem>>, %arg4: memref<1000x128xf32, #tpu.memory_space<vmem>>) attributes {dimension_semantics = [#tpu.dimension_semantics<arbitrary>], iteration_bounds = array<i64: 10>, scalar_prefetch = 0 : i64, scratch_operands = 0 : i64, tpu.core_type = #tpu.core_type<tc>, window_params = [{transform_indices = @transform_0, window_bounds = array<i64: 1000, 128>}, {pipeline_mode = #tpu.pipeline_mode<synchronous>, transform_indices = @transform_1, window_bounds = array<i64: 128, 128>}, {pipeline_mode = #tpu.pipeline_mode<synchronous>, transform_indices = @transform_2, window_bounds = array<i64: 20480>}, {transform_indices = @transform_3, window_bounds = array<i64: 1000, 128>}]} {
    %mul3A = arith.constant 1024 : i32
    %mul3A_0 = arith.muli %arg0, %mul3A : i32
    %multiple_of3A = tpu.assume_multiple %mul3A_0, 128 : i32
    %get3A = arith.index_cast %multiple_of3A : i32 to index
    %get3A_1 = vector.load %arg3[%get3A] : memref<20480xf32, #tpu.memory_space<vmem>>, vector<1024xf32>
    %slice3A = vector.extract_strided_slice %get3A_1 {offsets = [0], sizes = [1000], strides = [1]} : vector<1024xf32> to vector<1000xf32>
    %mul3A_2 = arith.constant 1024 : i32
    %mul3A_3 = arith.muli %arg0, %mul3A_2 : i32
    %add3A = arith.constant 10240 : i32
    %add3A_4 = arith.addi %add3A, %mul3A_3 : i32
    %multiple_of3A_5 = tpu.assume_multiple %add3A_4, 128 : i32
    %get3A_6 = arith.index_cast %multiple_of3A_5 : i32 to index
    %get3A_7 = vector.load %arg3[%get3A_6] : memref<20480xf32, #tpu.memory_space<vmem>>, vector<1024xf32>
    %slice3A_8 = vector.extract_strided_slice %get3A_7 {offsets = [0], sizes = [1000], strides = [1]} : vector<1024xf32> to vector<1000xf32>
    %add3A_9 = arith.constant 1.000000e+00 : f32
    %add3A_10 = vector.broadcast %add3A_9 : f32 to vector<1000xf32>
    %add3A_11 = arith.addf %add3A_10, %slice3A : vector<1000xf32>
    %add3A_12 = arith.addf %add3A_11, %slice3A_8 : vector<1000xf32>
    %rsqrt3A = math.rsqrt %add3A_12 : vector<1000xf32>
    %reshape3A = vector.shape_cast %rsqrt3A : vector<1000xf32> to vector<1000x1xf32>
    %get3A_13 = arith.constant 0 : index
    %get3A_14 = arith.constant 0 : index
    %get3A_15 = vector.load %arg1[%get3A_13, %get3A_14] : memref<1000x128xf32, #tpu.memory_space<vmem>>, vector<1000x128xf32>
    %get3A_16 = arith.constant 0 : index
    %get3A_17 = arith.constant 0 : index
    %get3A_18 = vector.load %arg2[%get3A_16, %get3A_17] : memref<128x128xf32, #tpu.memory_space<vmem>>, vector<128x128xf32>
    %dot_general3A = arith.constant dense<0.000000e+00> : vector<1000x128xf32>
    %dot_general3A_19 = tpu.matmul %get3A_15, %get3A_18, %dot_general3A {dimension_numbers = #tpu.dot_dimension_numbers<[1], [0], [0], [1], [0, 0, 1, 1], [], []>, transpose_lhs_hint = false} : vector<1000x128xf32>, vector<128x128xf32>, vector<1000x128xf32> -> vector<1000x128xf32>
    %mul3A_20 = vector.broadcast %reshape3A : vector<1000x1xf32> to vector<1000x128xf32>
    %mul3A_21 = arith.mulf %dot_general3A_19, %mul3A_20 : vector<1000x128xf32>
    %swap3A = arith.constant 0 : index
    %swap3A_22 = arith.constant 0 : index
    %swap3A_23 = vector.load %arg4[%swap3A, %swap3A_22] : memref<1000x128xf32, #tpu.memory_space<vmem>>, vector<1000x128xf32>
    tpu.vector_store %arg4[%swap3A, %swap3A_22], %mul3A_21 {strides = array<i32>} : memref<1000x128xf32, #tpu.memory_space<vmem>>, vector<1000x128xf32>,
    return
  }
  func.func @transform_0(%arg0: i32) -> (i32, i32) {
    %c0_i32 = arith.constant 0 : i32
    %c0_i32_0 = arith.constant 0 : i32
    return %arg0, %c0_i32 : i32, i32
  }
  func.func @transform_1(%arg0: i32) -> (i32, i32) {
    %c0_i32 = arith.constant 0 : i32
    %c0_i32_0 = arith.constant 0 : i32
    %c0_i32_1 = arith.constant 0 : i32
    return %c0_i32, %c0_i32_0 : i32, i32
  }
  func.func @transform_2(%arg0: i32) -> i32 {
    %c0_i32 = arith.constant 0 : i32
    %c0_i32_0 = arith.constant 0 : i32
    return %c0_i32 : i32
  }
  func.func @transform_3(%arg0: i32) -> (i32, i32) {
    %c0_i32 = arith.constant 0 : i32
    %c0_i32_0 = arith.constant 0 : i32
    return %arg0, %c0_i32 : i32, i32
  }
}

module attributes {stable_mosaic.version = 14 : i64} {
  func.func @_tc2_body(%arg0: i32, %arg1: memref<2x1000x128xf32, #tpu.memory_space<vmem>>, %arg2: memref<1000x128xf32, #tpu.memory_space<vmem>>, %arg3: memref<20480xf32, #tpu.memory_space<vmem>>, %arg4: memref<1x128xf32, #tpu.memory_space<vmem>>, %arg5: memref<128x128xf32, #tpu.memory_space<vmem>>, %arg6: memref<1000x128xf32, #tpu.memory_space<vmem>>) attributes {dimension_semantics = [#tpu.dimension_semantics<arbitrary>], iteration_bounds = array<i64: 10>, scalar_prefetch = 0 : i64, scratch_operands = 0 : i64, tpu.core_type = #tpu.core_type<tc>, window_params = [{transform_indices = @transform_0, window_bounds = array<i64: 2, 1000, 128>}, {transform_indices = @transform_1, window_bounds = array<i64: 1000, 128>}, {pipeline_mode = #tpu.pipeline_mode<synchronous>, transform_indices = @transform_2, window_bounds = array<i64: 20480>}, {pipeline_mode = #tpu.pipeline_mode<synchronous>, transform_indices = @transform_3, window_bounds = array<i64: 1, 128>}, {pipeline_mode = #tpu.pipeline_mode<synchronous>, transform_indices = @transform_4, window_bounds = array<i64: 128, 128>}, {transform_indices = @transform_5, window_bounds = array<i64: 1000, 128>}]} {
    %mul3A = arith.constant 1024 : i32
    %mul3A_0 = arith.muli %arg0, %mul3A : i32
    %multiple_of3A = tpu.assume_multiple %mul3A_0, 128 : i32
    %get3A = arith.index_cast %multiple_of3A : i32 to index
    %get3A_1 = vector.load %arg3[%get3A] : memref<20480xf32, #tpu.memory_space<vmem>>, vector<1024xf32>
    %slice3A = vector.extract_strided_slice %get3A_1 {offsets = [0], sizes = [1000], strides = [1]} : vector<1024xf32> to vector<1000xf32>
    %mul3A_2 = arith.constant 1024 : i32
    %mul3A_3 = arith.muli %arg0, %mul3A_2 : i32
    %add3A = arith.constant 10240 : i32
    %add3A_4 = arith.addi %add3A, %mul3A_3 : i32
    %multiple_of3A_5 = tpu.assume_multiple %add3A_4, 128 : i32
    %get3A_6 = arith.index_cast %multiple_of3A_5 : i32 to index
    %get3A_7 = vector.load %arg3[%get3A_6] : memref<20480xf32, #tpu.memory_space<vmem>>, vector<1024xf32>
    %slice3A_8 = vector.extract_strided_slice %get3A_7 {offsets = [0], sizes = [1000], strides = [1]} : vector<1024xf32> to vector<1000xf32>
    %add3A_9 = arith.constant 1.000000e+00 : f32
    %add3A_10 = vector.broadcast %add3A_9 : f32 to vector<1000xf32>
    %add3A_11 = arith.addf %add3A_10, %slice3A : vector<1000xf32>
    %add3A_12 = arith.addf %add3A_11, %slice3A_8 : vector<1000xf32>
    %rsqrt3A = math.rsqrt %add3A_12 : vector<1000xf32>
    %reshape3A = vector.shape_cast %rsqrt3A : vector<1000xf32> to vector<1000x1xf32>
    %get3A_13 = arith.constant 0 : index
    %get3A_14 = arith.constant 0 : index
    %get3A_15 = arith.constant 0 : index
    %get3A_16 = vector.load %arg1[%get3A_13, %get3A_14, %get3A_15] : memref<2x1000x128xf32, #tpu.memory_space<vmem>>, vector<1x1000x128xf32>
    %get3A_17 = vector.shape_cast %get3A_16 : vector<1x1000x128xf32> to vector<1000x128xf32>
    %get3A_18 = arith.constant 1 : index
    %get3A_19 = arith.constant 0 : index
    %get3A_20 = arith.constant 0 : index
    %get3A_21 = vector.load %arg1[%get3A_18, %get3A_19, %get3A_20] : memref<2x1000x128xf32, #tpu.memory_space<vmem>>, vector<1x1000x128xf32>
    %get3A_22 = vector.shape_cast %get3A_21 : vector<1x1000x128xf32> to vector<1000x128xf32>
    %add3A_23 = arith.addf %get3A_17, %get3A_22 : vector<1000x128xf32>
    %get3A_24 = arith.constant 0 : index
    %get3A_25 = arith.constant 0 : index
    %get3A_26 = vector.load %arg2[%get3A_24, %get3A_25] : memref<1000x128xf32, #tpu.memory_space<vmem>>, vector<1000x128xf32>
    %add3A_27 = arith.addf %add3A_23, %get3A_26 : vector<1000x128xf32>
    %mul3A_28 = vector.broadcast %reshape3A : vector<1000x1xf32> to vector<1000x128xf32>
    %mul3A_29 = arith.mulf %mul3A_28, %add3A_27 : vector<1000x128xf32>
    %get3A_30 = arith.constant 0 : index
    %get3A_31 = arith.constant 0 : index
    %get3A_32 = vector.load %arg4[%get3A_30, %get3A_31] : memref<1x128xf32, #tpu.memory_space<vmem>>, vector<1x128xf32>
    %add3A_33 = vector.broadcast %get3A_32 : vector<1x128xf32> to vector<1000x128xf32>
    %add3A_34 = arith.addf %mul3A_29, %add3A_33 : vector<1000x128xf32>
    %max3A = arith.constant 0.000000e+00 : f32
    %max3A_35 = vector.broadcast %max3A : f32 to vector<1000x128xf32>
    %max3A_36 = arith.maximumf %add3A_34, %max3A_35 : vector<1000x128xf32>
    %get3A_37 = arith.constant 0 : index
    %get3A_38 = arith.constant 0 : index
    %get3A_39 = vector.load %arg5[%get3A_37, %get3A_38] : memref<128x128xf32, #tpu.memory_space<vmem>>, vector<128x128xf32>
    %dot_general3A = arith.constant dense<0.000000e+00> : vector<1000x128xf32>
    %dot_general3A_40 = tpu.matmul %max3A_36, %get3A_39, %dot_general3A {dimension_numbers = #tpu.dot_dimension_numbers<[1], [0], [0], [1], [0, 0, 1, 1], [], []>, transpose_lhs_hint = false} : vector<1000x128xf32>, vector<128x128xf32>, vector<1000x128xf32> -> vector<1000x128xf32>
    %mul3A_41 = vector.broadcast %reshape3A : vector<1000x1xf32> to vector<1000x128xf32>
    %mul3A_42 = arith.mulf %dot_general3A_40, %mul3A_41 : vector<1000x128xf32>
    %swap3A = arith.constant 0 : index
    %swap3A_43 = arith.constant 0 : index
    %swap3A_44 = vector.load %arg6[%swap3A, %swap3A_43] : memref<1000x128xf32, #tpu.memory_space<vmem>>, vector<1000x128xf32>
    tpu.vector_store %arg6[%swap3A, %swap3A_43], %mul3A_42 {strides = array<i32>} : memref<1000x128xf32, #tpu.memory_space<vmem>>, vector<1000x128xf32>,
    return
  }
  func.func @transform_0(%arg0: i32) -> (i32, i32, i32) {
    %c0_i32 = arith.constant 0 : i32
    %c0_i32_0 = arith.constant 0 : i32
    %c0_i32_1 = arith.constant 0 : i32
    return %c0_i32, %arg0, %c0_i32_0 : i32, i32, i32
  }
  func.func @transform_1(%arg0: i32) -> (i32, i32) {
    %c0_i32 = arith.constant 0 : i32
    %c0_i32_0 = arith.constant 0 : i32
    return %arg0, %c0_i32 : i32, i32
  }
  func.func @transform_2(%arg0: i32) -> i32 {
    %c0_i32 = arith.constant 0 : i32
    %c0_i32_0 = arith.constant 0 : i32
    return %c0_i32 : i32
  }
  func.func @transform_3(%arg0: i32) -> (i32, i32) {
    %c0_i32 = arith.constant 0 : i32
    %c0_i32_0 = arith.constant 0 : i32
    %c0_i32_1 = arith.constant 0 : i32
    return %c0_i32, %c0_i32_0 : i32, i32
  }
  func.func @transform_4(%arg0: i32) -> (i32, i32) {
    %c0_i32 = arith.constant 0 : i32
    %c0_i32_0 = arith.constant 0 : i32
    %c0_i32_1 = arith.constant 0 : i32
    return %c0_i32, %c0_i32_0 : i32, i32
  }
  func.func @transform_5(%arg0: i32) -> (i32, i32) {
    %c0_i32 = arith.constant 0 : i32
    %c0_i32_0 = arith.constant 0 : i32
    return %arg0, %c0_i32 : i32, i32
  }
}

</mosaic_0001>

<sc_bundles>
// kernel: kernel.11.cloned.1.call-start
scs
__scs_entry_jumppad:
0x0: {  	(pc) =	sbr.rel $0x88, $3  }
0x1: {  	(tag) =	ssettag $0x0;
	lr =	simm.s32 $0x1  }
0x2: {  	[smem:$0x3F9B] =	sst lr;
	_ =	strace $0xD0000000  }
0x3: {  	_ = 	snop  }
0x4: {  	_ = 	snop  }
0x5: {  	_ = 	snop  }
0x6: {  	_ = 	snop  }
0x7: {  	_ = 	snop  }
__scs_overlays_trampoline_lowered:
0x8: {  	[smem:$0x3FAA] =	sst s0  }
0x9: {  	[smem:$0x3FAB] =	sst s1  }
0xa: {  	[smem:$0x3FAC] =	sst s2  }
0xb: {  	[smem:$0x3FAD] =	sst s3  }
0xc: {  	[smem:$0x3FAE] =	sst s4  }
0xd: {  	[smem:$0x3FAF] =	sst s5  }
0xe: {  	[smem:$0x3FB0] =	sst s6  }
0xf: {  	[smem:$0x3FB1] =	sst s7  }
0x10: {  	[smem:$0x3FB2] =	sst s8  }
0x11: {  	[smem:$0x3FB3] =	sst s9;
	s0 =	simm.s32 @!p0 $0x0  }
0x12: {  	s1 =	sld [smem:$0x3F99];
	s0 =	simm.s32 @p0 $0x1  }
0x13: {  	[smem:$0x3FB4] =	sst s0;
	s0 =	simm.s32 @!p1 $0x0  }
0x14: {  	s2 =	sld [smem:$0x3F98];
	s0 =	simm.s32 @p1 $0x1  }
0x15: {  	[smem:$0x3FB5] =	sst s0;
	s0 =	simm.s32 @!p2 $0x0  }
0x16: {  	s3 =	sld [smem:$0x3FDB];
	s0 =	simm.s32 @p2 $0x1  }
0x17: {  	s4 =	simm.s32 $0x1BF5;
	[smem:$0x3FB7] =	sst s0  }
0x18: {  	s0 =	sld [smem:$0x3F9A];
	_ =	swait.ge [sflag:s4], $0x0  }
0x19: {  	s7 =	sld [smem:$0x3F9B]  }
0x1a: {  	s8 =	sadd.s32 $0xFFFFE003, lr  }
0x1b: {  	s9 =	sadd.s32 $0xFFFFFEF7, lr;
	s5 =	simm.s32 $0xFFFFFFFF;
	p2 =	slt.u32 s8, $0xFFFFF086  }
0x1c: {  	p1 =	slt.u32 s9, $0xF7A;
	s5 =	simm.s32 @!p2 $0x0  }
0x1d: {  	s5 =	simm.s32 @p1 $0x1;
	p0 =	seq.s32 s7, s2  }
0x1e: {  	s7 =	smul.u32 @!p0 $0xF7A, s2;
	p2 =	seq.s32 @!p0 s5, $0x0  }
0x1f: {  	s9 =	smul.u32 $0xF7A, s1;
	s8 =	simm.s32 @!p0 $0x1BF5;
	p2 =	por !p2, p0  }
0x20: {  	[sflag:s8] =	ssyncset.s32 @!p0 $0xFFFFF086;
	s6 =	sadd.s32 @!p0 s3, s7;
	s7 =	simm.s32 @!p0 $0x108  }
0x21: {  	s3 =	sadd.s32 s3, s9;
	s6 =	sadd.s32 @!p0 $0x88, s6;
	s7 =	simm.s32 @p2 $0x1082  }
0x22: {  	[simem:s7], [sflag:s8] =	dma.local @!p0 [hbm:s6], $0xF7A  }
0x23: {  	s9 =	sor.u32 $0xD0000000, s2;
	s6 =	simm.s32 $0x108;
	_ =	swait.ge @!p0 [sflag:s8], $0x0  }
0x24: {  	s3 =	sadd.s32 $0x88, s3;
	s6 =	simm.s32 @!p1 $0x1082;
	[sflag:s4] =	ssyncset.s32 $0xFFFFF086  }
0x25: {  	[simem:s6], [sflag:s4] =	dma.local [hbm:s3], $0xF7A  }
0x26: {  	[smem:$0x3F9B] =	sst s1;
	(tag) =	ssettag s2;
	_ =	strace s9  }
0x27: {  	s1 =	sld [smem:$0x3FAB]  }
0x28: {  	s2 =	sld [smem:$0x3FAC]  }
0x29: {  	s4 =	sld [smem:$0x3FAE]  }
0x2a: {  	p0 =	seq.s32 s5, $0x0;
	s5 =	sld [smem:$0x3FAF]  }
0x2b: {  	s6 =	sld [smem:$0x3FB0]  }
0x2c: {  	s7 =	sld [smem:$0x3FB1]  }
0x2d: {  	s3 =	simm.s32 $0x108;
	s8 =	sld [smem:$0x3FB2]  }
0x2e: {  	s3 =	simm.s32 @!p0 $0x1082;
	s9 =	sld [smem:$0x3FB3]  }
0x2f: {  	lr =	sadd.s32 s0, s3;
	s0 =	sld [smem:$0x3FAA]  }
0x30: {  	s3 =	sld [smem:$0x3FAD]  }
0x31: {  	[smem:$0x3FB6] =	sst s10  }
0x32: {  	s10 =	sld [smem:$0x3FB4];
	_ =	sdelay $0x3  }
0x33: {  	p0 =	seq.s32 s10, $0x1;
	s10 =	sld [smem:$0x3FB6];
	_ =	sdelay $0x3  }
0x34: {  	[smem:$0x3FB6] =	sst s10  }
0x35: {  	s10 =	sld [smem:$0x3FB5];
	_ =	sdelay $0x3  }
0x36: {  	p1 =	seq.s32 s10, $0x1;
	s10 =	sld [smem:$0x3FB6];
	_ =	sdelay $0x3  }
0x37: {  	[smem:$0x3FB6] =	sst s10  }
0x38: {  	s10 =	sld [smem:$0x3FB7]  }
0x39: {  	_ = 	snop;
	(pc) =	sbr.ind lr, $3  }
0x3a: {  	_ = 	snop  }
0x3b: {  	_ = 	snop  }
0x3c: {  	p2 =	seq.s32 s10, $0x1;
	s10 =	sld [smem:$0x3FB6]  }
0x3d: {  	_ =	shalt  }
0x3e: {  	_ =	shalt  }
0x3f: {  	_ =	shalt  }
0x40: {  	_ =	shalt  }
0x41: {  	_ =	shalt  }
0x42: {  	_ =	shalt  }
0x43: {  	_ =	shalt  }
0x44: {  	_ =	shalt  }
0x45: {  	_ =	shalt  }
0x46: {  	_ =	shalt  }
0x47: {  	_ =	shalt  }
0x48: {  	_ =	shalt  }
0x49: {  	_ =	shalt  }
0x4a: {  	_ =	shalt  }
0x4b: {  	_ =	shalt  }
0x4c: {  	_ =	shalt  }
0x4d: {  	_ =	shalt  }
0x4e: {  	_ =	shalt  }
0x4f: {  	_ =	shalt  }
0x50: {  	_ =	shalt  }
0x51: {  	_ =	shalt  }
0x52: {  	_ =	shalt  }
0x53: {  	_ =	shalt  }
0x54: {  	_ =	shalt  }
0x55: {  	_ =	shalt  }
0x56: {  	_ =	shalt  }
0x57: {  	_ =	shalt  }
0x58: {  	_ =	shalt  }
0x59: {  	_ =	shalt  }
0x5a: {  	_ =	shalt  }
0x5b: {  	_ =	shalt  }
0x5c: {  	_ =	shalt  }
0x5d: {  	_ =	shalt  }
0x5e: {  	_ =	shalt  }
0x5f: {  	_ =	shalt  }
0x60: {  	_ =	shalt  }
0x61: {  	_ =	shalt  }
0x62: {  	_ =	shalt  }
0x63: {  	_ =	shalt  }
0x64: {  	_ =	shalt  }
0x65: {  	_ =	shalt  }
0x66: {  	_ =	shalt  }
0x67: {  	_ =	shalt  }
0x68: {  	_ =	shalt  }
0x69: {  	_ =	shalt  }
0x6a: {  	_ =	shalt  }
0x6b: {  	_ =	shalt  }
0x6c: {  	_ =	shalt  }
0x6d: {  	_ =	shalt  }
0x6e: {  	_ =	shalt  }
0x6f: {  	_ =	shalt  }
0x70: {  	_ =	shalt  }
0x71: {  	_ =	shalt  }
0x72: {  	_ =	shalt  }
0x73: {  	_ =	shalt  }
0x74: {  	_ =	shalt  }
0x75: {  	_ =	shalt  }
0x76: {  	_ =	shalt  }
0x77: {  	_ =	shalt  }
0x78: {  	_ =	shalt  }
0x79: {  	_ =	shalt  }
0x7a: {  	_ =	shalt  }
0x7b: {  	_ =	shalt  }
0x7c: {  	_ =	shalt  }
0x7d: {  	_ =	shalt  }
0x7e: {  	_ =	shalt  }
0x7f: {  	_ =	shalt  }
0x80: {  	_ =	shalt  }
0x81: {  	_ =	shalt  }
0x82: {  	_ =	shalt  }
0x83: {  	_ =	shalt  }
0x84: {  	_ =	shalt  }
0x85: {  	_ =	shalt  }
0x86: {  	_ =	shalt  }
0x87: {  	_ =	shalt  }
.Lfunc_end0:
.L_simem_size_0:
called_computation.1_lowered:
.L_overlay_start_0:
0x88: {  	s2 =	sld [smem:$0x3FD9]  }
0x89: {  	s3 =	sld [smem:$0x3FFE];
	_ =	sdelay $0x1  }
0x8a: {  	s1 =	srdreg.scid  }
0x8b: {  	s0 =	sand.u32 $0x1, s1  }
0x8c: {  	s17 =	sshll.u32 s0, $0xA;
	s2 =	sadd.s32 s3, s2  }
0x8d: {  	s2 =	sadd.s32 s2, s17  }
0x8e: {  	[smem:$0x3FC2] =	sst s2  }
0x8f: {  	_ = 	snop  }
0x90: {  	s2 =	sld [smem:$0x3FC8]  }
0x91: {  	s18 =	sld [smem:$0x3FD0];
	(tm) =	ssettm $0x1  }
0x92: {  	s4 =	sld [smem:$0x3FFB];
	_ =	sdelay $0x3  }
0x93: {  	_ =	strace s4  }
0x94: {  	s4 =	sld [smem:$0x3FFC];
	_ =	sdelay $0x3  }
0x95: {  	_ =	strace s4  }
0x96: {  	s4 =	sld [smem:$0x3FFD];
	_ =	sdelay $0x3  }
0x97: {  	_ =	strace s4  }
0x98: {  	_ =	strace $0x8FFFFFFF  }
0x99: {  	s19 =	sld [smem:$0x3FDB];
	_ =	sdelay $0x1  }
0x9a: {  	s5 =	simm.s32 $_scs_section_size  }
0x9b: {  	s6 =	simm.s32 $_size__tile_overlayer_lowered;
	s7 =	simm.s32 $_tile_overlayer_lowered  }
0x9c: {  	s22 =	simm.s32 $0x1BFF;
	s21 =	sshll.u32 s7, $0x1;
	s4 =	sadd.s32 s5, s19  }
0x9d: {  	s8 =	simm.s32 $0x0;
	s20 =	sshll.u32 s6, $0x1;
	s6 =	sadd.s32 s21, s4  }
0x9e: {  	[timem:s8], [sflag:s22] =	dma.local [hbm:s6], s20  }
0x9f: {  	_ =	swait.ge [sflag:s22], s20  }
0xa0: {  	s5 =	ssub.s32 $0x0, s20;
	[sflag:s22] =	ssyncset.done $0x0  }
0xa1: {  	[sflag:s22] =	ssyncadd.s32 s5;
	_ =	sdelay $0x1  }
0xa2: {  	s23 =	simm.s32 $0x1B8B  }
0xa3: {  	_ =	swait.ge [sflag:s23], $0x1  }
0xa4: {  	[sflag:s23] =	ssyncset.done $0x0  }
0xa5: {  	s25 =	simm.s32 $0x1B8E;
	s24 =	sld [smem:$0x3FFE];
	[sflag:s23] =	ssyncadd.s32 $0xFFFFFFFF  }
0xa6: {  	s26 =	simm.s32 $execute0_lowered;
	[smem:$0x3FD2] =	sst s25  }
0xa7: {  	s6 =	sshll.u32 s26, $0x1;
	_ =	strace $0x80000049;
	[dreg:$0x1] =	wrdreg $0xFFFFFFFF  }
0xa8: {  	s28 =	simm.s32 $_size_execute0_lowered;
	s4 =	sadd.s32 s4, s6;
	[dreg:$0x0] =	wrdreg $0x0  }
0xa9: {  	s6 =	sshll.u32 s28, $0x1;
	[dreg:$0x2] =	wrdreg s4  }
0xaa: {  	[dreg:$0x3] =	wrdreg s6  }
0xab: {  	[dreg:$0x4] =	wrdreg $0xC0  }
0xac: {  	_ =	task [dreg:s8], $0x5FFFF  }
0xad: {  	[dreg:$0x1] =	wrdreg $0xFFFFFFFF  }
0xae: {  	[dreg:$0x0] =	wrdreg $0x60  }
0xaf: {  	[dreg:$0x2] =	wrdreg s18  }
0xb0: {  	[dreg:$0x3] =	wrdreg s2  }
0xb1: {  	[dreg:$0x4] =	wrdreg s24  }
0xb2: {  	[dreg:$0x5] =	wrdreg $0xC7000  }
0xb3: {  	[dreg:$0x6] =	wrdreg $0x9  }
0xb4: {  	_ =	task.clear_ibuf [dreg:s8], $0x7FFFF;
	_ =	strace $0x90000049  }
0xb5: {  	s29 =	simm.s32 $0x9;
	_ =	strace $0x8000004B  }
0xb6: {  	_ =	swait.ge [sflag:s29], $0x1  }
0xb7: {  	[sflag:s29] =	ssyncadd.s32 $0xFFFFFFFF  }
0xb8: {  	_ =	strace $0x9000004B  }
0xb9: {  	_ =	sfence  }
0xba: {  	s30 =	sld [smem:$0x0];
	_ =	sdelay $0x2  }
0xbb: {  	s31 =	sshll.u32 s1, $0xD;
	s1 =	sshrl.u32 s1, $0x2  }
0xbc: {  	s3 =	sand.u32 $0x4000, s31;
	s1 =	sadd.s32 s1, s30  }
0xbd: {  	s0 =	sor.u32 s3, s0;
	s1 =	sshll.u32 s1, $0x11  }
0xbe: {  	s0 =	sor.u32 s1, s0  }
0xbf: {  	s0 =	sadd.s32 $0x8F2B, s0  }
0xc0: {  	[sflag:s0] =	ssyncadd.remote.s32 $0x1  }
0xc1: {  	_ =	sfence.sel $0xFFFF  }
0xc2: {  	[dreg:$0x0] =	wrdreg $0xFFFFFFFF;
	(pc) =	sbr.abs _section_cstart, $3  }
0xc3: {  	[dreg:$0x1] =	wrdreg $0xFFFFFFFF  }
0xc4: {  	_ =	task.clear_ibuf [dreg:s8], $0x2FFFF;
	_ =	strace $0x9FFFFFFF  }
0xc5: {  	(tm) =	ssettm $0x7FFFFFFF  }
tec
execute0_lowered:
.L_overlay_start_1:
0x0: {  	(tag) =	ssettag $0x1  }
0x1: {  	s1 =	rddreg [dreg:$0x0]  }
0x2: {  	s0 =	rddreg [dreg:$0x1]  }
0x3: {  	s2 =	rddreg [dreg:$0x2]  }
0x4: {  	s3 =	rddreg [dreg:$0x3];
	s4 =	simm.s32 $0x0;
	s16 =	stileid.u32  }
0x5: {  	s5 =	srdreg.scid;
	s28 =	simm.s32 $0x3;
	s29 =	simm.s32 $0x4  }
0x6: {  	s30 =	simm.s32 $0x5;
	s31 =	simm.s32 $0x6;
	[smem:$0x7FF] =	sst s4  }
0x7: {  	s6 =	smul.u32 $0x271, s16;
	s7 =	sand.u32 $0x1, s5;
	s21 =	sand.u32 $0x7, s16  }
0x8: {  	s2 =	sadd.s32 $0x2400, s2;
	s9 =	sshll.u32 s16, $0x1;
	_ =	strace $0x8000004A  }
0x9: {  	s8 =	ssub.s32 $0x2, s7;
	s9 =	sor.u32 s7, s9;
	s25 =	smul.u32 $0x138800, s7  }
0xa: {  	s5 =	ssub.s32 s6, s21;
	s22 =	sshrl.u32 s8, $0x1;
	s13 =	smul.u32 $0x9C4, s9  }
0xb: {  	s9 =	sshll.u32 s9, $0x4;
	s10 =	sshll.u32 s5, $0x7;
	s8 =	ssub.s32 s8, s22  }
0xc: {  	s12 =	sadd.s32 $0x1E0, s5;
	s9 =	sand.u32 $0x70, s9;
	s23 =	sand.u32 $0x3FFFFF80, s10  }
0xd: {  	s11 =	sadd.s32 $0x7800, s10;
	s14 =	smin.u32 s12, $0x2620;
	s13 =	sand.u32 $0x1FFE0, s13  }
0xe: {  	s26 =	sadd.s32 $0x28, s9;
	s17 =	sadd.s32 $0x3C00, s10;
	s15 =	sadd.s32 $0x50, s9  }
0xf: {  	s20 =	sadd.s32 $0xB400, s10;
	s12 =	sshll.u32 s12, $0x7;
	s5 =	sadd.s32 s23, s3  }
0x10: {  	s24 =	sand.u32 $0x3FFFFF80, s11;
	s14 =	sshll.u32 s14, $0x7;
	[dreg:$0x8] =	wrdreg s26  }
0x11: {  	s13 =	sadd.s32 s0, s13;
	[dreg:$0x9] =	wrdreg s15;
	s18 =	sadd.s32 s25, s17  }
0x12: {  	s11 =	sadd.s32 s25, s11;
	s21 =	sadd.s32 s25, s20;
	s22 =	sadd.s32 s25, s12  }
0x13: {  	s26 =	sadd.s32 $0x78, s9;
	s6 =	sadd.s32 s24, s3;
	[dreg:$0x5] =	wrdreg s13  }
0x14: {  	s14 =	sadd.s32 s14, s3;
	s13 =	sadd.s32 $0x10, s13;
	[dreg:$0x10] =	wrdreg s26  }
0x15: {  	s19 =	sshrl.u32 s18, $0x3;
	s11 =	sshrl.u32 s11, $0x3;
	[dreg:$0x6] =	wrdreg s14  }
0x16: {  	s24 =	sshll.u32 s16, $0x5;
	s16 =	smax.u32 s8, $0x1;
	[dreg:$0x7] =	wrdreg s13  }
0x17: {  	s15 =	sshrl.u32 s22, $0x3;
	s18 =	sadd.s32 $0x4DF0, s9;
	[dreg:$0x15] =	wrdreg s16  }
0x18: {  	s22 =	sor.u32 $0x4D00, s9;
	s26 =	sadd.s32 $0x4D50, s9;
	[dreg:$0x17] =	wrdreg s18  }
0x19: {  	s14 =	sadd.s32 s25, s10;
	s11 =	sadd.s32 s2, s11;
	[dreg:$0x1b] =	wrdreg s22  }
0x1a: {  	s10 =	sadd.s32 $0x12C00, s10;
	s23 =	sadd.s32 s2, s15;
	[dreg:$0x1e] =	wrdreg s26  }
0x1b: {  	s16 =	simm.s32 $0x100;
	s18 =	simm.s32 $0x6300;
	s22 =	simm.s32 $0x1  }
0x1c: {  	s26 =	simm.s32 $0x50;
	s13 =	sshrl.u32 s14, $0x3;
	[dreg:$0xc] =	wrdreg s11  }
0x1d: {  	s14 =	sand.u32 $0x3FFFFF80, s17;
	s0 =	sadd.s32 s25, s10;
	[dreg:$0xe] =	wrdreg s23  }
0x1e: {  	s25 =	sshll.u32 s7, $0x4;
	s11 =	sand.u32 $0x3FFFFF80, s20;
	s17 =	sadd.s32 $0xA0, s9  }
0x1f: {  	s10 =	sand.u32 $0x3FFFFF80, s10;
	s20 =	sadd.s32 $0x2648, s9;
	[dreg:$0x16] =	wrdreg s17  }
0x20: {  	s23 =	sadd.s32 $0x2698, s9;
	s13 =	sadd.s32 s2, s13;
	[dreg:$0x19] =	wrdreg s20  }
0x21: {  	s0 =	sshrl.u32 s0, $0x3;
	s7 =	sadd.s32 s14, s3;
	[dreg:$0x1c] =	wrdreg s23  }
0x22: {  	s15 =	sadd.s32 s10, s3;
	s17 =	simm.s32 $0x28;
	[dreg:$0xa] =	wrdreg s13  }
0x23: {  	s20 =	simm.s32 $0x8B00;
	s23 =	simm.s32 $0xB300;
	[dreg:$0x11] =	wrdreg s7  }
0x24: {  	s13 =	sadd.s32 s2, s19;
	s0 =	sadd.s32 s2, s0;
	[dreg:$0x14] =	wrdreg s15  }
0x25: {  	s19 =	sadd.s32 $0x4E40, s9;
	s7 =	simm.s32 $0x4F00;
	[dreg:$0xb] =	wrdreg s13  }
0x26: {  	s13 =	sshrl.u32 s21, $0x3;
	[dreg:$0xf] =	wrdreg s0;
	s0 =	sor.u32 s25, s24  }
0x27: {  	[dreg:$0x18] =	wrdreg s19;
	s21 =	sadd.s32 $0x2670, s9;
	s24 =	sadd.s32 $0x26C0, s9  }
0x28: {  	s19 =	simm.s32 $0x7700;
	s13 =	sadd.s32 s2, s13;
	[dreg:$0x1a] =	wrdreg s21  }
0x29: {  	s2 =	sadd.s32 s11, s3;
	s25 =	sand.u32 $0x70, s0;
	[dreg:$0x1d] =	wrdreg s24  }
0x2a: {  	s11 =	sadd.s32 $0x26E8, s9;
	s21 =	simm.s32 $0x9F00;
	s24 =	simm.s32 $0x2  }
0x2b: {  	s0 =	simm.s32 $0x0;
	[dreg:$0xd] =	wrdreg s13;
	s13 =	sand.u32 $0x3FFFFF80, s12  }
0x2c: {  	[dreg:$0x12] =	wrdreg s2;
	s12 =	sadd.s32 $0x4DA0, s9;
	s14 =	sadd.s32 s13, s3  }
0x2d: {  	v0 =	vimm.f32 $0.0e+00;
	s13 =	sor.u32 $0x2780, s25;
	[dreg:$0x13] =	wrdreg s14;
	s14 =	simm.s32 $0x7  }
.LBB2_1:
0x2e: {  	s2 =	simm.s32 $0x0;
	s8 =	simm.s32 $0x200  }
.LBB2_2:
0x2f: {  	p0 =	sne.s32 s8, $0x1DE00;
	[tilespmem:s2+$0x4F70] =	vst v0  }
0x30: {  	[tilespmem:s2+$0x4F00] =	vst v0  }
0x31: {  	[tilespmem:s2+$0x4F10] =	vst v0  }
.Ltmp0:
0x32: {  	[tilespmem:s2+$0x4F20] =	vst v0;
	(pc) =	sbr.rel @p0 .LBB2_2-.Ltmp0, $4  }
0x33: {  	[tilespmem:s2+$0x4F30] =	vst v0  }
0x34: {  	[tilespmem:s2+$0x4F40] =	vst v0  }
0x35: {  	[tilespmem:s2+$0x4F50] =	vst v0  }
0x36: {  	[tilespmem:s2+$0x4F60] =	vst v0;
	s2 =	sshra.s32 s8, $0x2;
	s8 =	sadd.s32 $0x200, s8  }
0x37: {  	[tilespmem:s2+$0x4F70] =	vst v0  }
0x38: {  	[tilespmem:s2+$0x4F00] =	vst v0  }
0x39: {  	[tilespmem:s2+$0x4F10] =	vst v0  }
0x3a: {  	[tilespmem:s2+$0x4F20] =	vst v0  }
0x3b: {  	[tilespmem:s2+$0x4F30] =	vst v0  }
0x3c: {  	[tilespmem:s2+$0x4F40] =	vst v0  }
0x3d: {  	[tilespmem:s2+$0x4F50] =	vst v0  }
0x3e: {  	[tilespmem:s2+$0x4F60] =	vst v0  }
0x3f: {  	[spmem:s5] =	stream.linear.scatter [tilespmem:s7], [sflag:$0x7], $0x7800, $0x38;
	[tilespmem:$0x1FF80] =	vst v63  }
0x40: {  	_ =	swait.ge [sflag:s14], $0x7800  }
0x41: {  	[sflag:s14] =	ssyncset.done $0x0  }
0x42: {  	[sflag:s14] =	ssyncadd.s32 $0xFFFF8800  }
0x43: {  	[spmem:s6] =	stream.linear.scatter [tilespmem:s7], [sflag:$0x7], $0x7800, $0x38;
	[tilespmem:$0x1FF80] =	vst v63  }
0x44: {  	_ =	swait.ge [sflag:s14], $0x7800  }
0x45: {  	[sflag:s14] =	ssyncset.done $0x0  }
0x46: {  	s10 =	rddreg [dreg:$0x6];
	[sflag:s14] =	ssyncadd.s32 $0xFFFF8800  }
0x47: {  	[spmem:s10] =	stream.linear.scatter [tilespmem:s7], [sflag:$0x7], $0x7800, $0x38;
	[tilespmem:$0x1FF80] =	vst v63  }
0x48: {  	_ =	swait.ge [sflag:s14], $0x7800  }
0x49: {  	s15 =	simm.s32 $0x0;
	[sflag:s14] =	ssyncset.done $0x0  }
0x4a: {  	s10 =	simm.s32 $0x80;
	s8 =	rddreg [dreg:$0x5];
	[sflag:s14] =	ssyncadd.s32 $0xFFFF8800  }
0x4b: {  	[tilespmem:s15], [sflag:$0x7] =	stream.strided.gather [hbm4b:s8+s10], $0x2780, s16, s10, $0x38;
	[tilespmem:$0x1FF80] =	vst v63  }
0x4c: {  	_ =	swait.ge [sflag:s14], $0x2780  }
0x4d: {  	[sflag:s14] =	ssyncset.done $0x0  }
0x4e: {  	s15 =	simm.s32 $0x2780;
	s8 =	rddreg [dreg:$0x7];
	[sflag:s14] =	ssyncadd.s32 $0xFFFFD880  }
0x4f: {  	[tilespmem:s15], [sflag:$0x7] =	stream.strided.gather [hbm4b:s8+s10], $0x2780, s16, s10, $0x38;
	[tilespmem:$0x1FF80] =	vst v63  }
0x50: {  	_ =	swait.ge [sflag:s14], $0x2780  }
0x51: {  	[sflag:s14] =	ssyncset.done $0x0  }
0x52: {  	[sflag:s14] =	ssyncadd.s32 $0xFFFFD880  }
0x53: {  	[bflag:$0x0] =	sbarrier.arrive $0xFFFF  }
0x54: {  	[tilespmem:s7], [sflag:$0x1] =	stream.indirect.gather [hbm4b:s1+s17], $0x80, s9, s17, $0xb8;
	[tilespmem:$0x1FF80] =	vst v63  }
0x55: {  	s10 =	rddreg [dreg:$0x8]  }
0x56: {  	[tilespmem:s18], [sflag:$0x2] =	stream.indirect.gather [hbm4b:s1+s17], $0x80, s10, s17, $0xb8;
	[tilespmem:$0x1FF80] =	vst v63  }
0x57: {  	s15 =	rddreg [dreg:$0x9]  }
0x58: {  	[tilespmem:s19], [sflag:$0x3] =	stream.indirect.gather [hbm4b:s1+s17], $0x80, s15, s17, $0xb8;
	[tilespmem:$0x1FF80] =	vst v63  }
0x59: {  	s8 =	rddreg [dreg:$0x10]  }
0x5a: {  	[tilespmem:s20], [sflag:$0x4] =	stream.indirect.gather [hbm4b:s1+s17], $0x80, s8, s17, $0xb8;
	[tilespmem:$0x1FF80] =	vst v63  }
0x5b: {  	s10 =	rddreg [dreg:$0x16]  }
0x5c: {  	[tilespmem:s21], [sflag:$0x5] =	stream.indirect.gather [hbm4b:s1+s17], $0x80, s10, s17, $0xb8;
	[tilespmem:$0x1FF80] =	vst v63  }
0x5d: {  	_ =	swait.ge [sflag:s22], $0x1400  }
0x5e: {  	s2 =	sadd.s32 $0x0, s25;
	[sflag:s22] =	ssyncset.done $0x0  }
0x5f: {  	s15 =	sadd.s32 $0xC8, s2;
	[sflag:s22] =	ssyncadd.s32 $0xFFFFEC00  }
0x60: {  	[tilespmem:s23], [sflag:$0x6] =	stream.indirect.gather [hbm4b:s1+s17], $0x80, s15, s17, $0xb8;
	[tilespmem:$0x1FF80] =	vst v63  }
0x61: {  	_ =	swait.ge [sflag:s24], $0x1400  }
0x62: {  	[sflag:s24] =	ssyncset.done $0x0  }
0x63: {  	s10 =	sadd.s32 $0xF0, s2;
	[sflag:s24] =	ssyncadd.s32 $0xFFFFEC00  }
0x64: {  	[tilespmem:s7], [sflag:$0x1] =	stream.indirect.gather [hbm4b:s1+s17], $0x80, s10, s17, $0xb8;
	[tilespmem:$0x1FF80] =	vst v63  }
0x65: {  	s8 =	sadd.s32 $0x0, s13  }
0x66: {  	[spmem:s3] =	stream.indirect.scatter.add.f32 [tilespmem:s7], [sflag:$0x7], $0x80, s8, s26, $0xb8;
	[tilespmem:$0x1FF80] =	vst v63  }
0x67: {  	_ =	swait.ge [sflag:s14], $0x2800  }
0x68: {  	[sflag:s14] =	ssyncset.done $0x0  }
0x69: {  	[sflag:s14] =	ssyncadd.s32 $0xFFFFD800  }
0x6a: {  	_ =	swait.ge [sflag:s28], $0x1400  }
0x6b: {  	[sflag:s28] =	ssyncset.done $0x0  }
0x6c: {  	s15 =	sadd.s32 $0x118, s2;
	[sflag:s28] =	ssyncadd.s32 $0xFFFFEC00  }
0x6d: {  	[tilespmem:s18], [sflag:$0x2] =	stream.indirect.gather [hbm4b:s1+s17], $0x80, s15, s17, $0xb8;
	[tilespmem:$0x1FF80] =	vst v63  }
0x6e: {  	_ =	swait.ge [sflag:s29], $0x1400  }
0x6f: {  	[sflag:s29] =	ssyncset.done $0x0  }
0x70: {  	s15 =	sadd.s32 $0x140, s2;
	[sflag:s29] =	ssyncadd.s32 $0xFFFFEC00  }
0x71: {  	[tilespmem:s19], [sflag:$0x3] =	stream.indirect.gather [hbm4b:s1+s17], $0x80, s15, s17, $0xb8;
	[tilespmem:$0x1FF80] =	vst v63  }
0x72: {  	s15 =	sadd.s32 $0x50, s8  }
0x73: {  	[spmem:s3] =	stream.indirect.scatter.add.f32 [tilespmem:s19], [sflag:$0x7], $0x80, s15, s26, $0xb8;
	[tilespmem:$0x1FF80] =	vst v63  }
0x74: {  	_ =	swait.ge [sflag:s14], $0x2800  }
0x75: {  	[sflag:s14] =	ssyncset.done $0x0  }
0x76: {  	[sflag:s14] =	ssyncadd.s32 $0xFFFFD800  }
0x77: {  	_ =	swait.ge [sflag:s30], $0x1400  }
0x78: {  	[sflag:s30] =	ssyncset.done $0x0  }
0x79: {  	s15 =	sadd.s32 $0x168, s2;
	[sflag:s30] =	ssyncadd.s32 $0xFFFFEC00  }
0x7a: {  	[tilespmem:s20], [sflag:$0x4] =	stream.indirect.gather [hbm4b:s1+s17], $0x80, s15, s17, $0xb8;
	[tilespmem:$0x1FF80] =	vst v63  }
0x7b: {  	_ =	swait.ge [sflag:s31], $0x1400  }
0x7c: {  	[sflag:s31] =	ssyncset.done $0x0  }
0x7d: {  	s2 =	sadd.s32 $0x190, s2;
	[sflag:s31] =	ssyncadd.s32 $0xFFFFEC00  }
0x7e: {  	[tilespmem:s21], [sflag:$0x5] =	stream.indirect.gather [hbm4b:s1+s17], $0x80, s2, s17, $0xb8;
	[tilespmem:$0x1FF80] =	vst v63  }
0x7f: {  	s15 =	sadd.s32 $0xA0, s8  }
0x80: {  	[spmem:s3] =	stream.indirect.scatter.add.f32 [tilespmem:s21], [sflag:$0x7], $0x80, s15, s26, $0xb8;
	[tilespmem:$0x1FF80] =	vst v63  }
0x81: {  	_ =	swait.ge [sflag:s14], $0x2800  }
0x82: {  	s2 =	simm.s32 $0x3C0;
	[sflag:s14] =	ssyncset.done $0x0  }
.LBB2_4:
0x83: {  	p0 =	sne.s32 s2, $0x9240  }
0x84: {  	[sflag:s14] =	ssyncadd.s32 $0xFFFFD800;
	s8 =	smov.u32 s2;
	s2 =	sadd.s32 $0x3C0, s2  }
0x85: {  	_ =	swait.ge [sflag:s22], $0x1400  }
0x86: {  	s10 =	sshra.s32 s8, $0x2;
	[sflag:s22] =	ssyncset.done $0x0  }
0x87: {  	s8 =	sadd.s32 s10, s25;
	[sflag:s22] =	ssyncadd.s32 $0xFFFFEC00  }
0x88: {  	s15 =	sadd.s32 $0xC8, s8  }
0x89: {  	[tilespmem:s23], [sflag:$0x6] =	stream.indirect.gather [hbm4b:s1+s17], $0x80, s15, s17, $0xb8;
	[tilespmem:$0x1FF80] =	vst v63  }
0x8a: {  	_ =	swait.ge [sflag:s24], $0x1400  }
0x8b: {  	[sflag:s24] =	ssyncset.done $0x0  }
0x8c: {  	s15 =	sadd.s32 $0xF0, s8;
	[sflag:s24] =	ssyncadd.s32 $0xFFFFEC00  }
0x8d: {  	[tilespmem:s7], [sflag:$0x1] =	stream.indirect.gather [hbm4b:s1+s17], $0x80, s15, s17, $0xb8;
	[tilespmem:$0x1FF80] =	vst v63  }
0x8e: {  	s10 =	sadd.s32 s10, s13  }
0x8f: {  	[spmem:s3] =	stream.indirect.scatter.add.f32 [tilespmem:s7], [sflag:$0x7], $0x80, s10, s26, $0xb8;
	[tilespmem:$0x1FF80] =	vst v63  }
0x90: {  	_ =	swait.ge [sflag:s14], $0x2800  }
0x91: {  	[sflag:s14] =	ssyncset.done $0x0  }
0x92: {  	[sflag:s14] =	ssyncadd.s32 $0xFFFFD800  }
0x93: {  	_ =	swait.ge [sflag:s28], $0x1400  }
0x94: {  	[sflag:s28] =	ssyncset.done $0x0  }
0x95: {  	s15 =	sadd.s32 $0x118, s8;
	[sflag:s28] =	ssyncadd.s32 $0xFFFFEC00  }
0x96: {  	[tilespmem:s18], [sflag:$0x2] =	stream.indirect.gather [hbm4b:s1+s17], $0x80, s15, s17, $0xb8;
	[tilespmem:$0x1FF80] =	vst v63  }
0x97: {  	_ =	swait.ge [sflag:s29], $0x1400  }
0x98: {  	[sflag:s29] =	ssyncset.done $0x0  }
0x99: {  	s15 =	sadd.s32 $0x140, s8;
	[sflag:s29] =	ssyncadd.s32 $0xFFFFEC00  }
0x9a: {  	[tilespmem:s19], [sflag:$0x3] =	stream.indirect.gather [hbm4b:s1+s17], $0x80, s15, s17, $0xb8;
	[tilespmem:$0x1FF80] =	vst v63  }
0x9b: {  	s15 =	sadd.s32 $0x50, s10  }
0x9c: {  	[spmem:s3] =	stream.indirect.scatter.add.f32 [tilespmem:s19], [sflag:$0x7], $0x80, s15, s26, $0xb8;
	[tilespmem:$0x1FF80] =	vst v63  }
0x9d: {  	_ =	swait.ge [sflag:s14], $0x2800  }
0x9e: {  	[sflag:s14] =	ssyncset.done $0x0  }
0x9f: {  	[sflag:s14] =	ssyncadd.s32 $0xFFFFD800  }
0xa0: {  	_ =	swait.ge [sflag:s30], $0x1400  }
0xa1: {  	[sflag:s30] =	ssyncset.done $0x0  }
0xa2: {  	s15 =	sadd.s32 $0x168, s8;
	[sflag:s30] =	ssyncadd.s32 $0xFFFFEC00  }
0xa3: {  	[tilespmem:s20], [sflag:$0x4] =	stream.indirect.gather [hbm4b:s1+s17], $0x80, s15, s17, $0xb8;
	[tilespmem:$0x1FF80] =	vst v63  }
0xa4: {  	_ =	swait.ge [sflag:s31], $0x1400  }
0xa5: {  	[sflag:s31] =	ssyncset.done $0x0  }
0xa6: {  	s8 =	sadd.s32 $0x190, s8;
	[sflag:s31] =	ssyncadd.s32 $0xFFFFEC00  }
0xa7: {  	[tilespmem:s21], [sflag:$0x5] =	stream.indirect.gather [hbm4b:s1+s17], $0x80, s8, s17, $0xb8;
	[tilespmem:$0x1FF80] =	vst v63  }
.Ltmp1:
0xa8: {  	_ = 	snop;
	(pc) =	sbr.rel @p0 .LBB2_4-.Ltmp1, $4  }
0xa9: {  	s8 =	sadd.s32 $0xA0, s10  }
0xaa: {  	[spmem:s3] =	stream.indirect.scatter.add.f32 [tilespmem:s21], [sflag:$0x7], $0x80, s8, s26, $0xb8;
	[tilespmem:$0x1FF80] =	vst v63  }
0xab: {  	_ =	swait.ge [sflag:s14], $0x2800  }
0xac: {  	[sflag:s14] =	ssyncset.done $0x0  }
0xad: {  	[sflag:s14] =	ssyncadd.s32 $0xFFFFD800  }
0xae: {  	_ =	swait.ge [sflag:s22], $0x1400  }
0xaf: {  	[sflag:s22] =	ssyncset.done $0x0  }
0xb0: {  	s2 =	rddreg [dreg:$0x19];
	[sflag:s22] =	ssyncadd.s32 $0xFFFFEC00  }
0xb1: {  	[tilespmem:s23], [sflag:$0x6] =	stream.indirect.gather [hbm4b:s1+s17], $0x80, s2, s17, $0xb8;
	[tilespmem:$0x1FF80] =	vst v63  }
0xb2: {  	_ =	swait.ge [sflag:s24], $0x1400  }
0xb3: {  	[sflag:s24] =	ssyncset.done $0x0  }
0xb4: {  	s8 =	rddreg [dreg:$0x1a];
	[sflag:s24] =	ssyncadd.s32 $0xFFFFEC00  }
0xb5: {  	[tilespmem:s7], [sflag:$0x1] =	stream.indirect.gather [hbm4b:s1+s17], $0x80, s8, s17, $0xb8;
	[tilespmem:$0x1FF80] =	vst v63  }
0xb6: {  	s10 =	rddreg [dreg:$0x1b]  }
0xb7: {  	[spmem:s3] =	stream.indirect.scatter.add.f32 [tilespmem:s7], [sflag:$0x7], $0x80, s10, s26, $0xb8;
	[tilespmem:$0x1FF80] =	vst v63  }
0xb8: {  	_ =	swait.ge [sflag:s14], $0x2800  }
0xb9: {  	[sflag:s14] =	ssyncset.done $0x0  }
0xba: {  	[sflag:s14] =	ssyncadd.s32 $0xFFFFD800  }
0xbb: {  	_ =	swait.ge [sflag:s28], $0x1400  }
0xbc: {  	[sflag:s28] =	ssyncset.done $0x0  }
0xbd: {  	s15 =	rddreg [dreg:$0x1c];
	[sflag:s28] =	ssyncadd.s32 $0xFFFFEC00  }
0xbe: {  	[tilespmem:s18], [sflag:$0x2] =	stream.indirect.gather [hbm4b:s1+s17], $0x80, s15, s17, $0xb8;
	[tilespmem:$0x1FF80] =	vst v63  }
0xbf: {  	_ =	swait.ge [sflag:s29], $0x1400  }
0xc0: {  	[sflag:s29] =	ssyncset.done $0x0  }
0xc1: {  	s8 =	rddreg [dreg:$0x1d];
	[sflag:s29] =	ssyncadd.s32 $0xFFFFEC00  }
0xc2: {  	[tilespmem:s19], [sflag:$0x3] =	stream.indirect.gather [hbm4b:s1+s17], $0x80, s8, s17, $0xb8;
	[tilespmem:$0x1FF80] =	vst v63  }
0xc3: {  	s10 =	rddreg [dreg:$0x1e]  }
0xc4: {  	[spmem:s3] =	stream.indirect.scatter.add.f32 [tilespmem:s19], [sflag:$0x7], $0x80, s10, s26, $0xb8;
	[tilespmem:$0x1FF80] =	vst v63  }
0xc5: {  	_ =	swait.ge [sflag:s14], $0x2800  }
0xc6: {  	[sflag:s14] =	ssyncset.done $0x0  }
0xc7: {  	[sflag:s14] =	ssyncadd.s32 $0xFFFFD800  }
0xc8: {  	_ =	swait.ge [sflag:s30], $0x1400  }
0xc9: {  	[sflag:s30] =	ssyncset.done $0x0  }
0xca: {  	[sflag:s30] =	ssyncadd.s32 $0xFFFFEC00  }
0xcb: {  	[tilespmem:s20], [sflag:$0x4] =	stream.indirect.gather [hbm4b:s1+s17], $0x80, s11, s17, $0xb8;
	[tilespmem:$0x1FF80] =	vst v63  }
0xcc: {  	_ =	swait.ge [sflag:s31], $0x1400  }
0xcd: {  	[sflag:s31] =	ssyncset.done $0x0  }
0xce: {  	[sflag:s31] =	ssyncadd.s32 $0xFFFFEC00  }
0xcf: {  	[spmem:s3] =	stream.indirect.scatter.add.f32 [tilespmem:s21], [sflag:$0x7], $0x80, s12, s26, $0xb8;
	[tilespmem:$0x1FF80] =	vst v63  }
0xd0: {  	_ =	swait.ge [sflag:s14], $0x2800  }
0xd1: {  	[sflag:s14] =	ssyncset.done $0x0  }
0xd2: {  	[sflag:s14] =	ssyncadd.s32 $0xFFFFD800  }
0xd3: {  	_ =	swait.ge [sflag:s22], $0x1400  }
0xd4: {  	[sflag:s22] =	ssyncset.done $0x0  }
0xd5: {  	[sflag:s22] =	ssyncadd.s32 $0xFFFFEC00  }
0xd6: {  	_ =	swait.ge [sflag:s24], $0x1400  }
0xd7: {  	[sflag:s24] =	ssyncset.done $0x0  }
0xd8: {  	[sflag:s24] =	ssyncadd.s32 $0xFFFFEC00  }
0xd9: {  	_ =	swait.ge [sflag:s28], $0x1400  }
0xda: {  	[sflag:s28] =	ssyncset.done $0x0  }
0xdb: {  	[sflag:s28] =	ssyncadd.s32 $0xFFFFEC00  }
0xdc: {  	_ =	swait.ge [sflag:s29], $0x1400  }
0xdd: {  	[sflag:s29] =	ssyncset.done $0x0  }
0xde: {  	s15 =	rddreg [dreg:$0x17];
	[sflag:s29] =	ssyncadd.s32 $0xFFFFEC00  }
0xdf: {  	[spmem:s3] =	stream.indirect.scatter.add.f32 [tilespmem:s7], [sflag:$0x7], $0x80, s15, s26, $0xb8;
	[tilespmem:$0x1FF80] =	vst v63  }
0xe0: {  	_ =	swait.ge [sflag:s14], $0x2800  }
0xe1: {  	[sflag:s14] =	ssyncset.done $0x0  }
0xe2: {  	s8 =	rddreg [dreg:$0x18];
	[sflag:s14] =	ssyncadd.s32 $0xFFFFD800  }
0xe3: {  	[spmem:s3] =	stream.indirect.scatter.add.f32 [tilespmem:s19], [sflag:$0x7], $0x80, s8, s26, $0xb8;
	[tilespmem:$0x1FF80] =	vst v63  }
0xe4: {  	_ =	swait.ge [sflag:s14], $0x2800  }
0xe5: {  	[sflag:s14] =	ssyncset.done $0x0  }
0xe6: {  	[sflag:s14] =	ssyncadd.s32 $0xFFFFD800  }
0xe7: {  	[bflag:$0x0] =	sbarrier.arrive $0xFFFF  }
0xe8: {  	[tilespmem:s7], [sflag:$0x7] =	stream.linear.gather [spmem:s5], $0x3C00, $0x38;
	[tilespmem:$0x1FF80] =	vst v63  }
0xe9: {  	_ =	swait.ge [sflag:s14], $0x3C00  }
0xea: {  	[sflag:s14] =	ssyncset.done $0x0  }
0xeb: {  	s10 =	rddreg [dreg:$0xa];
	[sflag:s14] =	ssyncadd.s32 $0xFFFFC400  }
0xec: {  	[hbm4b:s10+s4] =	stream.linear.scatter [tilespmem:s7], [sflag:$0x1], $0x3C00, $0x38;
	[tilespmem:$0x1FF80] =	vst v63  }
0xed: {  	s15 =	rddreg [dreg:$0x11]  }
0xee: {  	[tilespmem:s20], [sflag:$0x7] =	stream.linear.gather [spmem:s15], $0x3C00, $0x38;
	[tilespmem:$0x1FF80] =	vst v63  }
0xef: {  	_ =	swait.ge [sflag:s14], $0x3C00  }
0xf0: {  	[sflag:s14] =	ssyncset.done $0x0  }
0xf1: {  	s8 =	rddreg [dreg:$0xb];
	[sflag:s14] =	ssyncadd.s32 $0xFFFFC400  }
0xf2: {  	[hbm4b:s8+s4] =	stream.linear.scatter [tilespmem:s20], [sflag:$0x2], $0x3C00, $0x38;
	[tilespmem:$0x1FF80] =	vst v63  }
0xf3: {  	_ =	swait.ge [sflag:s22], $0x3C00  }
0xf4: {  	[sflag:s22] =	ssyncset.done $0x0  }
0xf5: {  	[sflag:s22] =	ssyncadd.s32 $0xFFFFC400  }
0xf6: {  	[tilespmem:s7], [sflag:$0x7] =	stream.linear.gather [spmem:s6], $0x3C00, $0x38;
	[tilespmem:$0x1FF80] =	vst v63  }
0xf7: {  	_ =	swait.ge [sflag:s14], $0x3C00  }
0xf8: {  	[sflag:s14] =	ssyncset.done $0x0  }
0xf9: {  	s10 =	rddreg [dreg:$0xc];
	[sflag:s14] =	ssyncadd.s32 $0xFFFFC400  }
0xfa: {  	[hbm4b:s10+s4] =	stream.linear.scatter [tilespmem:s7], [sflag:$0x1], $0x3C00, $0x38;
	[tilespmem:$0x1FF80] =	vst v63  }
0xfb: {  	_ =	swait.ge [sflag:s24], $0x3C00  }
0xfc: {  	[sflag:s24] =	ssyncset.done $0x0  }
0xfd: {  	s15 =	rddreg [dreg:$0x12];
	[sflag:s24] =	ssyncadd.s32 $0xFFFFC400  }
0xfe: {  	[tilespmem:s20], [sflag:$0x7] =	stream.linear.gather [spmem:s15], $0x3C00, $0x38;
	[tilespmem:$0x1FF80] =	vst v63  }
0xff: {  	_ =	swait.ge [sflag:s14], $0x3C00  }
0x100: {  	[sflag:s14] =	ssyncset.done $0x0  }
0x101: {  	s8 =	rddreg [dreg:$0xd];
	[sflag:s14] =	ssyncadd.s32 $0xFFFFC400  }
0x102: {  	[hbm4b:s8+s4] =	stream.linear.scatter [tilespmem:s20], [sflag:$0x2], $0x3C00, $0x38;
	[tilespmem:$0x1FF80] =	vst v63  }
0x103: {  	_ =	swait.ge [sflag:s22], $0x3C00  }
0x104: {  	[sflag:s22] =	ssyncset.done $0x0  }
0x105: {  	s10 =	rddreg [dreg:$0x13];
	[sflag:s22] =	ssyncadd.s32 $0xFFFFC400  }
0x106: {  	[tilespmem:s7], [sflag:$0x7] =	stream.linear.gather [spmem:s10], $0x3C00, $0x38;
	[tilespmem:$0x1FF80] =	vst v63  }
0x107: {  	_ =	swait.ge [sflag:s14], $0x3C00  }
0x108: {  	[sflag:s14] =	ssyncset.done $0x0  }
0x109: {  	s15 =	rddreg [dreg:$0xe];
	[sflag:s14] =	ssyncadd.s32 $0xFFFFC400  }
0x10a: {  	[hbm4b:s15+s4] =	stream.linear.scatter [tilespmem:s7], [sflag:$0x1], $0x3C00, $0x38;
	[tilespmem:$0x1FF80] =	vst v63  }
0x10b: {  	_ =	swait.ge [sflag:s24], $0x3C00  }
0x10c: {  	[sflag:s24] =	ssyncset.done $0x0  }
0x10d: {  	s8 =	rddreg [dreg:$0x14];
	[sflag:s24] =	ssyncadd.s32 $0xFFFFC400  }
0x10e: {  	[tilespmem:s20], [sflag:$0x7] =	stream.linear.gather [spmem:s8], $0x1000, $0x38;
	[tilespmem:$0x1FF80] =	vst v63  }
0x10f: {  	_ =	swait.ge [sflag:s14], $0x1000  }
0x110: {  	[sflag:s14] =	ssyncset.done $0x0  }
0x111: {  	s10 =	rddreg [dreg:$0xf];
	[sflag:s14] =	ssyncadd.s32 $0xFFFFF000  }
0x112: {  	[hbm4b:s10+s4] =	stream.linear.scatter [tilespmem:s20], [sflag:$0x2], $0x1000, $0x38;
	[tilespmem:$0x1FF80] =	vst v63  }
0x113: {  	_ =	swait.ge [sflag:s22], $0x3C00  }
0x114: {  	[sflag:s22] =	ssyncset.done $0x0  }
0x115: {  	[sflag:s22] =	ssyncadd.s32 $0xFFFFC400  }
0x116: {  	_ =	swait.ge [sflag:s24], $0x1000  }
0x117: {  	s0 =	sadd.s32 $0x1, s0;
	s15 =	rddreg [dreg:$0x15]  }
0x118: {  	p0 =	sne.s32 s0, s15  }
.Ltmp2:
0x119: {  	_ = 	snop;
	(pc) =	sbr.rel @p0 .LBB2_1-.Ltmp2, $3  }
0x11a: {  	_ =	sdelay $0x1  }
0x11b: {  	[sflag:s24] =	ssyncset.done $0x0  }
0x11c: {  	[sflag:s24] =	ssyncadd.s32 $0xFFFFF000  }
0x11d: {  	_ =	sfence.sel $0x180000  }
0x11e: {  	[bflag:$0x0] =	sbarrier.arrive $0xFFFF  }
0x11f: {  	_ =	strace $0x9000004A  }
0x120: {  	s0 =	stileid.u32;
	[bflag:$0x2] =	sbarrier.arrive $0xFFFF  }
0x121: {  	p0 =	sne.s32 s0, $0x0;
	s0 =	rddreg [dreg:$0x4]  }
0x122: {  	s0 =	sadd.s32 @!p0 $0x100000, s0  }
0x123: {  	[sflag:s0] =	ssyncadd.tile.s32 @!p0 $0x1;
	_ =	shalt  }
.Lfunc_end2:
_tile_overlayer_lowered:
.L_overlay_start_2:
0x124: {  	(tag) =	ssettag $0x2  }
0x125: {  	s0 =	rddreg [dreg:$0x0];
	s2 =	stileid.u32  }
0x126: {  	s1 =	rddreg [dreg:$0x1];
	p0 =	sne.s32 s2, $0x0  }
0x127: {  	s3 =	rddreg [dreg:$0x2];
	[bflag:$0x3] =	sbarrier.arrive $0xFFFF;
	s2 =	simm.s32 @!p0 $0x1C07  }
0x128: {  	[timem:s3], [sflag:s2] =	dma.local @!p0 [hbm:s0], s1  }
0x129: {  	s0 =	simm.s32 @!p0 $0x7  }
0x12a: {  	_ =	swait.ge @!p0 [sflag:s0], s1  }
0x12b: {  	s1 =	ssub.s32 @!p0 $0x0, s1;
	[sflag:s0] =	ssyncset.done @!p0 $0x0  }
0x12c: {  	[sflag:s0] =	ssyncadd.s32 @!p0 s1  }
0x12d: {  	[bflag:$0x3] =	sbarrier.arrive $0xFFFF  }
0x12e: {  	_ =	shalt  }

// kernel: kernel.14.cloned.1.call-start
scs
__scs_entry_jumppad:
0x0: {  	(pc) =	sbr.rel $0x88, $3  }
0x1: {  	(tag) =	ssettag $0x0;
	lr =	simm.s32 $0x1  }
0x2: {  	[smem:$0x3F9B] =	sst lr;
	_ =	strace $0xD0000000  }
0x3: {  	_ = 	snop  }
0x4: {  	_ = 	snop  }
0x5: {  	_ = 	snop  }
0x6: {  	_ = 	snop  }
0x7: {  	_ = 	snop  }
__scs_overlays_trampoline_lowered:
0x8: {  	[smem:$0x3FAA] =	sst s0  }
0x9: {  	[smem:$0x3FAB] =	sst s1  }
0xa: {  	[smem:$0x3FAC] =	sst s2  }
0xb: {  	[smem:$0x3FAD] =	sst s3  }
0xc: {  	[smem:$0x3FAE] =	sst s4  }
0xd: {  	[smem:$0x3FAF] =	sst s5  }
0xe: {  	[smem:$0x3FB0] =	sst s6  }
0xf: {  	[smem:$0x3FB1] =	sst s7  }
0x10: {  	[smem:$0x3FB2] =	sst s8  }
0x11: {  	[smem:$0x3FB3] =	sst s9;
	s0 =	simm.s32 @!p0 $0x0  }
0x12: {  	s1 =	sld [smem:$0x3F99];
	s0 =	simm.s32 @p0 $0x1  }
0x13: {  	[smem:$0x3FB4] =	sst s0;
	s0 =	simm.s32 @!p1 $0x0  }
0x14: {  	s2 =	sld [smem:$0x3F98];
	s0 =	simm.s32 @p1 $0x1  }
0x15: {  	[smem:$0x3FB5] =	sst s0;
	s0 =	simm.s32 @!p2 $0x0  }
0x16: {  	s3 =	sld [smem:$0x3FDB];
	s0 =	simm.s32 @p2 $0x1  }
0x17: {  	s4 =	simm.s32 $0x1BF5;
	[smem:$0x3FB7] =	sst s0  }
0x18: {  	s0 =	sld [smem:$0x3F9A];
	_ =	swait.ge [sflag:s4], $0x0  }
0x19: {  	s7 =	sld [smem:$0x3F9B]  }
0x1a: {  	s8 =	sadd.s32 $0xFFFFE003, lr  }
0x1b: {  	s9 =	sadd.s32 $0xFFFFFEF7, lr;
	s5 =	simm.s32 $0xFFFFFFFF;
	p2 =	slt.u32 s8, $0xFFFFF086  }
0x1c: {  	p1 =	slt.u32 s9, $0xF7A;
	s5 =	simm.s32 @!p2 $0x0  }
0x1d: {  	s5 =	simm.s32 @p1 $0x1;
	p0 =	seq.s32 s7, s2  }
0x1e: {  	s7 =	smul.u32 @!p0 $0xF7A, s2;
	p2 =	seq.s32 @!p0 s5, $0x0  }
0x1f: {  	s9 =	smul.u32 $0xF7A, s1;
	s8 =	simm.s32 @!p0 $0x1BF5;
	p2 =	por !p2, p0  }
0x20: {  	[sflag:s8] =	ssyncset.s32 @!p0 $0xFFFFF086;
	s6 =	sadd.s32 @!p0 s3, s7;
	s7 =	simm.s32 @!p0 $0x108  }
0x21: {  	s3 =	sadd.s32 s3, s9;
	s6 =	sadd.s32 @!p0 $0x88, s6;
	s7 =	simm.s32 @p2 $0x1082  }
0x22: {  	[simem:s7], [sflag:s8] =	dma.local @!p0 [hbm:s6], $0xF7A  }
0x23: {  	s9 =	sor.u32 $0xD0000000, s2;
	s6 =	simm.s32 $0x108;
	_ =	swait.ge @!p0 [sflag:s8], $0x0  }
0x24: {  	s3 =	sadd.s32 $0x88, s3;
	s6 =	simm.s32 @!p1 $0x1082;
	[sflag:s4] =	ssyncset.s32 $0xFFFFF086  }
0x25: {  	[simem:s6], [sflag:s4] =	dma.local [hbm:s3], $0xF7A  }
0x26: {  	[smem:$0x3F9B] =	sst s1;
	(tag) =	ssettag s2;
	_ =	strace s9  }
0x27: {  	s1 =	sld [smem:$0x3FAB]  }
0x28: {  	s2 =	sld [smem:$0x3FAC]  }
0x29: {  	s4 =	sld [smem:$0x3FAE]  }
0x2a: {  	p0 =	seq.s32 s5, $0x0;
	s5 =	sld [smem:$0x3FAF]  }
0x2b: {  	s6 =	sld [smem:$0x3FB0]  }
0x2c: {  	s7 =	sld [smem:$0x3FB1]  }
0x2d: {  	s3 =	simm.s32 $0x108;
	s8 =	sld [smem:$0x3FB2]  }
0x2e: {  	s3 =	simm.s32 @!p0 $0x1082;
	s9 =	sld [smem:$0x3FB3]  }
0x2f: {  	lr =	sadd.s32 s0, s3;
	s0 =	sld [smem:$0x3FAA]  }
0x30: {  	s3 =	sld [smem:$0x3FAD]  }
0x31: {  	[smem:$0x3FB6] =	sst s10  }
0x32: {  	s10 =	sld [smem:$0x3FB4];
	_ =	sdelay $0x3  }
0x33: {  	p0 =	seq.s32 s10, $0x1;
	s10 =	sld [smem:$0x3FB6];
	_ =	sdelay $0x3  }
0x34: {  	[smem:$0x3FB6] =	sst s10  }
0x35: {  	s10 =	sld [smem:$0x3FB5];
	_ =	sdelay $0x3  }
0x36: {  	p1 =	seq.s32 s10, $0x1;
	s10 =	sld [smem:$0x3FB6];
	_ =	sdelay $0x3  }
0x37: {  	[smem:$0x3FB6] =	sst s10  }
0x38: {  	s10 =	sld [smem:$0x3FB7]  }
0x39: {  	_ = 	snop;
	(pc) =	sbr.ind lr, $3  }
0x3a: {  	_ = 	snop  }
0x3b: {  	_ = 	snop  }
0x3c: {  	p2 =	seq.s32 s10, $0x1;
	s10 =	sld [smem:$0x3FB6]  }
0x3d: {  	_ =	shalt  }
0x3e: {  	_ =	shalt  }
0x3f: {  	_ =	shalt  }
0x40: {  	_ =	shalt  }
0x41: {  	_ =	shalt  }
0x42: {  	_ =	shalt  }
0x43: {  	_ =	shalt  }
0x44: {  	_ =	shalt  }
0x45: {  	_ =	shalt  }
0x46: {  	_ =	shalt  }
0x47: {  	_ =	shalt  }
0x48: {  	_ =	shalt  }
0x49: {  	_ =	shalt  }
0x4a: {  	_ =	shalt  }
0x4b: {  	_ =	shalt  }
0x4c: {  	_ =	shalt  }
0x4d: {  	_ =	shalt  }
0x4e: {  	_ =	shalt  }
0x4f: {  	_ =	shalt  }
0x50: {  	_ =	shalt  }
0x51: {  	_ =	shalt  }
0x52: {  	_ =	shalt  }
0x53: {  	_ =	shalt  }
0x54: {  	_ =	shalt  }
0x55: {  	_ =	shalt  }
0x56: {  	_ =	shalt  }
0x57: {  	_ =	shalt  }
0x58: {  	_ =	shalt  }
0x59: {  	_ =	shalt  }
0x5a: {  	_ =	shalt  }
0x5b: {  	_ =	shalt  }
0x5c: {  	_ =	shalt  }
0x5d: {  	_ =	shalt  }
0x5e: {  	_ =	shalt  }
0x5f: {  	_ =	shalt  }
0x60: {  	_ =	shalt  }
0x61: {  	_ =	shalt  }
0x62: {  	_ =	shalt  }
0x63: {  	_ =	shalt  }
0x64: {  	_ =	shalt  }
0x65: {  	_ =	shalt  }
0x66: {  	_ =	shalt  }
0x67: {  	_ =	shalt  }
0x68: {  	_ =	shalt  }
0x69: {  	_ =	shalt  }
0x6a: {  	_ =	shalt  }
0x6b: {  	_ =	shalt  }
0x6c: {  	_ =	shalt  }
0x6d: {  	_ =	shalt  }
0x6e: {  	_ =	shalt  }
0x6f: {  	_ =	shalt  }
0x70: {  	_ =	shalt  }
0x71: {  	_ =	shalt  }
0x72: {  	_ =	shalt  }
0x73: {  	_ =	shalt  }
0x74: {  	_ =	shalt  }
0x75: {  	_ =	shalt  }
0x76: {  	_ =	shalt  }
0x77: {  	_ =	shalt  }
0x78: {  	_ =	shalt  }
0x79: {  	_ =	shalt  }
0x7a: {  	_ =	shalt  }
0x7b: {  	_ =	shalt  }
0x7c: {  	_ =	shalt  }
0x7d: {  	_ =	shalt  }
0x7e: {  	_ =	shalt  }
0x7f: {  	_ =	shalt  }
0x80: {  	_ =	shalt  }
0x81: {  	_ =	shalt  }
0x82: {  	_ =	shalt  }
0x83: {  	_ =	shalt  }
0x84: {  	_ =	shalt  }
0x85: {  	_ =	shalt  }
0x86: {  	_ =	shalt  }
0x87: {  	_ =	shalt  }
.Lfunc_end0:
.L_simem_size_0:
called_computation.2_lowered:
.L_overlay_start_0:
0x88: {  	s2 =	sld [smem:$0x3FD9]  }
0x89: {  	s3 =	sld [smem:$0x3FFE];
	_ =	sdelay $0x1  }
0x8a: {  	s1 =	srdreg.scid  }
0x8b: {  	s0 =	sand.u32 $0x1, s1  }
0x8c: {  	s17 =	sshll.u32 s0, $0xA;
	s2 =	sadd.s32 s3, s2  }
0x8d: {  	s2 =	sadd.s32 s2, s17  }
0x8e: {  	[smem:$0x3FC2] =	sst s2  }
0x8f: {  	_ = 	snop  }
0x90: {  	s2 =	sld [smem:$0x3FC8]  }
0x91: {  	s18 =	sld [smem:$0x3FD0];
	(tm) =	ssettm $0x1  }
0x92: {  	s4 =	sld [smem:$0x3FFB];
	_ =	sdelay $0x3  }
0x93: {  	_ =	strace s4  }
0x94: {  	s4 =	sld [smem:$0x3FFC];
	_ =	sdelay $0x3  }
0x95: {  	_ =	strace s4  }
0x96: {  	s4 =	sld [smem:$0x3FFD];
	_ =	sdelay $0x3  }
0x97: {  	_ =	strace s4  }
0x98: {  	_ =	strace $0x8FFFFFFF  }
0x99: {  	s19 =	sld [smem:$0x3FDB];
	_ =	sdelay $0x1  }
0x9a: {  	s5 =	simm.s32 $_scs_section_size  }
0x9b: {  	s6 =	simm.s32 $_size__tile_overlayer_lowered;
	s7 =	simm.s32 $_tile_overlayer_lowered  }
0x9c: {  	s22 =	simm.s32 $0x1BFF;
	s21 =	sshll.u32 s7, $0x1;
	s4 =	sadd.s32 s5, s19  }
0x9d: {  	s8 =	simm.s32 $0x0;
	s20 =	sshll.u32 s6, $0x1;
	s6 =	sadd.s32 s21, s4  }
0x9e: {  	[timem:s8], [sflag:s22] =	dma.local [hbm:s6], s20  }
0x9f: {  	_ =	swait.ge [sflag:s22], s20  }
0xa0: {  	s5 =	ssub.s32 $0x0, s20;
	[sflag:s22] =	ssyncset.done $0x0  }
0xa1: {  	[sflag:s22] =	ssyncadd.s32 s5;
	_ =	sdelay $0x1  }
0xa2: {  	s23 =	simm.s32 $0x1B8B  }
0xa3: {  	_ =	swait.ge [sflag:s23], $0x1  }
0xa4: {  	[sflag:s23] =	ssyncset.done $0x0  }
0xa5: {  	s25 =	simm.s32 $0x1B8E;
	s24 =	sld [smem:$0x3FFE];
	[sflag:s23] =	ssyncadd.s32 $0xFFFFFFFF  }
0xa6: {  	s26 =	simm.s32 $execute0_lowered;
	[smem:$0x3FD2] =	sst s25  }
0xa7: {  	s6 =	sshll.u32 s26, $0x1;
	_ =	strace $0x8000004C;
	[dreg:$0x1] =	wrdreg $0xFFFFFFFF  }
0xa8: {  	s28 =	simm.s32 $_size_execute0_lowered;
	s4 =	sadd.s32 s4, s6;
	[dreg:$0x0] =	wrdreg $0x0  }
0xa9: {  	s6 =	sshll.u32 s28, $0x1;
	[dreg:$0x2] =	wrdreg s4  }
0xaa: {  	[dreg:$0x3] =	wrdreg s6  }
0xab: {  	[dreg:$0x4] =	wrdreg $0xC0  }
0xac: {  	_ =	task [dreg:s8], $0x5FFFF  }
0xad: {  	[dreg:$0x1] =	wrdreg $0xFFFFFFFF  }
0xae: {  	[dreg:$0x0] =	wrdreg $0x60  }
0xaf: {  	[dreg:$0x2] =	wrdreg s18  }
0xb0: {  	[dreg:$0x3] =	wrdreg s2  }
0xb1: {  	[dreg:$0x4] =	wrdreg s24  }
0xb2: {  	[dreg:$0x5] =	wrdreg $0xC7000  }
0xb3: {  	[dreg:$0x6] =	wrdreg $0x9  }
0xb4: {  	_ =	task.clear_ibuf [dreg:s8], $0x7FFFF;
	_ =	strace $0x9000004C  }
0xb5: {  	s29 =	simm.s32 $0x9;
	_ =	strace $0x8000004E  }
0xb6: {  	_ =	swait.ge [sflag:s29], $0x1  }
0xb7: {  	[sflag:s29] =	ssyncadd.s32 $0xFFFFFFFF  }
0xb8: {  	_ =	strace $0x9000004E  }
0xb9: {  	_ =	sfence  }
0xba: {  	s30 =	sld [smem:$0x0];
	_ =	sdelay $0x2  }
0xbb: {  	s31 =	sshll.u32 s1, $0xD;
	s1 =	sshrl.u32 s1, $0x2  }
0xbc: {  	s3 =	sand.u32 $0x4000, s31;
	s1 =	sadd.s32 s1, s30  }
0xbd: {  	s0 =	sor.u32 s3, s0;
	s1 =	sshll.u32 s1, $0x11  }
0xbe: {  	s0 =	sor.u32 s1, s0  }
0xbf: {  	s0 =	sadd.s32 $0x8F2B, s0  }
0xc0: {  	[sflag:s0] =	ssyncadd.remote.s32 $0x1  }
0xc1: {  	_ =	sfence.sel $0xFFFF  }
0xc2: {  	[dreg:$0x0] =	wrdreg $0xFFFFFFFF;
	(pc) =	sbr.abs _section_cstart, $3  }
0xc3: {  	[dreg:$0x1] =	wrdreg $0xFFFFFFFF  }
0xc4: {  	_ =	task.clear_ibuf [dreg:s8], $0x2FFFF;
	_ =	strace $0x9FFFFFFF  }
0xc5: {  	(tm) =	ssettm $0x7FFFFFFF  }
tec
execute0_lowered:
.L_overlay_start_1:
0x0: {  	(tag) =	ssettag $0x1  }
0x1: {  	s1 =	rddreg [dreg:$0x0]  }
0x2: {  	s0 =	rddreg [dreg:$0x1]  }
0x3: {  	s2 =	rddreg [dreg:$0x2]  }
0x4: {  	s3 =	rddreg [dreg:$0x3];
	s4 =	simm.s32 $0x0;
	s16 =	stileid.u32  }
0x5: {  	s5 =	srdreg.scid;
	s28 =	simm.s32 $0x3;
	s29 =	simm.s32 $0x4  }
0x6: {  	s30 =	simm.s32 $0x5;
	s31 =	simm.s32 $0x6;
	[smem:$0x7FF] =	sst s4  }
0x7: {  	s6 =	smul.u32 $0x271, s16;
	s7 =	sand.u32 $0x1, s5;
	s21 =	sand.u32 $0x7, s16  }
0x8: {  	s2 =	sadd.s32 $0x2400, s2;
	s9 =	sshll.u32 s16, $0x1;
	_ =	strace $0x8000004D  }
0x9: {  	s8 =	ssub.s32 $0x2, s7;
	s9 =	sor.u32 s7, s9;
	s25 =	smul.u32 $0x138800, s7  }
0xa: {  	s5 =	ssub.s32 s6, s21;
	s22 =	sshrl.u32 s8, $0x1;
	s13 =	smul.u32 $0x9C4, s9  }
0xb: {  	s9 =	sshll.u32 s9, $0x4;
	s10 =	sshll.u32 s5, $0x7;
	s8 =	ssub.s32 s8, s22  }
0xc: {  	s12 =	sadd.s32 $0x1E0, s5;
	s9 =	sand.u32 $0x70, s9;
	s23 =	sand.u32 $0x3FFFFF80, s10  }
0xd: {  	s11 =	sadd.s32 $0x7800, s10;
	s14 =	smin.u32 s12, $0x2620;
	s13 =	sand.u32 $0x1FFE0, s13  }
0xe: {  	s26 =	sadd.s32 $0x28, s9;
	s17 =	sadd.s32 $0x3C00, s10;
	s15 =	sadd.s32 $0x50, s9  }
0xf: {  	s20 =	sadd.s32 $0xB400, s10;
	s12 =	sshll.u32 s12, $0x7;
	s5 =	sadd.s32 s23, s3  }
0x10: {  	s24 =	sand.u32 $0x3FFFFF80, s11;
	s14 =	sshll.u32 s14, $0x7;
	[dreg:$0x8] =	wrdreg s26  }
0x11: {  	s13 =	sadd.s32 s0, s13;
	[dreg:$0x9] =	wrdreg s15;
	s18 =	sadd.s32 s25, s17  }
0x12: {  	s11 =	sadd.s32 s25, s11;
	s21 =	sadd.s32 s25, s20;
	s22 =	sadd.s32 s25, s12  }
0x13: {  	s26 =	sadd.s32 $0x78, s9;
	s6 =	sadd.s32 s24, s3;
	[dreg:$0x5] =	wrdreg s13  }
0x14: {  	s14 =	sadd.s32 s14, s3;
	s13 =	sadd.s32 $0x10, s13;
	[dreg:$0x10] =	wrdreg s26  }
0x15: {  	s19 =	sshrl.u32 s18, $0x3;
	s11 =	sshrl.u32 s11, $0x3;
	[dreg:$0x6] =	wrdreg s14  }
0x16: {  	s24 =	sshll.u32 s16, $0x5;
	s16 =	smax.u32 s8, $0x1;
	[dreg:$0x7] =	wrdreg s13  }
0x17: {  	s15 =	sshrl.u32 s22, $0x3;
	s18 =	sadd.s32 $0x4DF0, s9;
	[dreg:$0x15] =	wrdreg s16  }
0x18: {  	s22 =	sor.u32 $0x4D00, s9;
	s26 =	sadd.s32 $0x4D50, s9;
	[dreg:$0x17] =	wrdreg s18  }
0x19: {  	s14 =	sadd.s32 s25, s10;
	s11 =	sadd.s32 s2, s11;
	[dreg:$0x1b] =	wrdreg s22  }
0x1a: {  	s10 =	sadd.s32 $0x12C00, s10;
	s23 =	sadd.s32 s2, s15;
	[dreg:$0x1e] =	wrdreg s26  }
0x1b: {  	s16 =	simm.s32 $0x100;
	s18 =	simm.s32 $0x6300;
	s22 =	simm.s32 $0x1  }
0x1c: {  	s26 =	simm.s32 $0x50;
	s13 =	sshrl.u32 s14, $0x3;
	[dreg:$0xc] =	wrdreg s11  }
0x1d: {  	s14 =	sand.u32 $0x3FFFFF80, s17;
	s0 =	sadd.s32 s25, s10;
	[dreg:$0xe] =	wrdreg s23  }
0x1e: {  	s25 =	sshll.u32 s7, $0x4;
	s11 =	sand.u32 $0x3FFFFF80, s20;
	s17 =	sadd.s32 $0xA0, s9  }
0x1f: {  	s10 =	sand.u32 $0x3FFFFF80, s10;
	s20 =	sadd.s32 $0x2648, s9;
	[dreg:$0x16] =	wrdreg s17  }
0x20: {  	s23 =	sadd.s32 $0x2698, s9;
	s13 =	sadd.s32 s2, s13;
	[dreg:$0x19] =	wrdreg s20  }
0x21: {  	s0 =	sshrl.u32 s0, $0x3;
	s7 =	sadd.s32 s14, s3;
	[dreg:$0x1c] =	wrdreg s23  }
0x22: {  	s15 =	sadd.s32 s10, s3;
	s17 =	simm.s32 $0x28;
	[dreg:$0xa] =	wrdreg s13  }
0x23: {  	s20 =	simm.s32 $0x8B00;
	s23 =	simm.s32 $0xB300;
	[dreg:$0x11] =	wrdreg s7  }
0x24: {  	s13 =	sadd.s32 s2, s19;
	s0 =	sadd.s32 s2, s0;
	[dreg:$0x14] =	wrdreg s15  }
0x25: {  	s19 =	sadd.s32 $0x4E40, s9;
	s7 =	simm.s32 $0x4F00;
	[dreg:$0xb] =	wrdreg s13  }
0x26: {  	s13 =	sshrl.u32 s21, $0x3;
	[dreg:$0xf] =	wrdreg s0;
	s0 =	sor.u32 s25, s24  }
0x27: {  	[dreg:$0x18] =	wrdreg s19;
	s21 =	sadd.s32 $0x2670, s9;
	s24 =	sadd.s32 $0x26C0, s9  }
0x28: {  	s19 =	simm.s32 $0x7700;
	s13 =	sadd.s32 s2, s13;
	[dreg:$0x1a] =	wrdreg s21  }
0x29: {  	s2 =	sadd.s32 s11, s3;
	s25 =	sand.u32 $0x70, s0;
	[dreg:$0x1d] =	wrdreg s24  }
0x2a: {  	s11 =	sadd.s32 $0x26E8, s9;
	s21 =	simm.s32 $0x9F00;
	s24 =	simm.s32 $0x2  }
0x2b: {  	s0 =	simm.s32 $0x0;
	[dreg:$0xd] =	wrdreg s13;
	s13 =	sand.u32 $0x3FFFFF80, s12  }
0x2c: {  	[dreg:$0x12] =	wrdreg s2;
	s12 =	sadd.s32 $0x4DA0, s9;
	s14 =	sadd.s32 s13, s3  }
0x2d: {  	v0 =	vimm.f32 $0.0e+00;
	s13 =	sor.u32 $0x2780, s25;
	[dreg:$0x13] =	wrdreg s14;
	s14 =	simm.s32 $0x7  }
.LBB2_1:
0x2e: {  	s2 =	simm.s32 $0x0;
	s8 =	simm.s32 $0x200  }
.LBB2_2:
0x2f: {  	p0 =	sne.s32 s8, $0x1DE00;
	[tilespmem:s2+$0x4F70] =	vst v0  }
0x30: {  	[tilespmem:s2+$0x4F00] =	vst v0  }
0x31: {  	[tilespmem:s2+$0x4F10] =	vst v0  }
.Ltmp0:
0x32: {  	[tilespmem:s2+$0x4F20] =	vst v0;
	(pc) =	sbr.rel @p0 .LBB2_2-.Ltmp0, $4  }
0x33: {  	[tilespmem:s2+$0x4F30] =	vst v0  }
0x34: {  	[tilespmem:s2+$0x4F40] =	vst v0  }
0x35: {  	[tilespmem:s2+$0x4F50] =	vst v0  }
0x36: {  	[tilespmem:s2+$0x4F60] =	vst v0;
	s2 =	sshra.s32 s8, $0x2;
	s8 =	sadd.s32 $0x200, s8  }
0x37: {  	[tilespmem:s2+$0x4F70] =	vst v0  }
0x38: {  	[tilespmem:s2+$0x4F00] =	vst v0  }
0x39: {  	[tilespmem:s2+$0x4F10] =	vst v0  }
0x3a: {  	[tilespmem:s2+$0x4F20] =	vst v0  }
0x3b: {  	[tilespmem:s2+$0x4F30] =	vst v0  }
0x3c: {  	[tilespmem:s2+$0x4F40] =	vst v0  }
0x3d: {  	[tilespmem:s2+$0x4F50] =	vst v0  }
0x3e: {  	[tilespmem:s2+$0x4F60] =	vst v0  }
0x3f: {  	[spmem:s5] =	stream.linear.scatter [tilespmem:s7], [sflag:$0x7], $0x7800, $0x38;
	[tilespmem:$0x1FF80] =	vst v63  }
0x40: {  	_ =	swait.ge [sflag:s14], $0x7800  }
0x41: {  	[sflag:s14] =	ssyncset.done $0x0  }
0x42: {  	[sflag:s14] =	ssyncadd.s32 $0xFFFF8800  }
0x43: {  	[spmem:s6] =	stream.linear.scatter [tilespmem:s7], [sflag:$0x7], $0x7800, $0x38;
	[tilespmem:$0x1FF80] =	vst v63  }
0x44: {  	_ =	swait.ge [sflag:s14], $0x7800  }
0x45: {  	[sflag:s14] =	ssyncset.done $0x0  }
0x46: {  	s10 =	rddreg [dreg:$0x6];
	[sflag:s14] =	ssyncadd.s32 $0xFFFF8800  }
0x47: {  	[spmem:s10] =	stream.linear.scatter [tilespmem:s7], [sflag:$0x7], $0x7800, $0x38;
	[tilespmem:$0x1FF80] =	vst v63  }
0x48: {  	_ =	swait.ge [sflag:s14], $0x7800  }
0x49: {  	s15 =	simm.s32 $0x0;
	[sflag:s14] =	ssyncset.done $0x0  }
0x4a: {  	s10 =	simm.s32 $0x80;
	s8 =	rddreg [dreg:$0x5];
	[sflag:s14] =	ssyncadd.s32 $0xFFFF8800  }
0x4b: {  	[tilespmem:s15], [sflag:$0x7] =	stream.strided.gather [hbm4b:s8+s10], $0x2780, s16, s10, $0x38;
	[tilespmem:$0x1FF80] =	vst v63  }
0x4c: {  	_ =	swait.ge [sflag:s14], $0x2780  }
0x4d: {  	[sflag:s14] =	ssyncset.done $0x0  }
0x4e: {  	s15 =	simm.s32 $0x2780;
	s8 =	rddreg [dreg:$0x7];
	[sflag:s14] =	ssyncadd.s32 $0xFFFFD880  }
0x4f: {  	[tilespmem:s15], [sflag:$0x7] =	stream.strided.gather [hbm4b:s8+s10], $0x2780, s16, s10, $0x38;
	[tilespmem:$0x1FF80] =	vst v63  }
0x50: {  	_ =	swait.ge [sflag:s14], $0x2780  }
0x51: {  	[sflag:s14] =	ssyncset.done $0x0  }
0x52: {  	[sflag:s14] =	ssyncadd.s32 $0xFFFFD880  }
0x53: {  	[bflag:$0x0] =	sbarrier.arrive $0xFFFF  }
0x54: {  	[tilespmem:s7], [sflag:$0x1] =	stream.indirect.gather [hbm4b:s1+s17], $0x80, s9, s17, $0xb8;
	[tilespmem:$0x1FF80] =	vst v63  }
0x55: {  	s10 =	rddreg [dreg:$0x8]  }
0x56: {  	[tilespmem:s18], [sflag:$0x2] =	stream.indirect.gather [hbm4b:s1+s17], $0x80, s10, s17, $0xb8;
	[tilespmem:$0x1FF80] =	vst v63  }
0x57: {  	s15 =	rddreg [dreg:$0x9]  }
0x58: {  	[tilespmem:s19], [sflag:$0x3] =	stream.indirect.gather [hbm4b:s1+s17], $0x80, s15, s17, $0xb8;
	[tilespmem:$0x1FF80] =	vst v63  }
0x59: {  	s8 =	rddreg [dreg:$0x10]  }
0x5a: {  	[tilespmem:s20], [sflag:$0x4] =	stream.indirect.gather [hbm4b:s1+s17], $0x80, s8, s17, $0xb8;
	[tilespmem:$0x1FF80] =	vst v63  }
0x5b: {  	s10 =	rddreg [dreg:$0x16]  }
0x5c: {  	[tilespmem:s21], [sflag:$0x5] =	stream.indirect.gather [hbm4b:s1+s17], $0x80, s10, s17, $0xb8;
	[tilespmem:$0x1FF80] =	vst v63  }
0x5d: {  	_ =	swait.ge [sflag:s22], $0x1400  }
0x5e: {  	s2 =	sadd.s32 $0x0, s25;
	[sflag:s22] =	ssyncset.done $0x0  }
0x5f: {  	s15 =	sadd.s32 $0xC8, s2;
	[sflag:s22] =	ssyncadd.s32 $0xFFFFEC00  }
0x60: {  	[tilespmem:s23], [sflag:$0x6] =	stream.indirect.gather [hbm4b:s1+s17], $0x80, s15, s17, $0xb8;
	[tilespmem:$0x1FF80] =	vst v63  }
0x61: {  	_ =	swait.ge [sflag:s24], $0x1400  }
0x62: {  	[sflag:s24] =	ssyncset.done $0x0  }
0x63: {  	s10 =	sadd.s32 $0xF0, s2;
	[sflag:s24] =	ssyncadd.s32 $0xFFFFEC00  }
0x64: {  	[tilespmem:s7], [sflag:$0x1] =	stream.indirect.gather [hbm4b:s1+s17], $0x80, s10, s17, $0xb8;
	[tilespmem:$0x1FF80] =	vst v63  }
0x65: {  	s8 =	sadd.s32 $0x0, s13  }
0x66: {  	[spmem:s3] =	stream.indirect.scatter.add.f32 [tilespmem:s7], [sflag:$0x7], $0x80, s8, s26, $0xb8;
	[tilespmem:$0x1FF80] =	vst v63  }
0x67: {  	_ =	swait.ge [sflag:s14], $0x2800  }
0x68: {  	[sflag:s14] =	ssyncset.done $0x0  }
0x69: {  	[sflag:s14] =	ssyncadd.s32 $0xFFFFD800  }
0x6a: {  	_ =	swait.ge [sflag:s28], $0x1400  }
0x6b: {  	[sflag:s28] =	ssyncset.done $0x0  }
0x6c: {  	s15 =	sadd.s32 $0x118, s2;
	[sflag:s28] =	ssyncadd.s32 $0xFFFFEC00  }
0x6d: {  	[tilespmem:s18], [sflag:$0x2] =	stream.indirect.gather [hbm4b:s1+s17], $0x80, s15, s17, $0xb8;
	[tilespmem:$0x1FF80] =	vst v63  }
0x6e: {  	_ =	swait.ge [sflag:s29], $0x1400  }
0x6f: {  	[sflag:s29] =	ssyncset.done $0x0  }
0x70: {  	s15 =	sadd.s32 $0x140, s2;
	[sflag:s29] =	ssyncadd.s32 $0xFFFFEC00  }
0x71: {  	[tilespmem:s19], [sflag:$0x3] =	stream.indirect.gather [hbm4b:s1+s17], $0x80, s15, s17, $0xb8;
	[tilespmem:$0x1FF80] =	vst v63  }
0x72: {  	s15 =	sadd.s32 $0x50, s8  }
0x73: {  	[spmem:s3] =	stream.indirect.scatter.add.f32 [tilespmem:s19], [sflag:$0x7], $0x80, s15, s26, $0xb8;
	[tilespmem:$0x1FF80] =	vst v63  }
0x74: {  	_ =	swait.ge [sflag:s14], $0x2800  }
0x75: {  	[sflag:s14] =	ssyncset.done $0x0  }
0x76: {  	[sflag:s14] =	ssyncadd.s32 $0xFFFFD800  }
0x77: {  	_ =	swait.ge [sflag:s30], $0x1400  }
0x78: {  	[sflag:s30] =	ssyncset.done $0x0  }
0x79: {  	s15 =	sadd.s32 $0x168, s2;
	[sflag:s30] =	ssyncadd.s32 $0xFFFFEC00  }
0x7a: {  	[tilespmem:s20], [sflag:$0x4] =	stream.indirect.gather [hbm4b:s1+s17], $0x80, s15, s17, $0xb8;
	[tilespmem:$0x1FF80] =	vst v63  }
0x7b: {  	_ =	swait.ge [sflag:s31], $0x1400  }
0x7c: {  	[sflag:s31] =	ssyncset.done $0x0  }
0x7d: {  	s2 =	sadd.s32 $0x190, s2;
	[sflag:s31] =	ssyncadd.s32 $0xFFFFEC00  }
0x7e: {  	[tilespmem:s21], [sflag:$0x5] =	stream.indirect.gather [hbm4b:s1+s17], $0x80, s2, s17, $0xb8;
	[tilespmem:$0x1FF80] =	vst v63  }
0x7f: {  	s15 =	sadd.s32 $0xA0, s8  }
0x80: {  	[spmem:s3] =	stream.indirect.scatter.add.f32 [tilespmem:s21], [sflag:$0x7], $0x80, s15, s26, $0xb8;
	[tilespmem:$0x1FF80] =	vst v63  }
0x81: {  	_ =	swait.ge [sflag:s14], $0x2800  }
0x82: {  	s2 =	simm.s32 $0x3C0;
	[sflag:s14] =	ssyncset.done $0x0  }
.LBB2_4:
0x83: {  	p0 =	sne.s32 s2, $0x9240  }
0x84: {  	[sflag:s14] =	ssyncadd.s32 $0xFFFFD800;
	s8 =	smov.u32 s2;
	s2 =	sadd.s32 $0x3C0, s2  }
0x85: {  	_ =	swait.ge [sflag:s22], $0x1400  }
0x86: {  	s10 =	sshra.s32 s8, $0x2;
	[sflag:s22] =	ssyncset.done $0x0  }
0x87: {  	s8 =	sadd.s32 s10, s25;
	[sflag:s22] =	ssyncadd.s32 $0xFFFFEC00  }
0x88: {  	s15 =	sadd.s32 $0xC8, s8  }
0x89: {  	[tilespmem:s23], [sflag:$0x6] =	stream.indirect.gather [hbm4b:s1+s17], $0x80, s15, s17, $0xb8;
	[tilespmem:$0x1FF80] =	vst v63  }
0x8a: {  	_ =	swait.ge [sflag:s24], $0x1400  }
0x8b: {  	[sflag:s24] =	ssyncset.done $0x0  }
0x8c: {  	s15 =	sadd.s32 $0xF0, s8;
	[sflag:s24] =	ssyncadd.s32 $0xFFFFEC00  }
0x8d: {  	[tilespmem:s7], [sflag:$0x1] =	stream.indirect.gather [hbm4b:s1+s17], $0x80, s15, s17, $0xb8;
	[tilespmem:$0x1FF80] =	vst v63  }
0x8e: {  	s10 =	sadd.s32 s10, s13  }
0x8f: {  	[spmem:s3] =	stream.indirect.scatter.add.f32 [tilespmem:s7], [sflag:$0x7], $0x80, s10, s26, $0xb8;
	[tilespmem:$0x1FF80] =	vst v63  }
0x90: {  	_ =	swait.ge [sflag:s14], $0x2800  }
0x91: {  	[sflag:s14] =	ssyncset.done $0x0  }
0x92: {  	[sflag:s14] =	ssyncadd.s32 $0xFFFFD800  }
0x93: {  	_ =	swait.ge [sflag:s28], $0x1400  }
0x94: {  	[sflag:s28] =	ssyncset.done $0x0  }
0x95: {  	s15 =	sadd.s32 $0x118, s8;
	[sflag:s28] =	ssyncadd.s32 $0xFFFFEC00  }
0x96: {  	[tilespmem:s18], [sflag:$0x2] =	stream.indirect.gather [hbm4b:s1+s17], $0x80, s15, s17, $0xb8;
	[tilespmem:$0x1FF80] =	vst v63  }
0x97: {  	_ =	swait.ge [sflag:s29], $0x1400  }
0x98: {  	[sflag:s29] =	ssyncset.done $0x0  }
0x99: {  	s15 =	sadd.s32 $0x140, s8;
	[sflag:s29] =	ssyncadd.s32 $0xFFFFEC00  }
0x9a: {  	[tilespmem:s19], [sflag:$0x3] =	stream.indirect.gather [hbm4b:s1+s17], $0x80, s15, s17, $0xb8;
	[tilespmem:$0x1FF80] =	vst v63  }
0x9b: {  	s15 =	sadd.s32 $0x50, s10  }
0x9c: {  	[spmem:s3] =	stream.indirect.scatter.add.f32 [tilespmem:s19], [sflag:$0x7], $0x80, s15, s26, $0xb8;
	[tilespmem:$0x1FF80] =	vst v63  }
0x9d: {  	_ =	swait.ge [sflag:s14], $0x2800  }
0x9e: {  	[sflag:s14] =	ssyncset.done $0x0  }
0x9f: {  	[sflag:s14] =	ssyncadd.s32 $0xFFFFD800  }
0xa0: {  	_ =	swait.ge [sflag:s30], $0x1400  }
0xa1: {  	[sflag:s30] =	ssyncset.done $0x0  }
0xa2: {  	s15 =	sadd.s32 $0x168, s8;
	[sflag:s30] =	ssyncadd.s32 $0xFFFFEC00  }
0xa3: {  	[tilespmem:s20], [sflag:$0x4] =	stream.indirect.gather [hbm4b:s1+s17], $0x80, s15, s17, $0xb8;
	[tilespmem:$0x1FF80] =	vst v63  }
0xa4: {  	_ =	swait.ge [sflag:s31], $0x1400  }
0xa5: {  	[sflag:s31] =	ssyncset.done $0x0  }
0xa6: {  	s8 =	sadd.s32 $0x190, s8;
	[sflag:s31] =	ssyncadd.s32 $0xFFFFEC00  }
0xa7: {  	[tilespmem:s21], [sflag:$0x5] =	stream.indirect.gather [hbm4b:s1+s17], $0x80, s8, s17, $0xb8;
	[tilespmem:$0x1FF80] =	vst v63  }
.Ltmp1:
0xa8: {  	_ = 	snop;
	(pc) =	sbr.rel @p0 .LBB2_4-.Ltmp1, $4  }
0xa9: {  	s8 =	sadd.s32 $0xA0, s10  }
0xaa: {  	[spmem:s3] =	stream.indirect.scatter.add.f32 [tilespmem:s21], [sflag:$0x7], $0x80, s8, s26, $0xb8;
	[tilespmem:$0x1FF80] =	vst v63  }
0xab: {  	_ =	swait.ge [sflag:s14], $0x2800  }
0xac: {  	[sflag:s14] =	ssyncset.done $0x0  }
0xad: {  	[sflag:s14] =	ssyncadd.s32 $0xFFFFD800  }
0xae: {  	_ =	swait.ge [sflag:s22], $0x1400  }
0xaf: {  	[sflag:s22] =	ssyncset.done $0x0  }
0xb0: {  	s2 =	rddreg [dreg:$0x19];
	[sflag:s22] =	ssyncadd.s32 $0xFFFFEC00  }
0xb1: {  	[tilespmem:s23], [sflag:$0x6] =	stream.indirect.gather [hbm4b:s1+s17], $0x80, s2, s17, $0xb8;
	[tilespmem:$0x1FF80] =	vst v63  }
0xb2: {  	_ =	swait.ge [sflag:s24], $0x1400  }
0xb3: {  	[sflag:s24] =	ssyncset.done $0x0  }
0xb4: {  	s8 =	rddreg [dreg:$0x1a];
	[sflag:s24] =	ssyncadd.s32 $0xFFFFEC00  }
0xb5: {  	[tilespmem:s7], [sflag:$0x1] =	stream.indirect.gather [hbm4b:s1+s17], $0x80, s8, s17, $0xb8;
	[tilespmem:$0x1FF80] =	vst v63  }
0xb6: {  	s10 =	rddreg [dreg:$0x1b]  }
0xb7: {  	[spmem:s3] =	stream.indirect.scatter.add.f32 [tilespmem:s7], [sflag:$0x7], $0x80, s10, s26, $0xb8;
	[tilespmem:$0x1FF80] =	vst v63  }
0xb8: {  	_ =	swait.ge [sflag:s14], $0x2800  }
0xb9: {  	[sflag:s14] =	ssyncset.done $0x0  }
0xba: {  	[sflag:s14] =	ssyncadd.s32 $0xFFFFD800  }
0xbb: {  	_ =	swait.ge [sflag:s28], $0x1400  }
0xbc: {  	[sflag:s28] =	ssyncset.done $0x0  }
0xbd: {  	s15 =	rddreg [dreg:$0x1c];
	[sflag:s28] =	ssyncadd.s32 $0xFFFFEC00  }
0xbe: {  	[tilespmem:s18], [sflag:$0x2] =	stream.indirect.gather [hbm4b:s1+s17], $0x80, s15, s17, $0xb8;
	[tilespmem:$0x1FF80] =	vst v63  }
0xbf: {  	_ =	swait.ge [sflag:s29], $0x1400  }
0xc0: {  	[sflag:s29] =	ssyncset.done $0x0  }
0xc1: {  	s8 =	rddreg [dreg:$0x1d];
	[sflag:s29] =	ssyncadd.s32 $0xFFFFEC00  }
0xc2: {  	[tilespmem:s19], [sflag:$0x3] =	stream.indirect.gather [hbm4b:s1+s17], $0x80, s8, s17, $0xb8;
	[tilespmem:$0x1FF80] =	vst v63  }
0xc3: {  	s10 =	rddreg [dreg:$0x1e]  }
0xc4: {  	[spmem:s3] =	stream.indirect.scatter.add.f32 [tilespmem:s19], [sflag:$0x7], $0x80, s10, s26, $0xb8;
	[tilespmem:$0x1FF80] =	vst v63  }
0xc5: {  	_ =	swait.ge [sflag:s14], $0x2800  }
0xc6: {  	[sflag:s14] =	ssyncset.done $0x0  }
0xc7: {  	[sflag:s14] =	ssyncadd.s32 $0xFFFFD800  }
0xc8: {  	_ =	swait.ge [sflag:s30], $0x1400  }
0xc9: {  	[sflag:s30] =	ssyncset.done $0x0  }
0xca: {  	[sflag:s30] =	ssyncadd.s32 $0xFFFFEC00  }
0xcb: {  	[tilespmem:s20], [sflag:$0x4] =	stream.indirect.gather [hbm4b:s1+s17], $0x80, s11, s17, $0xb8;
	[tilespmem:$0x1FF80] =	vst v63  }
0xcc: {  	_ =	swait.ge [sflag:s31], $0x1400  }
0xcd: {  	[sflag:s31] =	ssyncset.done $0x0  }
0xce: {  	[sflag:s31] =	ssyncadd.s32 $0xFFFFEC00  }
0xcf: {  	[spmem:s3] =	stream.indirect.scatter.add.f32 [tilespmem:s21], [sflag:$0x7], $0x80, s12, s26, $0xb8;
	[tilespmem:$0x1FF80] =	vst v63  }
0xd0: {  	_ =	swait.ge [sflag:s14], $0x2800  }
0xd1: {  	[sflag:s14] =	ssyncset.done $0x0  }
0xd2: {  	[sflag:s14] =	ssyncadd.s32 $0xFFFFD800  }
0xd3: {  	_ =	swait.ge [sflag:s22], $0x1400  }
0xd4: {  	[sflag:s22] =	ssyncset.done $0x0  }
0xd5: {  	[sflag:s22] =	ssyncadd.s32 $0xFFFFEC00  }
0xd6: {  	_ =	swait.ge [sflag:s24], $0x1400  }
0xd7: {  	[sflag:s24] =	ssyncset.done $0x0  }
0xd8: {  	[sflag:s24] =	ssyncadd.s32 $0xFFFFEC00  }
0xd9: {  	_ =	swait.ge [sflag:s28], $0x1400  }
0xda: {  	[sflag:s28] =	ssyncset.done $0x0  }
0xdb: {  	[sflag:s28] =	ssyncadd.s32 $0xFFFFEC00  }
0xdc: {  	_ =	swait.ge [sflag:s29], $0x1400  }
0xdd: {  	[sflag:s29] =	ssyncset.done $0x0  }
0xde: {  	s15 =	rddreg [dreg:$0x17];
	[sflag:s29] =	ssyncadd.s32 $0xFFFFEC00  }
0xdf: {  	[spmem:s3] =	stream.indirect.scatter.add.f32 [tilespmem:s7], [sflag:$0x7], $0x80, s15, s26, $0xb8;
	[tilespmem:$0x1FF80] =	vst v63  }
0xe0: {  	_ =	swait.ge [sflag:s14], $0x2800  }
0xe1: {  	[sflag:s14] =	ssyncset.done $0x0  }
0xe2: {  	s8 =	rddreg [dreg:$0x18];
	[sflag:s14] =	ssyncadd.s32 $0xFFFFD800  }
0xe3: {  	[spmem:s3] =	stream.indirect.scatter.add.f32 [tilespmem:s19], [sflag:$0x7], $0x80, s8, s26, $0xb8;
	[tilespmem:$0x1FF80] =	vst v63  }
0xe4: {  	_ =	swait.ge [sflag:s14], $0x2800  }
0xe5: {  	[sflag:s14] =	ssyncset.done $0x0  }
0xe6: {  	[sflag:s14] =	ssyncadd.s32 $0xFFFFD800  }
0xe7: {  	[bflag:$0x0] =	sbarrier.arrive $0xFFFF  }
0xe8: {  	[tilespmem:s7], [sflag:$0x7] =	stream.linear.gather [spmem:s5], $0x3C00, $0x38;
	[tilespmem:$0x1FF80] =	vst v63  }
0xe9: {  	_ =	swait.ge [sflag:s14], $0x3C00  }
0xea: {  	[sflag:s14] =	ssyncset.done $0x0  }
0xeb: {  	s10 =	rddreg [dreg:$0xa];
	[sflag:s14] =	ssyncadd.s32 $0xFFFFC400  }
0xec: {  	[hbm4b:s10+s4] =	stream.linear.scatter [tilespmem:s7], [sflag:$0x1], $0x3C00, $0x38;
	[tilespmem:$0x1FF80] =	vst v63  }
0xed: {  	s15 =	rddreg [dreg:$0x11]  }
0xee: {  	[tilespmem:s20], [sflag:$0x7] =	stream.linear.gather [spmem:s15], $0x3C00, $0x38;
	[tilespmem:$0x1FF80] =	vst v63  }
0xef: {  	_ =	swait.ge [sflag:s14], $0x3C00  }
0xf0: {  	[sflag:s14] =	ssyncset.done $0x0  }
0xf1: {  	s8 =	rddreg [dreg:$0xb];
	[sflag:s14] =	ssyncadd.s32 $0xFFFFC400  }
0xf2: {  	[hbm4b:s8+s4] =	stream.linear.scatter [tilespmem:s20], [sflag:$0x2], $0x3C00, $0x38;
	[tilespmem:$0x1FF80] =	vst v63  }
0xf3: {  	_ =	swait.ge [sflag:s22], $0x3C00  }
0xf4: {  	[sflag:s22] =	ssyncset.done $0x0  }
0xf5: {  	[sflag:s22] =	ssyncadd.s32 $0xFFFFC400  }
0xf6: {  	[tilespmem:s7], [sflag:$0x7] =	stream.linear.gather [spmem:s6], $0x3C00, $0x38;
	[tilespmem:$0x1FF80] =	vst v63  }
0xf7: {  	_ =	swait.ge [sflag:s14], $0x3C00  }
0xf8: {  	[sflag:s14] =	ssyncset.done $0x0  }
0xf9: {  	s10 =	rddreg [dreg:$0xc];
	[sflag:s14] =	ssyncadd.s32 $0xFFFFC400  }
0xfa: {  	[hbm4b:s10+s4] =	stream.linear.scatter [tilespmem:s7], [sflag:$0x1], $0x3C00, $0x38;
	[tilespmem:$0x1FF80] =	vst v63  }
0xfb: {  	_ =	swait.ge [sflag:s24], $0x3C00  }
0xfc: {  	[sflag:s24] =	ssyncset.done $0x0  }
0xfd: {  	s15 =	rddreg [dreg:$0x12];
	[sflag:s24] =	ssyncadd.s32 $0xFFFFC400  }
0xfe: {  	[tilespmem:s20], [sflag:$0x7] =	stream.linear.gather [spmem:s15], $0x3C00, $0x38;
	[tilespmem:$0x1FF80] =	vst v63  }
0xff: {  	_ =	swait.ge [sflag:s14], $0x3C00  }
0x100: {  	[sflag:s14] =	ssyncset.done $0x0  }
0x101: {  	s8 =	rddreg [dreg:$0xd];
	[sflag:s14] =	ssyncadd.s32 $0xFFFFC400  }
0x102: {  	[hbm4b:s8+s4] =	stream.linear.scatter [tilespmem:s20], [sflag:$0x2], $0x3C00, $0x38;
	[tilespmem:$0x1FF80] =	vst v63  }
0x103: {  	_ =	swait.ge [sflag:s22], $0x3C00  }
0x104: {  	[sflag:s22] =	ssyncset.done $0x0  }
0x105: {  	s10 =	rddreg [dreg:$0x13];
	[sflag:s22] =	ssyncadd.s32 $0xFFFFC400  }
0x106: {  	[tilespmem:s7], [sflag:$0x7] =	stream.linear.gather [spmem:s10], $0x3C00, $0x38;
	[tilespmem:$0x1FF80] =	vst v63  }
0x107: {  	_ =	swait.ge [sflag:s14], $0x3C00  }
0x108: {  	[sflag:s14] =	ssyncset.done $0x0  }
0x109: {  	s15 =	rddreg [dreg:$0xe];
	[sflag:s14] =	ssyncadd.s32 $0xFFFFC400  }
0x10a: {  	[hbm4b:s15+s4] =	stream.linear.scatter [tilespmem:s7], [sflag:$0x1], $0x3C00, $0x38;
	[tilespmem:$0x1FF80] =	vst v63  }
0x10b: {  	_ =	swait.ge [sflag:s24], $0x3C00  }
0x10c: {  	[sflag:s24] =	ssyncset.done $0x0  }
0x10d: {  	s8 =	rddreg [dreg:$0x14];
	[sflag:s24] =	ssyncadd.s32 $0xFFFFC400  }
0x10e: {  	[tilespmem:s20], [sflag:$0x7] =	stream.linear.gather [spmem:s8], $0x1000, $0x38;
	[tilespmem:$0x1FF80] =	vst v63  }
0x10f: {  	_ =	swait.ge [sflag:s14], $0x1000  }
0x110: {  	[sflag:s14] =	ssyncset.done $0x0  }
0x111: {  	s10 =	rddreg [dreg:$0xf];
	[sflag:s14] =	ssyncadd.s32 $0xFFFFF000  }
0x112: {  	[hbm4b:s10+s4] =	stream.linear.scatter [tilespmem:s20], [sflag:$0x2], $0x1000, $0x38;
	[tilespmem:$0x1FF80] =	vst v63  }
0x113: {  	_ =	swait.ge [sflag:s22], $0x3C00  }
0x114: {  	[sflag:s22] =	ssyncset.done $0x0  }
0x115: {  	[sflag:s22] =	ssyncadd.s32 $0xFFFFC400  }
0x116: {  	_ =	swait.ge [sflag:s24], $0x1000  }
0x117: {  	s0 =	sadd.s32 $0x1, s0;
	s15 =	rddreg [dreg:$0x15]  }
0x118: {  	p0 =	sne.s32 s0, s15  }
.Ltmp2:
0x119: {  	_ = 	snop;
	(pc) =	sbr.rel @p0 .LBB2_1-.Ltmp2, $3  }
0x11a: {  	_ =	sdelay $0x1  }
0x11b: {  	[sflag:s24] =	ssyncset.done $0x0  }
0x11c: {  	[sflag:s24] =	ssyncadd.s32 $0xFFFFF000  }
0x11d: {  	_ =	sfence.sel $0x180000  }
0x11e: {  	[bflag:$0x0] =	sbarrier.arrive $0xFFFF  }
0x11f: {  	_ =	strace $0x9000004D  }
0x120: {  	s0 =	stileid.u32;
	[bflag:$0x2] =	sbarrier.arrive $0xFFFF  }
0x121: {  	p0 =	sne.s32 s0, $0x0;
	s0 =	rddreg [dreg:$0x4]  }
0x122: {  	s0 =	sadd.s32 @!p0 $0x100000, s0  }
0x123: {  	[sflag:s0] =	ssyncadd.tile.s32 @!p0 $0x1;
	_ =	shalt  }
.Lfunc_end2:
_tile_overlayer_lowered:
.L_overlay_start_2:
0x124: {  	(tag) =	ssettag $0x2  }
0x125: {  	s0 =	rddreg [dreg:$0x0];
	s2 =	stileid.u32  }
0x126: {  	s1 =	rddreg [dreg:$0x1];
	p0 =	sne.s32 s2, $0x0  }
0x127: {  	s3 =	rddreg [dreg:$0x2];
	[bflag:$0x3] =	sbarrier.arrive $0xFFFF;
	s2 =	simm.s32 @!p0 $0x1C07  }
0x128: {  	[timem:s3], [sflag:s2] =	dma.local @!p0 [hbm:s0], s1  }
0x129: {  	s0 =	simm.s32 @!p0 $0x7  }
0x12a: {  	_ =	swait.ge @!p0 [sflag:s0], s1  }
0x12b: {  	s1 =	ssub.s32 @!p0 $0x0, s1;
	[sflag:s0] =	ssyncset.done @!p0 $0x0  }
0x12c: {  	[sflag:s0] =	ssyncadd.s32 @!p0 s1  }
0x12d: {  	[bflag:$0x3] =	sbarrier.arrive $0xFFFF  }
0x12e: {  	_ =	shalt  }

// kernel: kernel.8.cloned.1.call-start
scs
__scs_entry_jumppad:
0x0: {  	(pc) =	sbr.rel $0x88, $3  }
0x1: {  	(tag) =	ssettag $0x0;
	lr =	simm.s32 $0x1  }
0x2: {  	[smem:$0x3F9B] =	sst lr;
	_ =	strace $0xD0000000  }
0x3: {  	_ = 	snop  }
0x4: {  	_ = 	snop  }
0x5: {  	_ = 	snop  }
0x6: {  	_ = 	snop  }
0x7: {  	_ = 	snop  }
__scs_overlays_trampoline_lowered:
0x8: {  	[smem:$0x3FAA] =	sst s0  }
0x9: {  	[smem:$0x3FAB] =	sst s1  }
0xa: {  	[smem:$0x3FAC] =	sst s2  }
0xb: {  	[smem:$0x3FAD] =	sst s3  }
0xc: {  	[smem:$0x3FAE] =	sst s4  }
0xd: {  	[smem:$0x3FAF] =	sst s5  }
0xe: {  	[smem:$0x3FB0] =	sst s6  }
0xf: {  	[smem:$0x3FB1] =	sst s7  }
0x10: {  	[smem:$0x3FB2] =	sst s8  }
0x11: {  	[smem:$0x3FB3] =	sst s9;
	s0 =	simm.s32 @!p0 $0x0  }
0x12: {  	s1 =	sld [smem:$0x3F99];
	s0 =	simm.s32 @p0 $0x1  }
0x13: {  	[smem:$0x3FB4] =	sst s0;
	s0 =	simm.s32 @!p1 $0x0  }
0x14: {  	s2 =	sld [smem:$0x3F98];
	s0 =	simm.s32 @p1 $0x1  }
0x15: {  	[smem:$0x3FB5] =	sst s0;
	s0 =	simm.s32 @!p2 $0x0  }
0x16: {  	s3 =	sld [smem:$0x3FDB];
	s0 =	simm.s32 @p2 $0x1  }
0x17: {  	s4 =	simm.s32 $0x1BF5;
	[smem:$0x3FB7] =	sst s0  }
0x18: {  	s0 =	sld [smem:$0x3F9A];
	_ =	swait.ge [sflag:s4], $0x0  }
0x19: {  	s7 =	sld [smem:$0x3F9B]  }
0x1a: {  	s8 =	sadd.s32 $0xFFFFE003, lr  }
0x1b: {  	s9 =	sadd.s32 $0xFFFFFEF7, lr;
	s5 =	simm.s32 $0xFFFFFFFF;
	p2 =	slt.u32 s8, $0xFFFFF086  }
0x1c: {  	p1 =	slt.u32 s9, $0xF7A;
	s5 =	simm.s32 @!p2 $0x0  }
0x1d: {  	s5 =	simm.s32 @p1 $0x1;
	p0 =	seq.s32 s7, s2  }
0x1e: {  	s7 =	smul.u32 @!p0 $0xF7A, s2;
	p2 =	seq.s32 @!p0 s5, $0x0  }
0x1f: {  	s9 =	smul.u32 $0xF7A, s1;
	s8 =	simm.s32 @!p0 $0x1BF5;
	p2 =	por !p2, p0  }
0x20: {  	[sflag:s8] =	ssyncset.s32 @!p0 $0xFFFFF086;
	s6 =	sadd.s32 @!p0 s3, s7;
	s7 =	simm.s32 @!p0 $0x108  }
0x21: {  	s3 =	sadd.s32 s3, s9;
	s6 =	sadd.s32 @!p0 $0x88, s6;
	s7 =	simm.s32 @p2 $0x1082  }
0x22: {  	[simem:s7], [sflag:s8] =	dma.local @!p0 [hbm:s6], $0xF7A  }
0x23: {  	s9 =	sor.u32 $0xD0000000, s2;
	s6 =	simm.s32 $0x108;
	_ =	swait.ge @!p0 [sflag:s8], $0x0  }
0x24: {  	s3 =	sadd.s32 $0x88, s3;
	s6 =	simm.s32 @!p1 $0x1082;
	[sflag:s4] =	ssyncset.s32 $0xFFFFF086  }
0x25: {  	[simem:s6], [sflag:s4] =	dma.local [hbm:s3], $0xF7A  }
0x26: {  	[smem:$0x3F9B] =	sst s1;
	(tag) =	ssettag s2;
	_ =	strace s9  }
0x27: {  	s1 =	sld [smem:$0x3FAB]  }
0x28: {  	s2 =	sld [smem:$0x3FAC]  }
0x29: {  	s4 =	sld [smem:$0x3FAE]  }
0x2a: {  	p0 =	seq.s32 s5, $0x0;
	s5 =	sld [smem:$0x3FAF]  }
0x2b: {  	s6 =	sld [smem:$0x3FB0]  }
0x2c: {  	s7 =	sld [smem:$0x3FB1]  }
0x2d: {  	s3 =	simm.s32 $0x108;
	s8 =	sld [smem:$0x3FB2]  }
0x2e: {  	s3 =	simm.s32 @!p0 $0x1082;
	s9 =	sld [smem:$0x3FB3]  }
0x2f: {  	lr =	sadd.s32 s0, s3;
	s0 =	sld [smem:$0x3FAA]  }
0x30: {  	s3 =	sld [smem:$0x3FAD]  }
0x31: {  	[smem:$0x3FB6] =	sst s10  }
0x32: {  	s10 =	sld [smem:$0x3FB4];
	_ =	sdelay $0x3  }
0x33: {  	p0 =	seq.s32 s10, $0x1;
	s10 =	sld [smem:$0x3FB6];
	_ =	sdelay $0x3  }
0x34: {  	[smem:$0x3FB6] =	sst s10  }
0x35: {  	s10 =	sld [smem:$0x3FB5];
	_ =	sdelay $0x3  }
0x36: {  	p1 =	seq.s32 s10, $0x1;
	s10 =	sld [smem:$0x3FB6];
	_ =	sdelay $0x3  }
0x37: {  	[smem:$0x3FB6] =	sst s10  }
0x38: {  	s10 =	sld [smem:$0x3FB7]  }
0x39: {  	_ = 	snop;
	(pc) =	sbr.ind lr, $3  }
0x3a: {  	_ = 	snop  }
0x3b: {  	_ = 	snop  }
0x3c: {  	p2 =	seq.s32 s10, $0x1;
	s10 =	sld [smem:$0x3FB6]  }
0x3d: {  	_ =	shalt  }
0x3e: {  	_ =	shalt  }
0x3f: {  	_ =	shalt  }
0x40: {  	_ =	shalt  }
0x41: {  	_ =	shalt  }
0x42: {  	_ =	shalt  }
0x43: {  	_ =	shalt  }
0x44: {  	_ =	shalt  }
0x45: {  	_ =	shalt  }
0x46: {  	_ =	shalt  }
0x47: {  	_ =	shalt  }
0x48: {  	_ =	shalt  }
0x49: {  	_ =	shalt  }
0x4a: {  	_ =	shalt  }
0x4b: {  	_ =	shalt  }
0x4c: {  	_ =	shalt  }
0x4d: {  	_ =	shalt  }
0x4e: {  	_ =	shalt  }
0x4f: {  	_ =	shalt  }
0x50: {  	_ =	shalt  }
0x51: {  	_ =	shalt  }
0x52: {  	_ =	shalt  }
0x53: {  	_ =	shalt  }
0x54: {  	_ =	shalt  }
0x55: {  	_ =	shalt  }
0x56: {  	_ =	shalt  }
0x57: {  	_ =	shalt  }
0x58: {  	_ =	shalt  }
0x59: {  	_ =	shalt  }
0x5a: {  	_ =	shalt  }
0x5b: {  	_ =	shalt  }
0x5c: {  	_ =	shalt  }
0x5d: {  	_ =	shalt  }
0x5e: {  	_ =	shalt  }
0x5f: {  	_ =	shalt  }
0x60: {  	_ =	shalt  }
0x61: {  	_ =	shalt  }
0x62: {  	_ =	shalt  }
0x63: {  	_ =	shalt  }
0x64: {  	_ =	shalt  }
0x65: {  	_ =	shalt  }
0x66: {  	_ =	shalt  }
0x67: {  	_ =	shalt  }
0x68: {  	_ =	shalt  }
0x69: {  	_ =	shalt  }
0x6a: {  	_ =	shalt  }
0x6b: {  	_ =	shalt  }
0x6c: {  	_ =	shalt  }
0x6d: {  	_ =	shalt  }
0x6e: {  	_ =	shalt  }
0x6f: {  	_ =	shalt  }
0x70: {  	_ =	shalt  }
0x71: {  	_ =	shalt  }
0x72: {  	_ =	shalt  }
0x73: {  	_ =	shalt  }
0x74: {  	_ =	shalt  }
0x75: {  	_ =	shalt  }
0x76: {  	_ =	shalt  }
0x77: {  	_ =	shalt  }
0x78: {  	_ =	shalt  }
0x79: {  	_ =	shalt  }
0x7a: {  	_ =	shalt  }
0x7b: {  	_ =	shalt  }
0x7c: {  	_ =	shalt  }
0x7d: {  	_ =	shalt  }
0x7e: {  	_ =	shalt  }
0x7f: {  	_ =	shalt  }
0x80: {  	_ =	shalt  }
0x81: {  	_ =	shalt  }
0x82: {  	_ =	shalt  }
0x83: {  	_ =	shalt  }
0x84: {  	_ =	shalt  }
0x85: {  	_ =	shalt  }
0x86: {  	_ =	shalt  }
0x87: {  	_ =	shalt  }
.Lfunc_end0:
.L_simem_size_0:
called_computation_lowered:
.L_overlay_start_0:
0x88: {  	s2 =	sld [smem:$0x3FD9]  }
0x89: {  	s3 =	sld [smem:$0x3FFE];
	_ =	sdelay $0x1  }
0x8a: {  	s1 =	srdreg.scid  }
0x8b: {  	s0 =	sand.u32 $0x1, s1  }
0x8c: {  	s18 =	sshll.u32 s0, $0xA;
	s2 =	sadd.s32 s3, s2  }
0x8d: {  	s2 =	sadd.s32 s2, s18  }
0x8e: {  	[smem:$0x3FC2] =	sst s2  }
0x8f: {  	_ = 	snop  }
0x90: {  	s2 =	sld [smem:$0x3FC8]  }
0x91: {  	s19 =	sld [smem:$0x3FD0];
	(tm) =	ssettm $0x1  }
0x92: {  	s4 =	sld [smem:$0x3FFB];
	_ =	sdelay $0x3  }
0x93: {  	_ =	strace s4  }
0x94: {  	s4 =	sld [smem:$0x3FFC];
	_ =	sdelay $0x3  }
0x95: {  	_ =	strace s4  }
0x96: {  	s4 =	sld [smem:$0x3FFD];
	_ =	sdelay $0x3  }
0x97: {  	_ =	strace s4  }
0x98: {  	_ =	strace $0x8FFFFFFF  }
0x99: {  	s20 =	sld [smem:$0x3FDB];
	_ =	sdelay $0x1  }
0x9a: {  	s5 =	simm.s32 $_scs_section_size  }
0x9b: {  	s6 =	simm.s32 $_size__tile_overlayer_lowered;
	s7 =	simm.s32 $_tile_overlayer_lowered  }
0x9c: {  	s23 =	simm.s32 $0x1BFF;
	s22 =	sshll.u32 s7, $0x1;
	s4 =	sadd.s32 s5, s20  }
0x9d: {  	s8 =	simm.s32 $0x0;
	s21 =	sshll.u32 s6, $0x1;
	s6 =	sadd.s32 s22, s4  }
0x9e: {  	[timem:s8], [sflag:s23] =	dma.local [hbm:s6], s21  }
0x9f: {  	_ =	swait.ge [sflag:s23], s21  }
0xa0: {  	s5 =	ssub.s32 $0x0, s21;
	[sflag:s23] =	ssyncset.done $0x0  }
0xa1: {  	[sflag:s23] =	ssyncadd.s32 s5;
	_ =	sdelay $0x1  }
0xa2: {  	s24 =	simm.s32 $0x1B8B  }
0xa3: {  	_ =	swait.ge [sflag:s24], $0x1  }
0xa4: {  	[sflag:s24] =	ssyncset.done $0x0  }
0xa5: {  	s25 =	simm.s32 $0x1B8E;
	[sflag:s24] =	ssyncadd.s32 $0xFFFFFFFF  }
0xa6: {  	s26 =	simm.s32 $execute0_lowered;
	[smem:$0x3FD2] =	sst s25  }
0xa7: {  	s5 =	sshll.u32 s26, $0x1;
	_ =	strace $0x80000046;
	[dreg:$0x1] =	wrdreg $0xFFFFFFFF  }
0xa8: {  	s28 =	simm.s32 $_size_execute0_lowered;
	s4 =	sadd.s32 s4, s5;
	[dreg:$0x0] =	wrdreg $0x0  }
0xa9: {  	s5 =	sshll.u32 s28, $0x1;
	[dreg:$0x2] =	wrdreg s4  }
0xaa: {  	[dreg:$0x3] =	wrdreg s5  }
0xab: {  	[dreg:$0x4] =	wrdreg $0xC0  }
0xac: {  	_ =	task [dreg:s8], $0x5FFFF  }
0xad: {  	[dreg:$0x1] =	wrdreg $0xFFFFFFFF  }
0xae: {  	[dreg:$0x0] =	wrdreg $0x60  }
0xaf: {  	[dreg:$0x2] =	wrdreg s2  }
0xb0: {  	[dreg:$0x3] =	wrdreg s19  }
0xb1: {  	[dreg:$0x4] =	wrdreg $0x30000  }
0xb2: {  	[dreg:$0x5] =	wrdreg $0x9  }
0xb3: {  	_ =	task.clear_ibuf [dreg:s8], $0x6FFFF;
	_ =	strace $0x90000046  }
0xb4: {  	s29 =	simm.s32 $0x9;
	_ =	strace $0x80000048  }
0xb5: {  	_ =	swait.ge [sflag:s29], $0x1  }
0xb6: {  	[sflag:s29] =	ssyncadd.s32 $0xFFFFFFFF  }
0xb7: {  	_ =	strace $0x90000048  }
0xb8: {  	_ =	sfence  }
0xb9: {  	s30 =	sld [smem:$0x0];
	_ =	sdelay $0x2  }
0xba: {  	s31 =	sshll.u32 s1, $0xD;
	s1 =	sshrl.u32 s1, $0x2  }
0xbb: {  	s3 =	sand.u32 $0x4000, s31;
	s1 =	sadd.s32 s1, s30  }
0xbc: {  	s0 =	sor.u32 s3, s0;
	s1 =	sshll.u32 s1, $0x11  }
0xbd: {  	s0 =	sor.u32 s1, s0  }
0xbe: {  	s0 =	sadd.s32 $0x8F2B, s0  }
0xbf: {  	[sflag:s0] =	ssyncadd.remote.s32 $0x1  }
0xc0: {  	_ =	sfence.sel $0xFFFF  }
0xc1: {  	[dreg:$0x0] =	wrdreg $0xFFFFFFFF;
	(pc) =	sbr.abs _section_cstart, $3  }
0xc2: {  	[dreg:$0x1] =	wrdreg $0xFFFFFFFF  }
0xc3: {  	_ =	task.clear_ibuf [dreg:s8], $0x2FFFF;
	_ =	strace $0x9FFFFFFF  }
0xc4: {  	(tm) =	ssettm $0x7FFFFFFF  }
0xc5: {  	_ =	shalt  }
tec
execute0_lowered:
.L_overlay_start_1:
0x0: {  	(tag) =	ssettag $0x1  }
0x1: {  	s5 =	rddreg [dreg:$0x0]  }
0x2: {  	s7 =	rddreg [dreg:$0x1]  }
0x3: {  	s2 =	rddreg [dreg:$0x2];
	s3 =	srdreg.scid  }
0x4: {  	s1 =	stileid.u32;
	s0 =	rddreg [dreg:$0x3];
	s14 =	simm.s32 $0x2B80  }
0x5: {  	s15 =	simm.s32 $0x2800;
	s16 =	simm.s32 $0x1;
	s17 =	simm.s32 $0x2  }
0x6: {  	s6 =	sand.u32 $0x1, s3;
	s4 =	sshll.u32 s1, $0x1;
	s3 =	simm.s32 $0x0  }
0x7: {  	s29 =	sshll.u32 s1, $0xA;
	s13 =	smul.u32 $0x4E20, s1;
	p0 =	sgt.u32 s1, $0x9  }
0x8: {  	s8 =	ssub.s32 $0x2, s6;
	s4 =	sor.u32 s6, s4;
	s12 =	smul.u32 $0x2800, s6  }
0x9: {  	[smem:$0x7FF] =	sst s3;
	s30 =	smul.u32 $0x2710, s6;
	s9 =	sshrl.u32 s8, $0x1  }
0xa: {  	s10 =	smul.u32 $0x2710, s4;
	_ =	strace $0x80000047;
	s4 =	sadd.s32 s29, s2  }
0xb: {  	s8 =	ssub.s32 s8, s9;
	s9 =	sadd.s32 s29, s12;
	s31 =	sadd.s32 s30, s13  }
0xc: {  	s12 =	simm.s32 $0x50;
	s13 =	simm.s32 $0x2780;
	s11 =	sshrl.u32 s10, $0x2  }
0xd: {  	s9 =	sshrl.u32 s9, $0x3;
	s8 =	smax.u32 s8, $0x1;
	s18 =	sand.u32 $0x70, s31  }
0xe: {  	s11 =	sand.u32 $0x1FFE0, s11;
	s7 =	sadd.s32 s7, s9;
	s9 =	simm.s32 $0x80  }
0xf: {  	v2 =	vmov s18;
	s18 =	simm.s32 $0x0;
	s11 =	sadd.s32 s11, s5;
	s5 =	sand.u32 $0x70, s10  }
0x10: {  	v0 =	vimm.f32 $1.000000000e+00;
	v1 =	vimm.f32 $0.0e+00;
	s10 =	simm.s32 $0x100;
	s6 =	sadd.s32 $0x10, s11;
	s11 =	simm.s32 $0x3  }
.LBB2_1:
0x11: {  	[tilespmem:$0x2B80] =	vst v0  }
0x12: {  	[tilespmem:$0x2B90] =	vst v0  }
0x13: {  	[tilespmem:$0x2BA0] =	vst v0  }
0x14: {  	[tilespmem:$0x2BB0] =	vst v0  }
0x15: {  	[tilespmem:$0x2BC0] =	vst v0  }
0x16: {  	[tilespmem:$0x2C00] =	vst v1  }
0x17: {  	[tilespmem:$0x2C10] =	vst v1  }
0x18: {  	[tilespmem:$0x2C20] =	vst v1  }
0x19: {  	[tilespmem:$0x2C30] =	vst v1  }
0x1a: {  	[tilespmem:$0x2C40] =	vst v1  }
0x1b: {  	[tilespmem:$0x2C50] =	vst v1  }
0x1c: {  	[tilespmem:$0x2C60] =	vst v1  }
0x1d: {  	[tilespmem:$0x2C70] =	vst v1  }
0x1e: {  	[tilespmem:$0x2C80] =	vst v1  }
0x1f: {  	[tilespmem:$0x2C90] =	vst v1  }
0x20: {  	[tilespmem:$0x2CA0] =	vst v1  }
0x21: {  	[tilespmem:$0x2CB0] =	vst v1  }
0x22: {  	[tilespmem:$0x2CC0] =	vst v1  }
0x23: {  	[tilespmem:$0x2CD0] =	vst v1  }
0x24: {  	[tilespmem:$0x2CE0] =	vst v1  }
0x25: {  	[tilespmem:$0x2CF0] =	vst v1  }
0x26: {  	[tilespmem:$0x2D00] =	vst v1  }
0x27: {  	[tilespmem:$0x2D10] =	vst v1  }
0x28: {  	[tilespmem:$0x2D20] =	vst v1  }
0x29: {  	[tilespmem:$0x2D30] =	vst v1  }
0x2a: {  	[tilespmem:$0x2D40] =	vst v1  }
0x2b: {  	[tilespmem:$0x2D50] =	vst v1  }
0x2c: {  	[tilespmem:$0x2D60] =	vst v1  }
0x2d: {  	[tilespmem:$0x2D70] =	vst v1  }
0x2e: {  	[tilespmem:$0x2D80] =	vst v1  }
0x2f: {  	[tilespmem:$0x2D90] =	vst v1  }
0x30: {  	[tilespmem:$0x2DA0] =	vst v1  }
0x31: {  	[tilespmem:$0x2DB0] =	vst v1  }
0x32: {  	[tilespmem:$0x2DC0] =	vst v1  }
0x33: {  	[tilespmem:$0x2DD0] =	vst v1  }
0x34: {  	[tilespmem:$0x2DE0] =	vst v1  }
0x35: {  	[tilespmem:$0x2DF0] =	vst v1  }
0x36: {  	[tilespmem:$0x2E00] =	vst v1  }
0x37: {  	[tilespmem:$0x2E10] =	vst v1  }
0x38: {  	[tilespmem:$0x2E20] =	vst v1  }
0x39: {  	[tilespmem:$0x2E30] =	vst v1  }
0x3a: {  	[tilespmem:$0x2E40] =	vst v1  }
0x3b: {  	[tilespmem:$0x2E50] =	vst v1  }
0x3c: {  	[tilespmem:$0x2E60] =	vst v1  }
0x3d: {  	[tilespmem:$0x2E70] =	vst v1  }
0x3e: {  	[tilespmem:$0x2E80] =	vst v1  }
0x3f: {  	[tilespmem:$0x2E90] =	vst v1  }
0x40: {  	[tilespmem:$0x2EA0] =	vst v1  }
0x41: {  	[tilespmem:$0x2EB0] =	vst v1  }
0x42: {  	[tilespmem:$0x2EC0] =	vst v1  }
0x43: {  	[tilespmem:$0x2ED0] =	vst v1  }
0x44: {  	[tilespmem:$0x2EE0] =	vst v1  }
0x45: {  	[tilespmem:$0x2EF0] =	vst v1  }
0x46: {  	[tilespmem:$0x2F00] =	vst v1  }
0x47: {  	[tilespmem:$0x2F10] =	vst v1  }
0x48: {  	[tilespmem:$0x2F20] =	vst v1  }
0x49: {  	[tilespmem:$0x2F30] =	vst v1  }
0x4a: {  	[tilespmem:$0x2F40] =	vst v1  }
0x4b: {  	[tilespmem:$0x2F50] =	vst v1  }
0x4c: {  	[tilespmem:$0x2F60] =	vst v1  }
0x4d: {  	[tilespmem:$0x2F70] =	vst v1  }
0x4e: {  	[tilespmem:$0x2F80] =	vst v1  }
0x4f: {  	[tilespmem:$0x2F90] =	vst v1  }
0x50: {  	[tilespmem:$0x2FA0] =	vst v1  }
0x51: {  	[tilespmem:$0x2FB0] =	vst v1  }
0x52: {  	[tilespmem:$0x2FC0] =	vst v1  }
0x53: {  	[tilespmem:$0x2FD0] =	vst v1  }
0x54: {  	[tilespmem:$0x2FE0] =	vst v1  }
0x55: {  	[tilespmem:$0x2FF0] =	vst v1;
	s19 =	simm.s32 @!p0 $0x2C00  }
0x56: {  	[spmem:s4] =	stream.linear.scatter @!p0 [tilespmem:s19], [sflag:$0x3], $0x400, $0x38;
	[tilespmem:$0x3280] =	vst v63  }
0x57: {  	s19 =	simm.s32 @!p0 $0x3  }
0x58: {  	_ =	swait.ge @!p0 [sflag:s19], $0x400  }
0x59: {  	[sflag:s19] =	ssyncset.done @!p0 $0x0  }
0x5a: {  	[sflag:s19] =	ssyncadd.s32 @!p0 $0xFFFFFC00  }
0x5b: {  	[tilespmem:s3], [sflag:$0x3] =	stream.strided.gather [hbm4b:s6+s9], $0x2780, s10, s9, $0x38;
	[tilespmem:$0x3280] =	vst v63  }
0x5c: {  	_ =	swait.ge [sflag:s11], $0x2780  }
0x5d: {  	[sflag:s11] =	ssyncset.done $0x0  }
0x5e: {  	[sflag:s11] =	ssyncadd.s32 $0xFFFFD880  }
0x5f: {  	[bflag:$0x0] =	sbarrier.arrive $0xFFFF  }
0x60: {  	v3 =	vld [tilespmem:s5+$0x0];
	_ =	sdelay $0x4  }
0x61: {  	v4 =	vcvt.s32.f32 v3;
	_ =	sdelay $0x1  }
0x62: {  	v4 =	vmul.f32 $1.000000050e-03, v4;
	_ =	sdelay $0x1  }
0x63: {  	v4 =	vtrunc.f32 v4  }
0x64: {  	v4 =	vcvt.f32.s32 v4;
	_ =	sdelay $0x1  }
0x65: {  	v4 =	vmul.u32 $0x18, v4;
	_ =	sdelay $0x1  }
0x66: {  	v3 =	vadd.s32 v3, v4  }
0x67: {  	[tilespmem:$0x2780] =	vst v3  }
0x68: {  	v3 =	vld [tilespmem:s5+$0x10];
	_ =	sdelay $0x4  }
0x69: {  	v45 =	vcvt.s32.f32 v3;
	_ =	sdelay $0x1  }
0x6a: {  	v4 =	vmul.f32 $1.000000050e-03, v45;
	_ =	sdelay $0x1  }
0x6b: {  	v4 =	vtrunc.f32 v4  }
0x6c: {  	v4 =	vcvt.f32.s32 v4;
	_ =	sdelay $0x1  }
0x6d: {  	v4 =	vmul.u32 $0x18, v4;
	_ =	sdelay $0x1  }
0x6e: {  	v3 =	vadd.s32 v3, v4  }
0x6f: {  	[tilespmem:$0x2790] =	vst v3  }
0x70: {  	v3 =	vld [tilespmem:s5+$0x20];
	_ =	sdelay $0x4  }
0x71: {  	v46 =	vcvt.s32.f32 v3;
	_ =	sdelay $0x1  }
0x72: {  	v4 =	vmul.f32 $1.000000050e-03, v46;
	_ =	sdelay $0x1  }
0x73: {  	v4 =	vtrunc.f32 v4  }
0x74: {  	v4 =	vcvt.f32.s32 v4;
	_ =	sdelay $0x1  }
0x75: {  	v4 =	vmul.u32 $0x18, v4;
	_ =	sdelay $0x1  }
0x76: {  	v3 =	vadd.s32 v3, v4  }
0x77: {  	[tilespmem:$0x27A0] =	vst v3  }
0x78: {  	v3 =	vld [tilespmem:s5+$0x30];
	_ =	sdelay $0x4  }
0x79: {  	v47 =	vcvt.s32.f32 v3;
	_ =	sdelay $0x1  }
0x7a: {  	v4 =	vmul.f32 $1.000000050e-03, v47;
	_ =	sdelay $0x1  }
0x7b: {  	v4 =	vtrunc.f32 v4  }
0x7c: {  	v4 =	vcvt.f32.s32 v4;
	_ =	sdelay $0x1  }
0x7d: {  	v4 =	vmul.u32 $0x18, v4;
	_ =	sdelay $0x1  }
0x7e: {  	v3 =	vadd.s32 v3, v4  }
0x7f: {  	[tilespmem:$0x27B0] =	vst v3  }
0x80: {  	v3 =	vld [tilespmem:s5+$0x40];
	_ =	sdelay $0x4  }
0x81: {  	v48 =	vcvt.s32.f32 v3;
	_ =	sdelay $0x1  }
0x82: {  	v4 =	vmul.f32 $1.000000050e-03, v48;
	_ =	sdelay $0x1  }
0x83: {  	v4 =	vtrunc.f32 v4  }
0x84: {  	v4 =	vcvt.f32.s32 v4;
	_ =	sdelay $0x1  }
0x85: {  	v4 =	vmul.u32 $0x18, v4;
	_ =	sdelay $0x1  }
0x86: {  	v3 =	vadd.s32 v3, v4  }
0x87: {  	[tilespmem:$0x27C0] =	vst v3  }
0x88: {  	[spmem:s2] =	stream.indirect.scatter.add.f32 [tilespmem:s14], [sflag:$0x1], $0x1, s13, s12, $0xb8;
	[tilespmem:$0x3280] =	vst v63  }
0x89: {  	v3 =	vld [tilespmem:s5+$0x50];
	_ =	sdelay $0x4  }
0x8a: {  	v49 =	vcvt.s32.f32 v3;
	_ =	sdelay $0x1  }
0x8b: {  	v4 =	vmul.f32 $1.000000050e-03, v49;
	_ =	sdelay $0x1  }
0x8c: {  	v4 =	vtrunc.f32 v4  }
0x8d: {  	v4 =	vcvt.f32.s32 v4;
	_ =	sdelay $0x1  }
0x8e: {  	v4 =	vmul.u32 $0x18, v4;
	_ =	sdelay $0x1  }
0x8f: {  	v3 =	vadd.s32 v3, v4  }
0x90: {  	[tilespmem:$0x2800] =	vst v3  }
0x91: {  	v3 =	vld [tilespmem:s5+$0x60];
	_ =	sdelay $0x4  }
0x92: {  	v50 =	vcvt.s32.f32 v3;
	_ =	sdelay $0x1  }
0x93: {  	v4 =	vmul.f32 $1.000000050e-03, v50;
	_ =	sdelay $0x1  }
0x94: {  	v4 =	vtrunc.f32 v4  }
0x95: {  	v4 =	vcvt.f32.s32 v4;
	_ =	sdelay $0x1  }
0x96: {  	v4 =	vmul.u32 $0x18, v4;
	_ =	sdelay $0x1  }
0x97: {  	v3 =	vadd.s32 v3, v4  }
0x98: {  	[tilespmem:$0x2810] =	vst v3  }
0x99: {  	v3 =	vld [tilespmem:s5+$0x70];
	_ =	sdelay $0x4  }
0x9a: {  	v51 =	vcvt.s32.f32 v3;
	_ =	sdelay $0x1  }
0x9b: {  	v4 =	vmul.f32 $1.000000050e-03, v51;
	_ =	sdelay $0x1  }
0x9c: {  	v4 =	vtrunc.f32 v4  }
0x9d: {  	v4 =	vcvt.f32.s32 v4;
	_ =	sdelay $0x1  }
0x9e: {  	v4 =	vmul.u32 $0x18, v4;
	_ =	sdelay $0x1  }
0x9f: {  	v3 =	vadd.s32 v3, v4  }
0xa0: {  	[tilespmem:$0x2820] =	vst v3  }
0xa1: {  	v3 =	vld [tilespmem:s5+$0x80];
	_ =	sdelay $0x4  }
0xa2: {  	v52 =	vcvt.s32.f32 v3;
	_ =	sdelay $0x1  }
0xa3: {  	v4 =	vmul.f32 $1.000000050e-03, v52;
	_ =	sdelay $0x1  }
0xa4: {  	v4 =	vtrunc.f32 v4  }
0xa5: {  	v4 =	vcvt.f32.s32 v4;
	_ =	sdelay $0x1  }
0xa6: {  	v4 =	vmul.u32 $0x18, v4;
	_ =	sdelay $0x1  }
0xa7: {  	v3 =	vadd.s32 v3, v4  }
0xa8: {  	[tilespmem:$0x2830] =	vst v3  }
0xa9: {  	v3 =	vld [tilespmem:s5+$0x90];
	_ =	sdelay $0x4  }
0xaa: {  	v53 =	vcvt.s32.f32 v3;
	_ =	sdelay $0x1  }
0xab: {  	v4 =	vmul.f32 $1.000000050e-03, v53;
	_ =	sdelay $0x1  }
0xac: {  	v4 =	vtrunc.f32 v4  }
0xad: {  	v4 =	vcvt.f32.s32 v4;
	_ =	sdelay $0x1  }
0xae: {  	v4 =	vmul.u32 $0x18, v4;
	_ =	sdelay $0x1  }
0xaf: {  	v3 =	vadd.s32 v3, v4  }
0xb0: {  	[tilespmem:$0x2840] =	vst v3  }
0xb1: {  	[spmem:s2] =	stream.indirect.scatter.add.f32 [tilespmem:s14], [sflag:$0x2], $0x1, s15, s12, $0xb8;
	[tilespmem:$0x3280] =	vst v63  }
0xb2: {  	_ =	swait.ge [sflag:s16], $0x50  }
0xb3: {  	[sflag:s16] =	ssyncset.done $0x0  }
0xb4: {  	s31 =	simm.s32 $0x130;
	[sflag:s16] =	ssyncadd.s32 $0xFFFFFFB0  }
0xb5: {  	v3 =	vld.idx.msk [tilespmem:v2+s31+$0xFFFFFF70 ss:$0x1], $0xffff;
	_ =	sdelay $0x4  }
0xb6: {  	v54 =	vcvt.s32.f32 v3;
	_ =	sdelay $0x1  }
0xb7: {  	v4 =	vmul.f32 $1.000000050e-03, v54;
	_ =	sdelay $0x1  }
0xb8: {  	v4 =	vtrunc.f32 v4  }
0xb9: {  	v4 =	vcvt.f32.s32 v4;
	_ =	sdelay $0x1  }
0xba: {  	v4 =	vmul.u32 $0x18, v4;
	_ =	sdelay $0x1  }
0xbb: {  	v3 =	vadd.s32 v3, v4  }
0xbc: {  	[tilespmem:$0x2780] =	vst v3  }
0xbd: {  	v3 =	vld.idx.msk [tilespmem:v2+s31+$0xFFFFFF80 ss:$0x1], $0xffff;
	_ =	sdelay $0x4  }
0xbe: {  	v55 =	vcvt.s32.f32 v3;
	_ =	sdelay $0x1  }
0xbf: {  	v4 =	vmul.f32 $1.000000050e-03, v55;
	_ =	sdelay $0x1  }
0xc0: {  	v4 =	vtrunc.f32 v4  }
0xc1: {  	v4 =	vcvt.f32.s32 v4;
	_ =	sdelay $0x1  }
0xc2: {  	v4 =	vmul.u32 $0x18, v4;
	_ =	sdelay $0x1  }
0xc3: {  	v3 =	vadd.s32 v3, v4  }
0xc4: {  	[tilespmem:$0x2790] =	vst v3  }
0xc5: {  	v3 =	vld.idx.msk [tilespmem:v2+s31+$0xFFFFFF90 ss:$0x1], $0xffff;
	_ =	sdelay $0x4  }
0xc6: {  	v56 =	vcvt.s32.f32 v3;
	_ =	sdelay $0x1  }
0xc7: {  	v4 =	vmul.f32 $1.000000050e-03, v56;
	_ =	sdelay $0x1  }
0xc8: {  	v4 =	vtrunc.f32 v4  }
0xc9: {  	v4 =	vcvt.f32.s32 v4;
	_ =	sdelay $0x1  }
0xca: {  	v4 =	vmul.u32 $0x18, v4;
	_ =	sdelay $0x1  }
0xcb: {  	v3 =	vadd.s32 v3, v4  }
0xcc: {  	[tilespmem:$0x27A0] =	vst v3  }
0xcd: {  	v3 =	vld.idx.msk [tilespmem:v2+s31+$0xFFFFFFA0 ss:$0x1], $0xffff;
	_ =	sdelay $0x4  }
0xce: {  	v57 =	vcvt.s32.f32 v3;
	_ =	sdelay $0x1  }
0xcf: {  	v4 =	vmul.f32 $1.000000050e-03, v57;
	_ =	sdelay $0x1  }
0xd0: {  	v4 =	vtrunc.f32 v4  }
0xd1: {  	v4 =	vcvt.f32.s32 v4;
	_ =	sdelay $0x1  }
0xd2: {  	v4 =	vmul.u32 $0x18, v4;
	_ =	sdelay $0x1  }
0xd3: {  	v3 =	vadd.s32 v3, v4  }
0xd4: {  	[tilespmem:$0x27B0] =	vst v3  }
0xd5: {  	v3 =	vld.idx.msk [tilespmem:v2+s31+$0xFFFFFFB0 ss:$0x1], $0xffff;
	_ =	sdelay $0x4  }
0xd6: {  	v58 =	vcvt.s32.f32 v3;
	_ =	sdelay $0x1  }
0xd7: {  	v4 =	vmul.f32 $1.000000050e-03, v58;
	_ =	sdelay $0x1  }
0xd8: {  	v4 =	vtrunc.f32 v4  }
0xd9: {  	v4 =	vcvt.f32.s32 v4;
	_ =	sdelay $0x1  }
0xda: {  	v4 =	vmul.u32 $0x18, v4;
	_ =	sdelay $0x1  }
0xdb: {  	v3 =	vadd.s32 v3, v4  }
0xdc: {  	[tilespmem:$0x27C0] =	vst v3  }
0xdd: {  	[spmem:s2] =	stream.indirect.scatter.add.f32 [tilespmem:s14], [sflag:$0x1], $0x1, s13, s12, $0xb8;
	[tilespmem:$0x3280] =	vst v63  }
0xde: {  	_ =	swait.ge [sflag:s17], $0x50  }
0xdf: {  	[sflag:s17] =	ssyncset.done $0x0  }
0xe0: {  	[sflag:s17] =	ssyncadd.s32 $0xFFFFFFB0  }
0xe1: {  	v3 =	vld.idx.msk [tilespmem:v2+s31+$0xFFFFFFC0 ss:$0x1], $0xffff;
	_ =	sdelay $0x4  }
0xe2: {  	v59 =	vcvt.s32.f32 v3;
	_ =	sdelay $0x1  }
0xe3: {  	v4 =	vmul.f32 $1.000000050e-03, v59;
	_ =	sdelay $0x1  }
0xe4: {  	v4 =	vtrunc.f32 v4  }
0xe5: {  	v4 =	vcvt.f32.s32 v4;
	_ =	sdelay $0x1  }
0xe6: {  	v4 =	vmul.u32 $0x18, v4;
	_ =	sdelay $0x1  }
0xe7: {  	v3 =	vadd.s32 v3, v4  }
0xe8: {  	[tilespmem:$0x2800] =	vst v3  }
0xe9: {  	v3 =	vld.idx.msk [tilespmem:v2+s31+$0xFFFFFFD0 ss:$0x1], $0xffff;
	_ =	sdelay $0x4  }
0xea: {  	v60 =	vcvt.s32.f32 v3;
	_ =	sdelay $0x1  }
0xeb: {  	v4 =	vmul.f32 $1.000000050e-03, v60;
	_ =	sdelay $0x1  }
0xec: {  	v4 =	vtrunc.f32 v4  }
0xed: {  	v4 =	vcvt.f32.s32 v4;
	_ =	sdelay $0x1  }
0xee: {  	v4 =	vmul.u32 $0x18, v4;
	_ =	sdelay $0x1  }
0xef: {  	v3 =	vadd.s32 v3, v4  }
0xf0: {  	[tilespmem:$0x2810] =	vst v3  }
0xf1: {  	v3 =	vld.idx.msk [tilespmem:v2+s31+$0xFFFFFFE0 ss:$0x1], $0xffff;
	_ =	sdelay $0x4  }
0xf2: {  	v61 =	vcvt.s32.f32 v3;
	_ =	sdelay $0x1  }
0xf3: {  	v4 =	vmul.f32 $1.000000050e-03, v61;
	_ =	sdelay $0x1  }
0xf4: {  	v4 =	vtrunc.f32 v4  }
0xf5: {  	v4 =	vcvt.f32.s32 v4;
	_ =	sdelay $0x1  }
0xf6: {  	v4 =	vmul.u32 $0x18, v4;
	_ =	sdelay $0x1  }
0xf7: {  	v3 =	vadd.s32 v3, v4  }
0xf8: {  	[tilespmem:$0x2820] =	vst v3  }
0xf9: {  	v3 =	vld.idx.msk [tilespmem:v2+s31+$0xFFFFFFF0 ss:$0x1], $0xffff;
	_ =	sdelay $0x4  }
0xfa: {  	v62 =	vcvt.s32.f32 v3;
	_ =	sdelay $0x1  }
0xfb: {  	v4 =	vmul.f32 $1.000000050e-03, v62;
	_ =	sdelay $0x1  }
0xfc: {  	v4 =	vtrunc.f32 v4  }
0xfd: {  	v4 =	vcvt.f32.s32 v4;
	_ =	sdelay $0x1  }
0xfe: {  	v4 =	vmul.u32 $0x18, v4;
	_ =	sdelay $0x1  }
0xff: {  	v3 =	vadd.s32 v3, v4  }
0x100: {  	[tilespmem:$0x2830] =	vst v3  }
0x101: {  	v3 =	vld.idx.msk [tilespmem:v2+s31+$0x0 ss:$0x1], $0xffff;
	_ =	sdelay $0x4  }
0x102: {  	v63 =	vcvt.s32.f32 v3;
	_ =	sdelay $0x1  }
0x103: {  	v4 =	vmul.f32 $1.000000050e-03, v63;
	_ =	sdelay $0x1  }
0x104: {  	v4 =	vtrunc.f32 v4  }
0x105: {  	v4 =	vcvt.f32.s32 v4;
	_ =	sdelay $0x1  }
0x106: {  	v4 =	vmul.u32 $0x18, v4;
	_ =	sdelay $0x1  }
0x107: {  	v3 =	vadd.s32 v3, v4  }
0x108: {  	s19 =	simm.s32 $0x740;
	[tilespmem:$0x2840] =	vst v3  }
.LBB2_2:
0x109: {  	[spmem:s2] =	stream.indirect.scatter.add.f32 [tilespmem:s14], [sflag:$0x2], $0x1, s15, s12, $0xb8;
	[tilespmem:$0x3280] =	vst v63  }
0x10a: {  	s20 =	smov.u32 s19  }
0x10b: {  	p1 =	sne.s32 s19, $0x9AC0;
	s19 =	sadd.s32 $0x280, s19;
	_ =	swait.ge [sflag:s16], $0x50  }
0x10c: {  	[sflag:s16] =	ssyncset.done $0x0  }
0x10d: {  	s20 =	sshra.s32 s20, $0x2;
	[sflag:s16] =	ssyncadd.s32 $0xFFFFFFB0  }
0x10e: {  	v3 =	vld.idx.msk [tilespmem:v2+s20+$0xFFFFFF70 ss:$0x1], $0xffff;
	_ =	sdelay $0x5  }
0x10f: {  	v4 =	vcvt.s32.f32 v3;
	_ =	sdelay $0x1  }
0x110: {  	v4 =	vmul.f32 $1.000000050e-03, v4;
	_ =	sdelay $0x1  }
0x111: {  	v4 =	vtrunc.f32 v4  }
0x112: {  	v4 =	vcvt.f32.s32 v4;
	_ =	sdelay $0x1  }
0x113: {  	v4 =	vmul.u32 $0x18, v4;
	_ =	sdelay $0x1  }
0x114: {  	v3 =	vadd.s32 v3, v4  }
0x115: {  	[tilespmem:$0x2780] =	vst v3  }
0x116: {  	v3 =	vld.idx.msk [tilespmem:v2+s20+$0xFFFFFF80 ss:$0x1], $0xffff;
	_ =	sdelay $0x5  }
0x117: {  	v4 =	vcvt.s32.f32 v3;
	_ =	sdelay $0x1  }
0x118: {  	v4 =	vmul.f32 $1.000000050e-03, v4;
	_ =	sdelay $0x1  }
0x119: {  	v4 =	vtrunc.f32 v4  }
0x11a: {  	v4 =	vcvt.f32.s32 v4;
	_ =	sdelay $0x1  }
0x11b: {  	v4 =	vmul.u32 $0x18, v4;
	_ =	sdelay $0x1  }
0x11c: {  	v3 =	vadd.s32 v3, v4  }
0x11d: {  	[tilespmem:$0x2790] =	vst v3  }
0x11e: {  	v3 =	vld.idx.msk [tilespmem:v2+s20+$0xFFFFFF90 ss:$0x1], $0xffff;
	_ =	sdelay $0x5  }
0x11f: {  	v4 =	vcvt.s32.f32 v3;
	_ =	sdelay $0x1  }
0x120: {  	v4 =	vmul.f32 $1.000000050e-03, v4;
	_ =	sdelay $0x1  }
0x121: {  	v4 =	vtrunc.f32 v4  }
0x122: {  	v4 =	vcvt.f32.s32 v4;
	_ =	sdelay $0x1  }
0x123: {  	v4 =	vmul.u32 $0x18, v4;
	_ =	sdelay $0x1  }
0x124: {  	v3 =	vadd.s32 v3, v4  }
0x125: {  	[tilespmem:$0x27A0] =	vst v3  }
0x126: {  	v3 =	vld.idx.msk [tilespmem:v2+s20+$0xFFFFFFA0 ss:$0x1], $0xffff;
	_ =	sdelay $0x5  }
0x127: {  	v4 =	vcvt.s32.f32 v3;
	_ =	sdelay $0x1  }
0x128: {  	v4 =	vmul.f32 $1.000000050e-03, v4;
	_ =	sdelay $0x1  }
0x129: {  	v4 =	vtrunc.f32 v4  }
0x12a: {  	v4 =	vcvt.f32.s32 v4;
	_ =	sdelay $0x1  }
0x12b: {  	v4 =	vmul.u32 $0x18, v4;
	_ =	sdelay $0x1  }
0x12c: {  	v3 =	vadd.s32 v3, v4  }
0x12d: {  	[tilespmem:$0x27B0] =	vst v3  }
0x12e: {  	v3 =	vld.idx.msk [tilespmem:v2+s20+$0xFFFFFFB0 ss:$0x1], $0xffff;
	_ =	sdelay $0x5  }
0x12f: {  	v4 =	vcvt.s32.f32 v3;
	_ =	sdelay $0x1  }
0x130: {  	v4 =	vmul.f32 $1.000000050e-03, v4;
	_ =	sdelay $0x1  }
0x131: {  	v4 =	vtrunc.f32 v4  }
0x132: {  	v4 =	vcvt.f32.s32 v4;
	_ =	sdelay $0x1  }
0x133: {  	v4 =	vmul.u32 $0x18, v4;
	_ =	sdelay $0x1  }
0x134: {  	v3 =	vadd.s32 v3, v4  }
0x135: {  	[tilespmem:$0x27C0] =	vst v3  }
0x136: {  	[spmem:s2] =	stream.indirect.scatter.add.f32 [tilespmem:s14], [sflag:$0x1], $0x1, s13, s12, $0xb8;
	[tilespmem:$0x3280] =	vst v63  }
0x137: {  	_ =	swait.ge [sflag:s17], $0x50  }
0x138: {  	[sflag:s17] =	ssyncset.done $0x0  }
0x139: {  	[sflag:s17] =	ssyncadd.s32 $0xFFFFFFB0  }
0x13a: {  	v3 =	vld.idx.msk [tilespmem:v2+s20+$0xFFFFFFC0 ss:$0x1], $0xffff;
	_ =	sdelay $0x5  }
0x13b: {  	v4 =	vcvt.s32.f32 v3;
	_ =	sdelay $0x1  }
0x13c: {  	v4 =	vmul.f32 $1.000000050e-03, v4;
	_ =	sdelay $0x1  }
0x13d: {  	v4 =	vtrunc.f32 v4  }
0x13e: {  	v4 =	vcvt.f32.s32 v4;
	_ =	sdelay $0x1  }
0x13f: {  	v4 =	vmul.u32 $0x18, v4;
	_ =	sdelay $0x1  }
0x140: {  	v3 =	vadd.s32 v3, v4  }
0x141: {  	[tilespmem:$0x2800] =	vst v3  }
0x142: {  	v3 =	vld.idx.msk [tilespmem:v2+s20+$0xFFFFFFD0 ss:$0x1], $0xffff;
	_ =	sdelay $0x5  }
0x143: {  	v4 =	vcvt.s32.f32 v3;
	_ =	sdelay $0x1  }
0x144: {  	v4 =	vmul.f32 $1.000000050e-03, v4;
	_ =	sdelay $0x1  }
0x145: {  	v4 =	vtrunc.f32 v4  }
0x146: {  	v4 =	vcvt.f32.s32 v4;
	_ =	sdelay $0x1  }
0x147: {  	v4 =	vmul.u32 $0x18, v4;
	_ =	sdelay $0x1  }
0x148: {  	v3 =	vadd.s32 v3, v4  }
0x149: {  	[tilespmem:$0x2810] =	vst v3  }
0x14a: {  	v3 =	vld.idx.msk [tilespmem:v2+s20+$0xFFFFFFE0 ss:$0x1], $0xffff;
	_ =	sdelay $0x5  }
0x14b: {  	v4 =	vcvt.s32.f32 v3;
	_ =	sdelay $0x1  }
0x14c: {  	v4 =	vmul.f32 $1.000000050e-03, v4;
	_ =	sdelay $0x1  }
0x14d: {  	v4 =	vtrunc.f32 v4  }
0x14e: {  	v4 =	vcvt.f32.s32 v4;
	_ =	sdelay $0x1  }
0x14f: {  	v4 =	vmul.u32 $0x18, v4;
	_ =	sdelay $0x1  }
0x150: {  	v3 =	vadd.s32 v3, v4  }
0x151: {  	[tilespmem:$0x2820] =	vst v3  }
0x152: {  	v3 =	vld.idx.msk [tilespmem:v2+s20+$0xFFFFFFF0 ss:$0x1], $0xffff;
	_ =	sdelay $0x5  }
0x153: {  	v4 =	vcvt.s32.f32 v3;
	_ =	sdelay $0x1  }
0x154: {  	v4 =	vmul.f32 $1.000000050e-03, v4;
	_ =	sdelay $0x1  }
0x155: {  	v4 =	vtrunc.f32 v4  }
0x156: {  	v4 =	vcvt.f32.s32 v4;
	_ =	sdelay $0x1  }
0x157: {  	v4 =	vmul.u32 $0x18, v4;
	_ =	sdelay $0x1  }
0x158: {  	v3 =	vadd.s32 v3, v4  }
0x159: {  	[tilespmem:$0x2830] =	vst v3  }
0x15a: {  	v3 =	vld.idx.msk [tilespmem:v2+s20+$0x0 ss:$0x1], $0xffff;
	_ =	sdelay $0x5  }
0x15b: {  	v4 =	vcvt.s32.f32 v3;
	_ =	sdelay $0x1  }
0x15c: {  	v4 =	vmul.f32 $1.000000050e-03, v4;
	_ =	sdelay $0x1  }
0x15d: {  	v4 =	vtrunc.f32 v4  }
0x15e: {  	v4 =	vcvt.f32.s32 v4  }
.Ltmp0:
0x15f: {  	(pc) =	sbr.rel @p1 .LBB2_2-.Ltmp0, $3  }
0x160: {  	v4 =	vmul.u32 $0x18, v4;
	_ =	sdelay $0x1  }
0x161: {  	v3 =	vadd.s32 v3, v4  }
0x162: {  	[tilespmem:$0x2840] =	vst v3  }
0x163: {  	[spmem:s2] =	stream.indirect.scatter.add.f32 [tilespmem:s14], [sflag:$0x2], $0x1, s15, s12, $0xb8;
	[tilespmem:$0x3280] =	vst v63  }
0x164: {  	_ =	swait.ge [sflag:s16], $0x50  }
0x165: {  	[sflag:s16] =	ssyncset.done $0x0  }
0x166: {  	[sflag:s16] =	ssyncadd.s32 $0xFFFFFFB0  }
0x167: {  	v3 =	vld [tilespmem:s5+$0x26C0];
	_ =	sdelay $0x4  }
0x168: {  	v4 =	vcvt.s32.f32 v3;
	_ =	sdelay $0x1  }
0x169: {  	v4 =	vmul.f32 $1.000000050e-03, v4;
	_ =	sdelay $0x1  }
0x16a: {  	v4 =	vtrunc.f32 v4  }
0x16b: {  	v4 =	vcvt.f32.s32 v4;
	_ =	sdelay $0x1  }
0x16c: {  	v4 =	vmul.u32 $0x18, v4;
	_ =	sdelay $0x1  }
0x16d: {  	v3 =	vadd.s32 v3, v4  }
0x16e: {  	[tilespmem:$0x2780] =	vst v3  }
0x16f: {  	v3 =	vld [tilespmem:s5+$0x26D0];
	_ =	sdelay $0x4  }
0x170: {  	v60 =	vcvt.s32.f32 v3;
	_ =	sdelay $0x1  }
0x171: {  	v4 =	vmul.f32 $1.000000050e-03, v60;
	_ =	sdelay $0x1  }
0x172: {  	v4 =	vtrunc.f32 v4  }
0x173: {  	v4 =	vcvt.f32.s32 v4;
	_ =	sdelay $0x1  }
0x174: {  	v4 =	vmul.u32 $0x18, v4;
	_ =	sdelay $0x1  }
0x175: {  	v3 =	vadd.s32 v3, v4  }
0x176: {  	[tilespmem:$0x2790] =	vst v3  }
0x177: {  	v3 =	vld [tilespmem:s5+$0x26E0];
	_ =	sdelay $0x4  }
0x178: {  	v61 =	vcvt.s32.f32 v3;
	_ =	sdelay $0x1  }
0x179: {  	v4 =	vmul.f32 $1.000000050e-03, v61;
	_ =	sdelay $0x1  }
0x17a: {  	v4 =	vtrunc.f32 v4  }
0x17b: {  	v4 =	vcvt.f32.s32 v4;
	_ =	sdelay $0x1  }
0x17c: {  	v4 =	vmul.u32 $0x18, v4;
	_ =	sdelay $0x1  }
0x17d: {  	v3 =	vadd.s32 v3, v4  }
0x17e: {  	[tilespmem:$0x27A0] =	vst v3  }
0x17f: {  	v3 =	vld [tilespmem:s5+$0x26F0];
	_ =	sdelay $0x4  }
0x180: {  	v62 =	vcvt.s32.f32 v3;
	_ =	sdelay $0x1  }
0x181: {  	v4 =	vmul.f32 $1.000000050e-03, v62;
	_ =	sdelay $0x1  }
0x182: {  	v4 =	vtrunc.f32 v4  }
0x183: {  	v4 =	vcvt.f32.s32 v4;
	_ =	sdelay $0x1  }
0x184: {  	v4 =	vmul.u32 $0x18, v4;
	_ =	sdelay $0x1  }
0x185: {  	v3 =	vadd.s32 v3, v4  }
0x186: {  	[tilespmem:$0x27B0] =	vst v3  }
0x187: {  	v3 =	vld [tilespmem:s5+$0x2700];
	_ =	sdelay $0x4  }
0x188: {  	v63 =	vcvt.s32.f32 v3;
	_ =	sdelay $0x1  }
0x189: {  	v4 =	vmul.f32 $1.000000050e-03, v63;
	_ =	sdelay $0x1  }
0x18a: {  	v4 =	vtrunc.f32 v4  }
0x18b: {  	v4 =	vcvt.f32.s32 v4;
	_ =	sdelay $0x1  }
0x18c: {  	v4 =	vmul.u32 $0x18, v4;
	_ =	sdelay $0x1  }
0x18d: {  	v3 =	vadd.s32 v3, v4  }
0x18e: {  	[tilespmem:$0x27C0] =	vst v3  }
0x18f: {  	[spmem:s2] =	stream.indirect.scatter.add.f32 [tilespmem:s14], [sflag:$0x1], $0x1, s13, s12, $0xb8;
	[tilespmem:$0x3280] =	vst v63  }
0x190: {  	_ =	swait.ge [sflag:s16], $0x50  }
0x191: {  	[sflag:s16] =	ssyncset.done $0x0  }
0x192: {  	[sflag:s16] =	ssyncadd.s32 $0xFFFFFFB0  }
0x193: {  	_ =	swait.ge [sflag:s17], $0x50  }
0x194: {  	[sflag:s17] =	ssyncset.done $0x0  }
0x195: {  	[sflag:s17] =	ssyncadd.s32 $0xFFFFFFB0  }
0x196: {  	s19 =	simm.s32 @!p0 $0x2C00;
	s20 =	simm.s32 @!p0 $0x3;
	[bflag:$0x0] =	sbarrier.arrive $0xFFFF  }
0x197: {  	[tilespmem:s19], [sflag:$0x3] =	stream.linear.gather @!p0 [spmem:s4], $0x400, $0x38;
	[tilespmem:$0x3280] =	vst v63  }
0x198: {  	s18 =	sadd.s32 $0x1, s18;
	_ =	swait.ge @!p0 [sflag:s20], $0x400  }
0x199: {  	p1 =	sne.s32 s18, s8;
	[sflag:s20] =	ssyncset.done @!p0 $0x0  }
.Ltmp1:
0x19a: {  	s21 =	simm.s32 @!p0 $0x0;
	[sflag:s20] =	ssyncadd.s32 @!p0 $0xFFFFFC00;
	(pc) =	sbr.rel @p1 .LBB2_1-.Ltmp1, $4  }
0x19b: {  	[hbm4b:s7+s21] =	stream.linear.scatter @!p0 [tilespmem:s19], [sflag:$0x3], $0x400, $0x38;
	[tilespmem:$0x3280] =	vst v63  }
0x19c: {  	_ =	swait.ge @!p0 [sflag:s20], $0x400  }
0x19d: {  	[sflag:s20] =	ssyncset.done @!p0 $0x0  }
0x19e: {  	[sflag:s20] =	ssyncadd.s32 @!p0 $0xFFFFFC00  }
0x19f: {  	_ =	sfence.sel $0x180000  }
0x1a0: {  	[bflag:$0x0] =	sbarrier.arrive $0xFFFF  }
0x1a1: {  	p0 =	sne.s32 s1, $0x0;
	_ =	strace $0x90000047  }
0x1a2: {  	s0 =	sadd.s32 @!p0 $0x100000, s0;
	[bflag:$0x2] =	sbarrier.arrive $0xFFFF  }
0x1a3: {  	[sflag:s0] =	ssyncadd.tile.s32 @!p0 $0x1;
	_ =	shalt  }
.Lfunc_end2:
_tile_overlayer_lowered:
.L_overlay_start_2:
0x1a4: {  	(tag) =	ssettag $0x2  }
0x1a5: {  	s0 =	rddreg [dreg:$0x0];
	s2 =	stileid.u32  }
0x1a6: {  	s1 =	rddreg [dreg:$0x1];
	p0 =	sne.s32 s2, $0x0  }
0x1a7: {  	s3 =	rddreg [dreg:$0x2];
	[bflag:$0x3] =	sbarrier.arrive $0xFFFF;
	s2 =	simm.s32 @!p0 $0x1C03  }
0x1a8: {  	[timem:s3], [sflag:s2] =	dma.local @!p0 [hbm:s0], s1  }
0x1a9: {  	s0 =	simm.s32 @!p0 $0x3  }
0x1aa: {  	_ =	swait.ge @!p0 [sflag:s0], s1  }
0x1ab: {  	s1 =	ssub.s32 @!p0 $0x0, s1;
	[sflag:s0] =	ssyncset.done @!p0 $0x0  }
0x1ac: {  	[sflag:s0] =	ssyncadd.s32 @!p0 s1  }
0x1ad: {  	[bflag:$0x3] =	sbarrier.arrive $0xFFFF  }
0x1ae: {  	_ =	shalt  }

</sc_bundles>
